<compile_context>
chip_gen: v7x
topology: tpu7x:2x2x1
jax: 0.10.2.dev20260603
libtpu: 0.0.44.dev20260713+nightly
codegen_flags: <defaults>
</compile_context>

<pallas_src>
import functools

import jax
import jax.numpy as jnp
from jax import lax
from jax.experimental import pallas as pl
from jax.experimental.pallas import tpu as pltpu
from jax.experimental.pallas import tpu_sc as plsc

EMBED_DIM = 32
BATCH_SIZE = 16384

NUM_CORES = 2
NUM_SUBCORES = 16
LANES = 16
NUM_WORKERS = NUM_CORES * NUM_SUBCORES
B_PER_W = BATCH_SIZE // NUM_WORKERS

NUM_ROWS = 1000000
R_PER_W = 31232
CHUNK_R = 1024
N_SLOTS = 32
TAIL_START = 999936

_mesh = plsc.VectorSubcoreMesh(core_axis_name="c", subcore_axis_name="s")


@functools.partial(
    pl.kernel,
    mesh=_mesh,
    out_type=(jax.ShapeDtypeStruct((BATCH_SIZE, 128), jnp.float32),
              jax.ShapeDtypeStruct((BATCH_SIZE, 128), jnp.float32)),
    compiler_params=pltpu.CompilerParams(
        needs_layout_passes=False, use_tc_tiling_on_sc=True),
    scratch_types=[
        pltpu.VMEM((BATCH_SIZE,), jnp.int32),
        pltpu.VMEM((BATCH_SIZE,), jnp.int32),
        pltpu.VMEM((BATCH_SIZE + 16,), jnp.int32),
        pltpu.VMEM((2, 4, 8, CHUNK_R), jnp.float32),
        pltpu.VMEM((4, 8, 128), jnp.float32),
        pltpu.VMEM((16, 128), jnp.float32),
        pltpu.VMEM((32,), jnp.int32),
        pltpu.SemaphoreType.DMA,
        pltpu.SemaphoreType.DMA,
        pltpu.SemaphoreType.DMA,
    ],
)
def _extract_kernel(user_hbm, movie_hbm, ue3, me3, ut3, mt3, urows, mrows,
                    idx_v, hit_v, chv_v, panel_v, tailp_v,
                    rowst_v, poss_v, sem0, sem1, sem):
    wid = lax.axis_index("s") * NUM_CORES + lax.axis_index("c")
    lanes = lax.iota(jnp.int32, LANES)
    zeros16 = jnp.zeros((LANES,), jnp.int32)
    chi_half = lanes >> 3
    clo = lanes & 7
    lo = wid * R_PER_W
    hi = jnp.where(wid == NUM_WORKERS - 1, NUM_ROWS, lo + R_PER_W)

    for idx_hbm, tab, tail, out in ((user_hbm, ue3, ut3, urows),
                                    (movie_hbm, me3, mt3, mrows)):
        pltpu.sync_copy(idx_hbm, idx_v)
        for c_hi in range(4):
            pltpu.sync_copy(tail.at[0, pl.ds(c_hi * 8, 8)], tailp_v.at[c_hi])

        def scan_body(i, cnt):
            r = idx_v[pl.ds(i * LANES, LANES)]
            m = (r >= lo) & (r < hi)
            packed = ((r - lo) << 14) | (i * LANES + lanes)
            plsc.store_compressed(hit_v.at[pl.ds(cnt, LANES)], packed, mask=m)
            return cnt + jnp.sum(m.astype(jnp.int32))

        cnt = lax.fori_loop(0, BATCH_SIZE // LANES, scan_body, 0)
        rescan_trips = (cnt + LANES - 1) // LANES

        def flush(nacc):
            def padfill(s, carry):
                l16 = rowst_v[nacc - 1, pl.ds(0, LANES)]
                h16 = rowst_v[nacc - 1, pl.ds(LANES, LANES)]
                rowst_v[s, pl.ds(0, LANES)] = l16
                rowst_v[s, pl.ds(LANES, LANES)] = h16
                pv = poss_v[pl.ds(nacc - 1, LANES)][0]
                plsc.store_scatter(poss_v, [zeros16 + s], zeros16 + pv,
                                   mask=lanes == 0)
                return carry
            lax.fori_loop(nacc, 16, padfill, 0)
            pltpu.async_copy(rowst_v, out.at[poss_v.at[pl.ds(0, 16)]],
                             sem).wait()

        def process_span(span_lo, span_r, panel_ref, nacc):
            def rb(h, cc):
                hv = hit_v[pl.ds(h * LANES, LANES)]
                rh = hv >> 14
                live = ((h * LANES + lanes < cnt)
                        & (rh >= span_lo) & (rh < span_lo + span_r))
                repacked = ((rh - span_lo) << 14) | (hv & 16383)
                plsc.store_compressed(
                    chv_v.at[pl.ds(cc, LANES)], repacked, mask=live)
                return cc + jnp.sum(live.astype(jnp.int32))

            ccnt = lax.fori_loop(0, rescan_trips, rb, 0)

            def eb(e, nacc):
                hv = chv_v[pl.ds(e, LANES)][0]
                rl = zeros16 + (hv >> 14)
                p = hv & 16383
                lo16 = plsc.load_gather(panel_ref, [chi_half, clo, rl])
                hi16 = plsc.load_gather(panel_ref, [2 + chi_half, clo, rl])
                rowst_v[nacc, pl.ds(0, LANES)] = lo16
                rowst_v[nacc, pl.ds(LANES, LANES)] = hi16
                plsc.store_scatter(poss_v, [zeros16 + nacc], zeros16 + p,
                                   mask=lanes == 0)
                nacc = nacc + 1

                @pl.when(nacc == 16)
                def _():
                    flush(16)

                return jnp.where(nacc == 16, 0, nacc)

            return lax.fori_loop(0, ccnt, eb, nacc)

        def slot_rel(k):
            return jnp.where(k < N_SLOTS - 1, k, 0) * CHUNK_R

        def start(k, buf, s):
            j0 = pl.multiple_of(lo + slot_rel(k), 128)
            for c_hi in range(4):
                pltpu.async_copy(
                    tab.at[0, pl.ds(c_hi * 8, 8), pl.ds(j0, CHUNK_R)],
                    panel_v.at[buf, c_hi], s)

        def wait(k, buf, s):
            j0 = pl.multiple_of(lo + slot_rel(k), 128)
            for c_hi in range(4):
                pltpu.make_async_copy(
                    tab.at[0, pl.ds(c_hi * 8, 8), pl.ds(j0, CHUNK_R)],
                    panel_v.at[buf, c_hi], s).wait()

        start(0, 0, sem0)

        def pair_body(i, nacc):
            k0 = 2 * i
            k1 = k0 + 1
            start(k1, 1, sem1)
            wait(k0, 0, sem0)
            nacc = process_span(slot_rel(k0), CHUNK_R, panel_v.at[0], nacc)

            @pl.when(k0 + 2 < N_SLOTS)
            def _():
                start(k0 + 2, 0, sem0)

            wait(k1, 1, sem1)
            nacc = process_span(slot_rel(k1), CHUNK_R, panel_v.at[1], nacc)
            return nacc

        nacc = lax.fori_loop(0, N_SLOTS // 2, pair_body, 0)
        nacc = process_span(TAIL_START - lo, 128, tailp_v, nacc)

        @pl.when(nacc > 0)
        def _():
            flush(nacc)


@functools.partial(
    pl.kernel,
    mesh=_mesh,
    out_type=jax.ShapeDtypeStruct((BATCH_SIZE,), jnp.float32),
    compiler_params=pltpu.CompilerParams(
        needs_layout_passes=False, use_tc_tiling_on_sc=False),
    scratch_types=[
        pltpu.VMEM((B_PER_W,), jnp.int32),
        pltpu.VMEM((B_PER_W,), jnp.int32),
        pltpu.VMEM((128, 128), jnp.float32),
        pltpu.VMEM((128, 128), jnp.float32),
        pltpu.VMEM((B_PER_W,), jnp.float32),
        pltpu.VMEM((B_PER_W,), jnp.float32),
        pltpu.VMEM((LANES * LANES,), jnp.float32),
        pltpu.VMEM((B_PER_W,), jnp.float32),
        pltpu.SemaphoreType.DMA,
        pltpu.SemaphoreType.DMA,
    ],
)
def _dot_kernel(user_hbm, movie_hbm, urows, mrows, ub_hbm, mb_hbm, out_hbm,
                uidx_v, midx_v, up_v, mp_v, ubias_v, mbias_v, part_v, acc_v,
                sem_ub, sem_mb):
    wid = lax.axis_index("s") * NUM_CORES + lax.axis_index("c")
    base = wid * B_PER_W
    lanes = lax.iota(jnp.int32, LANES)
    row_base = lanes * LANES

    pltpu.sync_copy(user_hbm.at[pl.ds(base, B_PER_W)], uidx_v)
    pltpu.sync_copy(movie_hbm.at[pl.ds(base, B_PER_W)], midx_v)
    dma_ub = pltpu.async_copy(ub_hbm.at[uidx_v], ubias_v, sem_ub)
    dma_mb = pltpu.async_copy(mb_hbm.at[midx_v], mbias_v, sem_mb)
    dma_ub.wait()
    dma_mb.wait()

    def piece_body(pc, carry):
        pbase = pl.multiple_of(base + pc * 128, 128)
        pltpu.sync_copy(urows.at[pl.ds(pbase, 128)], up_v)
        pltpu.sync_copy(mrows.at[pl.ds(pbase, 128)], mp_v)

        def group_body(g, carry2):
            r = g * LANES
            for i in range(LANES):
                u0 = up_v[r + i, pl.ds(0, LANES)]
                u1 = up_v[r + i, pl.ds(LANES, LANES)]
                m0 = mp_v[r + i, pl.ds(0, LANES)]
                m1 = mp_v[r + i, pl.ds(LANES, LANES)]
                part_v[pl.ds(i * LANES, LANES)] = u0 * m0 + u1 * m1
            gb = pc * 128 + r
            acc = ubias_v[pl.ds(gb, LANES)] + mbias_v[pl.ds(gb, LANES)]
            for k in range(LANES):
                acc = acc + plsc.load_gather(part_v, [row_base + k])
            acc_v[pl.ds(gb, LANES)] = acc
            return carry2

        lax.fori_loop(0, 128 // LANES, group_body, 0)
        return carry

    lax.fori_loop(0, B_PER_W // 128, piece_body, 0)
    pltpu.sync_copy(acc_v, out_hbm.at[pl.ds(base, B_PER_W)])


def kernel(user, movie, user_embedding, movie_embedding, user_bias, movie_bias):
    u = user.astype(jnp.int32)
    m = movie.astype(jnp.int32)
    ue3 = user_embedding.T[None]
    me3 = movie_embedding.T[None]
    ut3 = jnp.pad(user_embedding[TAIL_START:], ((0, 64), (0, 0))).T[None]
    mt3 = jnp.pad(movie_embedding[TAIL_START:], ((0, 64), (0, 0))).T[None]
    urows, mrows = _extract_kernel(u, m, ue3, me3, ut3, mt3)
    return _dot_kernel(u, m, urows, mrows,
                       user_bias.reshape(-1), movie_bias.reshape(-1))

# --- scband reference (transcript-rebuilt; emitter-appended) ---
"""Pipeline reference for scband-matrix-factorization-model-29454885716520 (READ-ONLY COPY).

The authoritative reference and input builder live on the scoring server;
editing this copy changes nothing except your own understanding.
"""

import jax, jax.numpy as jnp
import numpy as np

NUM_USERS = 1000000
NUM_MOVIES = 1000000
EMBED_DIM = 32
BATCH = 16384


def setup_inputs(seed: int = 0) -> dict:
    key = jax.random.key(seed)
    k_user, k_movie, k_ue, k_me, k_ub, k_mb = jax.random.split(key, 6)
    user = jax.random.randint(k_user, (BATCH,), 0, NUM_USERS, dtype=jnp.int64) if jax.config.jax_enable_x64 else jax.random.randint(k_user, (BATCH,), 0, NUM_USERS, dtype=jnp.int32)
    movie = jax.random.randint(k_movie, (BATCH,), 0, NUM_MOVIES, dtype=user.dtype)
    user_embedding = jax.random.normal(k_ue, (NUM_USERS, EMBED_DIM), dtype=jnp.float32)
    movie_embedding = jax.random.normal(k_me, (NUM_MOVIES, EMBED_DIM), dtype=jnp.float32)
    user_bias = jax.random.normal(k_ub, (NUM_USERS, 1), dtype=jnp.float32)
    movie_bias = jax.random.normal(k_mb, (NUM_MOVIES, 1), dtype=jnp.float32)
    return {
        "user": user,
        "movie": movie,
        "user_embedding": user_embedding,
        "movie_embedding": movie_embedding,
        "user_bias": user_bias,
        "movie_bias": movie_bias,
    }


def reference(user, movie, user_embedding, movie_embedding, user_bias, movie_bias):
    user_vec = jnp.take(user_embedding, user, axis=0)      # [B, D]
    movie_vec = jnp.take(movie_embedding, movie, axis=0)   # [B, D]
    dot = (user_vec * movie_vec).sum(axis=1)                # [B]
    bias = jnp.take(user_bias, user, axis=0).squeeze() + jnp.take(movie_bias, movie, axis=0).squeeze()
    return dot + bias

if __name__ == "__main__":
    import jax
    _d = setup_inputs()
    print(jax.jit(kernel)(*tuple(_d.values())))

</pallas_src>

<mosaic_0001>
#map = affine_map<(d0, d1) -> (0)>
#map1 = affine_map<(d0, d1) -> (0, 0)>
module attributes {stable_mosaic.version = 14 : i64} {
  func.func @_dot_kernel(%arg0: i32, %arg1: i32, %arg2: memref<16384xi32, #tpu.memory_space<hbm>>, %arg3: memref<16384xi32, #tpu.memory_space<hbm>>, %arg4: memref<16384x128xf32, #tpu.memory_space<hbm>>, %arg5: memref<16384x128xf32, #tpu.memory_space<hbm>>, %arg6: memref<1000000xf32, #tpu.memory_space<hbm>>, %arg7: memref<1000000xf32, #tpu.memory_space<hbm>>, %arg8: memref<16384xf32, #tpu.memory_space<hbm>>, %arg9: memref<512xi32, #tpu.memory_space<vmem>>, %arg10: memref<512xi32, #tpu.memory_space<vmem>>, %arg11: memref<128x128xf32, #tpu.memory_space<vmem>>, %arg12: memref<128x128xf32, #tpu.memory_space<vmem>>, %arg13: memref<512xf32, #tpu.memory_space<vmem>>, %arg14: memref<512xf32, #tpu.memory_space<vmem>>, %arg15: memref<256xf32, #tpu.memory_space<vmem>>, %arg16: memref<512xf32, #tpu.memory_space<vmem>>, %arg17: memref<!tpu.dma_semaphore, #tpu.memory_space<semaphore_mem>>, %arg18: memref<!tpu.dma_semaphore, #tpu.memory_space<semaphore_mem>>) attributes {dimension_semantics = [#tpu.dimension_semantics<core_parallel>, #tpu.dimension_semantics<subcore_parallel>], iteration_bounds = array<i64: 2, 16>, scalar_prefetch = 0 : i64, scratch_operands = 10 : i64, tpu.core_type = #tpu.core_type<sc_vector_subcore>, window_params = [{transform_indices = #map}, {transform_indices = #map}, {transform_indices = #map1}, {transform_indices = #map1}, {transform_indices = #map}, {transform_indices = #map}, {transform_indices = #map}]} {
    %mul3A = arith.constant 2 : i32
    %mul3A_0 = arith.muli %arg1, %mul3A : i32
    %add3A = arith.addi %mul3A_0, %arg0 : i32
    %mul3A_1 = arith.constant 512 : i32
    %mul3A_2 = arith.muli %add3A, %mul3A_1 : i32
    %iota3A = tpu.iota {dimensions = array<i32: 0>} : vector<16xi32>
    %mul3A_3 = arith.constant 16 : i32
    %mul3A_4 = vector.broadcast %mul3A_3 : i32 to vector<16xi32>
    %mul3A_5 = arith.muli %iota3A, %mul3A_4 : vector<16xi32>
    "tpu.region"() ({
      %run_scoped3A = tpu.sem_alloc : memref<!tpu.dma_semaphore, #tpu.memory_space<semaphore_mem>>
      %dma_start3A_17 = tpu.memref_slice %arg2[%mul3A_2] : memref<16384xi32, #tpu.memory_space<hbm>> -> memref<512xi32, #tpu.memory_space<hbm>>
      %dma_start3A_18 = tpu.memref_slice %arg2[%mul3A_2] : memref<16384xi32, #tpu.memory_space<hbm>> -> memref<512xi32, #tpu.memory_space<hbm>>
      tpu.enqueue_dma source(%dma_start3A_18 : memref<512xi32, #tpu.memory_space<hbm>>) target(%arg9 : memref<512xi32, #tpu.memory_space<vmem>>) target_semaphore(%run_scoped3A : memref<!tpu.dma_semaphore, #tpu.memory_space<semaphore_mem>>)
      %dma_wait3A_19 = tpu.memref_slice %arg2[%mul3A_2] : memref<16384xi32, #tpu.memory_space<hbm>> -> memref<512xi32, #tpu.memory_space<hbm>>
      %dma_wait3A_20 = tpu.memref_slice %arg2[%mul3A_2] : memref<16384xi32, #tpu.memory_space<hbm>> -> memref<512xi32, #tpu.memory_space<hbm>>
      tpu.wait_dma2 semaphore(%run_scoped3A : memref<!tpu.dma_semaphore, #tpu.memory_space<semaphore_mem>>) src(%dma_wait3A_20 : memref<512xi32, #tpu.memory_space<hbm>>) dst(%arg9 : memref<512xi32, #tpu.memory_space<vmem>>)
      tpu.yield
    }) : () -> ()
    "tpu.region"() ({
      %run_scoped3A = tpu.sem_alloc : memref<!tpu.dma_semaphore, #tpu.memory_space<semaphore_mem>>
      %dma_start3A_17 = tpu.memref_slice %arg3[%mul3A_2] : memref<16384xi32, #tpu.memory_space<hbm>> -> memref<512xi32, #tpu.memory_space<hbm>>
      %dma_start3A_18 = tpu.memref_slice %arg3[%mul3A_2] : memref<16384xi32, #tpu.memory_space<hbm>> -> memref<512xi32, #tpu.memory_space<hbm>>
      tpu.enqueue_dma source(%dma_start3A_18 : memref<512xi32, #tpu.memory_space<hbm>>) target(%arg10 : memref<512xi32, #tpu.memory_space<vmem>>) target_semaphore(%run_scoped3A : memref<!tpu.dma_semaphore, #tpu.memory_space<semaphore_mem>>)
      %dma_wait3A_19 = tpu.memref_slice %arg3[%mul3A_2] : memref<16384xi32, #tpu.memory_space<hbm>> -> memref<512xi32, #tpu.memory_space<hbm>>
      %dma_wait3A_20 = tpu.memref_slice %arg3[%mul3A_2] : memref<16384xi32, #tpu.memory_space<hbm>> -> memref<512xi32, #tpu.memory_space<hbm>>
      tpu.wait_dma2 semaphore(%run_scoped3A : memref<!tpu.dma_semaphore, #tpu.memory_space<semaphore_mem>>) src(%dma_wait3A_20 : memref<512xi32, #tpu.memory_space<hbm>>) dst(%arg10 : memref<512xi32, #tpu.memory_space<vmem>>)
      tpu.yield
    }) : () -> ()
    %dma_start3A = arith.constant 0 : i32
    %dma_start3A_6 = tpu.memref_slice %arg6[%dma_start3A] : memref<1000000xf32, #tpu.memory_space<hbm>> -> memref<1000000xf32, #tpu.memory_space<hbm>>
    tpu.enqueue_indirect_dma source(%dma_start3A_6 : memref<1000000xf32, #tpu.memory_space<hbm>>) target(%arg13 : memref<512xf32, #tpu.memory_space<vmem>>) offsets(%arg9 : memref<512xi32, #tpu.memory_space<vmem>>) semaphore(%arg17 : memref<!tpu.dma_semaphore, #tpu.memory_space<semaphore_mem>>)
    %dma_start3A_7 = arith.constant 0 : i32
    %dma_start3A_8 = tpu.memref_slice %arg7[%dma_start3A_7] : memref<1000000xf32, #tpu.memory_space<hbm>> -> memref<1000000xf32, #tpu.memory_space<hbm>>
    tpu.enqueue_indirect_dma source(%dma_start3A_8 : memref<1000000xf32, #tpu.memory_space<hbm>>) target(%arg14 : memref<512xf32, #tpu.memory_space<vmem>>) offsets(%arg10 : memref<512xi32, #tpu.memory_space<vmem>>) semaphore(%arg18 : memref<!tpu.dma_semaphore, #tpu.memory_space<semaphore_mem>>)
    %dma_wait3A = arith.constant 0 : i32
    %dma_wait3A_9 = tpu.memref_slice %arg6[%dma_wait3A] : memref<1000000xf32, #tpu.memory_space<hbm>> -> memref<1000000xf32, #tpu.memory_space<hbm>>
    tpu.wait_indirect_dma semaphore(%arg17 : memref<!tpu.dma_semaphore, #tpu.memory_space<semaphore_mem>>) src(%dma_wait3A_9 : memref<1000000xf32, #tpu.memory_space<hbm>>) dst(%arg13 : memref<512xf32, #tpu.memory_space<vmem>>)
    %dma_wait3A_10 = arith.constant 0 : i32
    %dma_wait3A_11 = tpu.memref_slice %arg7[%dma_wait3A_10] : memref<1000000xf32, #tpu.memory_space<hbm>> -> memref<1000000xf32, #tpu.memory_space<hbm>>
    tpu.wait_indirect_dma semaphore(%arg18 : memref<!tpu.dma_semaphore, #tpu.memory_space<semaphore_mem>>) src(%dma_wait3A_11 : memref<1000000xf32, #tpu.memory_space<hbm>>) dst(%arg14 : memref<512xf32, #tpu.memory_space<vmem>>)
    %scan3A = arith.constant 0 : i32
    %scan3A_12 = arith.constant 0 : i32
    %scan3A_13 = arith.constant 4 : i32
    %scan3A_14 = arith.addi %scan3A_12, %scan3A_13 : i32
    %scan3A_15 = arith.constant 1 : i32
    scf.for %scan3A_17 = %scan3A_12 to %scan3A_14 step %scan3A_15  : i32 {
      %mul3A_18 = arith.constant 128 : i32
      %mul3A_19 = arith.muli %scan3A_17, %mul3A_18 : i32
      %add3A_20 = arith.addi %mul3A_2, %mul3A_19 : i32
      %multiple_of3A = tpu.assume_multiple %add3A_20, 128 : i32
      "tpu.region"() ({
        %run_scoped3A = tpu.sem_alloc : memref<!tpu.dma_semaphore, #tpu.memory_space<semaphore_mem>>
        %dma_start3A_27 = arith.constant 0 : i32
        %dma_start3A_28 = tpu.memref_slice %arg4[%multiple_of3A, %dma_start3A_27] : memref<16384x128xf32, #tpu.memory_space<hbm>> -> memref<128x128xf32, #tpu.memory_space<hbm>>
        %dma_start3A_29 = arith.constant 0 : i32
        %dma_start3A_30 = tpu.memref_slice %arg4[%multiple_of3A, %dma_start3A_29] : memref<16384x128xf32, #tpu.memory_space<hbm>> -> memref<128x128xf32, #tpu.memory_space<hbm>>
        tpu.enqueue_dma source(%dma_start3A_30 : memref<128x128xf32, #tpu.memory_space<hbm>>) target(%arg11 : memref<128x128xf32, #tpu.memory_space<vmem>>) target_semaphore(%run_scoped3A : memref<!tpu.dma_semaphore, #tpu.memory_space<semaphore_mem>>)
        %dma_wait3A_31 = arith.constant 0 : i32
        %dma_wait3A_32 = tpu.memref_slice %arg4[%multiple_of3A, %dma_wait3A_31] : memref<16384x128xf32, #tpu.memory_space<hbm>> -> memref<128x128xf32, #tpu.memory_space<hbm>>
        %dma_wait3A_33 = arith.constant 0 : i32
        %dma_wait3A_34 = tpu.memref_slice %arg4[%multiple_of3A, %dma_wait3A_33] : memref<16384x128xf32, #tpu.memory_space<hbm>> -> memref<128x128xf32, #tpu.memory_space<hbm>>
        tpu.wait_dma2 semaphore(%run_scoped3A : memref<!tpu.dma_semaphore, #tpu.memory_space<semaphore_mem>>) src(%dma_wait3A_34 : memref<128x128xf32, #tpu.memory_space<hbm>>) dst(%arg11 : memref<128x128xf32, #tpu.memory_space<vmem>>)
        tpu.yield
      }) : () -> ()
      "tpu.region"() ({
        %run_scoped3A = tpu.sem_alloc : memref<!tpu.dma_semaphore, #tpu.memory_space<semaphore_mem>>
        %dma_start3A_27 = arith.constant 0 : i32
        %dma_start3A_28 = tpu.memref_slice %arg5[%multiple_of3A, %dma_start3A_27] : memref<16384x128xf32, #tpu.memory_space<hbm>> -> memref<128x128xf32, #tpu.memory_space<hbm>>
        %dma_start3A_29 = arith.constant 0 : i32
        %dma_start3A_30 = tpu.memref_slice %arg5[%multiple_of3A, %dma_start3A_29] : memref<16384x128xf32, #tpu.memory_space<hbm>> -> memref<128x128xf32, #tpu.memory_space<hbm>>
        tpu.enqueue_dma source(%dma_start3A_30 : memref<128x128xf32, #tpu.memory_space<hbm>>) target(%arg12 : memref<128x128xf32, #tpu.memory_space<vmem>>) target_semaphore(%run_scoped3A : memref<!tpu.dma_semaphore, #tpu.memory_space<semaphore_mem>>)
        %dma_wait3A_31 = arith.constant 0 : i32
        %dma_wait3A_32 = tpu.memref_slice %arg5[%multiple_of3A, %dma_wait3A_31] : memref<16384x128xf32, #tpu.memory_space<hbm>> -> memref<128x128xf32, #tpu.memory_space<hbm>>
        %dma_wait3A_33 = arith.constant 0 : i32
        %dma_wait3A_34 = tpu.memref_slice %arg5[%multiple_of3A, %dma_wait3A_33] : memref<16384x128xf32, #tpu.memory_space<hbm>> -> memref<128x128xf32, #tpu.memory_space<hbm>>
        tpu.wait_dma2 semaphore(%run_scoped3A : memref<!tpu.dma_semaphore, #tpu.memory_space<semaphore_mem>>) src(%dma_wait3A_34 : memref<128x128xf32, #tpu.memory_space<hbm>>) dst(%arg12 : memref<128x128xf32, #tpu.memory_space<vmem>>)
        tpu.yield
      }) : () -> ()
      %scan3A_21 = arith.constant 0 : i32
      %scan3A_22 = arith.constant 0 : i32
      %scan3A_23 = arith.constant 8 : i32
      %scan3A_24 = arith.addi %scan3A_22, %scan3A_23 : i32
      %scan3A_25 = arith.constant 1 : i32
      scf.for %scan3A_27 = %scan3A_22 to %scan3A_24 step %scan3A_25  : i32 {
        %mul3A_28 = arith.constant 16 : i32
        %mul3A_29 = arith.muli %scan3A_27, %mul3A_28 : i32
        %add3A_30 = arith.constant 0 : i32
        %add3A_31 = arith.addi %mul3A_29, %add3A_30 : i32
        %get3A = arith.index_cast %add3A_31 : i32 to index
        %get3A_32 = arith.constant 0 : index
        %get3A_33 = tpu.vector_load %arg11[%get3A, %get3A_32] {strides = array<i32>} : memref<128x128xf32, #tpu.memory_space<vmem>>, vector<16xf32>,
        %add3A_34 = arith.constant 0 : i32
        %add3A_35 = arith.addi %mul3A_29, %add3A_34 : i32
        %get3A_36 = arith.index_cast %add3A_35 : i32 to index
        %get3A_37 = arith.constant 16 : index
        %get3A_38 = tpu.vector_load %arg11[%get3A_36, %get3A_37] {strides = array<i32>} : memref<128x128xf32, #tpu.memory_space<vmem>>, vector<16xf32>,
        %add3A_39 = arith.constant 0 : i32
        %add3A_40 = arith.addi %mul3A_29, %add3A_39 : i32
        %get3A_41 = arith.index_cast %add3A_40 : i32 to index
        %get3A_42 = arith.constant 0 : index
        %get3A_43 = tpu.vector_load %arg12[%get3A_41, %get3A_42] {strides = array<i32>} : memref<128x128xf32, #tpu.memory_space<vmem>>, vector<16xf32>,
        %add3A_44 = arith.constant 0 : i32
        %add3A_45 = arith.addi %mul3A_29, %add3A_44 : i32
        %get3A_46 = arith.index_cast %add3A_45 : i32 to index
        %get3A_47 = arith.constant 16 : index
        %get3A_48 = tpu.vector_load %arg12[%get3A_46, %get3A_47] {strides = array<i32>} : memref<128x128xf32, #tpu.memory_space<vmem>>, vector<16xf32>,
        %mul3A_49 = arith.mulf %get3A_33, %get3A_43 : vector<16xf32>
        %mul3A_50 = arith.mulf %get3A_38, %get3A_48 : vector<16xf32>
        %add3A_51 = arith.addf %mul3A_49, %mul3A_50 : vector<16xf32>
        %swap3A = arith.constant 0 : index
        %swap3A_52 = tpu.vector_load %arg15[%swap3A] {strides = array<i32>} : memref<256xf32, #tpu.memory_space<vmem>>, vector<16xf32>,
        tpu.vector_store %arg15[%swap3A], %add3A_51 {strides = array<i32>} : memref<256xf32, #tpu.memory_space<vmem>>, vector<16xf32>,
        %add3A_53 = arith.constant 1 : i32
        %add3A_54 = arith.addi %mul3A_29, %add3A_53 : i32
        %get3A_55 = arith.index_cast %add3A_54 : i32 to index
        %get3A_56 = arith.constant 0 : index
        %get3A_57 = tpu.vector_load %arg11[%get3A_55, %get3A_56] {strides = array<i32>} : memref<128x128xf32, #tpu.memory_space<vmem>>, vector<16xf32>,
        %add3A_58 = arith.constant 1 : i32
        %add3A_59 = arith.addi %mul3A_29, %add3A_58 : i32
        %get3A_60 = arith.index_cast %add3A_59 : i32 to index
        %get3A_61 = arith.constant 16 : index
        %get3A_62 = tpu.vector_load %arg11[%get3A_60, %get3A_61] {strides = array<i32>} : memref<128x128xf32, #tpu.memory_space<vmem>>, vector<16xf32>,
        %add3A_63 = arith.constant 1 : i32
        %add3A_64 = arith.addi %mul3A_29, %add3A_63 : i32
        %get3A_65 = arith.index_cast %add3A_64 : i32 to index
        %get3A_66 = arith.constant 0 : index
        %get3A_67 = tpu.vector_load %arg12[%get3A_65, %get3A_66] {strides = array<i32>} : memref<128x128xf32, #tpu.memory_space<vmem>>, vector<16xf32>,
        %add3A_68 = arith.constant 1 : i32
        %add3A_69 = arith.addi %mul3A_29, %add3A_68 : i32
        %get3A_70 = arith.index_cast %add3A_69 : i32 to index
        %get3A_71 = arith.constant 16 : index
        %get3A_72 = tpu.vector_load %arg12[%get3A_70, %get3A_71] {strides = array<i32>} : memref<128x128xf32, #tpu.memory_space<vmem>>, vector<16xf32>,
        %mul3A_73 = arith.mulf %get3A_57, %get3A_67 : vector<16xf32>
        %mul3A_74 = arith.mulf %get3A_62, %get3A_72 : vector<16xf32>
        %add3A_75 = arith.addf %mul3A_73, %mul3A_74 : vector<16xf32>
        %swap3A_76 = arith.constant 16 : index
        %swap3A_77 = tpu.vector_load %arg15[%swap3A_76] {strides = array<i32>} : memref<256xf32, #tpu.memory_space<vmem>>, vector<16xf32>,
        tpu.vector_store %arg15[%swap3A_76], %add3A_75 {strides = array<i32>} : memref<256xf32, #tpu.memory_space<vmem>>, vector<16xf32>,
        %add3A_78 = arith.constant 2 : i32
        %add3A_79 = arith.addi %mul3A_29, %add3A_78 : i32
        %get3A_80 = arith.index_cast %add3A_79 : i32 to index
        %get3A_81 = arith.constant 0 : index
        %get3A_82 = tpu.vector_load %arg11[%get3A_80, %get3A_81] {strides = array<i32>} : memref<128x128xf32, #tpu.memory_space<vmem>>, vector<16xf32>,
        %add3A_83 = arith.constant 2 : i32
        %add3A_84 = arith.addi %mul3A_29, %add3A_83 : i32
        %get3A_85 = arith.index_cast %add3A_84 : i32 to index
        %get3A_86 = arith.constant 16 : index
        %get3A_87 = tpu.vector_load %arg11[%get3A_85, %get3A_86] {strides = array<i32>} : memref<128x128xf32, #tpu.memory_space<vmem>>, vector<16xf32>,
        %add3A_88 = arith.constant 2 : i32
        %add3A_89 = arith.addi %mul3A_29, %add3A_88 : i32
        %get3A_90 = arith.index_cast %add3A_89 : i32 to index
        %get3A_91 = arith.constant 0 : index
        %get3A_92 = tpu.vector_load %arg12[%get3A_90, %get3A_91] {strides = array<i32>} : memref<128x128xf32, #tpu.memory_space<vmem>>, vector<16xf32>,
        %add3A_93 = arith.constant 2 : i32
        %add3A_94 = arith.addi %mul3A_29, %add3A_93 : i32
        %get3A_95 = arith.index_cast %add3A_94 : i32 to index
        %get3A_96 = arith.constant 16 : index
        %get3A_97 = tpu.vector_load %arg12[%get3A_95, %get3A_96] {strides = array<i32>} : memref<128x128xf32, #tpu.memory_space<vmem>>, vector<16xf32>,
        %mul3A_98 = arith.mulf %get3A_82, %get3A_92 : vector<16xf32>
        %mul3A_99 = arith.mulf %get3A_87, %get3A_97 : vector<16xf32>
        %add3A_100 = arith.addf %mul3A_98, %mul3A_99 : vector<16xf32>
        %swap3A_101 = arith.constant 32 : index
        %swap3A_102 = tpu.vector_load %arg15[%swap3A_101] {strides = array<i32>} : memref<256xf32, #tpu.memory_space<vmem>>, vector<16xf32>,
        tpu.vector_store %arg15[%swap3A_101], %add3A_100 {strides = array<i32>} : memref<256xf32, #tpu.memory_space<vmem>>, vector<16xf32>,
        %add3A_103 = arith.constant 3 : i32
        %add3A_104 = arith.addi %mul3A_29, %add3A_103 : i32
        %get3A_105 = arith.index_cast %add3A_104 : i32 to index
        %get3A_106 = arith.constant 0 : index
        %get3A_107 = tpu.vector_load %arg11[%get3A_105, %get3A_106] {strides = array<i32>} : memref<128x128xf32, #tpu.memory_space<vmem>>, vector<16xf32>,
        %add3A_108 = arith.constant 3 : i32
        %add3A_109 = arith.addi %mul3A_29, %add3A_108 : i32
        %get3A_110 = arith.index_cast %add3A_109 : i32 to index
        %get3A_111 = arith.constant 16 : index
        %get3A_112 = tpu.vector_load %arg11[%get3A_110, %get3A_111] {strides = array<i32>} : memref<128x128xf32, #tpu.memory_space<vmem>>, vector<16xf32>,
        %add3A_113 = arith.constant 3 : i32
        %add3A_114 = arith.addi %mul3A_29, %add3A_113 : i32
        %get3A_115 = arith.index_cast %add3A_114 : i32 to index
        %get3A_116 = arith.constant 0 : index
        %get3A_117 = tpu.vector_load %arg12[%get3A_115, %get3A_116] {strides = array<i32>} : memref<128x128xf32, #tpu.memory_space<vmem>>, vector<16xf32>,
        %add3A_118 = arith.constant 3 : i32
        %add3A_119 = arith.addi %mul3A_29, %add3A_118 : i32
        %get3A_120 = arith.index_cast %add3A_119 : i32 to index
        %get3A_121 = arith.constant 16 : index
        %get3A_122 = tpu.vector_load %arg12[%get3A_120, %get3A_121] {strides = array<i32>} : memref<128x128xf32, #tpu.memory_space<vmem>>, vector<16xf32>,
        %mul3A_123 = arith.mulf %get3A_107, %get3A_117 : vector<16xf32>
        %mul3A_124 = arith.mulf %get3A_112, %get3A_122 : vector<16xf32>
        %add3A_125 = arith.addf %mul3A_123, %mul3A_124 : vector<16xf32>
        %swap3A_126 = arith.constant 48 : index
        %swap3A_127 = tpu.vector_load %arg15[%swap3A_126] {strides = array<i32>} : memref<256xf32, #tpu.memory_space<vmem>>, vector<16xf32>,
        tpu.vector_store %arg15[%swap3A_126], %add3A_125 {strides = array<i32>} : memref<256xf32, #tpu.memory_space<vmem>>, vector<16xf32>,
        %add3A_128 = arith.constant 4 : i32
        %add3A_129 = arith.addi %mul3A_29, %add3A_128 : i32
        %get3A_130 = arith.index_cast %add3A_129 : i32 to index
        %get3A_131 = arith.constant 0 : index
        %get3A_132 = tpu.vector_load %arg11[%get3A_130, %get3A_131] {strides = array<i32>} : memref<128x128xf32, #tpu.memory_space<vmem>>, vector<16xf32>,
        %add3A_133 = arith.constant 4 : i32
        %add3A_134 = arith.addi %mul3A_29, %add3A_133 : i32
        %get3A_135 = arith.index_cast %add3A_134 : i32 to index
        %get3A_136 = arith.constant 16 : index
        %get3A_137 = tpu.vector_load %arg11[%get3A_135, %get3A_136] {strides = array<i32>} : memref<128x128xf32, #tpu.memory_space<vmem>>, vector<16xf32>,
        %add3A_138 = arith.constant 4 : i32
        %add3A_139 = arith.addi %mul3A_29, %add3A_138 : i32
        %get3A_140 = arith.index_cast %add3A_139 : i32 to index
        %get3A_141 = arith.constant 0 : index
        %get3A_142 = tpu.vector_load %arg12[%get3A_140, %get3A_141] {strides = array<i32>} : memref<128x128xf32, #tpu.memory_space<vmem>>, vector<16xf32>,
        %add3A_143 = arith.constant 4 : i32
        %add3A_144 = arith.addi %mul3A_29, %add3A_143 : i32
        %get3A_145 = arith.index_cast %add3A_144 : i32 to index
        %get3A_146 = arith.constant 16 : index
        %get3A_147 = tpu.vector_load %arg12[%get3A_145, %get3A_146] {strides = array<i32>} : memref<128x128xf32, #tpu.memory_space<vmem>>, vector<16xf32>,
        %mul3A_148 = arith.mulf %get3A_132, %get3A_142 : vector<16xf32>
        %mul3A_149 = arith.mulf %get3A_137, %get3A_147 : vector<16xf32>
        %add3A_150 = arith.addf %mul3A_148, %mul3A_149 : vector<16xf32>
        %swap3A_151 = arith.constant 64 : index
        %swap3A_152 = tpu.vector_load %arg15[%swap3A_151] {strides = array<i32>} : memref<256xf32, #tpu.memory_space<vmem>>, vector<16xf32>,
        tpu.vector_store %arg15[%swap3A_151], %add3A_150 {strides = array<i32>} : memref<256xf32, #tpu.memory_space<vmem>>, vector<16xf32>,
        %add3A_153 = arith.constant 5 : i32
        %add3A_154 = arith.addi %mul3A_29, %add3A_153 : i32
        %get3A_155 = arith.index_cast %add3A_154 : i32 to index
        %get3A_156 = arith.constant 0 : index
        %get3A_157 = tpu.vector_load %arg11[%get3A_155, %get3A_156] {strides = array<i32>} : memref<128x128xf32, #tpu.memory_space<vmem>>, vector<16xf32>,
        %add3A_158 = arith.constant 5 : i32
        %add3A_159 = arith.addi %mul3A_29, %add3A_158 : i32
        %get3A_160 = arith.index_cast %add3A_159 : i32 to index
        %get3A_161 = arith.constant 16 : index
        %get3A_162 = tpu.vector_load %arg11[%get3A_160, %get3A_161] {strides = array<i32>} : memref<128x128xf32, #tpu.memory_space<vmem>>, vector<16xf32>,
        %add3A_163 = arith.constant 5 : i32
        %add3A_164 = arith.addi %mul3A_29, %add3A_163 : i32
        %get3A_165 = arith.index_cast %add3A_164 : i32 to index
        %get3A_166 = arith.constant 0 : index
        %get3A_167 = tpu.vector_load %arg12[%get3A_165, %get3A_166] {strides = array<i32>} : memref<128x128xf32, #tpu.memory_space<vmem>>, vector<16xf32>,
        %add3A_168 = arith.constant 5 : i32
        %add3A_169 = arith.addi %mul3A_29, %add3A_168 : i32
        %get3A_170 = arith.index_cast %add3A_169 : i32 to index
        %get3A_171 = arith.constant 16 : index
        %get3A_172 = tpu.vector_load %arg12[%get3A_170, %get3A_171] {strides = array<i32>} : memref<128x128xf32, #tpu.memory_space<vmem>>, vector<16xf32>,
        %mul3A_173 = arith.mulf %get3A_157, %get3A_167 : vector<16xf32>
        %mul3A_174 = arith.mulf %get3A_162, %get3A_172 : vector<16xf32>
        %add3A_175 = arith.addf %mul3A_173, %mul3A_174 : vector<16xf32>
        %swap3A_176 = arith.constant 80 : index
        %swap3A_177 = tpu.vector_load %arg15[%swap3A_176] {strides = array<i32>} : memref<256xf32, #tpu.memory_space<vmem>>, vector<16xf32>,
        tpu.vector_store %arg15[%swap3A_176], %add3A_175 {strides = array<i32>} : memref<256xf32, #tpu.memory_space<vmem>>, vector<16xf32>,
        %add3A_178 = arith.constant 6 : i32
        %add3A_179 = arith.addi %mul3A_29, %add3A_178 : i32
        %get3A_180 = arith.index_cast %add3A_179 : i32 to index
        %get3A_181 = arith.constant 0 : index
        %get3A_182 = tpu.vector_load %arg11[%get3A_180, %get3A_181] {strides = array<i32>} : memref<128x128xf32, #tpu.memory_space<vmem>>, vector<16xf32>,
        %add3A_183 = arith.constant 6 : i32
        %add3A_184 = arith.addi %mul3A_29, %add3A_183 : i32
        %get3A_185 = arith.index_cast %add3A_184 : i32 to index
        %get3A_186 = arith.constant 16 : index
        %get3A_187 = tpu.vector_load %arg11[%get3A_185, %get3A_186] {strides = array<i32>} : memref<128x128xf32, #tpu.memory_space<vmem>>, vector<16xf32>,
        %add3A_188 = arith.constant 6 : i32
        %add3A_189 = arith.addi %mul3A_29, %add3A_188 : i32
        %get3A_190 = arith.index_cast %add3A_189 : i32 to index
        %get3A_191 = arith.constant 0 : index
        %get3A_192 = tpu.vector_load %arg12[%get3A_190, %get3A_191] {strides = array<i32>} : memref<128x128xf32, #tpu.memory_space<vmem>>, vector<16xf32>,
        %add3A_193 = arith.constant 6 : i32
        %add3A_194 = arith.addi %mul3A_29, %add3A_193 : i32
        %get3A_195 = arith.index_cast %add3A_194 : i32 to index
        %get3A_196 = arith.constant 16 : index
        %get3A_197 = tpu.vector_load %arg12[%get3A_195, %get3A_196] {strides = array<i32>} : memref<128x128xf32, #tpu.memory_space<vmem>>, vector<16xf32>,
        %mul3A_198 = arith.mulf %get3A_182, %get3A_192 : vector<16xf32>
        %mul3A_199 = arith.mulf %get3A_187, %get3A_197 : vector<16xf32>
        %add3A_200 = arith.addf %mul3A_198, %mul3A_199 : vector<16xf32>
        %swap3A_201 = arith.constant 96 : index
        %swap3A_202 = tpu.vector_load %arg15[%swap3A_201] {strides = array<i32>} : memref<256xf32, #tpu.memory_space<vmem>>, vector<16xf32>,
        tpu.vector_store %arg15[%swap3A_201], %add3A_200 {strides = array<i32>} : memref<256xf32, #tpu.memory_space<vmem>>, vector<16xf32>,
        %add3A_203 = arith.constant 7 : i32
        %add3A_204 = arith.addi %mul3A_29, %add3A_203 : i32
        %get3A_205 = arith.index_cast %add3A_204 : i32 to index
        %get3A_206 = arith.constant 0 : index
        %get3A_207 = tpu.vector_load %arg11[%get3A_205, %get3A_206] {strides = array<i32>} : memref<128x128xf32, #tpu.memory_space<vmem>>, vector<16xf32>,
        %add3A_208 = arith.constant 7 : i32
        %add3A_209 = arith.addi %mul3A_29, %add3A_208 : i32
        %get3A_210 = arith.index_cast %add3A_209 : i32 to index
        %get3A_211 = arith.constant 16 : index
        %get3A_212 = tpu.vector_load %arg11[%get3A_210, %get3A_211] {strides = array<i32>} : memref<128x128xf32, #tpu.memory_space<vmem>>, vector<16xf32>,
        %add3A_213 = arith.constant 7 : i32
        %add3A_214 = arith.addi %mul3A_29, %add3A_213 : i32
        %get3A_215 = arith.index_cast %add3A_214 : i32 to index
        %get3A_216 = arith.constant 0 : index
        %get3A_217 = tpu.vector_load %arg12[%get3A_215, %get3A_216] {strides = array<i32>} : memref<128x128xf32, #tpu.memory_space<vmem>>, vector<16xf32>,
        %add3A_218 = arith.constant 7 : i32
        %add3A_219 = arith.addi %mul3A_29, %add3A_218 : i32
        %get3A_220 = arith.index_cast %add3A_219 : i32 to index
        %get3A_221 = arith.constant 16 : index
        %get3A_222 = tpu.vector_load %arg12[%get3A_220, %get3A_221] {strides = array<i32>} : memref<128x128xf32, #tpu.memory_space<vmem>>, vector<16xf32>,
        %mul3A_223 = arith.mulf %get3A_207, %get3A_217 : vector<16xf32>
        %mul3A_224 = arith.mulf %get3A_212, %get3A_222 : vector<16xf32>
        %add3A_225 = arith.addf %mul3A_223, %mul3A_224 : vector<16xf32>
        %swap3A_226 = arith.constant 112 : index
        %swap3A_227 = tpu.vector_load %arg15[%swap3A_226] {strides = array<i32>} : memref<256xf32, #tpu.memory_space<vmem>>, vector<16xf32>,
        tpu.vector_store %arg15[%swap3A_226], %add3A_225 {strides = array<i32>} : memref<256xf32, #tpu.memory_space<vmem>>, vector<16xf32>,
        %add3A_228 = arith.constant 8 : i32
        %add3A_229 = arith.addi %mul3A_29, %add3A_228 : i32
        %get3A_230 = arith.index_cast %add3A_229 : i32 to index
        %get3A_231 = arith.constant 0 : index
        %get3A_232 = tpu.vector_load %arg11[%get3A_230, %get3A_231] {strides = array<i32>} : memref<128x128xf32, #tpu.memory_space<vmem>>, vector<16xf32>,
        %add3A_233 = arith.constant 8 : i32
        %add3A_234 = arith.addi %mul3A_29, %add3A_233 : i32
        %get3A_235 = arith.index_cast %add3A_234 : i32 to index
        %get3A_236 = arith.constant 16 : index
        %get3A_237 = tpu.vector_load %arg11[%get3A_235, %get3A_236] {strides = array<i32>} : memref<128x128xf32, #tpu.memory_space<vmem>>, vector<16xf32>,
        %add3A_238 = arith.constant 8 : i32
        %add3A_239 = arith.addi %mul3A_29, %add3A_238 : i32
        %get3A_240 = arith.index_cast %add3A_239 : i32 to index
        %get3A_241 = arith.constant 0 : index
        %get3A_242 = tpu.vector_load %arg12[%get3A_240, %get3A_241] {strides = array<i32>} : memref<128x128xf32, #tpu.memory_space<vmem>>, vector<16xf32>,
        %add3A_243 = arith.constant 8 : i32
        %add3A_244 = arith.addi %mul3A_29, %add3A_243 : i32
        %get3A_245 = arith.index_cast %add3A_244 : i32 to index
        %get3A_246 = arith.constant 16 : index
        %get3A_247 = tpu.vector_load %arg12[%get3A_245, %get3A_246] {strides = array<i32>} : memref<128x128xf32, #tpu.memory_space<vmem>>, vector<16xf32>,
        %mul3A_248 = arith.mulf %get3A_232, %get3A_242 : vector<16xf32>
        %mul3A_249 = arith.mulf %get3A_237, %get3A_247 : vector<16xf32>
        %add3A_250 = arith.addf %mul3A_248, %mul3A_249 : vector<16xf32>
        %swap3A_251 = arith.constant 128 : index
        %swap3A_252 = tpu.vector_load %arg15[%swap3A_251] {strides = array<i32>} : memref<256xf32, #tpu.memory_space<vmem>>, vector<16xf32>,
        tpu.vector_store %arg15[%swap3A_251], %add3A_250 {strides = array<i32>} : memref<256xf32, #tpu.memory_space<vmem>>, vector<16xf32>,
        %add3A_253 = arith.constant 9 : i32
        %add3A_254 = arith.addi %mul3A_29, %add3A_253 : i32
        %get3A_255 = arith.index_cast %add3A_254 : i32 to index
        %get3A_256 = arith.constant 0 : index
        %get3A_257 = tpu.vector_load %arg11[%get3A_255, %get3A_256] {strides = array<i32>} : memref<128x128xf32, #tpu.memory_space<vmem>>, vector<16xf32>,
        %add3A_258 = arith.constant 9 : i32
        %add3A_259 = arith.addi %mul3A_29, %add3A_258 : i32
        %get3A_260 = arith.index_cast %add3A_259 : i32 to index
        %get3A_261 = arith.constant 16 : index
        %get3A_262 = tpu.vector_load %arg11[%get3A_260, %get3A_261] {strides = array<i32>} : memref<128x128xf32, #tpu.memory_space<vmem>>, vector<16xf32>,
        %add3A_263 = arith.constant 9 : i32
        %add3A_264 = arith.addi %mul3A_29, %add3A_263 : i32
        %get3A_265 = arith.index_cast %add3A_264 : i32 to index
        %get3A_266 = arith.constant 0 : index
        %get3A_267 = tpu.vector_load %arg12[%get3A_265, %get3A_266] {strides = array<i32>} : memref<128x128xf32, #tpu.memory_space<vmem>>, vector<16xf32>,
        %add3A_268 = arith.constant 9 : i32
        %add3A_269 = arith.addi %mul3A_29, %add3A_268 : i32
        %get3A_270 = arith.index_cast %add3A_269 : i32 to index
        %get3A_271 = arith.constant 16 : index
        %get3A_272 = tpu.vector_load %arg12[%get3A_270, %get3A_271] {strides = array<i32>} : memref<128x128xf32, #tpu.memory_space<vmem>>, vector<16xf32>,
        %mul3A_273 = arith.mulf %get3A_257, %get3A_267 : vector<16xf32>
        %mul3A_274 = arith.mulf %get3A_262, %get3A_272 : vector<16xf32>
        %add3A_275 = arith.addf %mul3A_273, %mul3A_274 : vector<16xf32>
        %swap3A_276 = arith.constant 144 : index
        %swap3A_277 = tpu.vector_load %arg15[%swap3A_276] {strides = array<i32>} : memref<256xf32, #tpu.memory_space<vmem>>, vector<16xf32>,
        tpu.vector_store %arg15[%swap3A_276], %add3A_275 {strides = array<i32>} : memref<256xf32, #tpu.memory_space<vmem>>, vector<16xf32>,
        %add3A_278 = arith.constant 10 : i32
        %add3A_279 = arith.addi %mul3A_29, %add3A_278 : i32
        %get3A_280 = arith.index_cast %add3A_279 : i32 to index
        %get3A_281 = arith.constant 0 : index
        %get3A_282 = tpu.vector_load %arg11[%get3A_280, %get3A_281] {strides = array<i32>} : memref<128x128xf32, #tpu.memory_space<vmem>>, vector<16xf32>,
        %add3A_283 = arith.constant 10 : i32
        %add3A_284 = arith.addi %mul3A_29, %add3A_283 : i32
        %get3A_285 = arith.index_cast %add3A_284 : i32 to index
        %get3A_286 = arith.constant 16 : index
        %get3A_287 = tpu.vector_load %arg11[%get3A_285, %get3A_286] {strides = array<i32>} : memref<128x128xf32, #tpu.memory_space<vmem>>, vector<16xf32>,
        %add3A_288 = arith.constant 10 : i32
        %add3A_289 = arith.addi %mul3A_29, %add3A_288 : i32
        %get3A_290 = arith.index_cast %add3A_289 : i32 to index
        %get3A_291 = arith.constant 0 : index
        %get3A_292 = tpu.vector_load %arg12[%get3A_290, %get3A_291] {strides = array<i32>} : memref<128x128xf32, #tpu.memory_space<vmem>>, vector<16xf32>,
        %add3A_293 = arith.constant 10 : i32
        %add3A_294 = arith.addi %mul3A_29, %add3A_293 : i32
        %get3A_295 = arith.index_cast %add3A_294 : i32 to index
        %get3A_296 = arith.constant 16 : index
        %get3A_297 = tpu.vector_load %arg12[%get3A_295, %get3A_296] {strides = array<i32>} : memref<128x128xf32, #tpu.memory_space<vmem>>, vector<16xf32>,
        %mul3A_298 = arith.mulf %get3A_282, %get3A_292 : vector<16xf32>
        %mul3A_299 = arith.mulf %get3A_287, %get3A_297 : vector<16xf32>
        %add3A_300 = arith.addf %mul3A_298, %mul3A_299 : vector<16xf32>
        %swap3A_301 = arith.constant 160 : index
        %swap3A_302 = tpu.vector_load %arg15[%swap3A_301] {strides = array<i32>} : memref<256xf32, #tpu.memory_space<vmem>>, vector<16xf32>,
        tpu.vector_store %arg15[%swap3A_301], %add3A_300 {strides = array<i32>} : memref<256xf32, #tpu.memory_space<vmem>>, vector<16xf32>,
        %add3A_303 = arith.constant 11 : i32
        %add3A_304 = arith.addi %mul3A_29, %add3A_303 : i32
        %get3A_305 = arith.index_cast %add3A_304 : i32 to index
        %get3A_306 = arith.constant 0 : index
        %get3A_307 = tpu.vector_load %arg11[%get3A_305, %get3A_306] {strides = array<i32>} : memref<128x128xf32, #tpu.memory_space<vmem>>, vector<16xf32>,
        %add3A_308 = arith.constant 11 : i32
        %add3A_309 = arith.addi %mul3A_29, %add3A_308 : i32
        %get3A_310 = arith.index_cast %add3A_309 : i32 to index
        %get3A_311 = arith.constant 16 : index
        %get3A_312 = tpu.vector_load %arg11[%get3A_310, %get3A_311] {strides = array<i32>} : memref<128x128xf32, #tpu.memory_space<vmem>>, vector<16xf32>,
        %add3A_313 = arith.constant 11 : i32
        %add3A_314 = arith.addi %mul3A_29, %add3A_313 : i32
        %get3A_315 = arith.index_cast %add3A_314 : i32 to index
        %get3A_316 = arith.constant 0 : index
        %get3A_317 = tpu.vector_load %arg12[%get3A_315, %get3A_316] {strides = array<i32>} : memref<128x128xf32, #tpu.memory_space<vmem>>, vector<16xf32>,
        %add3A_318 = arith.constant 11 : i32
        %add3A_319 = arith.addi %mul3A_29, %add3A_318 : i32
        %get3A_320 = arith.index_cast %add3A_319 : i32 to index
        %get3A_321 = arith.constant 16 : index
        %get3A_322 = tpu.vector_load %arg12[%get3A_320, %get3A_321] {strides = array<i32>} : memref<128x128xf32, #tpu.memory_space<vmem>>, vector<16xf32>,
        %mul3A_323 = arith.mulf %get3A_307, %get3A_317 : vector<16xf32>
        %mul3A_324 = arith.mulf %get3A_312, %get3A_322 : vector<16xf32>
        %add3A_325 = arith.addf %mul3A_323, %mul3A_324 : vector<16xf32>
        %swap3A_326 = arith.constant 176 : index
        %swap3A_327 = tpu.vector_load %arg15[%swap3A_326] {strides = array<i32>} : memref<256xf32, #tpu.memory_space<vmem>>, vector<16xf32>,
        tpu.vector_store %arg15[%swap3A_326], %add3A_325 {strides = array<i32>} : memref<256xf32, #tpu.memory_space<vmem>>, vector<16xf32>,
        %add3A_328 = arith.constant 12 : i32
        %add3A_329 = arith.addi %mul3A_29, %add3A_328 : i32
        %get3A_330 = arith.index_cast %add3A_329 : i32 to index
        %get3A_331 = arith.constant 0 : index
        %get3A_332 = tpu.vector_load %arg11[%get3A_330, %get3A_331] {strides = array<i32>} : memref<128x128xf32, #tpu.memory_space<vmem>>, vector<16xf32>,
        %add3A_333 = arith.constant 12 : i32
        %add3A_334 = arith.addi %mul3A_29, %add3A_333 : i32
        %get3A_335 = arith.index_cast %add3A_334 : i32 to index
        %get3A_336 = arith.constant 16 : index
        %get3A_337 = tpu.vector_load %arg11[%get3A_335, %get3A_336] {strides = array<i32>} : memref<128x128xf32, #tpu.memory_space<vmem>>, vector<16xf32>,
        %add3A_338 = arith.constant 12 : i32
        %add3A_339 = arith.addi %mul3A_29, %add3A_338 : i32
        %get3A_340 = arith.index_cast %add3A_339 : i32 to index
        %get3A_341 = arith.constant 0 : index
        %get3A_342 = tpu.vector_load %arg12[%get3A_340, %get3A_341] {strides = array<i32>} : memref<128x128xf32, #tpu.memory_space<vmem>>, vector<16xf32>,
        %add3A_343 = arith.constant 12 : i32
        %add3A_344 = arith.addi %mul3A_29, %add3A_343 : i32
        %get3A_345 = arith.index_cast %add3A_344 : i32 to index
        %get3A_346 = arith.constant 16 : index
        %get3A_347 = tpu.vector_load %arg12[%get3A_345, %get3A_346] {strides = array<i32>} : memref<128x128xf32, #tpu.memory_space<vmem>>, vector<16xf32>,
        %mul3A_348 = arith.mulf %get3A_332, %get3A_342 : vector<16xf32>
        %mul3A_349 = arith.mulf %get3A_337, %get3A_347 : vector<16xf32>
        %add3A_350 = arith.addf %mul3A_348, %mul3A_349 : vector<16xf32>
        %swap3A_351 = arith.constant 192 : index
        %swap3A_352 = tpu.vector_load %arg15[%swap3A_351] {strides = array<i32>} : memref<256xf32, #tpu.memory_space<vmem>>, vector<16xf32>,
        tpu.vector_store %arg15[%swap3A_351], %add3A_350 {strides = array<i32>} : memref<256xf32, #tpu.memory_space<vmem>>, vector<16xf32>,
        %add3A_353 = arith.constant 13 : i32
        %add3A_354 = arith.addi %mul3A_29, %add3A_353 : i32
        %get3A_355 = arith.index_cast %add3A_354 : i32 to index
        %get3A_356 = arith.constant 0 : index
        %get3A_357 = tpu.vector_load %arg11[%get3A_355, %get3A_356] {strides = array<i32>} : memref<128x128xf32, #tpu.memory_space<vmem>>, vector<16xf32>,
        %add3A_358 = arith.constant 13 : i32
        %add3A_359 = arith.addi %mul3A_29, %add3A_358 : i32
        %get3A_360 = arith.index_cast %add3A_359 : i32 to index
        %get3A_361 = arith.constant 16 : index
        %get3A_362 = tpu.vector_load %arg11[%get3A_360, %get3A_361] {strides = array<i32>} : memref<128x128xf32, #tpu.memory_space<vmem>>, vector<16xf32>,
        %add3A_363 = arith.constant 13 : i32
        %add3A_364 = arith.addi %mul3A_29, %add3A_363 : i32
        %get3A_365 = arith.index_cast %add3A_364 : i32 to index
        %get3A_366 = arith.constant 0 : index
        %get3A_367 = tpu.vector_load %arg12[%get3A_365, %get3A_366] {strides = array<i32>} : memref<128x128xf32, #tpu.memory_space<vmem>>, vector<16xf32>,
        %add3A_368 = arith.constant 13 : i32
        %add3A_369 = arith.addi %mul3A_29, %add3A_368 : i32
        %get3A_370 = arith.index_cast %add3A_369 : i32 to index
        %get3A_371 = arith.constant 16 : index
        %get3A_372 = tpu.vector_load %arg12[%get3A_370, %get3A_371] {strides = array<i32>} : memref<128x128xf32, #tpu.memory_space<vmem>>, vector<16xf32>,
        %mul3A_373 = arith.mulf %get3A_357, %get3A_367 : vector<16xf32>
        %mul3A_374 = arith.mulf %get3A_362, %get3A_372 : vector<16xf32>
        %add3A_375 = arith.addf %mul3A_373, %mul3A_374 : vector<16xf32>
        %swap3A_376 = arith.constant 208 : index
        %swap3A_377 = tpu.vector_load %arg15[%swap3A_376] {strides = array<i32>} : memref<256xf32, #tpu.memory_space<vmem>>, vector<16xf32>,
        tpu.vector_store %arg15[%swap3A_376], %add3A_375 {strides = array<i32>} : memref<256xf32, #tpu.memory_space<vmem>>, vector<16xf32>,
        %add3A_378 = arith.constant 14 : i32
        %add3A_379 = arith.addi %mul3A_29, %add3A_378 : i32
        %get3A_380 = arith.index_cast %add3A_379 : i32 to index
        %get3A_381 = arith.constant 0 : index
        %get3A_382 = tpu.vector_load %arg11[%get3A_380, %get3A_381] {strides = array<i32>} : memref<128x128xf32, #tpu.memory_space<vmem>>, vector<16xf32>,
        %add3A_383 = arith.constant 14 : i32
        %add3A_384 = arith.addi %mul3A_29, %add3A_383 : i32
        %get3A_385 = arith.index_cast %add3A_384 : i32 to index
        %get3A_386 = arith.constant 16 : index
        %get3A_387 = tpu.vector_load %arg11[%get3A_385, %get3A_386] {strides = array<i32>} : memref<128x128xf32, #tpu.memory_space<vmem>>, vector<16xf32>,
        %add3A_388 = arith.constant 14 : i32
        %add3A_389 = arith.addi %mul3A_29, %add3A_388 : i32
        %get3A_390 = arith.index_cast %add3A_389 : i32 to index
        %get3A_391 = arith.constant 0 : index
        %get3A_392 = tpu.vector_load %arg12[%get3A_390, %get3A_391] {strides = array<i32>} : memref<128x128xf32, #tpu.memory_space<vmem>>, vector<16xf32>,
        %add3A_393 = arith.constant 14 : i32
        %add3A_394 = arith.addi %mul3A_29, %add3A_393 : i32
        %get3A_395 = arith.index_cast %add3A_394 : i32 to index
        %get3A_396 = arith.constant 16 : index
        %get3A_397 = tpu.vector_load %arg12[%get3A_395, %get3A_396] {strides = array<i32>} : memref<128x128xf32, #tpu.memory_space<vmem>>, vector<16xf32>,
        %mul3A_398 = arith.mulf %get3A_382, %get3A_392 : vector<16xf32>
        %mul3A_399 = arith.mulf %get3A_387, %get3A_397 : vector<16xf32>
        %add3A_400 = arith.addf %mul3A_398, %mul3A_399 : vector<16xf32>
        %swap3A_401 = arith.constant 224 : index
        %swap3A_402 = tpu.vector_load %arg15[%swap3A_401] {strides = array<i32>} : memref<256xf32, #tpu.memory_space<vmem>>, vector<16xf32>,
        tpu.vector_store %arg15[%swap3A_401], %add3A_400 {strides = array<i32>} : memref<256xf32, #tpu.memory_space<vmem>>, vector<16xf32>,
        %add3A_403 = arith.constant 15 : i32
        %add3A_404 = arith.addi %mul3A_29, %add3A_403 : i32
        %get3A_405 = arith.index_cast %add3A_404 : i32 to index
        %get3A_406 = arith.constant 0 : index
        %get3A_407 = tpu.vector_load %arg11[%get3A_405, %get3A_406] {strides = array<i32>} : memref<128x128xf32, #tpu.memory_space<vmem>>, vector<16xf32>,
        %add3A_408 = arith.constant 15 : i32
        %add3A_409 = arith.addi %mul3A_29, %add3A_408 : i32
        %get3A_410 = arith.index_cast %add3A_409 : i32 to index
        %get3A_411 = arith.constant 16 : index
        %get3A_412 = tpu.vector_load %arg11[%get3A_410, %get3A_411] {strides = array<i32>} : memref<128x128xf32, #tpu.memory_space<vmem>>, vector<16xf32>,
        %add3A_413 = arith.constant 15 : i32
        %add3A_414 = arith.addi %mul3A_29, %add3A_413 : i32
        %get3A_415 = arith.index_cast %add3A_414 : i32 to index
        %get3A_416 = arith.constant 0 : index
        %get3A_417 = tpu.vector_load %arg12[%get3A_415, %get3A_416] {strides = array<i32>} : memref<128x128xf32, #tpu.memory_space<vmem>>, vector<16xf32>,
        %add3A_418 = arith.constant 15 : i32
        %add3A_419 = arith.addi %mul3A_29, %add3A_418 : i32
        %get3A_420 = arith.index_cast %add3A_419 : i32 to index
        %get3A_421 = arith.constant 16 : index
        %get3A_422 = tpu.vector_load %arg12[%get3A_420, %get3A_421] {strides = array<i32>} : memref<128x128xf32, #tpu.memory_space<vmem>>, vector<16xf32>,
        %mul3A_423 = arith.mulf %get3A_407, %get3A_417 : vector<16xf32>
        %mul3A_424 = arith.mulf %get3A_412, %get3A_422 : vector<16xf32>
        %add3A_425 = arith.addf %mul3A_423, %mul3A_424 : vector<16xf32>
        %swap3A_426 = arith.constant 240 : index
        %swap3A_427 = tpu.vector_load %arg15[%swap3A_426] {strides = array<i32>} : memref<256xf32, #tpu.memory_space<vmem>>, vector<16xf32>,
        tpu.vector_store %arg15[%swap3A_426], %add3A_425 {strides = array<i32>} : memref<256xf32, #tpu.memory_space<vmem>>, vector<16xf32>,
        %mul3A_428 = arith.constant 128 : i32
        %mul3A_429 = arith.muli %scan3A_17, %mul3A_428 : i32
        %add3A_430 = arith.addi %mul3A_429, %mul3A_29 : i32
        %get3A_431 = arith.index_cast %add3A_430 : i32 to index
        %get3A_432 = tpu.vector_load %arg13[%get3A_431] {strides = array<i32>} : memref<512xf32, #tpu.memory_space<vmem>>, vector<16xf32>,
        %get3A_433 = arith.index_cast %add3A_430 : i32 to index
        %get3A_434 = tpu.vector_load %arg14[%get3A_433] {strides = array<i32>} : memref<512xf32, #tpu.memory_space<vmem>>, vector<16xf32>,
        %add3A_435 = arith.addf %get3A_432, %get3A_434 : vector<16xf32>
        %add3A_436 = arith.constant 0 : i32
        %add3A_437 = vector.broadcast %add3A_436 : i32 to vector<16xi32>
        %add3A_438 = arith.addi %mul3A_5, %add3A_437 : vector<16xi32>
        %gather3A = tpu.vector_load_idx %arg15[%add3A_438] : memref<256xf32, #tpu.memory_space<vmem>>[vector<16xi32>], vector<16xf32>,
        %add3A_439 = arith.addf %add3A_435, %gather3A : vector<16xf32>
        %add3A_440 = arith.constant 1 : i32
        %add3A_441 = vector.broadcast %add3A_440 : i32 to vector<16xi32>
        %add3A_442 = arith.addi %mul3A_5, %add3A_441 : vector<16xi32>
        %gather3A_443 = tpu.vector_load_idx %arg15[%add3A_442] : memref<256xf32, #tpu.memory_space<vmem>>[vector<16xi32>], vector<16xf32>,
        %add3A_444 = arith.addf %add3A_439, %gather3A_443 : vector<16xf32>
        %add3A_445 = arith.constant 2 : i32
        %add3A_446 = vector.broadcast %add3A_445 : i32 to vector<16xi32>
        %add3A_447 = arith.addi %mul3A_5, %add3A_446 : vector<16xi32>
        %gather3A_448 = tpu.vector_load_idx %arg15[%add3A_447] : memref<256xf32, #tpu.memory_space<vmem>>[vector<16xi32>], vector<16xf32>,
        %add3A_449 = arith.addf %add3A_444, %gather3A_448 : vector<16xf32>
        %add3A_450 = arith.constant 3 : i32
        %add3A_451 = vector.broadcast %add3A_450 : i32 to vector<16xi32>
        %add3A_452 = arith.addi %mul3A_5, %add3A_451 : vector<16xi32>
        %gather3A_453 = tpu.vector_load_idx %arg15[%add3A_452] : memref<256xf32, #tpu.memory_space<vmem>>[vector<16xi32>], vector<16xf32>,
        %add3A_454 = arith.addf %add3A_449, %gather3A_453 : vector<16xf32>
        %add3A_455 = arith.constant 4 : i32
        %add3A_456 = vector.broadcast %add3A_455 : i32 to vector<16xi32>
        %add3A_457 = arith.addi %mul3A_5, %add3A_456 : vector<16xi32>
        %gather3A_458 = tpu.vector_load_idx %arg15[%add3A_457] : memref<256xf32, #tpu.memory_space<vmem>>[vector<16xi32>], vector<16xf32>,
        %add3A_459 = arith.addf %add3A_454, %gather3A_458 : vector<16xf32>
        %add3A_460 = arith.constant 5 : i32
        %add3A_461 = vector.broadcast %add3A_460 : i32 to vector<16xi32>
        %add3A_462 = arith.addi %mul3A_5, %add3A_461 : vector<16xi32>
        %gather3A_463 = tpu.vector_load_idx %arg15[%add3A_462] : memref<256xf32, #tpu.memory_space<vmem>>[vector<16xi32>], vector<16xf32>,
        %add3A_464 = arith.addf %add3A_459, %gather3A_463 : vector<16xf32>
        %add3A_465 = arith.constant 6 : i32
        %add3A_466 = vector.broadcast %add3A_465 : i32 to vector<16xi32>
        %add3A_467 = arith.addi %mul3A_5, %add3A_466 : vector<16xi32>
        %gather3A_468 = tpu.vector_load_idx %arg15[%add3A_467] : memref<256xf32, #tpu.memory_space<vmem>>[vector<16xi32>], vector<16xf32>,
        %add3A_469 = arith.addf %add3A_464, %gather3A_468 : vector<16xf32>
        %add3A_470 = arith.constant 7 : i32
        %add3A_471 = vector.broadcast %add3A_470 : i32 to vector<16xi32>
        %add3A_472 = arith.addi %mul3A_5, %add3A_471 : vector<16xi32>
        %gather3A_473 = tpu.vector_load_idx %arg15[%add3A_472] : memref<256xf32, #tpu.memory_space<vmem>>[vector<16xi32>], vector<16xf32>,
        %add3A_474 = arith.addf %add3A_469, %gather3A_473 : vector<16xf32>
        %add3A_475 = arith.constant 8 : i32
        %add3A_476 = vector.broadcast %add3A_475 : i32 to vector<16xi32>
        %add3A_477 = arith.addi %mul3A_5, %add3A_476 : vector<16xi32>
        %gather3A_478 = tpu.vector_load_idx %arg15[%add3A_477] : memref<256xf32, #tpu.memory_space<vmem>>[vector<16xi32>], vector<16xf32>,
        %add3A_479 = arith.addf %add3A_474, %gather3A_478 : vector<16xf32>
        %add3A_480 = arith.constant 9 : i32
        %add3A_481 = vector.broadcast %add3A_480 : i32 to vector<16xi32>
        %add3A_482 = arith.addi %mul3A_5, %add3A_481 : vector<16xi32>
        %gather3A_483 = tpu.vector_load_idx %arg15[%add3A_482] : memref<256xf32, #tpu.memory_space<vmem>>[vector<16xi32>], vector<16xf32>,
        %add3A_484 = arith.addf %add3A_479, %gather3A_483 : vector<16xf32>
        %add3A_485 = arith.constant 10 : i32
        %add3A_486 = vector.broadcast %add3A_485 : i32 to vector<16xi32>
        %add3A_487 = arith.addi %mul3A_5, %add3A_486 : vector<16xi32>
        %gather3A_488 = tpu.vector_load_idx %arg15[%add3A_487] : memref<256xf32, #tpu.memory_space<vmem>>[vector<16xi32>], vector<16xf32>,
        %add3A_489 = arith.addf %add3A_484, %gather3A_488 : vector<16xf32>
        %add3A_490 = arith.constant 11 : i32
        %add3A_491 = vector.broadcast %add3A_490 : i32 to vector<16xi32>
        %add3A_492 = arith.addi %mul3A_5, %add3A_491 : vector<16xi32>
        %gather3A_493 = tpu.vector_load_idx %arg15[%add3A_492] : memref<256xf32, #tpu.memory_space<vmem>>[vector<16xi32>], vector<16xf32>,
        %add3A_494 = arith.addf %add3A_489, %gather3A_493 : vector<16xf32>
        %add3A_495 = arith.constant 12 : i32
        %add3A_496 = vector.broadcast %add3A_495 : i32 to vector<16xi32>
        %add3A_497 = arith.addi %mul3A_5, %add3A_496 : vector<16xi32>
        %gather3A_498 = tpu.vector_load_idx %arg15[%add3A_497] : memref<256xf32, #tpu.memory_space<vmem>>[vector<16xi32>], vector<16xf32>,
        %add3A_499 = arith.addf %add3A_494, %gather3A_498 : vector<16xf32>
        %add3A_500 = arith.constant 13 : i32
        %add3A_501 = vector.broadcast %add3A_500 : i32 to vector<16xi32>
        %add3A_502 = arith.addi %mul3A_5, %add3A_501 : vector<16xi32>
        %gather3A_503 = tpu.vector_load_idx %arg15[%add3A_502] : memref<256xf32, #tpu.memory_space<vmem>>[vector<16xi32>], vector<16xf32>,
        %add3A_504 = arith.addf %add3A_499, %gather3A_503 : vector<16xf32>
        %add3A_505 = arith.constant 14 : i32
        %add3A_506 = vector.broadcast %add3A_505 : i32 to vector<16xi32>
        %add3A_507 = arith.addi %mul3A_5, %add3A_506 : vector<16xi32>
        %gather3A_508 = tpu.vector_load_idx %arg15[%add3A_507] : memref<256xf32, #tpu.memory_space<vmem>>[vector<16xi32>], vector<16xf32>,
        %add3A_509 = arith.addf %add3A_504, %gather3A_508 : vector<16xf32>
        %add3A_510 = arith.constant 15 : i32
        %add3A_511 = vector.broadcast %add3A_510 : i32 to vector<16xi32>
        %add3A_512 = arith.addi %mul3A_5, %add3A_511 : vector<16xi32>
        %gather3A_513 = tpu.vector_load_idx %arg15[%add3A_512] : memref<256xf32, #tpu.memory_space<vmem>>[vector<16xi32>], vector<16xf32>,
        %add3A_514 = arith.addf %add3A_509, %gather3A_513 : vector<16xf32>
        %swap3A_515 = arith.index_cast %add3A_430 : i32 to index
        %swap3A_516 = tpu.vector_load %arg16[%swap3A_515] {strides = array<i32>} : memref<512xf32, #tpu.memory_space<vmem>>, vector<16xf32>,
        tpu.vector_store %arg16[%swap3A_515], %add3A_514 {strides = array<i32>} : memref<512xf32, #tpu.memory_space<vmem>>, vector<16xf32>,
      }
      %scan3A_26 = arith.constant 8 : i32
    }
    %scan3A_16 = arith.constant 4 : i32
    "tpu.region"() ({
      %run_scoped3A = tpu.sem_alloc : memref<!tpu.dma_semaphore, #tpu.memory_space<semaphore_mem>>
      %dma_start3A_17 = tpu.memref_slice %arg8[%mul3A_2] : memref<16384xf32, #tpu.memory_space<hbm>> -> memref<512xf32, #tpu.memory_space<hbm>>
      %dma_start3A_18 = tpu.memref_slice %arg8[%mul3A_2] : memref<16384xf32, #tpu.memory_space<hbm>> -> memref<512xf32, #tpu.memory_space<hbm>>
      tpu.enqueue_dma source(%arg16 : memref<512xf32, #tpu.memory_space<vmem>>) target(%dma_start3A_18 : memref<512xf32, #tpu.memory_space<hbm>>) target_semaphore(%run_scoped3A : memref<!tpu.dma_semaphore, #tpu.memory_space<semaphore_mem>>)
      %dma_wait3A_19 = tpu.memref_slice %arg8[%mul3A_2] : memref<16384xf32, #tpu.memory_space<hbm>> -> memref<512xf32, #tpu.memory_space<hbm>>
      %dma_wait3A_20 = tpu.memref_slice %arg8[%mul3A_2] : memref<16384xf32, #tpu.memory_space<hbm>> -> memref<512xf32, #tpu.memory_space<hbm>>
      tpu.wait_dma2 semaphore(%run_scoped3A : memref<!tpu.dma_semaphore, #tpu.memory_space<semaphore_mem>>) src(%arg16 : memref<512xf32, #tpu.memory_space<vmem>>) dst(%dma_wait3A_20 : memref<512xf32, #tpu.memory_space<hbm>>)
      tpu.yield
    }) : () -> ()
    return
  }
}

#map = affine_map<(d0, d1) -> (0)>
#map1 = affine_map<(d0, d1) -> (0, 0, 0)>
#map2 = affine_map<(d0, d1) -> (0, 0)>
module attributes {stable_mosaic.version = 14 : i64} {
  func.func @_extract_kernel(%arg0: i32, %arg1: i32, %arg2: memref<16384xi32, #tpu.memory_space<hbm>>, %arg3: memref<16384xi32, #tpu.memory_space<hbm>>, %arg4: memref<1x32x1000000xf32, #tpu.memory_space<hbm>>, %arg5: memref<1x32x1000000xf32, #tpu.memory_space<hbm>>, %arg6: memref<1x32x128xf32, #tpu.memory_space<hbm>>, %arg7: memref<1x32x128xf32, #tpu.memory_space<hbm>>, %arg8: memref<16384x128xf32, #tpu.memory_space<hbm>>, %arg9: memref<16384x128xf32, #tpu.memory_space<hbm>>, %arg10: memref<16384xi32, #tpu.memory_space<vmem>>, %arg11: memref<16384xi32, #tpu.memory_space<vmem>>, %arg12: memref<16400xi32, #tpu.memory_space<vmem>>, %arg13: memref<2x4x8x1024xf32, #tpu.memory_space<vmem>>, %arg14: memref<4x8x128xf32, #tpu.memory_space<vmem>>, %arg15: memref<16x128xf32, #tpu.memory_space<vmem>>, %arg16: memref<32xi32, #tpu.memory_space<vmem>>, %arg17: memref<!tpu.dma_semaphore, #tpu.memory_space<semaphore_mem>>, %arg18: memref<!tpu.dma_semaphore, #tpu.memory_space<semaphore_mem>>, %arg19: memref<!tpu.dma_semaphore, #tpu.memory_space<semaphore_mem>>) attributes {dimension_semantics = [#tpu.dimension_semantics<core_parallel>, #tpu.dimension_semantics<subcore_parallel>], iteration_bounds = array<i64: 2, 16>, scalar_prefetch = 0 : i64, scratch_operands = 10 : i64, tpu.core_type = #tpu.core_type<sc_vector_subcore>, window_params = [{transform_indices = #map}, {transform_indices = #map}, {transform_indices = #map1}, {transform_indices = #map1}, {transform_indices = #map1}, {transform_indices = #map1}, {transform_indices = #map2}, {transform_indices = #map2}]} {
    %mul3A = arith.constant 2 : i32
    %mul3A_0 = arith.muli %arg1, %mul3A : i32
    %add3A = arith.addi %mul3A_0, %arg0 : i32
    %iota3A = tpu.iota {dimensions = array<i32: 0>} : vector<16xi32>
    %broadcast_in_dim3A = arith.constant 0 : i32
    %broadcast_in_dim3A_1 = vector.broadcast %broadcast_in_dim3A : i32 to vector<16xi32>
    %shift_right_arithmetic3A = arith.constant 3 : i32
    %shift_right_arithmetic3A_2 = vector.broadcast %shift_right_arithmetic3A : i32 to vector<16xi32>
    %shift_right_arithmetic3A_3 = arith.shrsi %iota3A, %shift_right_arithmetic3A_2 : vector<16xi32>
    %and3A = arith.constant 7 : i32
    %and3A_4 = vector.broadcast %and3A : i32 to vector<16xi32>
    %and3A_5 = arith.andi %iota3A, %and3A_4 : vector<16xi32>
    %mul3A_6 = arith.constant 31232 : i32
    %mul3A_7 = arith.muli %add3A, %mul3A_6 : i32
    %eq3A = arith.constant 31 : i32
    %eq3A_8 = arith.cmpi eq, %add3A, %eq3A : i32
    %add3A_9 = arith.constant 31232 : i32
    %add3A_10 = arith.addi %mul3A_7, %add3A_9 : i32
    %jit3A = arith.constant 1000000 : i32
    %select_n3A = arith.select %eq3A_8, %jit3A, %add3A_10 : i32
    "tpu.region"() ({
      %run_scoped3A_310 = tpu.sem_alloc : memref<!tpu.dma_semaphore, #tpu.memory_space<semaphore_mem>>
      tpu.enqueue_dma source(%arg2 : memref<16384xi32, #tpu.memory_space<hbm>>) target(%arg10 : memref<16384xi32, #tpu.memory_space<vmem>>) target_semaphore(%run_scoped3A_310 : memref<!tpu.dma_semaphore, #tpu.memory_space<semaphore_mem>>)
      tpu.wait_dma2 semaphore(%run_scoped3A_310 : memref<!tpu.dma_semaphore, #tpu.memory_space<semaphore_mem>>) src(%arg2 : memref<16384xi32, #tpu.memory_space<hbm>>) dst(%arg10 : memref<16384xi32, #tpu.memory_space<vmem>>)
      tpu.yield
    }) : () -> ()
    %run_scoped3A = arith.constant 0 : i32
    %run_scoped3A_11 = arith.constant 0 : i32
    "tpu.region"() ({
      %run_scoped3A_310 = tpu.sem_alloc : memref<!tpu.dma_semaphore, #tpu.memory_space<semaphore_mem>>
      %dma_start3A_311 = arith.constant 0 : i32
      %dma_start3A_312 = arith.constant 0 : i32
      %dma_start3A_313 = tpu.memref_slice %arg14[%run_scoped3A_11, %dma_start3A_311, %dma_start3A_312] : memref<4x8x128xf32, #tpu.memory_space<vmem>> -> memref<1x8x128xf32, #tpu.memory_space<vmem>>
      %dma_start3A_314 = tpu.memref_squeeze %dma_start3A_313 : memref<1x8x128xf32, #tpu.memory_space<vmem>> -> memref<8x128xf32, #tpu.memory_space<vmem>>
      %dma_start3A_315 = arith.constant 0 : i32
      %dma_start3A_316 = arith.constant 0 : i32
      %dma_start3A_317 = tpu.memref_slice %arg6[%run_scoped3A, %dma_start3A_315, %dma_start3A_316] : memref<1x32x128xf32, #tpu.memory_space<hbm>> -> memref<1x8x128xf32, #tpu.memory_space<hbm>>
      %dma_start3A_318 = tpu.memref_squeeze %dma_start3A_317 : memref<1x8x128xf32, #tpu.memory_space<hbm>> -> memref<8x128xf32, #tpu.memory_space<hbm>>
      %dma_start3A_319 = arith.constant 0 : i32
      %dma_start3A_320 = arith.constant 0 : i32
      %dma_start3A_321 = tpu.memref_slice %arg14[%run_scoped3A_11, %dma_start3A_319, %dma_start3A_320] : memref<4x8x128xf32, #tpu.memory_space<vmem>> -> memref<1x8x128xf32, #tpu.memory_space<vmem>>
      %dma_start3A_322 = tpu.memref_squeeze %dma_start3A_321 : memref<1x8x128xf32, #tpu.memory_space<vmem>> -> memref<8x128xf32, #tpu.memory_space<vmem>>
      %dma_start3A_323 = arith.constant 0 : i32
      %dma_start3A_324 = arith.constant 0 : i32
      %dma_start3A_325 = tpu.memref_slice %arg6[%run_scoped3A, %dma_start3A_323, %dma_start3A_324] : memref<1x32x128xf32, #tpu.memory_space<hbm>> -> memref<1x8x128xf32, #tpu.memory_space<hbm>>
      %dma_start3A_326 = tpu.memref_squeeze %dma_start3A_325 : memref<1x8x128xf32, #tpu.memory_space<hbm>> -> memref<8x128xf32, #tpu.memory_space<hbm>>
      tpu.enqueue_dma source(%dma_start3A_326 : memref<8x128xf32, #tpu.memory_space<hbm>>) target(%dma_start3A_322 : memref<8x128xf32, #tpu.memory_space<vmem>>) target_semaphore(%run_scoped3A_310 : memref<!tpu.dma_semaphore, #tpu.memory_space<semaphore_mem>>)
      %dma_wait3A = arith.constant 0 : i32
      %dma_wait3A_327 = arith.constant 0 : i32
      %dma_wait3A_328 = tpu.memref_slice %arg14[%run_scoped3A_11, %dma_wait3A, %dma_wait3A_327] : memref<4x8x128xf32, #tpu.memory_space<vmem>> -> memref<1x8x128xf32, #tpu.memory_space<vmem>>
      %dma_wait3A_329 = tpu.memref_squeeze %dma_wait3A_328 : memref<1x8x128xf32, #tpu.memory_space<vmem>> -> memref<8x128xf32, #tpu.memory_space<vmem>>
      %dma_wait3A_330 = arith.constant 0 : i32
      %dma_wait3A_331 = arith.constant 0 : i32
      %dma_wait3A_332 = tpu.memref_slice %arg6[%run_scoped3A, %dma_wait3A_330, %dma_wait3A_331] : memref<1x32x128xf32, #tpu.memory_space<hbm>> -> memref<1x8x128xf32, #tpu.memory_space<hbm>>
      %dma_wait3A_333 = tpu.memref_squeeze %dma_wait3A_332 : memref<1x8x128xf32, #tpu.memory_space<hbm>> -> memref<8x128xf32, #tpu.memory_space<hbm>>
      %dma_wait3A_334 = arith.constant 0 : i32
      %dma_wait3A_335 = arith.constant 0 : i32
      %dma_wait3A_336 = tpu.memref_slice %arg14[%run_scoped3A_11, %dma_wait3A_334, %dma_wait3A_335] : memref<4x8x128xf32, #tpu.memory_space<vmem>> -> memref<1x8x128xf32, #tpu.memory_space<vmem>>
      %dma_wait3A_337 = tpu.memref_squeeze %dma_wait3A_336 : memref<1x8x128xf32, #tpu.memory_space<vmem>> -> memref<8x128xf32, #tpu.memory_space<vmem>>
      %dma_wait3A_338 = arith.constant 0 : i32
      %dma_wait3A_339 = arith.constant 0 : i32
      %dma_wait3A_340 = tpu.memref_slice %arg6[%run_scoped3A, %dma_wait3A_338, %dma_wait3A_339] : memref<1x32x128xf32, #tpu.memory_space<hbm>> -> memref<1x8x128xf32, #tpu.memory_space<hbm>>
      %dma_wait3A_341 = tpu.memref_squeeze %dma_wait3A_340 : memref<1x8x128xf32, #tpu.memory_space<hbm>> -> memref<8x128xf32, #tpu.memory_space<hbm>>
      tpu.wait_dma2 semaphore(%run_scoped3A_310 : memref<!tpu.dma_semaphore, #tpu.memory_space<semaphore_mem>>) src(%dma_wait3A_341 : memref<8x128xf32, #tpu.memory_space<hbm>>) dst(%dma_wait3A_337 : memref<8x128xf32, #tpu.memory_space<vmem>>)
      tpu.yield
    }) : () -> ()
    %run_scoped3A_12 = arith.constant 0 : i32
    %run_scoped3A_13 = arith.constant 1 : i32
    "tpu.region"() ({
      %run_scoped3A_310 = tpu.sem_alloc : memref<!tpu.dma_semaphore, #tpu.memory_space<semaphore_mem>>
      %dma_start3A_311 = arith.constant 0 : i32
      %dma_start3A_312 = arith.constant 0 : i32
      %dma_start3A_313 = tpu.memref_slice %arg14[%run_scoped3A_13, %dma_start3A_311, %dma_start3A_312] : memref<4x8x128xf32, #tpu.memory_space<vmem>> -> memref<1x8x128xf32, #tpu.memory_space<vmem>>
      %dma_start3A_314 = tpu.memref_squeeze %dma_start3A_313 : memref<1x8x128xf32, #tpu.memory_space<vmem>> -> memref<8x128xf32, #tpu.memory_space<vmem>>
      %dma_start3A_315 = arith.constant 8 : i32
      %dma_start3A_316 = arith.constant 0 : i32
      %dma_start3A_317 = tpu.memref_slice %arg6[%run_scoped3A_12, %dma_start3A_315, %dma_start3A_316] : memref<1x32x128xf32, #tpu.memory_space<hbm>> -> memref<1x8x128xf32, #tpu.memory_space<hbm>>
      %dma_start3A_318 = tpu.memref_squeeze %dma_start3A_317 : memref<1x8x128xf32, #tpu.memory_space<hbm>> -> memref<8x128xf32, #tpu.memory_space<hbm>>
      %dma_start3A_319 = arith.constant 0 : i32
      %dma_start3A_320 = arith.constant 0 : i32
      %dma_start3A_321 = tpu.memref_slice %arg14[%run_scoped3A_13, %dma_start3A_319, %dma_start3A_320] : memref<4x8x128xf32, #tpu.memory_space<vmem>> -> memref<1x8x128xf32, #tpu.memory_space<vmem>>
      %dma_start3A_322 = tpu.memref_squeeze %dma_start3A_321 : memref<1x8x128xf32, #tpu.memory_space<vmem>> -> memref<8x128xf32, #tpu.memory_space<vmem>>
      %dma_start3A_323 = arith.constant 8 : i32
      %dma_start3A_324 = arith.constant 0 : i32
      %dma_start3A_325 = tpu.memref_slice %arg6[%run_scoped3A_12, %dma_start3A_323, %dma_start3A_324] : memref<1x32x128xf32, #tpu.memory_space<hbm>> -> memref<1x8x128xf32, #tpu.memory_space<hbm>>
      %dma_start3A_326 = tpu.memref_squeeze %dma_start3A_325 : memref<1x8x128xf32, #tpu.memory_space<hbm>> -> memref<8x128xf32, #tpu.memory_space<hbm>>
      tpu.enqueue_dma source(%dma_start3A_326 : memref<8x128xf32, #tpu.memory_space<hbm>>) target(%dma_start3A_322 : memref<8x128xf32, #tpu.memory_space<vmem>>) target_semaphore(%run_scoped3A_310 : memref<!tpu.dma_semaphore, #tpu.memory_space<semaphore_mem>>)
      %dma_wait3A = arith.constant 0 : i32
      %dma_wait3A_327 = arith.constant 0 : i32
      %dma_wait3A_328 = tpu.memref_slice %arg14[%run_scoped3A_13, %dma_wait3A, %dma_wait3A_327] : memref<4x8x128xf32, #tpu.memory_space<vmem>> -> memref<1x8x128xf32, #tpu.memory_space<vmem>>
      %dma_wait3A_329 = tpu.memref_squeeze %dma_wait3A_328 : memref<1x8x128xf32, #tpu.memory_space<vmem>> -> memref<8x128xf32, #tpu.memory_space<vmem>>
      %dma_wait3A_330 = arith.constant 8 : i32
      %dma_wait3A_331 = arith.constant 0 : i32
      %dma_wait3A_332 = tpu.memref_slice %arg6[%run_scoped3A_12, %dma_wait3A_330, %dma_wait3A_331] : memref<1x32x128xf32, #tpu.memory_space<hbm>> -> memref<1x8x128xf32, #tpu.memory_space<hbm>>
      %dma_wait3A_333 = tpu.memref_squeeze %dma_wait3A_332 : memref<1x8x128xf32, #tpu.memory_space<hbm>> -> memref<8x128xf32, #tpu.memory_space<hbm>>
      %dma_wait3A_334 = arith.constant 0 : i32
      %dma_wait3A_335 = arith.constant 0 : i32
      %dma_wait3A_336 = tpu.memref_slice %arg14[%run_scoped3A_13, %dma_wait3A_334, %dma_wait3A_335] : memref<4x8x128xf32, #tpu.memory_space<vmem>> -> memref<1x8x128xf32, #tpu.memory_space<vmem>>
      %dma_wait3A_337 = tpu.memref_squeeze %dma_wait3A_336 : memref<1x8x128xf32, #tpu.memory_space<vmem>> -> memref<8x128xf32, #tpu.memory_space<vmem>>
      %dma_wait3A_338 = arith.constant 8 : i32
      %dma_wait3A_339 = arith.constant 0 : i32
      %dma_wait3A_340 = tpu.memref_slice %arg6[%run_scoped3A_12, %dma_wait3A_338, %dma_wait3A_339] : memref<1x32x128xf32, #tpu.memory_space<hbm>> -> memref<1x8x128xf32, #tpu.memory_space<hbm>>
      %dma_wait3A_341 = tpu.memref_squeeze %dma_wait3A_340 : memref<1x8x128xf32, #tpu.memory_space<hbm>> -> memref<8x128xf32, #tpu.memory_space<hbm>>
      tpu.wait_dma2 semaphore(%run_scoped3A_310 : memref<!tpu.dma_semaphore, #tpu.memory_space<semaphore_mem>>) src(%dma_wait3A_341 : memref<8x128xf32, #tpu.memory_space<hbm>>) dst(%dma_wait3A_337 : memref<8x128xf32, #tpu.memory_space<vmem>>)
      tpu.yield
    }) : () -> ()
    %run_scoped3A_14 = arith.constant 0 : i32
    %run_scoped3A_15 = arith.constant 2 : i32
    "tpu.region"() ({
      %run_scoped3A_310 = tpu.sem_alloc : memref<!tpu.dma_semaphore, #tpu.memory_space<semaphore_mem>>
      %dma_start3A_311 = arith.constant 0 : i32
      %dma_start3A_312 = arith.constant 0 : i32
      %dma_start3A_313 = tpu.memref_slice %arg14[%run_scoped3A_15, %dma_start3A_311, %dma_start3A_312] : memref<4x8x128xf32, #tpu.memory_space<vmem>> -> memref<1x8x128xf32, #tpu.memory_space<vmem>>
      %dma_start3A_314 = tpu.memref_squeeze %dma_start3A_313 : memref<1x8x128xf32, #tpu.memory_space<vmem>> -> memref<8x128xf32, #tpu.memory_space<vmem>>
      %dma_start3A_315 = arith.constant 16 : i32
      %dma_start3A_316 = arith.constant 0 : i32
      %dma_start3A_317 = tpu.memref_slice %arg6[%run_scoped3A_14, %dma_start3A_315, %dma_start3A_316] : memref<1x32x128xf32, #tpu.memory_space<hbm>> -> memref<1x8x128xf32, #tpu.memory_space<hbm>>
      %dma_start3A_318 = tpu.memref_squeeze %dma_start3A_317 : memref<1x8x128xf32, #tpu.memory_space<hbm>> -> memref<8x128xf32, #tpu.memory_space<hbm>>
      %dma_start3A_319 = arith.constant 0 : i32
      %dma_start3A_320 = arith.constant 0 : i32
      %dma_start3A_321 = tpu.memref_slice %arg14[%run_scoped3A_15, %dma_start3A_319, %dma_start3A_320] : memref<4x8x128xf32, #tpu.memory_space<vmem>> -> memref<1x8x128xf32, #tpu.memory_space<vmem>>
      %dma_start3A_322 = tpu.memref_squeeze %dma_start3A_321 : memref<1x8x128xf32, #tpu.memory_space<vmem>> -> memref<8x128xf32, #tpu.memory_space<vmem>>
      %dma_start3A_323 = arith.constant 16 : i32
      %dma_start3A_324 = arith.constant 0 : i32
      %dma_start3A_325 = tpu.memref_slice %arg6[%run_scoped3A_14, %dma_start3A_323, %dma_start3A_324] : memref<1x32x128xf32, #tpu.memory_space<hbm>> -> memref<1x8x128xf32, #tpu.memory_space<hbm>>
      %dma_start3A_326 = tpu.memref_squeeze %dma_start3A_325 : memref<1x8x128xf32, #tpu.memory_space<hbm>> -> memref<8x128xf32, #tpu.memory_space<hbm>>
      tpu.enqueue_dma source(%dma_start3A_326 : memref<8x128xf32, #tpu.memory_space<hbm>>) target(%dma_start3A_322 : memref<8x128xf32, #tpu.memory_space<vmem>>) target_semaphore(%run_scoped3A_310 : memref<!tpu.dma_semaphore, #tpu.memory_space<semaphore_mem>>)
      %dma_wait3A = arith.constant 0 : i32
      %dma_wait3A_327 = arith.constant 0 : i32
      %dma_wait3A_328 = tpu.memref_slice %arg14[%run_scoped3A_15, %dma_wait3A, %dma_wait3A_327] : memref<4x8x128xf32, #tpu.memory_space<vmem>> -> memref<1x8x128xf32, #tpu.memory_space<vmem>>
      %dma_wait3A_329 = tpu.memref_squeeze %dma_wait3A_328 : memref<1x8x128xf32, #tpu.memory_space<vmem>> -> memref<8x128xf32, #tpu.memory_space<vmem>>
      %dma_wait3A_330 = arith.constant 16 : i32
      %dma_wait3A_331 = arith.constant 0 : i32
      %dma_wait3A_332 = tpu.memref_slice %arg6[%run_scoped3A_14, %dma_wait3A_330, %dma_wait3A_331] : memref<1x32x128xf32, #tpu.memory_space<hbm>> -> memref<1x8x128xf32, #tpu.memory_space<hbm>>
      %dma_wait3A_333 = tpu.memref_squeeze %dma_wait3A_332 : memref<1x8x128xf32, #tpu.memory_space<hbm>> -> memref<8x128xf32, #tpu.memory_space<hbm>>
      %dma_wait3A_334 = arith.constant 0 : i32
      %dma_wait3A_335 = arith.constant 0 : i32
      %dma_wait3A_336 = tpu.memref_slice %arg14[%run_scoped3A_15, %dma_wait3A_334, %dma_wait3A_335] : memref<4x8x128xf32, #tpu.memory_space<vmem>> -> memref<1x8x128xf32, #tpu.memory_space<vmem>>
      %dma_wait3A_337 = tpu.memref_squeeze %dma_wait3A_336 : memref<1x8x128xf32, #tpu.memory_space<vmem>> -> memref<8x128xf32, #tpu.memory_space<vmem>>
      %dma_wait3A_338 = arith.constant 16 : i32
      %dma_wait3A_339 = arith.constant 0 : i32
      %dma_wait3A_340 = tpu.memref_slice %arg6[%run_scoped3A_14, %dma_wait3A_338, %dma_wait3A_339] : memref<1x32x128xf32, #tpu.memory_space<hbm>> -> memref<1x8x128xf32, #tpu.memory_space<hbm>>
      %dma_wait3A_341 = tpu.memref_squeeze %dma_wait3A_340 : memref<1x8x128xf32, #tpu.memory_space<hbm>> -> memref<8x128xf32, #tpu.memory_space<hbm>>
      tpu.wait_dma2 semaphore(%run_scoped3A_310 : memref<!tpu.dma_semaphore, #tpu.memory_space<semaphore_mem>>) src(%dma_wait3A_341 : memref<8x128xf32, #tpu.memory_space<hbm>>) dst(%dma_wait3A_337 : memref<8x128xf32, #tpu.memory_space<vmem>>)
      tpu.yield
    }) : () -> ()
    %run_scoped3A_16 = arith.constant 0 : i32
    %run_scoped3A_17 = arith.constant 3 : i32
    "tpu.region"() ({
      %run_scoped3A_310 = tpu.sem_alloc : memref<!tpu.dma_semaphore, #tpu.memory_space<semaphore_mem>>
      %dma_start3A_311 = arith.constant 0 : i32
      %dma_start3A_312 = arith.constant 0 : i32
      %dma_start3A_313 = tpu.memref_slice %arg14[%run_scoped3A_17, %dma_start3A_311, %dma_start3A_312] : memref<4x8x128xf32, #tpu.memory_space<vmem>> -> memref<1x8x128xf32, #tpu.memory_space<vmem>>
      %dma_start3A_314 = tpu.memref_squeeze %dma_start3A_313 : memref<1x8x128xf32, #tpu.memory_space<vmem>> -> memref<8x128xf32, #tpu.memory_space<vmem>>
      %dma_start3A_315 = arith.constant 24 : i32
      %dma_start3A_316 = arith.constant 0 : i32
      %dma_start3A_317 = tpu.memref_slice %arg6[%run_scoped3A_16, %dma_start3A_315, %dma_start3A_316] : memref<1x32x128xf32, #tpu.memory_space<hbm>> -> memref<1x8x128xf32, #tpu.memory_space<hbm>>
      %dma_start3A_318 = tpu.memref_squeeze %dma_start3A_317 : memref<1x8x128xf32, #tpu.memory_space<hbm>> -> memref<8x128xf32, #tpu.memory_space<hbm>>
      %dma_start3A_319 = arith.constant 0 : i32
      %dma_start3A_320 = arith.constant 0 : i32
      %dma_start3A_321 = tpu.memref_slice %arg14[%run_scoped3A_17, %dma_start3A_319, %dma_start3A_320] : memref<4x8x128xf32, #tpu.memory_space<vmem>> -> memref<1x8x128xf32, #tpu.memory_space<vmem>>
      %dma_start3A_322 = tpu.memref_squeeze %dma_start3A_321 : memref<1x8x128xf32, #tpu.memory_space<vmem>> -> memref<8x128xf32, #tpu.memory_space<vmem>>
      %dma_start3A_323 = arith.constant 24 : i32
      %dma_start3A_324 = arith.constant 0 : i32
      %dma_start3A_325 = tpu.memref_slice %arg6[%run_scoped3A_16, %dma_start3A_323, %dma_start3A_324] : memref<1x32x128xf32, #tpu.memory_space<hbm>> -> memref<1x8x128xf32, #tpu.memory_space<hbm>>
      %dma_start3A_326 = tpu.memref_squeeze %dma_start3A_325 : memref<1x8x128xf32, #tpu.memory_space<hbm>> -> memref<8x128xf32, #tpu.memory_space<hbm>>
      tpu.enqueue_dma source(%dma_start3A_326 : memref<8x128xf32, #tpu.memory_space<hbm>>) target(%dma_start3A_322 : memref<8x128xf32, #tpu.memory_space<vmem>>) target_semaphore(%run_scoped3A_310 : memref<!tpu.dma_semaphore, #tpu.memory_space<semaphore_mem>>)
      %dma_wait3A = arith.constant 0 : i32
      %dma_wait3A_327 = arith.constant 0 : i32
      %dma_wait3A_328 = tpu.memref_slice %arg14[%run_scoped3A_17, %dma_wait3A, %dma_wait3A_327] : memref<4x8x128xf32, #tpu.memory_space<vmem>> -> memref<1x8x128xf32, #tpu.memory_space<vmem>>
      %dma_wait3A_329 = tpu.memref_squeeze %dma_wait3A_328 : memref<1x8x128xf32, #tpu.memory_space<vmem>> -> memref<8x128xf32, #tpu.memory_space<vmem>>
      %dma_wait3A_330 = arith.constant 24 : i32
      %dma_wait3A_331 = arith.constant 0 : i32
      %dma_wait3A_332 = tpu.memref_slice %arg6[%run_scoped3A_16, %dma_wait3A_330, %dma_wait3A_331] : memref<1x32x128xf32, #tpu.memory_space<hbm>> -> memref<1x8x128xf32, #tpu.memory_space<hbm>>
      %dma_wait3A_333 = tpu.memref_squeeze %dma_wait3A_332 : memref<1x8x128xf32, #tpu.memory_space<hbm>> -> memref<8x128xf32, #tpu.memory_space<hbm>>
      %dma_wait3A_334 = arith.constant 0 : i32
      %dma_wait3A_335 = arith.constant 0 : i32
      %dma_wait3A_336 = tpu.memref_slice %arg14[%run_scoped3A_17, %dma_wait3A_334, %dma_wait3A_335] : memref<4x8x128xf32, #tpu.memory_space<vmem>> -> memref<1x8x128xf32, #tpu.memory_space<vmem>>
      %dma_wait3A_337 = tpu.memref_squeeze %dma_wait3A_336 : memref<1x8x128xf32, #tpu.memory_space<vmem>> -> memref<8x128xf32, #tpu.memory_space<vmem>>
      %dma_wait3A_338 = arith.constant 24 : i32
      %dma_wait3A_339 = arith.constant 0 : i32
      %dma_wait3A_340 = tpu.memref_slice %arg6[%run_scoped3A_16, %dma_wait3A_338, %dma_wait3A_339] : memref<1x32x128xf32, #tpu.memory_space<hbm>> -> memref<1x8x128xf32, #tpu.memory_space<hbm>>
      %dma_wait3A_341 = tpu.memref_squeeze %dma_wait3A_340 : memref<1x8x128xf32, #tpu.memory_space<hbm>> -> memref<8x128xf32, #tpu.memory_space<hbm>>
      tpu.wait_dma2 semaphore(%run_scoped3A_310 : memref<!tpu.dma_semaphore, #tpu.memory_space<semaphore_mem>>) src(%dma_wait3A_341 : memref<8x128xf32, #tpu.memory_space<hbm>>) dst(%dma_wait3A_337 : memref<8x128xf32, #tpu.memory_space<vmem>>)
      tpu.yield
    }) : () -> ()
    %scan3A = arith.constant 0 : i32
    %scan3A_18 = arith.constant 0 : i32
    %scan3A_19 = arith.constant 1024 : i32
    %scan3A_20 = arith.addi %scan3A_18, %scan3A_19 : i32
    %scan3A_21 = arith.constant 1 : i32
    %scan3A_22 = scf.for %scan3A_310 = %scan3A_18 to %scan3A_20 step %scan3A_21 iter_args(%scan3A_311 = %scan3A) -> (i32)  : i32 {
      %mul3A_312 = arith.constant 16 : i32
      %mul3A_313 = arith.muli %scan3A_310, %mul3A_312 : i32
      %get3A = arith.index_cast %mul3A_313 : i32 to index
      %get3A_314 = tpu.vector_load %arg10[%get3A] {strides = array<i32>} : memref<16384xi32, #tpu.memory_space<vmem>>, vector<16xi32>,
      %ge3A = vector.broadcast %mul3A_7 : i32 to vector<16xi32>
      %ge3A_315 = arith.cmpi sge, %get3A_314, %ge3A : vector<16xi32>
      %lt3A = vector.broadcast %select_n3A : i32 to vector<16xi32>
      %lt3A_316 = arith.cmpi slt, %get3A_314, %lt3A : vector<16xi32>
      %and3A_317 = arith.andi %ge3A_315, %lt3A_316 : vector<16xi1>
      %sub3A_318 = vector.broadcast %mul3A_7 : i32 to vector<16xi32>
      %sub3A_319 = arith.subi %get3A_314, %sub3A_318 : vector<16xi32>
      %shift_left3A = arith.constant 14 : i32
      %shift_left3A_320 = vector.broadcast %shift_left3A : i32 to vector<16xi32>
      %shift_left3A_321 = arith.shli %sub3A_319, %shift_left3A_320 : vector<16xi32>
      %mul3A_322 = arith.constant 16 : i32
      %mul3A_323 = arith.muli %scan3A_310, %mul3A_322 : i32
      %add3A_324 = vector.broadcast %mul3A_323 : i32 to vector<16xi32>
      %add3A_325 = arith.addi %add3A_324, %iota3A : vector<16xi32>
      %or3A = arith.ori %shift_left3A_321, %add3A_325 : vector<16xi32>
      %swap3A = arith.index_cast %scan3A_311 : i32 to index
      %swap3A_326 = tpu.vector_load %arg11[%swap3A] masked %and3A_317 {strides = array<i32>} : memref<16384xi32, #tpu.memory_space<vmem>>, vector<16xi32>, vector<16xi1>
      tpu.vector_store %arg11[%swap3A], %or3A masked %and3A_317 {strides = array<i32>} : memref<16384xi32, #tpu.memory_space<vmem>>, vector<16xi32>, vector<16xi1>
      %convert_element_type3A_327 = arith.extui %and3A_317 : vector<16xi1> to vector<16xi32>
      %reduce_sum3A = arith.constant true
      %reduce_sum3A_328 = vector.broadcast %reduce_sum3A : i1 to vector<16xi1>
      %reduce_sum3A_329 = tpu.scan <sum>, %convert_element_type3A_327 masked %reduce_sum3A_328 : vector<16xi32>, vector<16xi1> -> vector<16xi32>
      %reduce_sum3A_330 = vector.extract %reduce_sum3A_329[15] : i32 from vector<16xi32>
      %add3A_331 = arith.addi %scan3A_311, %reduce_sum3A_330 : i32
      scf.yield %add3A_331 : i32
    }
    %scan3A_23 = arith.constant 1024 : i32
    %add3A_24 = arith.constant 16 : i32
    %add3A_25 = arith.addi %scan3A_22, %add3A_24 : i32
    %sub3A = arith.constant 1 : i32
    %sub3A_26 = arith.subi %add3A_25, %sub3A : i32
    %jit3A_27 = arith.constant 16 : i32
    %div3A = arith.divsi %sub3A_26, %jit3A_27 : i32
    %sign3A = arith.constant 0 : i32
    %sign3A_28 = arith.cmpi sgt, %sub3A_26, %sign3A : i32
    %sign3A_29 = arith.extui %sign3A_28 : i1 to i32
    %sign3A_30 = arith.constant 0 : i32
    %sign3A_31 = arith.cmpi slt, %sub3A_26, %sign3A_30 : i32
    %sign3A_32 = arith.extui %sign3A_31 : i1 to i32
    %sign3A_33 = arith.subi %sign3A_29, %sign3A_32 : i32
    %sign3A_34 = arith.constant 0 : i32
    %sign3A_35 = arith.cmpi sgt, %jit3A_27, %sign3A_34 : i32
    %sign3A_36 = arith.extui %sign3A_35 : i1 to i32
    %sign3A_37 = arith.constant 0 : i32
    %sign3A_38 = arith.cmpi slt, %jit3A_27, %sign3A_37 : i32
    %sign3A_39 = arith.extui %sign3A_38 : i1 to i32
    %sign3A_40 = arith.subi %sign3A_36, %sign3A_39 : i32
    %ne3A = arith.cmpi ne, %sign3A_33, %sign3A_40 : i32
    %rem3A = arith.remsi %sub3A_26, %jit3A_27 : i32
    %ne3A_41 = arith.constant 0 : i32
    %ne3A_42 = arith.cmpi ne, %rem3A, %ne3A_41 : i32
    %and3A_43 = arith.andi %ne3A, %ne3A_42 : i1
    %sub3A_44 = arith.constant 1 : i32
    %sub3A_45 = arith.subi %div3A, %sub3A_44 : i32
    %select_n3A_46 = arith.select %and3A_43, %sub3A_45, %div3A : i32
    %jit3A_47 = arith.constant true
    %jit3A_48 = arith.constant 0 : i32
    %jit3A_49 = arith.constant 0 : i32
    %select_n3A_50 = arith.select %jit3A_47, %jit3A_48, %jit3A_49 : i32
    %mul3A_51 = arith.constant 1024 : i32
    %mul3A_52 = arith.muli %select_n3A_50, %mul3A_51 : i32
    %add3A_53 = arith.addi %mul3A_7, %mul3A_52 : i32
    %multiple_of3A = tpu.assume_multiple %add3A_53, 128 : i32
    %dma_start3A = arith.constant 0 : i32
    %dma_start3A_54 = arith.constant 0 : i32
    %dma_start3A_55 = arith.constant 0 : i32
    %dma_start3A_56 = arith.constant 0 : i32
    %dma_start3A_57 = arith.constant 0 : i32
    %dma_start3A_58 = tpu.memref_slice %arg13[%dma_start3A_54, %dma_start3A_55, %dma_start3A_56, %dma_start3A_57] : memref<2x4x8x1024xf32, #tpu.memory_space<vmem>> -> memref<1x1x8x1024xf32, #tpu.memory_space<vmem>>
    %dma_start3A_59 = tpu.memref_squeeze %dma_start3A_58 : memref<1x1x8x1024xf32, #tpu.memory_space<vmem>> -> memref<8x1024xf32, #tpu.memory_space<vmem>>
    %dma_start3A_60 = arith.constant 0 : i32
    %dma_start3A_61 = tpu.memref_slice %arg4[%dma_start3A, %dma_start3A_60, %multiple_of3A] : memref<1x32x1000000xf32, #tpu.memory_space<hbm>> -> memref<1x8x1024xf32, #tpu.memory_space<hbm>>
    %dma_start3A_62 = tpu.memref_squeeze %dma_start3A_61 : memref<1x8x1024xf32, #tpu.memory_space<hbm>> -> memref<8x1024xf32, #tpu.memory_space<hbm>>
    %dma_start3A_63 = arith.constant 0 : i32
    %dma_start3A_64 = arith.constant 0 : i32
    %dma_start3A_65 = tpu.memref_slice %arg13[%dma_start3A_54, %dma_start3A_55, %dma_start3A_63, %dma_start3A_64] : memref<2x4x8x1024xf32, #tpu.memory_space<vmem>> -> memref<1x1x8x1024xf32, #tpu.memory_space<vmem>>
    %dma_start3A_66 = tpu.memref_squeeze %dma_start3A_65 : memref<1x1x8x1024xf32, #tpu.memory_space<vmem>> -> memref<8x1024xf32, #tpu.memory_space<vmem>>
    %dma_start3A_67 = arith.constant 0 : i32
    %dma_start3A_68 = tpu.memref_slice %arg4[%dma_start3A, %dma_start3A_67, %multiple_of3A] : memref<1x32x1000000xf32, #tpu.memory_space<hbm>> -> memref<1x8x1024xf32, #tpu.memory_space<hbm>>
    %dma_start3A_69 = tpu.memref_squeeze %dma_start3A_68 : memref<1x8x1024xf32, #tpu.memory_space<hbm>> -> memref<8x1024xf32, #tpu.memory_space<hbm>>
    tpu.enqueue_dma source(%dma_start3A_69 : memref<8x1024xf32, #tpu.memory_space<hbm>>) target(%dma_start3A_66 : memref<8x1024xf32, #tpu.memory_space<vmem>>) target_semaphore(%arg17 : memref<!tpu.dma_semaphore, #tpu.memory_space<semaphore_mem>>)
    %dma_start3A_70 = arith.constant 0 : i32
    %dma_start3A_71 = arith.constant 0 : i32
    %dma_start3A_72 = arith.constant 1 : i32
    %dma_start3A_73 = arith.constant 0 : i32
    %dma_start3A_74 = arith.constant 0 : i32
    %dma_start3A_75 = tpu.memref_slice %arg13[%dma_start3A_71, %dma_start3A_72, %dma_start3A_73, %dma_start3A_74] : memref<2x4x8x1024xf32, #tpu.memory_space<vmem>> -> memref<1x1x8x1024xf32, #tpu.memory_space<vmem>>
    %dma_start3A_76 = tpu.memref_squeeze %dma_start3A_75 : memref<1x1x8x1024xf32, #tpu.memory_space<vmem>> -> memref<8x1024xf32, #tpu.memory_space<vmem>>
    %dma_start3A_77 = arith.constant 8 : i32
    %dma_start3A_78 = tpu.memref_slice %arg4[%dma_start3A_70, %dma_start3A_77, %multiple_of3A] : memref<1x32x1000000xf32, #tpu.memory_space<hbm>> -> memref<1x8x1024xf32, #tpu.memory_space<hbm>>
    %dma_start3A_79 = tpu.memref_squeeze %dma_start3A_78 : memref<1x8x1024xf32, #tpu.memory_space<hbm>> -> memref<8x1024xf32, #tpu.memory_space<hbm>>
    %dma_start3A_80 = arith.constant 0 : i32
    %dma_start3A_81 = arith.constant 0 : i32
    %dma_start3A_82 = tpu.memref_slice %arg13[%dma_start3A_71, %dma_start3A_72, %dma_start3A_80, %dma_start3A_81] : memref<2x4x8x1024xf32, #tpu.memory_space<vmem>> -> memref<1x1x8x1024xf32, #tpu.memory_space<vmem>>
    %dma_start3A_83 = tpu.memref_squeeze %dma_start3A_82 : memref<1x1x8x1024xf32, #tpu.memory_space<vmem>> -> memref<8x1024xf32, #tpu.memory_space<vmem>>
    %dma_start3A_84 = arith.constant 8 : i32
    %dma_start3A_85 = tpu.memref_slice %arg4[%dma_start3A_70, %dma_start3A_84, %multiple_of3A] : memref<1x32x1000000xf32, #tpu.memory_space<hbm>> -> memref<1x8x1024xf32, #tpu.memory_space<hbm>>
    %dma_start3A_86 = tpu.memref_squeeze %dma_start3A_85 : memref<1x8x1024xf32, #tpu.memory_space<hbm>> -> memref<8x1024xf32, #tpu.memory_space<hbm>>
    tpu.enqueue_dma source(%dma_start3A_86 : memref<8x1024xf32, #tpu.memory_space<hbm>>) target(%dma_start3A_83 : memref<8x1024xf32, #tpu.memory_space<vmem>>) target_semaphore(%arg17 : memref<!tpu.dma_semaphore, #tpu.memory_space<semaphore_mem>>)
    %dma_start3A_87 = arith.constant 0 : i32
    %dma_start3A_88 = arith.constant 0 : i32
    %dma_start3A_89 = arith.constant 2 : i32
    %dma_start3A_90 = arith.constant 0 : i32
    %dma_start3A_91 = arith.constant 0 : i32
    %dma_start3A_92 = tpu.memref_slice %arg13[%dma_start3A_88, %dma_start3A_89, %dma_start3A_90, %dma_start3A_91] : memref<2x4x8x1024xf32, #tpu.memory_space<vmem>> -> memref<1x1x8x1024xf32, #tpu.memory_space<vmem>>
    %dma_start3A_93 = tpu.memref_squeeze %dma_start3A_92 : memref<1x1x8x1024xf32, #tpu.memory_space<vmem>> -> memref<8x1024xf32, #tpu.memory_space<vmem>>
    %dma_start3A_94 = arith.constant 16 : i32
    %dma_start3A_95 = tpu.memref_slice %arg4[%dma_start3A_87, %dma_start3A_94, %multiple_of3A] : memref<1x32x1000000xf32, #tpu.memory_space<hbm>> -> memref<1x8x1024xf32, #tpu.memory_space<hbm>>
    %dma_start3A_96 = tpu.memref_squeeze %dma_start3A_95 : memref<1x8x1024xf32, #tpu.memory_space<hbm>> -> memref<8x1024xf32, #tpu.memory_space<hbm>>
    %dma_start3A_97 = arith.constant 0 : i32
    %dma_start3A_98 = arith.constant 0 : i32
    %dma_start3A_99 = tpu.memref_slice %arg13[%dma_start3A_88, %dma_start3A_89, %dma_start3A_97, %dma_start3A_98] : memref<2x4x8x1024xf32, #tpu.memory_space<vmem>> -> memref<1x1x8x1024xf32, #tpu.memory_space<vmem>>
    %dma_start3A_100 = tpu.memref_squeeze %dma_start3A_99 : memref<1x1x8x1024xf32, #tpu.memory_space<vmem>> -> memref<8x1024xf32, #tpu.memory_space<vmem>>
    %dma_start3A_101 = arith.constant 16 : i32
    %dma_start3A_102 = tpu.memref_slice %arg4[%dma_start3A_87, %dma_start3A_101, %multiple_of3A] : memref<1x32x1000000xf32, #tpu.memory_space<hbm>> -> memref<1x8x1024xf32, #tpu.memory_space<hbm>>
    %dma_start3A_103 = tpu.memref_squeeze %dma_start3A_102 : memref<1x8x1024xf32, #tpu.memory_space<hbm>> -> memref<8x1024xf32, #tpu.memory_space<hbm>>
    tpu.enqueue_dma source(%dma_start3A_103 : memref<8x1024xf32, #tpu.memory_space<hbm>>) target(%dma_start3A_100 : memref<8x1024xf32, #tpu.memory_space<vmem>>) target_semaphore(%arg17 : memref<!tpu.dma_semaphore, #tpu.memory_space<semaphore_mem>>)
    %dma_start3A_104 = arith.constant 0 : i32
    %dma_start3A_105 = arith.constant 0 : i32
    %dma_start3A_106 = arith.constant 3 : i32
    %dma_start3A_107 = arith.constant 0 : i32
    %dma_start3A_108 = arith.constant 0 : i32
    %dma_start3A_109 = tpu.memref_slice %arg13[%dma_start3A_105, %dma_start3A_106, %dma_start3A_107, %dma_start3A_108] : memref<2x4x8x1024xf32, #tpu.memory_space<vmem>> -> memref<1x1x8x1024xf32, #tpu.memory_space<vmem>>
    %dma_start3A_110 = tpu.memref_squeeze %dma_start3A_109 : memref<1x1x8x1024xf32, #tpu.memory_space<vmem>> -> memref<8x1024xf32, #tpu.memory_space<vmem>>
    %dma_start3A_111 = arith.constant 24 : i32
    %dma_start3A_112 = tpu.memref_slice %arg4[%dma_start3A_104, %dma_start3A_111, %multiple_of3A] : memref<1x32x1000000xf32, #tpu.memory_space<hbm>> -> memref<1x8x1024xf32, #tpu.memory_space<hbm>>
    %dma_start3A_113 = tpu.memref_squeeze %dma_start3A_112 : memref<1x8x1024xf32, #tpu.memory_space<hbm>> -> memref<8x1024xf32, #tpu.memory_space<hbm>>
    %dma_start3A_114 = arith.constant 0 : i32
    %dma_start3A_115 = arith.constant 0 : i32
    %dma_start3A_116 = tpu.memref_slice %arg13[%dma_start3A_105, %dma_start3A_106, %dma_start3A_114, %dma_start3A_115] : memref<2x4x8x1024xf32, #tpu.memory_space<vmem>> -> memref<1x1x8x1024xf32, #tpu.memory_space<vmem>>
    %dma_start3A_117 = tpu.memref_squeeze %dma_start3A_116 : memref<1x1x8x1024xf32, #tpu.memory_space<vmem>> -> memref<8x1024xf32, #tpu.memory_space<vmem>>
    %dma_start3A_118 = arith.constant 24 : i32
    %dma_start3A_119 = tpu.memref_slice %arg4[%dma_start3A_104, %dma_start3A_118, %multiple_of3A] : memref<1x32x1000000xf32, #tpu.memory_space<hbm>> -> memref<1x8x1024xf32, #tpu.memory_space<hbm>>
    %dma_start3A_120 = tpu.memref_squeeze %dma_start3A_119 : memref<1x8x1024xf32, #tpu.memory_space<hbm>> -> memref<8x1024xf32, #tpu.memory_space<hbm>>
    tpu.enqueue_dma source(%dma_start3A_120 : memref<8x1024xf32, #tpu.memory_space<hbm>>) target(%dma_start3A_117 : memref<8x1024xf32, #tpu.memory_space<vmem>>) target_semaphore(%arg17 : memref<!tpu.dma_semaphore, #tpu.memory_space<semaphore_mem>>)
    %scan3A_121 = arith.constant 0 : i32
    %scan3A_122 = arith.constant 0 : i32
    %scan3A_123 = arith.constant 16 : i32
    %scan3A_124 = arith.addi %scan3A_122, %scan3A_123 : i32
    %scan3A_125 = arith.constant 1 : i32
    %scan3A_126 = scf.for %scan3A_310 = %scan3A_122 to %scan3A_124 step %scan3A_125 iter_args(%scan3A_311 = %scan3A_121) -> (i32)  : i32 {
      %mul3A_312 = arith.constant 2 : i32
      %mul3A_313 = arith.muli %mul3A_312, %scan3A_310 : i32
      %add3A_314 = arith.constant 1 : i32
      %add3A_315 = arith.addi %mul3A_313, %add3A_314 : i32
      %lt3A = arith.constant 31 : i32
      %lt3A_316 = arith.cmpi slt, %add3A_315, %lt3A : i32
      %jit3A_317 = arith.constant 0 : i32
      %select_n3A_318 = arith.select %lt3A_316, %add3A_315, %jit3A_317 : i32
      %mul3A_319 = arith.constant 1024 : i32
      %mul3A_320 = arith.muli %select_n3A_318, %mul3A_319 : i32
      %add3A_321 = arith.addi %mul3A_7, %mul3A_320 : i32
      %multiple_of3A_322 = tpu.assume_multiple %add3A_321, 128 : i32
      %dma_start3A_323 = arith.constant 0 : i32
      %dma_start3A_324 = arith.constant 1 : i32
      %dma_start3A_325 = arith.constant 0 : i32
      %dma_start3A_326 = arith.constant 0 : i32
      %dma_start3A_327 = arith.constant 0 : i32
      %dma_start3A_328 = tpu.memref_slice %arg13[%dma_start3A_324, %dma_start3A_325, %dma_start3A_326, %dma_start3A_327] : memref<2x4x8x1024xf32, #tpu.memory_space<vmem>> -> memref<1x1x8x1024xf32, #tpu.memory_space<vmem>>
      %dma_start3A_329 = tpu.memref_squeeze %dma_start3A_328 : memref<1x1x8x1024xf32, #tpu.memory_space<vmem>> -> memref<8x1024xf32, #tpu.memory_space<vmem>>
      %dma_start3A_330 = arith.constant 0 : i32
      %dma_start3A_331 = tpu.memref_slice %arg4[%dma_start3A_323, %dma_start3A_330, %multiple_of3A_322] : memref<1x32x1000000xf32, #tpu.memory_space<hbm>> -> memref<1x8x1024xf32, #tpu.memory_space<hbm>>
      %dma_start3A_332 = tpu.memref_squeeze %dma_start3A_331 : memref<1x8x1024xf32, #tpu.memory_space<hbm>> -> memref<8x1024xf32, #tpu.memory_space<hbm>>
      %dma_start3A_333 = arith.constant 0 : i32
      %dma_start3A_334 = arith.constant 0 : i32
      %dma_start3A_335 = tpu.memref_slice %arg13[%dma_start3A_324, %dma_start3A_325, %dma_start3A_333, %dma_start3A_334] : memref<2x4x8x1024xf32, #tpu.memory_space<vmem>> -> memref<1x1x8x1024xf32, #tpu.memory_space<vmem>>
      %dma_start3A_336 = tpu.memref_squeeze %dma_start3A_335 : memref<1x1x8x1024xf32, #tpu.memory_space<vmem>> -> memref<8x1024xf32, #tpu.memory_space<vmem>>
      %dma_start3A_337 = arith.constant 0 : i32
      %dma_start3A_338 = tpu.memref_slice %arg4[%dma_start3A_323, %dma_start3A_337, %multiple_of3A_322] : memref<1x32x1000000xf32, #tpu.memory_space<hbm>> -> memref<1x8x1024xf32, #tpu.memory_space<hbm>>
      %dma_start3A_339 = tpu.memref_squeeze %dma_start3A_338 : memref<1x8x1024xf32, #tpu.memory_space<hbm>> -> memref<8x1024xf32, #tpu.memory_space<hbm>>
      tpu.enqueue_dma source(%dma_start3A_339 : memref<8x1024xf32, #tpu.memory_space<hbm>>) target(%dma_start3A_336 : memref<8x1024xf32, #tpu.memory_space<vmem>>) target_semaphore(%arg18 : memref<!tpu.dma_semaphore, #tpu.memory_space<semaphore_mem>>)
      %dma_start3A_340 = arith.constant 0 : i32
      %dma_start3A_341 = arith.constant 1 : i32
      %dma_start3A_342 = arith.constant 1 : i32
      %dma_start3A_343 = arith.constant 0 : i32
      %dma_start3A_344 = arith.constant 0 : i32
      %dma_start3A_345 = tpu.memref_slice %arg13[%dma_start3A_341, %dma_start3A_342, %dma_start3A_343, %dma_start3A_344] : memref<2x4x8x1024xf32, #tpu.memory_space<vmem>> -> memref<1x1x8x1024xf32, #tpu.memory_space<vmem>>
      %dma_start3A_346 = tpu.memref_squeeze %dma_start3A_345 : memref<1x1x8x1024xf32, #tpu.memory_space<vmem>> -> memref<8x1024xf32, #tpu.memory_space<vmem>>
      %dma_start3A_347 = arith.constant 8 : i32
      %dma_start3A_348 = tpu.memref_slice %arg4[%dma_start3A_340, %dma_start3A_347, %multiple_of3A_322] : memref<1x32x1000000xf32, #tpu.memory_space<hbm>> -> memref<1x8x1024xf32, #tpu.memory_space<hbm>>
      %dma_start3A_349 = tpu.memref_squeeze %dma_start3A_348 : memref<1x8x1024xf32, #tpu.memory_space<hbm>> -> memref<8x1024xf32, #tpu.memory_space<hbm>>
      %dma_start3A_350 = arith.constant 0 : i32
      %dma_start3A_351 = arith.constant 0 : i32
      %dma_start3A_352 = tpu.memref_slice %arg13[%dma_start3A_341, %dma_start3A_342, %dma_start3A_350, %dma_start3A_351] : memref<2x4x8x1024xf32, #tpu.memory_space<vmem>> -> memref<1x1x8x1024xf32, #tpu.memory_space<vmem>>
      %dma_start3A_353 = tpu.memref_squeeze %dma_start3A_352 : memref<1x1x8x1024xf32, #tpu.memory_space<vmem>> -> memref<8x1024xf32, #tpu.memory_space<vmem>>
      %dma_start3A_354 = arith.constant 8 : i32
      %dma_start3A_355 = tpu.memref_slice %arg4[%dma_start3A_340, %dma_start3A_354, %multiple_of3A_322] : memref<1x32x1000000xf32, #tpu.memory_space<hbm>> -> memref<1x8x1024xf32, #tpu.memory_space<hbm>>
      %dma_start3A_356 = tpu.memref_squeeze %dma_start3A_355 : memref<1x8x1024xf32, #tpu.memory_space<hbm>> -> memref<8x1024xf32, #tpu.memory_space<hbm>>
      tpu.enqueue_dma source(%dma_start3A_356 : memref<8x1024xf32, #tpu.memory_space<hbm>>) target(%dma_start3A_353 : memref<8x1024xf32, #tpu.memory_space<vmem>>) target_semaphore(%arg18 : memref<!tpu.dma_semaphore, #tpu.memory_space<semaphore_mem>>)
      %dma_start3A_357 = arith.constant 0 : i32
      %dma_start3A_358 = arith.constant 1 : i32
      %dma_start3A_359 = arith.constant 2 : i32
      %dma_start3A_360 = arith.constant 0 : i32
      %dma_start3A_361 = arith.constant 0 : i32
      %dma_start3A_362 = tpu.memref_slice %arg13[%dma_start3A_358, %dma_start3A_359, %dma_start3A_360, %dma_start3A_361] : memref<2x4x8x1024xf32, #tpu.memory_space<vmem>> -> memref<1x1x8x1024xf32, #tpu.memory_space<vmem>>
      %dma_start3A_363 = tpu.memref_squeeze %dma_start3A_362 : memref<1x1x8x1024xf32, #tpu.memory_space<vmem>> -> memref<8x1024xf32, #tpu.memory_space<vmem>>
      %dma_start3A_364 = arith.constant 16 : i32
      %dma_start3A_365 = tpu.memref_slice %arg4[%dma_start3A_357, %dma_start3A_364, %multiple_of3A_322] : memref<1x32x1000000xf32, #tpu.memory_space<hbm>> -> memref<1x8x1024xf32, #tpu.memory_space<hbm>>
      %dma_start3A_366 = tpu.memref_squeeze %dma_start3A_365 : memref<1x8x1024xf32, #tpu.memory_space<hbm>> -> memref<8x1024xf32, #tpu.memory_space<hbm>>
      %dma_start3A_367 = arith.constant 0 : i32
      %dma_start3A_368 = arith.constant 0 : i32
      %dma_start3A_369 = tpu.memref_slice %arg13[%dma_start3A_358, %dma_start3A_359, %dma_start3A_367, %dma_start3A_368] : memref<2x4x8x1024xf32, #tpu.memory_space<vmem>> -> memref<1x1x8x1024xf32, #tpu.memory_space<vmem>>
      %dma_start3A_370 = tpu.memref_squeeze %dma_start3A_369 : memref<1x1x8x1024xf32, #tpu.memory_space<vmem>> -> memref<8x1024xf32, #tpu.memory_space<vmem>>
      %dma_start3A_371 = arith.constant 16 : i32
      %dma_start3A_372 = tpu.memref_slice %arg4[%dma_start3A_357, %dma_start3A_371, %multiple_of3A_322] : memref<1x32x1000000xf32, #tpu.memory_space<hbm>> -> memref<1x8x1024xf32, #tpu.memory_space<hbm>>
      %dma_start3A_373 = tpu.memref_squeeze %dma_start3A_372 : memref<1x8x1024xf32, #tpu.memory_space<hbm>> -> memref<8x1024xf32, #tpu.memory_space<hbm>>
      tpu.enqueue_dma source(%dma_start3A_373 : memref<8x1024xf32, #tpu.memory_space<hbm>>) target(%dma_start3A_370 : memref<8x1024xf32, #tpu.memory_space<vmem>>) target_semaphore(%arg18 : memref<!tpu.dma_semaphore, #tpu.memory_space<semaphore_mem>>)
      %dma_start3A_374 = arith.constant 0 : i32
      %dma_start3A_375 = arith.constant 1 : i32
      %dma_start3A_376 = arith.constant 3 : i32
      %dma_start3A_377 = arith.constant 0 : i32
      %dma_start3A_378 = arith.constant 0 : i32
      %dma_start3A_379 = tpu.memref_slice %arg13[%dma_start3A_375, %dma_start3A_376, %dma_start3A_377, %dma_start3A_378] : memref<2x4x8x1024xf32, #tpu.memory_space<vmem>> -> memref<1x1x8x1024xf32, #tpu.memory_space<vmem>>
      %dma_start3A_380 = tpu.memref_squeeze %dma_start3A_379 : memref<1x1x8x1024xf32, #tpu.memory_space<vmem>> -> memref<8x1024xf32, #tpu.memory_space<vmem>>
      %dma_start3A_381 = arith.constant 24 : i32
      %dma_start3A_382 = tpu.memref_slice %arg4[%dma_start3A_374, %dma_start3A_381, %multiple_of3A_322] : memref<1x32x1000000xf32, #tpu.memory_space<hbm>> -> memref<1x8x1024xf32, #tpu.memory_space<hbm>>
      %dma_start3A_383 = tpu.memref_squeeze %dma_start3A_382 : memref<1x8x1024xf32, #tpu.memory_space<hbm>> -> memref<8x1024xf32, #tpu.memory_space<hbm>>
      %dma_start3A_384 = arith.constant 0 : i32
      %dma_start3A_385 = arith.constant 0 : i32
      %dma_start3A_386 = tpu.memref_slice %arg13[%dma_start3A_375, %dma_start3A_376, %dma_start3A_384, %dma_start3A_385] : memref<2x4x8x1024xf32, #tpu.memory_space<vmem>> -> memref<1x1x8x1024xf32, #tpu.memory_space<vmem>>
      %dma_start3A_387 = tpu.memref_squeeze %dma_start3A_386 : memref<1x1x8x1024xf32, #tpu.memory_space<vmem>> -> memref<8x1024xf32, #tpu.memory_space<vmem>>
      %dma_start3A_388 = arith.constant 24 : i32
      %dma_start3A_389 = tpu.memref_slice %arg4[%dma_start3A_374, %dma_start3A_388, %multiple_of3A_322] : memref<1x32x1000000xf32, #tpu.memory_space<hbm>> -> memref<1x8x1024xf32, #tpu.memory_space<hbm>>
      %dma_start3A_390 = tpu.memref_squeeze %dma_start3A_389 : memref<1x8x1024xf32, #tpu.memory_space<hbm>> -> memref<8x1024xf32, #tpu.memory_space<hbm>>
      tpu.enqueue_dma source(%dma_start3A_390 : memref<8x1024xf32, #tpu.memory_space<hbm>>) target(%dma_start3A_387 : memref<8x1024xf32, #tpu.memory_space<vmem>>) target_semaphore(%arg18 : memref<!tpu.dma_semaphore, #tpu.memory_space<semaphore_mem>>)
      %lt3A_391 = arith.constant 31 : i32
      %lt3A_392 = arith.cmpi slt, %mul3A_313, %lt3A_391 : i32
      %jit3A_393 = arith.constant 0 : i32
      %select_n3A_394 = arith.select %lt3A_392, %mul3A_313, %jit3A_393 : i32
      %mul3A_395 = arith.constant 1024 : i32
      %mul3A_396 = arith.muli %select_n3A_394, %mul3A_395 : i32
      %add3A_397 = arith.addi %mul3A_7, %mul3A_396 : i32
      %multiple_of3A_398 = tpu.assume_multiple %add3A_397, 128 : i32
      %dma_wait3A = arith.constant 0 : i32
      %dma_wait3A_399 = arith.constant 0 : i32
      %dma_wait3A_400 = arith.constant 0 : i32
      %dma_wait3A_401 = arith.constant 0 : i32
      %dma_wait3A_402 = arith.constant 0 : i32
      %dma_wait3A_403 = tpu.memref_slice %arg13[%dma_wait3A_399, %dma_wait3A_400, %dma_wait3A_401, %dma_wait3A_402] : memref<2x4x8x1024xf32, #tpu.memory_space<vmem>> -> memref<1x1x8x1024xf32, #tpu.memory_space<vmem>>
      %dma_wait3A_404 = tpu.memref_squeeze %dma_wait3A_403 : memref<1x1x8x1024xf32, #tpu.memory_space<vmem>> -> memref<8x1024xf32, #tpu.memory_space<vmem>>
      %dma_wait3A_405 = arith.constant 0 : i32
      %dma_wait3A_406 = tpu.memref_slice %arg4[%dma_wait3A, %dma_wait3A_405, %multiple_of3A_398] : memref<1x32x1000000xf32, #tpu.memory_space<hbm>> -> memref<1x8x1024xf32, #tpu.memory_space<hbm>>
      %dma_wait3A_407 = tpu.memref_squeeze %dma_wait3A_406 : memref<1x8x1024xf32, #tpu.memory_space<hbm>> -> memref<8x1024xf32, #tpu.memory_space<hbm>>
      %dma_wait3A_408 = arith.constant 0 : i32
      %dma_wait3A_409 = arith.constant 0 : i32
      %dma_wait3A_410 = tpu.memref_slice %arg13[%dma_wait3A_399, %dma_wait3A_400, %dma_wait3A_408, %dma_wait3A_409] : memref<2x4x8x1024xf32, #tpu.memory_space<vmem>> -> memref<1x1x8x1024xf32, #tpu.memory_space<vmem>>
      %dma_wait3A_411 = tpu.memref_squeeze %dma_wait3A_410 : memref<1x1x8x1024xf32, #tpu.memory_space<vmem>> -> memref<8x1024xf32, #tpu.memory_space<vmem>>
      %dma_wait3A_412 = arith.constant 0 : i32
      %dma_wait3A_413 = tpu.memref_slice %arg4[%dma_wait3A, %dma_wait3A_412, %multiple_of3A_398] : memref<1x32x1000000xf32, #tpu.memory_space<hbm>> -> memref<1x8x1024xf32, #tpu.memory_space<hbm>>
      %dma_wait3A_414 = tpu.memref_squeeze %dma_wait3A_413 : memref<1x8x1024xf32, #tpu.memory_space<hbm>> -> memref<8x1024xf32, #tpu.memory_space<hbm>>
      tpu.wait_dma2 semaphore(%arg17 : memref<!tpu.dma_semaphore, #tpu.memory_space<semaphore_mem>>) src(%dma_wait3A_414 : memref<8x1024xf32, #tpu.memory_space<hbm>>) dst(%dma_wait3A_411 : memref<8x1024xf32, #tpu.memory_space<vmem>>)
      %dma_wait3A_415 = arith.constant 0 : i32
      %dma_wait3A_416 = arith.constant 0 : i32
      %dma_wait3A_417 = arith.constant 1 : i32
      %dma_wait3A_418 = arith.constant 0 : i32
      %dma_wait3A_419 = arith.constant 0 : i32
      %dma_wait3A_420 = tpu.memref_slice %arg13[%dma_wait3A_416, %dma_wait3A_417, %dma_wait3A_418, %dma_wait3A_419] : memref<2x4x8x1024xf32, #tpu.memory_space<vmem>> -> memref<1x1x8x1024xf32, #tpu.memory_space<vmem>>
      %dma_wait3A_421 = tpu.memref_squeeze %dma_wait3A_420 : memref<1x1x8x1024xf32, #tpu.memory_space<vmem>> -> memref<8x1024xf32, #tpu.memory_space<vmem>>
      %dma_wait3A_422 = arith.constant 8 : i32
      %dma_wait3A_423 = tpu.memref_slice %arg4[%dma_wait3A_415, %dma_wait3A_422, %multiple_of3A_398] : memref<1x32x1000000xf32, #tpu.memory_space<hbm>> -> memref<1x8x1024xf32, #tpu.memory_space<hbm>>
      %dma_wait3A_424 = tpu.memref_squeeze %dma_wait3A_423 : memref<1x8x1024xf32, #tpu.memory_space<hbm>> -> memref<8x1024xf32, #tpu.memory_space<hbm>>
      %dma_wait3A_425 = arith.constant 0 : i32
      %dma_wait3A_426 = arith.constant 0 : i32
      %dma_wait3A_427 = tpu.memref_slice %arg13[%dma_wait3A_416, %dma_wait3A_417, %dma_wait3A_425, %dma_wait3A_426] : memref<2x4x8x1024xf32, #tpu.memory_space<vmem>> -> memref<1x1x8x1024xf32, #tpu.memory_space<vmem>>
      %dma_wait3A_428 = tpu.memref_squeeze %dma_wait3A_427 : memref<1x1x8x1024xf32, #tpu.memory_space<vmem>> -> memref<8x1024xf32, #tpu.memory_space<vmem>>
      %dma_wait3A_429 = arith.constant 8 : i32
      %dma_wait3A_430 = tpu.memref_slice %arg4[%dma_wait3A_415, %dma_wait3A_429, %multiple_of3A_398] : memref<1x32x1000000xf32, #tpu.memory_space<hbm>> -> memref<1x8x1024xf32, #tpu.memory_space<hbm>>
      %dma_wait3A_431 = tpu.memref_squeeze %dma_wait3A_430 : memref<1x8x1024xf32, #tpu.memory_space<hbm>> -> memref<8x1024xf32, #tpu.memory_space<hbm>>
      tpu.wait_dma2 semaphore(%arg17 : memref<!tpu.dma_semaphore, #tpu.memory_space<semaphore_mem>>) src(%dma_wait3A_431 : memref<8x1024xf32, #tpu.memory_space<hbm>>) dst(%dma_wait3A_428 : memref<8x1024xf32, #tpu.memory_space<vmem>>)
      %dma_wait3A_432 = arith.constant 0 : i32
      %dma_wait3A_433 = arith.constant 0 : i32
      %dma_wait3A_434 = arith.constant 2 : i32
      %dma_wait3A_435 = arith.constant 0 : i32
      %dma_wait3A_436 = arith.constant 0 : i32
      %dma_wait3A_437 = tpu.memref_slice %arg13[%dma_wait3A_433, %dma_wait3A_434, %dma_wait3A_435, %dma_wait3A_436] : memref<2x4x8x1024xf32, #tpu.memory_space<vmem>> -> memref<1x1x8x1024xf32, #tpu.memory_space<vmem>>
      %dma_wait3A_438 = tpu.memref_squeeze %dma_wait3A_437 : memref<1x1x8x1024xf32, #tpu.memory_space<vmem>> -> memref<8x1024xf32, #tpu.memory_space<vmem>>
      %dma_wait3A_439 = arith.constant 16 : i32
      %dma_wait3A_440 = tpu.memref_slice %arg4[%dma_wait3A_432, %dma_wait3A_439, %multiple_of3A_398] : memref<1x32x1000000xf32, #tpu.memory_space<hbm>> -> memref<1x8x1024xf32, #tpu.memory_space<hbm>>
      %dma_wait3A_441 = tpu.memref_squeeze %dma_wait3A_440 : memref<1x8x1024xf32, #tpu.memory_space<hbm>> -> memref<8x1024xf32, #tpu.memory_space<hbm>>
      %dma_wait3A_442 = arith.constant 0 : i32
      %dma_wait3A_443 = arith.constant 0 : i32
      %dma_wait3A_444 = tpu.memref_slice %arg13[%dma_wait3A_433, %dma_wait3A_434, %dma_wait3A_442, %dma_wait3A_443] : memref<2x4x8x1024xf32, #tpu.memory_space<vmem>> -> memref<1x1x8x1024xf32, #tpu.memory_space<vmem>>
      %dma_wait3A_445 = tpu.memref_squeeze %dma_wait3A_444 : memref<1x1x8x1024xf32, #tpu.memory_space<vmem>> -> memref<8x1024xf32, #tpu.memory_space<vmem>>
      %dma_wait3A_446 = arith.constant 16 : i32
      %dma_wait3A_447 = tpu.memref_slice %arg4[%dma_wait3A_432, %dma_wait3A_446, %multiple_of3A_398] : memref<1x32x1000000xf32, #tpu.memory_space<hbm>> -> memref<1x8x1024xf32, #tpu.memory_space<hbm>>
      %dma_wait3A_448 = tpu.memref_squeeze %dma_wait3A_447 : memref<1x8x1024xf32, #tpu.memory_space<hbm>> -> memref<8x1024xf32, #tpu.memory_space<hbm>>
      tpu.wait_dma2 semaphore(%arg17 : memref<!tpu.dma_semaphore, #tpu.memory_space<semaphore_mem>>) src(%dma_wait3A_448 : memref<8x1024xf32, #tpu.memory_space<hbm>>) dst(%dma_wait3A_445 : memref<8x1024xf32, #tpu.memory_space<vmem>>)
      %dma_wait3A_449 = arith.constant 0 : i32
      %dma_wait3A_450 = arith.constant 0 : i32
      %dma_wait3A_451 = arith.constant 3 : i32
      %dma_wait3A_452 = arith.constant 0 : i32
      %dma_wait3A_453 = arith.constant 0 : i32
      %dma_wait3A_454 = tpu.memref_slice %arg13[%dma_wait3A_450, %dma_wait3A_451, %dma_wait3A_452, %dma_wait3A_453] : memref<2x4x8x1024xf32, #tpu.memory_space<vmem>> -> memref<1x1x8x1024xf32, #tpu.memory_space<vmem>>
      %dma_wait3A_455 = tpu.memref_squeeze %dma_wait3A_454 : memref<1x1x8x1024xf32, #tpu.memory_space<vmem>> -> memref<8x1024xf32, #tpu.memory_space<vmem>>
      %dma_wait3A_456 = arith.constant 24 : i32
      %dma_wait3A_457 = tpu.memref_slice %arg4[%dma_wait3A_449, %dma_wait3A_456, %multiple_of3A_398] : memref<1x32x1000000xf32, #tpu.memory_space<hbm>> -> memref<1x8x1024xf32, #tpu.memory_space<hbm>>
      %dma_wait3A_458 = tpu.memref_squeeze %dma_wait3A_457 : memref<1x8x1024xf32, #tpu.memory_space<hbm>> -> memref<8x1024xf32, #tpu.memory_space<hbm>>
      %dma_wait3A_459 = arith.constant 0 : i32
      %dma_wait3A_460 = arith.constant 0 : i32
      %dma_wait3A_461 = tpu.memref_slice %arg13[%dma_wait3A_450, %dma_wait3A_451, %dma_wait3A_459, %dma_wait3A_460] : memref<2x4x8x1024xf32, #tpu.memory_space<vmem>> -> memref<1x1x8x1024xf32, #tpu.memory_space<vmem>>
      %dma_wait3A_462 = tpu.memref_squeeze %dma_wait3A_461 : memref<1x1x8x1024xf32, #tpu.memory_space<vmem>> -> memref<8x1024xf32, #tpu.memory_space<vmem>>
      %dma_wait3A_463 = arith.constant 24 : i32
      %dma_wait3A_464 = tpu.memref_slice %arg4[%dma_wait3A_449, %dma_wait3A_463, %multiple_of3A_398] : memref<1x32x1000000xf32, #tpu.memory_space<hbm>> -> memref<1x8x1024xf32, #tpu.memory_space<hbm>>
      %dma_wait3A_465 = tpu.memref_squeeze %dma_wait3A_464 : memref<1x8x1024xf32, #tpu.memory_space<hbm>> -> memref<8x1024xf32, #tpu.memory_space<hbm>>
      tpu.wait_dma2 semaphore(%arg17 : memref<!tpu.dma_semaphore, #tpu.memory_space<semaphore_mem>>) src(%dma_wait3A_465 : memref<8x1024xf32, #tpu.memory_space<hbm>>) dst(%dma_wait3A_462 : memref<8x1024xf32, #tpu.memory_space<vmem>>)
      %lt3A_466 = arith.constant 31 : i32
      %lt3A_467 = arith.cmpi slt, %mul3A_313, %lt3A_466 : i32
      %jit3A_468 = arith.constant 0 : i32
      %select_n3A_469 = arith.select %lt3A_467, %mul3A_313, %jit3A_468 : i32
      %mul3A_470 = arith.constant 1024 : i32
      %mul3A_471 = arith.muli %select_n3A_469, %mul3A_470 : i32
      %while3A_472 = arith.constant 0 : i32
      %while3A_473 = arith.constant 0 : i32
      %while3A_474 = arith.subi %select_n3A_46, %while3A_472 : i32
      %while3A_475 = arith.addi %while3A_472, %while3A_474 : i32
      %while3A_476 = arith.constant 1 : i32
      %while3A_477 = arith.divsi %while3A_474, %while3A_476 : i32
      %while3A_478 = arith.muli %while3A_477, %while3A_476 : i32
      %while3A_479 = arith.addi %while3A_472, %while3A_478 : i32
      %while3A_480 = arith.constant 1 : i32
      %while3A_481 = scf.for %while3A_609 = %while3A_472 to %while3A_479 step %while3A_480 iter_args(%while3A_610 = %while3A_473) -> (i32)  : i32 {
        %mul3A_611 = arith.constant 16 : i32
        %mul3A_612 = arith.muli %while3A_609, %mul3A_611 : i32
        %get3A = arith.index_cast %mul3A_612 : i32 to index
        %get3A_613 = tpu.vector_load %arg11[%get3A] {strides = array<i32>} : memref<16384xi32, #tpu.memory_space<vmem>>, vector<16xi32>,
        %shift_right_arithmetic3A_614 = arith.constant 14 : i32
        %shift_right_arithmetic3A_615 = vector.broadcast %shift_right_arithmetic3A_614 : i32 to vector<16xi32>
        %shift_right_arithmetic3A_616 = arith.shrsi %get3A_613, %shift_right_arithmetic3A_615 : vector<16xi32>
        %mul3A_617 = arith.constant 16 : i32
        %mul3A_618 = arith.muli %while3A_609, %mul3A_617 : i32
        %add3A_619 = vector.broadcast %mul3A_618 : i32 to vector<16xi32>
        %add3A_620 = arith.addi %add3A_619, %iota3A : vector<16xi32>
        %lt3A_621 = vector.broadcast %scan3A_22 : i32 to vector<16xi32>
        %lt3A_622 = arith.cmpi slt, %add3A_620, %lt3A_621 : vector<16xi32>
        %ge3A = vector.broadcast %mul3A_471 : i32 to vector<16xi32>
        %ge3A_623 = arith.cmpi sge, %shift_right_arithmetic3A_616, %ge3A : vector<16xi32>
        %and3A_624 = arith.andi %lt3A_622, %ge3A_623 : vector<16xi1>
        %add3A_625 = arith.constant 1024 : i32
        %add3A_626 = arith.addi %mul3A_471, %add3A_625 : i32
        %lt3A_627 = vector.broadcast %add3A_626 : i32 to vector<16xi32>
        %lt3A_628 = arith.cmpi slt, %shift_right_arithmetic3A_616, %lt3A_627 : vector<16xi32>
        %and3A_629 = arith.andi %and3A_624, %lt3A_628 : vector<16xi1>
        %sub3A_630 = vector.broadcast %mul3A_471 : i32 to vector<16xi32>
        %sub3A_631 = arith.subi %shift_right_arithmetic3A_616, %sub3A_630 : vector<16xi32>
        %shift_left3A = arith.constant 14 : i32
        %shift_left3A_632 = vector.broadcast %shift_left3A : i32 to vector<16xi32>
        %shift_left3A_633 = arith.shli %sub3A_631, %shift_left3A_632 : vector<16xi32>
        %and3A_634 = arith.constant 16383 : i32
        %and3A_635 = vector.broadcast %and3A_634 : i32 to vector<16xi32>
        %and3A_636 = arith.andi %get3A_613, %and3A_635 : vector<16xi32>
        %or3A = arith.ori %shift_left3A_633, %and3A_636 : vector<16xi32>
        %swap3A = arith.index_cast %while3A_610 : i32 to index
        %swap3A_637 = tpu.vector_load %arg12[%swap3A] masked %and3A_629 {strides = array<i32>} : memref<16400xi32, #tpu.memory_space<vmem>>, vector<16xi32>, vector<16xi1>
        tpu.vector_store %arg12[%swap3A], %or3A masked %and3A_629 {strides = array<i32>} : memref<16400xi32, #tpu.memory_space<vmem>>, vector<16xi32>, vector<16xi1>
        %convert_element_type3A_638 = arith.extui %and3A_629 : vector<16xi1> to vector<16xi32>
        %reduce_sum3A = arith.constant true
        %reduce_sum3A_639 = vector.broadcast %reduce_sum3A : i1 to vector<16xi1>
        %reduce_sum3A_640 = tpu.scan <sum>, %convert_element_type3A_638 masked %reduce_sum3A_639 : vector<16xi32>, vector<16xi1> -> vector<16xi32>
        %reduce_sum3A_641 = vector.extract %reduce_sum3A_640[15] : i32 from vector<16xi32>
        %add3A_642 = arith.addi %while3A_610, %reduce_sum3A_641 : i32
        scf.yield %add3A_642 : i32
      }
      %while3A_482 = arith.constant 1 : i32
      %while3A_483 = scf.for %while3A_609 = %while3A_479 to %while3A_475 step %while3A_482 iter_args(%while3A_610 = %while3A_481) -> (i32)  : i32 {
        %mul3A_611 = arith.constant 16 : i32
        %mul3A_612 = arith.muli %while3A_609, %mul3A_611 : i32
        %get3A = arith.index_cast %mul3A_612 : i32 to index
        %get3A_613 = tpu.vector_load %arg11[%get3A] {strides = array<i32>} : memref<16384xi32, #tpu.memory_space<vmem>>, vector<16xi32>,
        %shift_right_arithmetic3A_614 = arith.constant 14 : i32
        %shift_right_arithmetic3A_615 = vector.broadcast %shift_right_arithmetic3A_614 : i32 to vector<16xi32>
        %shift_right_arithmetic3A_616 = arith.shrsi %get3A_613, %shift_right_arithmetic3A_615 : vector<16xi32>
        %mul3A_617 = arith.constant 16 : i32
        %mul3A_618 = arith.muli %while3A_609, %mul3A_617 : i32
        %add3A_619 = vector.broadcast %mul3A_618 : i32 to vector<16xi32>
        %add3A_620 = arith.addi %add3A_619, %iota3A : vector<16xi32>
        %lt3A_621 = vector.broadcast %scan3A_22 : i32 to vector<16xi32>
        %lt3A_622 = arith.cmpi slt, %add3A_620, %lt3A_621 : vector<16xi32>
        %ge3A = vector.broadcast %mul3A_471 : i32 to vector<16xi32>
        %ge3A_623 = arith.cmpi sge, %shift_right_arithmetic3A_616, %ge3A : vector<16xi32>
        %and3A_624 = arith.andi %lt3A_622, %ge3A_623 : vector<16xi1>
        %add3A_625 = arith.constant 1024 : i32
        %add3A_626 = arith.addi %mul3A_471, %add3A_625 : i32
        %lt3A_627 = vector.broadcast %add3A_626 : i32 to vector<16xi32>
        %lt3A_628 = arith.cmpi slt, %shift_right_arithmetic3A_616, %lt3A_627 : vector<16xi32>
        %and3A_629 = arith.andi %and3A_624, %lt3A_628 : vector<16xi1>
        %sub3A_630 = vector.broadcast %mul3A_471 : i32 to vector<16xi32>
        %sub3A_631 = arith.subi %shift_right_arithmetic3A_616, %sub3A_630 : vector<16xi32>
        %shift_left3A = arith.constant 14 : i32
        %shift_left3A_632 = vector.broadcast %shift_left3A : i32 to vector<16xi32>
        %shift_left3A_633 = arith.shli %sub3A_631, %shift_left3A_632 : vector<16xi32>
        %and3A_634 = arith.constant 16383 : i32
        %and3A_635 = vector.broadcast %and3A_634 : i32 to vector<16xi32>
        %and3A_636 = arith.andi %get3A_613, %and3A_635 : vector<16xi32>
        %or3A = arith.ori %shift_left3A_633, %and3A_636 : vector<16xi32>
        %swap3A = arith.index_cast %while3A_610 : i32 to index
        %swap3A_637 = tpu.vector_load %arg12[%swap3A] masked %and3A_629 {strides = array<i32>} : memref<16400xi32, #tpu.memory_space<vmem>>, vector<16xi32>, vector<16xi1>
        tpu.vector_store %arg12[%swap3A], %or3A masked %and3A_629 {strides = array<i32>} : memref<16400xi32, #tpu.memory_space<vmem>>, vector<16xi32>, vector<16xi1>
        %convert_element_type3A_638 = arith.extui %and3A_629 : vector<16xi1> to vector<16xi32>
        %reduce_sum3A = arith.constant true
        %reduce_sum3A_639 = vector.broadcast %reduce_sum3A : i1 to vector<16xi1>
        %reduce_sum3A_640 = tpu.scan <sum>, %convert_element_type3A_638 masked %reduce_sum3A_639 : vector<16xi32>, vector<16xi1> -> vector<16xi32>
        %reduce_sum3A_641 = vector.extract %reduce_sum3A_640[15] : i32 from vector<16xi32>
        %add3A_642 = arith.addi %while3A_610, %reduce_sum3A_641 : i32
        scf.yield %add3A_642 : i32
      }
      %while3A_484 = arith.constant 0 : i32
      %while3A_485 = arith.constant 0 : i32
      %while3A_486 = arith.subi %while3A_483, %while3A_485 : i32
      %while3A_487 = arith.addi %while3A_485, %while3A_486 : i32
      %while3A_488 = arith.constant 1 : i32
      %while3A_489 = arith.divsi %while3A_486, %while3A_488 : i32
      %while3A_490 = arith.muli %while3A_489, %while3A_488 : i32
      %while3A_491 = arith.addi %while3A_485, %while3A_490 : i32
      %while3A_492 = arith.constant 1 : i32
      %while3A_493 = scf.for %while3A_609 = %while3A_485 to %while3A_491 step %while3A_492 iter_args(%while3A_610 = %scan3A_311) -> (i32)  : i32 {
        %get3A = arith.index_cast %while3A_609 : i32 to index
        %get3A_611 = tpu.vector_load %arg12[%get3A] {strides = array<i32>} : memref<16400xi32, #tpu.memory_space<vmem>>, vector<16xi32>,
        %slice3A = vector.extract_strided_slice %get3A_611 {offsets = [0], sizes = [1], strides = [1]} : vector<16xi32> to vector<1xi32>
        %squeeze3A = vector.extract %slice3A[0] : i32 from vector<1xi32>
        %shift_right_arithmetic3A_612 = arith.constant 14 : i32
        %shift_right_arithmetic3A_613 = arith.shrsi %squeeze3A, %shift_right_arithmetic3A_612 : i32
        %add3A_614 = vector.broadcast %shift_right_arithmetic3A_613 : i32 to vector<16xi32>
        %add3A_615 = arith.addi %broadcast_in_dim3A_1, %add3A_614 : vector<16xi32>
        %and3A_616 = arith.constant 16383 : i32
        %and3A_617 = arith.andi %squeeze3A, %and3A_616 : i32
        %gather3A = arith.constant 0 : i32
        %gather3A_618 = arith.constant 0 : i32
        %gather3A_619 = arith.constant 0 : i32
        %gather3A_620 = tpu.memref_slice %arg13[%while3A_484, %gather3A, %gather3A_618, %gather3A_619] : memref<2x4x8x1024xf32, #tpu.memory_space<vmem>> -> memref<1x4x8x1024xf32, #tpu.memory_space<vmem>>
        %gather3A_621 = tpu.memref_squeeze %gather3A_620 : memref<1x4x8x1024xf32, #tpu.memory_space<vmem>> -> memref<4x8x1024xf32, #tpu.memory_space<vmem>>
        %gather3A_622 = tpu.vector_load_idx %gather3A_621[%shift_right_arithmetic3A_3, %and3A_5, %add3A_615] : memref<4x8x1024xf32, #tpu.memory_space<vmem>>[vector<16xi32>, vector<16xi32>, vector<16xi32>], vector<16xf32>,
        %add3A_623 = arith.constant 2 : i32
        %add3A_624 = vector.broadcast %add3A_623 : i32 to vector<16xi32>
        %add3A_625 = arith.addi %add3A_624, %shift_right_arithmetic3A_3 : vector<16xi32>
        %gather3A_626 = arith.constant 0 : i32
        %gather3A_627 = arith.constant 0 : i32
        %gather3A_628 = arith.constant 0 : i32
        %gather3A_629 = tpu.memref_slice %arg13[%while3A_484, %gather3A_626, %gather3A_627, %gather3A_628] : memref<2x4x8x1024xf32, #tpu.memory_space<vmem>> -> memref<1x4x8x1024xf32, #tpu.memory_space<vmem>>
        %gather3A_630 = tpu.memref_squeeze %gather3A_629 : memref<1x4x8x1024xf32, #tpu.memory_space<vmem>> -> memref<4x8x1024xf32, #tpu.memory_space<vmem>>
        %gather3A_631 = tpu.vector_load_idx %gather3A_630[%add3A_625, %and3A_5, %add3A_615] : memref<4x8x1024xf32, #tpu.memory_space<vmem>>[vector<16xi32>, vector<16xi32>, vector<16xi32>], vector<16xf32>,
        %swap3A = arith.index_cast %while3A_610 : i32 to index
        %swap3A_632 = arith.constant 0 : index
        %swap3A_633 = tpu.vector_load %arg15[%swap3A, %swap3A_632] {strides = array<i32>} : memref<16x128xf32, #tpu.memory_space<vmem>>, vector<16xf32>,
        tpu.vector_store %arg15[%swap3A, %swap3A_632], %gather3A_622 {strides = array<i32>} : memref<16x128xf32, #tpu.memory_space<vmem>>, vector<16xf32>,
        %swap3A_634 = arith.index_cast %while3A_610 : i32 to index
        %swap3A_635 = arith.constant 16 : index
        %swap3A_636 = tpu.vector_load %arg15[%swap3A_634, %swap3A_635] {strides = array<i32>} : memref<16x128xf32, #tpu.memory_space<vmem>>, vector<16xf32>,
        tpu.vector_store %arg15[%swap3A_634, %swap3A_635], %gather3A_631 {strides = array<i32>} : memref<16x128xf32, #tpu.memory_space<vmem>>, vector<16xf32>,
        %add3A_637 = vector.broadcast %while3A_610 : i32 to vector<16xi32>
        %add3A_638 = arith.addi %broadcast_in_dim3A_1, %add3A_637 : vector<16xi32>
        %add3A_639 = vector.broadcast %and3A_617 : i32 to vector<16xi32>
        %add3A_640 = arith.addi %broadcast_in_dim3A_1, %add3A_639 : vector<16xi32>
        %eq3A_641 = arith.constant 0 : i32
        %eq3A_642 = vector.broadcast %eq3A_641 : i32 to vector<16xi32>
        %eq3A_643 = arith.cmpi eq, %iota3A, %eq3A_642 : vector<16xi32>
        tpu.vector_store_idx %arg16[%add3A_638], %add3A_640 masked %eq3A_643 : memref<32xi32, #tpu.memory_space<vmem>>[vector<16xi32>], vector<16xi32>, vector<16xi1>
        %add3A_644 = arith.constant 1 : i32
        %add3A_645 = arith.addi %while3A_610, %add3A_644 : i32
        %eq3A_646 = arith.constant 16 : i32
        %eq3A_647 = arith.cmpi eq, %add3A_645, %eq3A_646 : i32
        %convert_element_type3A_648 = arith.extui %eq3A_647 : i1 to i32
        %cond3A_649 = arith.constant 0 : i32
        %cond3A_650 = arith.cmpi ne, %convert_element_type3A_648, %cond3A_649 : i32
        scf.if %cond3A_650 {
          %scan3A_655 = arith.constant 0 : i32
          %scan3A_656 = arith.constant 16 : i32
          %scan3A_657 = arith.constant 0 : i32
          %scan3A_658 = arith.addi %scan3A_656, %scan3A_657 : i32
          %scan3A_659 = arith.constant 0 : i32
          %dma_start3A_660 = arith.constant 0 : i32
          %dma_start3A_661 = tpu.memref_slice %arg16[%dma_start3A_660] : memref<32xi32, #tpu.memory_space<vmem>> -> memref<16xi32, #tpu.memory_space<vmem>>
          %dma_start3A_662 = arith.constant 0 : i32
          %dma_start3A_663 = arith.constant 0 : i32
          %dma_start3A_664 = tpu.memref_slice %arg8[%dma_start3A_662, %dma_start3A_663] : memref<16384x128xf32, #tpu.memory_space<hbm>> -> memref<16384x128xf32, #tpu.memory_space<hbm>>
          tpu.enqueue_indirect_dma source(%arg15 : memref<16x128xf32, #tpu.memory_space<vmem>>) target(%dma_start3A_664 : memref<16384x128xf32, #tpu.memory_space<hbm>>) offsets(%dma_start3A_661 : memref<16xi32, #tpu.memory_space<vmem>>) semaphore(%arg19 : memref<!tpu.dma_semaphore, #tpu.memory_space<semaphore_mem>>)
          %dma_wait3A_665 = arith.constant 0 : i32
          %dma_wait3A_666 = tpu.memref_slice %arg16[%dma_wait3A_665] : memref<32xi32, #tpu.memory_space<vmem>> -> memref<16xi32, #tpu.memory_space<vmem>>
          %dma_wait3A_667 = arith.constant 0 : i32
          %dma_wait3A_668 = arith.constant 0 : i32
          %dma_wait3A_669 = tpu.memref_slice %arg8[%dma_wait3A_667, %dma_wait3A_668] : memref<16384x128xf32, #tpu.memory_space<hbm>> -> memref<16384x128xf32, #tpu.memory_space<hbm>>
          tpu.wait_indirect_dma semaphore(%arg19 : memref<!tpu.dma_semaphore, #tpu.memory_space<semaphore_mem>>) src(%arg15 : memref<16x128xf32, #tpu.memory_space<vmem>>) dst(%dma_wait3A_669 : memref<16384x128xf32, #tpu.memory_space<hbm>>)
        } else {
        }
        %eq3A_651 = arith.constant 16 : i32
        %eq3A_652 = arith.cmpi eq, %add3A_645, %eq3A_651 : i32
        %jit3A_653 = arith.constant 0 : i32
        %select_n3A_654 = arith.select %eq3A_652, %jit3A_653, %add3A_645 : i32
        scf.yield %select_n3A_654 : i32
      }
      %while3A_494 = arith.constant 1 : i32
      %while3A_495 = scf.for %while3A_609 = %while3A_491 to %while3A_487 step %while3A_494 iter_args(%while3A_610 = %while3A_493) -> (i32)  : i32 {
        %get3A = arith.index_cast %while3A_609 : i32 to index
        %get3A_611 = tpu.vector_load %arg12[%get3A] {strides = array<i32>} : memref<16400xi32, #tpu.memory_space<vmem>>, vector<16xi32>,
        %slice3A = vector.extract_strided_slice %get3A_611 {offsets = [0], sizes = [1], strides = [1]} : vector<16xi32> to vector<1xi32>
        %squeeze3A = vector.extract %slice3A[0] : i32 from vector<1xi32>
        %shift_right_arithmetic3A_612 = arith.constant 14 : i32
        %shift_right_arithmetic3A_613 = arith.shrsi %squeeze3A, %shift_right_arithmetic3A_612 : i32
        %add3A_614 = vector.broadcast %shift_right_arithmetic3A_613 : i32 to vector<16xi32>
        %add3A_615 = arith.addi %broadcast_in_dim3A_1, %add3A_614 : vector<16xi32>
        %and3A_616 = arith.constant 16383 : i32
        %and3A_617 = arith.andi %squeeze3A, %and3A_616 : i32
        %gather3A = arith.constant 0 : i32
        %gather3A_618 = arith.constant 0 : i32
        %gather3A_619 = arith.constant 0 : i32
        %gather3A_620 = tpu.memref_slice %arg13[%while3A_484, %gather3A, %gather3A_618, %gather3A_619] : memref<2x4x8x1024xf32, #tpu.memory_space<vmem>> -> memref<1x4x8x1024xf32, #tpu.memory_space<vmem>>
        %gather3A_621 = tpu.memref_squeeze %gather3A_620 : memref<1x4x8x1024xf32, #tpu.memory_space<vmem>> -> memref<4x8x1024xf32, #tpu.memory_space<vmem>>
        %gather3A_622 = tpu.vector_load_idx %gather3A_621[%shift_right_arithmetic3A_3, %and3A_5, %add3A_615] : memref<4x8x1024xf32, #tpu.memory_space<vmem>>[vector<16xi32>, vector<16xi32>, vector<16xi32>], vector<16xf32>,
        %add3A_623 = arith.constant 2 : i32
        %add3A_624 = vector.broadcast %add3A_623 : i32 to vector<16xi32>
        %add3A_625 = arith.addi %add3A_624, %shift_right_arithmetic3A_3 : vector<16xi32>
        %gather3A_626 = arith.constant 0 : i32
        %gather3A_627 = arith.constant 0 : i32
        %gather3A_628 = arith.constant 0 : i32
        %gather3A_629 = tpu.memref_slice %arg13[%while3A_484, %gather3A_626, %gather3A_627, %gather3A_628] : memref<2x4x8x1024xf32, #tpu.memory_space<vmem>> -> memref<1x4x8x1024xf32, #tpu.memory_space<vmem>>
        %gather3A_630 = tpu.memref_squeeze %gather3A_629 : memref<1x4x8x1024xf32, #tpu.memory_space<vmem>> -> memref<4x8x1024xf32, #tpu.memory_space<vmem>>
        %gather3A_631 = tpu.vector_load_idx %gather3A_630[%add3A_625, %and3A_5, %add3A_615] : memref<4x8x1024xf32, #tpu.memory_space<vmem>>[vector<16xi32>, vector<16xi32>, vector<16xi32>], vector<16xf32>,
        %swap3A = arith.index_cast %while3A_610 : i32 to index
        %swap3A_632 = arith.constant 0 : index
        %swap3A_633 = tpu.vector_load %arg15[%swap3A, %swap3A_632] {strides = array<i32>} : memref<16x128xf32, #tpu.memory_space<vmem>>, vector<16xf32>,
        tpu.vector_store %arg15[%swap3A, %swap3A_632], %gather3A_622 {strides = array<i32>} : memref<16x128xf32, #tpu.memory_space<vmem>>, vector<16xf32>,
        %swap3A_634 = arith.index_cast %while3A_610 : i32 to index
        %swap3A_635 = arith.constant 16 : index
        %swap3A_636 = tpu.vector_load %arg15[%swap3A_634, %swap3A_635] {strides = array<i32>} : memref<16x128xf32, #tpu.memory_space<vmem>>, vector<16xf32>,
        tpu.vector_store %arg15[%swap3A_634, %swap3A_635], %gather3A_631 {strides = array<i32>} : memref<16x128xf32, #tpu.memory_space<vmem>>, vector<16xf32>,
        %add3A_637 = vector.broadcast %while3A_610 : i32 to vector<16xi32>
        %add3A_638 = arith.addi %broadcast_in_dim3A_1, %add3A_637 : vector<16xi32>
        %add3A_639 = vector.broadcast %and3A_617 : i32 to vector<16xi32>
        %add3A_640 = arith.addi %broadcast_in_dim3A_1, %add3A_639 : vector<16xi32>
        %eq3A_641 = arith.constant 0 : i32
        %eq3A_642 = vector.broadcast %eq3A_641 : i32 to vector<16xi32>
        %eq3A_643 = arith.cmpi eq, %iota3A, %eq3A_642 : vector<16xi32>
        tpu.vector_store_idx %arg16[%add3A_638], %add3A_640 masked %eq3A_643 : memref<32xi32, #tpu.memory_space<vmem>>[vector<16xi32>], vector<16xi32>, vector<16xi1>
        %add3A_644 = arith.constant 1 : i32
        %add3A_645 = arith.addi %while3A_610, %add3A_644 : i32
        %eq3A_646 = arith.constant 16 : i32
        %eq3A_647 = arith.cmpi eq, %add3A_645, %eq3A_646 : i32
        %convert_element_type3A_648 = arith.extui %eq3A_647 : i1 to i32
        %cond3A_649 = arith.constant 0 : i32
        %cond3A_650 = arith.cmpi ne, %convert_element_type3A_648, %cond3A_649 : i32
        scf.if %cond3A_650 {
          %scan3A_655 = arith.constant 0 : i32
          %scan3A_656 = arith.constant 16 : i32
          %scan3A_657 = arith.constant 0 : i32
          %scan3A_658 = arith.addi %scan3A_656, %scan3A_657 : i32
          %scan3A_659 = arith.constant 0 : i32
          %dma_start3A_660 = arith.constant 0 : i32
          %dma_start3A_661 = tpu.memref_slice %arg16[%dma_start3A_660] : memref<32xi32, #tpu.memory_space<vmem>> -> memref<16xi32, #tpu.memory_space<vmem>>
          %dma_start3A_662 = arith.constant 0 : i32
          %dma_start3A_663 = arith.constant 0 : i32
          %dma_start3A_664 = tpu.memref_slice %arg8[%dma_start3A_662, %dma_start3A_663] : memref<16384x128xf32, #tpu.memory_space<hbm>> -> memref<16384x128xf32, #tpu.memory_space<hbm>>
          tpu.enqueue_indirect_dma source(%arg15 : memref<16x128xf32, #tpu.memory_space<vmem>>) target(%dma_start3A_664 : memref<16384x128xf32, #tpu.memory_space<hbm>>) offsets(%dma_start3A_661 : memref<16xi32, #tpu.memory_space<vmem>>) semaphore(%arg19 : memref<!tpu.dma_semaphore, #tpu.memory_space<semaphore_mem>>)
          %dma_wait3A_665 = arith.constant 0 : i32
          %dma_wait3A_666 = tpu.memref_slice %arg16[%dma_wait3A_665] : memref<32xi32, #tpu.memory_space<vmem>> -> memref<16xi32, #tpu.memory_space<vmem>>
          %dma_wait3A_667 = arith.constant 0 : i32
          %dma_wait3A_668 = arith.constant 0 : i32
          %dma_wait3A_669 = tpu.memref_slice %arg8[%dma_wait3A_667, %dma_wait3A_668] : memref<16384x128xf32, #tpu.memory_space<hbm>> -> memref<16384x128xf32, #tpu.memory_space<hbm>>
          tpu.wait_indirect_dma semaphore(%arg19 : memref<!tpu.dma_semaphore, #tpu.memory_space<semaphore_mem>>) src(%arg15 : memref<16x128xf32, #tpu.memory_space<vmem>>) dst(%dma_wait3A_669 : memref<16384x128xf32, #tpu.memory_space<hbm>>)
        } else {
        }
        %eq3A_651 = arith.constant 16 : i32
        %eq3A_652 = arith.cmpi eq, %add3A_645, %eq3A_651 : i32
        %jit3A_653 = arith.constant 0 : i32
        %select_n3A_654 = arith.select %eq3A_652, %jit3A_653, %add3A_645 : i32
        scf.yield %select_n3A_654 : i32
      }
      %add3A_496 = arith.constant 2 : i32
      %add3A_497 = arith.addi %mul3A_313, %add3A_496 : i32
      %lt3A_498 = arith.constant 32 : i32
      %lt3A_499 = arith.cmpi slt, %add3A_497, %lt3A_498 : i32
      %convert_element_type3A_500 = arith.extui %lt3A_499 : i1 to i32
      %cond3A_501 = arith.constant 0 : i32
      %cond3A_502 = arith.cmpi ne, %convert_element_type3A_500, %cond3A_501 : i32
      scf.if %cond3A_502 {
        %add3A_609 = arith.constant 2 : i32
        %add3A_610 = arith.addi %mul3A_313, %add3A_609 : i32
        %lt3A_611 = arith.constant 31 : i32
        %lt3A_612 = arith.cmpi slt, %add3A_610, %lt3A_611 : i32
        %jit3A_613 = arith.constant 0 : i32
        %select_n3A_614 = arith.select %lt3A_612, %add3A_610, %jit3A_613 : i32
        %mul3A_615 = arith.constant 1024 : i32
        %mul3A_616 = arith.muli %select_n3A_614, %mul3A_615 : i32
        %add3A_617 = arith.addi %mul3A_7, %mul3A_616 : i32
        %multiple_of3A_618 = tpu.assume_multiple %add3A_617, 128 : i32
        %dma_start3A_619 = arith.constant 0 : i32
        %dma_start3A_620 = arith.constant 0 : i32
        %dma_start3A_621 = arith.constant 0 : i32
        %dma_start3A_622 = arith.constant 0 : i32
        %dma_start3A_623 = arith.constant 0 : i32
        %dma_start3A_624 = tpu.memref_slice %arg13[%dma_start3A_620, %dma_start3A_621, %dma_start3A_622, %dma_start3A_623] : memref<2x4x8x1024xf32, #tpu.memory_space<vmem>> -> memref<1x1x8x1024xf32, #tpu.memory_space<vmem>>
        %dma_start3A_625 = tpu.memref_squeeze %dma_start3A_624 : memref<1x1x8x1024xf32, #tpu.memory_space<vmem>> -> memref<8x1024xf32, #tpu.memory_space<vmem>>
        %dma_start3A_626 = arith.constant 0 : i32
        %dma_start3A_627 = tpu.memref_slice %arg4[%dma_start3A_619, %dma_start3A_626, %multiple_of3A_618] : memref<1x32x1000000xf32, #tpu.memory_space<hbm>> -> memref<1x8x1024xf32, #tpu.memory_space<hbm>>
        %dma_start3A_628 = tpu.memref_squeeze %dma_start3A_627 : memref<1x8x1024xf32, #tpu.memory_space<hbm>> -> memref<8x1024xf32, #tpu.memory_space<hbm>>
        %dma_start3A_629 = arith.constant 0 : i32
        %dma_start3A_630 = arith.constant 0 : i32
        %dma_start3A_631 = tpu.memref_slice %arg13[%dma_start3A_620, %dma_start3A_621, %dma_start3A_629, %dma_start3A_630] : memref<2x4x8x1024xf32, #tpu.memory_space<vmem>> -> memref<1x1x8x1024xf32, #tpu.memory_space<vmem>>
        %dma_start3A_632 = tpu.memref_squeeze %dma_start3A_631 : memref<1x1x8x1024xf32, #tpu.memory_space<vmem>> -> memref<8x1024xf32, #tpu.memory_space<vmem>>
        %dma_start3A_633 = arith.constant 0 : i32
        %dma_start3A_634 = tpu.memref_slice %arg4[%dma_start3A_619, %dma_start3A_633, %multiple_of3A_618] : memref<1x32x1000000xf32, #tpu.memory_space<hbm>> -> memref<1x8x1024xf32, #tpu.memory_space<hbm>>
        %dma_start3A_635 = tpu.memref_squeeze %dma_start3A_634 : memref<1x8x1024xf32, #tpu.memory_space<hbm>> -> memref<8x1024xf32, #tpu.memory_space<hbm>>
        tpu.enqueue_dma source(%dma_start3A_635 : memref<8x1024xf32, #tpu.memory_space<hbm>>) target(%dma_start3A_632 : memref<8x1024xf32, #tpu.memory_space<vmem>>) target_semaphore(%arg17 : memref<!tpu.dma_semaphore, #tpu.memory_space<semaphore_mem>>)
        %dma_start3A_636 = arith.constant 0 : i32
        %dma_start3A_637 = arith.constant 0 : i32
        %dma_start3A_638 = arith.constant 1 : i32
        %dma_start3A_639 = arith.constant 0 : i32
        %dma_start3A_640 = arith.constant 0 : i32
        %dma_start3A_641 = tpu.memref_slice %arg13[%dma_start3A_637, %dma_start3A_638, %dma_start3A_639, %dma_start3A_640] : memref<2x4x8x1024xf32, #tpu.memory_space<vmem>> -> memref<1x1x8x1024xf32, #tpu.memory_space<vmem>>
        %dma_start3A_642 = tpu.memref_squeeze %dma_start3A_641 : memref<1x1x8x1024xf32, #tpu.memory_space<vmem>> -> memref<8x1024xf32, #tpu.memory_space<vmem>>
        %dma_start3A_643 = arith.constant 8 : i32
        %dma_start3A_644 = tpu.memref_slice %arg4[%dma_start3A_636, %dma_start3A_643, %multiple_of3A_618] : memref<1x32x1000000xf32, #tpu.memory_space<hbm>> -> memref<1x8x1024xf32, #tpu.memory_space<hbm>>
        %dma_start3A_645 = tpu.memref_squeeze %dma_start3A_644 : memref<1x8x1024xf32, #tpu.memory_space<hbm>> -> memref<8x1024xf32, #tpu.memory_space<hbm>>
        %dma_start3A_646 = arith.constant 0 : i32
        %dma_start3A_647 = arith.constant 0 : i32
        %dma_start3A_648 = tpu.memref_slice %arg13[%dma_start3A_637, %dma_start3A_638, %dma_start3A_646, %dma_start3A_647] : memref<2x4x8x1024xf32, #tpu.memory_space<vmem>> -> memref<1x1x8x1024xf32, #tpu.memory_space<vmem>>
        %dma_start3A_649 = tpu.memref_squeeze %dma_start3A_648 : memref<1x1x8x1024xf32, #tpu.memory_space<vmem>> -> memref<8x1024xf32, #tpu.memory_space<vmem>>
        %dma_start3A_650 = arith.constant 8 : i32
        %dma_start3A_651 = tpu.memref_slice %arg4[%dma_start3A_636, %dma_start3A_650, %multiple_of3A_618] : memref<1x32x1000000xf32, #tpu.memory_space<hbm>> -> memref<1x8x1024xf32, #tpu.memory_space<hbm>>
        %dma_start3A_652 = tpu.memref_squeeze %dma_start3A_651 : memref<1x8x1024xf32, #tpu.memory_space<hbm>> -> memref<8x1024xf32, #tpu.memory_space<hbm>>
        tpu.enqueue_dma source(%dma_start3A_652 : memref<8x1024xf32, #tpu.memory_space<hbm>>) target(%dma_start3A_649 : memref<8x1024xf32, #tpu.memory_space<vmem>>) target_semaphore(%arg17 : memref<!tpu.dma_semaphore, #tpu.memory_space<semaphore_mem>>)
        %dma_start3A_653 = arith.constant 0 : i32
        %dma_start3A_654 = arith.constant 0 : i32
        %dma_start3A_655 = arith.constant 2 : i32
        %dma_start3A_656 = arith.constant 0 : i32
        %dma_start3A_657 = arith.constant 0 : i32
        %dma_start3A_658 = tpu.memref_slice %arg13[%dma_start3A_654, %dma_start3A_655, %dma_start3A_656, %dma_start3A_657] : memref<2x4x8x1024xf32, #tpu.memory_space<vmem>> -> memref<1x1x8x1024xf32, #tpu.memory_space<vmem>>
        %dma_start3A_659 = tpu.memref_squeeze %dma_start3A_658 : memref<1x1x8x1024xf32, #tpu.memory_space<vmem>> -> memref<8x1024xf32, #tpu.memory_space<vmem>>
        %dma_start3A_660 = arith.constant 16 : i32
        %dma_start3A_661 = tpu.memref_slice %arg4[%dma_start3A_653, %dma_start3A_660, %multiple_of3A_618] : memref<1x32x1000000xf32, #tpu.memory_space<hbm>> -> memref<1x8x1024xf32, #tpu.memory_space<hbm>>
        %dma_start3A_662 = tpu.memref_squeeze %dma_start3A_661 : memref<1x8x1024xf32, #tpu.memory_space<hbm>> -> memref<8x1024xf32, #tpu.memory_space<hbm>>
        %dma_start3A_663 = arith.constant 0 : i32
        %dma_start3A_664 = arith.constant 0 : i32
        %dma_start3A_665 = tpu.memref_slice %arg13[%dma_start3A_654, %dma_start3A_655, %dma_start3A_663, %dma_start3A_664] : memref<2x4x8x1024xf32, #tpu.memory_space<vmem>> -> memref<1x1x8x1024xf32, #tpu.memory_space<vmem>>
        %dma_start3A_666 = tpu.memref_squeeze %dma_start3A_665 : memref<1x1x8x1024xf32, #tpu.memory_space<vmem>> -> memref<8x1024xf32, #tpu.memory_space<vmem>>
        %dma_start3A_667 = arith.constant 16 : i32
        %dma_start3A_668 = tpu.memref_slice %arg4[%dma_start3A_653, %dma_start3A_667, %multiple_of3A_618] : memref<1x32x1000000xf32, #tpu.memory_space<hbm>> -> memref<1x8x1024xf32, #tpu.memory_space<hbm>>
        %dma_start3A_669 = tpu.memref_squeeze %dma_start3A_668 : memref<1x8x1024xf32, #tpu.memory_space<hbm>> -> memref<8x1024xf32, #tpu.memory_space<hbm>>
        tpu.enqueue_dma source(%dma_start3A_669 : memref<8x1024xf32, #tpu.memory_space<hbm>>) target(%dma_start3A_666 : memref<8x1024xf32, #tpu.memory_space<vmem>>) target_semaphore(%arg17 : memref<!tpu.dma_semaphore, #tpu.memory_space<semaphore_mem>>)
        %dma_start3A_670 = arith.constant 0 : i32
        %dma_start3A_671 = arith.constant 0 : i32
        %dma_start3A_672 = arith.constant 3 : i32
        %dma_start3A_673 = arith.constant 0 : i32
        %dma_start3A_674 = arith.constant 0 : i32
        %dma_start3A_675 = tpu.memref_slice %arg13[%dma_start3A_671, %dma_start3A_672, %dma_start3A_673, %dma_start3A_674] : memref<2x4x8x1024xf32, #tpu.memory_space<vmem>> -> memref<1x1x8x1024xf32, #tpu.memory_space<vmem>>
        %dma_start3A_676 = tpu.memref_squeeze %dma_start3A_675 : memref<1x1x8x1024xf32, #tpu.memory_space<vmem>> -> memref<8x1024xf32, #tpu.memory_space<vmem>>
        %dma_start3A_677 = arith.constant 24 : i32
        %dma_start3A_678 = tpu.memref_slice %arg4[%dma_start3A_670, %dma_start3A_677, %multiple_of3A_618] : memref<1x32x1000000xf32, #tpu.memory_space<hbm>> -> memref<1x8x1024xf32, #tpu.memory_space<hbm>>
        %dma_start3A_679 = tpu.memref_squeeze %dma_start3A_678 : memref<1x8x1024xf32, #tpu.memory_space<hbm>> -> memref<8x1024xf32, #tpu.memory_space<hbm>>
        %dma_start3A_680 = arith.constant 0 : i32
        %dma_start3A_681 = arith.constant 0 : i32
        %dma_start3A_682 = tpu.memref_slice %arg13[%dma_start3A_671, %dma_start3A_672, %dma_start3A_680, %dma_start3A_681] : memref<2x4x8x1024xf32, #tpu.memory_space<vmem>> -> memref<1x1x8x1024xf32, #tpu.memory_space<vmem>>
        %dma_start3A_683 = tpu.memref_squeeze %dma_start3A_682 : memref<1x1x8x1024xf32, #tpu.memory_space<vmem>> -> memref<8x1024xf32, #tpu.memory_space<vmem>>
        %dma_start3A_684 = arith.constant 24 : i32
        %dma_start3A_685 = tpu.memref_slice %arg4[%dma_start3A_670, %dma_start3A_684, %multiple_of3A_618] : memref<1x32x1000000xf32, #tpu.memory_space<hbm>> -> memref<1x8x1024xf32, #tpu.memory_space<hbm>>
        %dma_start3A_686 = tpu.memref_squeeze %dma_start3A_685 : memref<1x8x1024xf32, #tpu.memory_space<hbm>> -> memref<8x1024xf32, #tpu.memory_space<hbm>>
        tpu.enqueue_dma source(%dma_start3A_686 : memref<8x1024xf32, #tpu.memory_space<hbm>>) target(%dma_start3A_683 : memref<8x1024xf32, #tpu.memory_space<vmem>>) target_semaphore(%arg17 : memref<!tpu.dma_semaphore, #tpu.memory_space<semaphore_mem>>)
      } else {
      }
      %lt3A_503 = arith.constant 31 : i32
      %lt3A_504 = arith.cmpi slt, %add3A_315, %lt3A_503 : i32
      %jit3A_505 = arith.constant 0 : i32
      %select_n3A_506 = arith.select %lt3A_504, %add3A_315, %jit3A_505 : i32
      %mul3A_507 = arith.constant 1024 : i32
      %mul3A_508 = arith.muli %select_n3A_506, %mul3A_507 : i32
      %add3A_509 = arith.addi %mul3A_7, %mul3A_508 : i32
      %multiple_of3A_510 = tpu.assume_multiple %add3A_509, 128 : i32
      %dma_wait3A_511 = arith.constant 0 : i32
      %dma_wait3A_512 = arith.constant 1 : i32
      %dma_wait3A_513 = arith.constant 0 : i32
      %dma_wait3A_514 = arith.constant 0 : i32
      %dma_wait3A_515 = arith.constant 0 : i32
      %dma_wait3A_516 = tpu.memref_slice %arg13[%dma_wait3A_512, %dma_wait3A_513, %dma_wait3A_514, %dma_wait3A_515] : memref<2x4x8x1024xf32, #tpu.memory_space<vmem>> -> memref<1x1x8x1024xf32, #tpu.memory_space<vmem>>
      %dma_wait3A_517 = tpu.memref_squeeze %dma_wait3A_516 : memref<1x1x8x1024xf32, #tpu.memory_space<vmem>> -> memref<8x1024xf32, #tpu.memory_space<vmem>>
      %dma_wait3A_518 = arith.constant 0 : i32
      %dma_wait3A_519 = tpu.memref_slice %arg4[%dma_wait3A_511, %dma_wait3A_518, %multiple_of3A_510] : memref<1x32x1000000xf32, #tpu.memory_space<hbm>> -> memref<1x8x1024xf32, #tpu.memory_space<hbm>>
      %dma_wait3A_520 = tpu.memref_squeeze %dma_wait3A_519 : memref<1x8x1024xf32, #tpu.memory_space<hbm>> -> memref<8x1024xf32, #tpu.memory_space<hbm>>
      %dma_wait3A_521 = arith.constant 0 : i32
      %dma_wait3A_522 = arith.constant 0 : i32
      %dma_wait3A_523 = tpu.memref_slice %arg13[%dma_wait3A_512, %dma_wait3A_513, %dma_wait3A_521, %dma_wait3A_522] : memref<2x4x8x1024xf32, #tpu.memory_space<vmem>> -> memref<1x1x8x1024xf32, #tpu.memory_space<vmem>>
      %dma_wait3A_524 = tpu.memref_squeeze %dma_wait3A_523 : memref<1x1x8x1024xf32, #tpu.memory_space<vmem>> -> memref<8x1024xf32, #tpu.memory_space<vmem>>
      %dma_wait3A_525 = arith.constant 0 : i32
      %dma_wait3A_526 = tpu.memref_slice %arg4[%dma_wait3A_511, %dma_wait3A_525, %multiple_of3A_510] : memref<1x32x1000000xf32, #tpu.memory_space<hbm>> -> memref<1x8x1024xf32, #tpu.memory_space<hbm>>
      %dma_wait3A_527 = tpu.memref_squeeze %dma_wait3A_526 : memref<1x8x1024xf32, #tpu.memory_space<hbm>> -> memref<8x1024xf32, #tpu.memory_space<hbm>>
      tpu.wait_dma2 semaphore(%arg18 : memref<!tpu.dma_semaphore, #tpu.memory_space<semaphore_mem>>) src(%dma_wait3A_527 : memref<8x1024xf32, #tpu.memory_space<hbm>>) dst(%dma_wait3A_524 : memref<8x1024xf32, #tpu.memory_space<vmem>>)
      %dma_wait3A_528 = arith.constant 0 : i32
      %dma_wait3A_529 = arith.constant 1 : i32
      %dma_wait3A_530 = arith.constant 1 : i32
      %dma_wait3A_531 = arith.constant 0 : i32
      %dma_wait3A_532 = arith.constant 0 : i32
      %dma_wait3A_533 = tpu.memref_slice %arg13[%dma_wait3A_529, %dma_wait3A_530, %dma_wait3A_531, %dma_wait3A_532] : memref<2x4x8x1024xf32, #tpu.memory_space<vmem>> -> memref<1x1x8x1024xf32, #tpu.memory_space<vmem>>
      %dma_wait3A_534 = tpu.memref_squeeze %dma_wait3A_533 : memref<1x1x8x1024xf32, #tpu.memory_space<vmem>> -> memref<8x1024xf32, #tpu.memory_space<vmem>>
      %dma_wait3A_535 = arith.constant 8 : i32
      %dma_wait3A_536 = tpu.memref_slice %arg4[%dma_wait3A_528, %dma_wait3A_535, %multiple_of3A_510] : memref<1x32x1000000xf32, #tpu.memory_space<hbm>> -> memref<1x8x1024xf32, #tpu.memory_space<hbm>>
      %dma_wait3A_537 = tpu.memref_squeeze %dma_wait3A_536 : memref<1x8x1024xf32, #tpu.memory_space<hbm>> -> memref<8x1024xf32, #tpu.memory_space<hbm>>
      %dma_wait3A_538 = arith.constant 0 : i32
      %dma_wait3A_539 = arith.constant 0 : i32
      %dma_wait3A_540 = tpu.memref_slice %arg13[%dma_wait3A_529, %dma_wait3A_530, %dma_wait3A_538, %dma_wait3A_539] : memref<2x4x8x1024xf32, #tpu.memory_space<vmem>> -> memref<1x1x8x1024xf32, #tpu.memory_space<vmem>>
      %dma_wait3A_541 = tpu.memref_squeeze %dma_wait3A_540 : memref<1x1x8x1024xf32, #tpu.memory_space<vmem>> -> memref<8x1024xf32, #tpu.memory_space<vmem>>
      %dma_wait3A_542 = arith.constant 8 : i32
      %dma_wait3A_543 = tpu.memref_slice %arg4[%dma_wait3A_528, %dma_wait3A_542, %multiple_of3A_510] : memref<1x32x1000000xf32, #tpu.memory_space<hbm>> -> memref<1x8x1024xf32, #tpu.memory_space<hbm>>
      %dma_wait3A_544 = tpu.memref_squeeze %dma_wait3A_543 : memref<1x8x1024xf32, #tpu.memory_space<hbm>> -> memref<8x1024xf32, #tpu.memory_space<hbm>>
      tpu.wait_dma2 semaphore(%arg18 : memref<!tpu.dma_semaphore, #tpu.memory_space<semaphore_mem>>) src(%dma_wait3A_544 : memref<8x1024xf32, #tpu.memory_space<hbm>>) dst(%dma_wait3A_541 : memref<8x1024xf32, #tpu.memory_space<vmem>>)
      %dma_wait3A_545 = arith.constant 0 : i32
      %dma_wait3A_546 = arith.constant 1 : i32
      %dma_wait3A_547 = arith.constant 2 : i32
      %dma_wait3A_548 = arith.constant 0 : i32
      %dma_wait3A_549 = arith.constant 0 : i32
      %dma_wait3A_550 = tpu.memref_slice %arg13[%dma_wait3A_546, %dma_wait3A_547, %dma_wait3A_548, %dma_wait3A_549] : memref<2x4x8x1024xf32, #tpu.memory_space<vmem>> -> memref<1x1x8x1024xf32, #tpu.memory_space<vmem>>
      %dma_wait3A_551 = tpu.memref_squeeze %dma_wait3A_550 : memref<1x1x8x1024xf32, #tpu.memory_space<vmem>> -> memref<8x1024xf32, #tpu.memory_space<vmem>>
      %dma_wait3A_552 = arith.constant 16 : i32
      %dma_wait3A_553 = tpu.memref_slice %arg4[%dma_wait3A_545, %dma_wait3A_552, %multiple_of3A_510] : memref<1x32x1000000xf32, #tpu.memory_space<hbm>> -> memref<1x8x1024xf32, #tpu.memory_space<hbm>>
      %dma_wait3A_554 = tpu.memref_squeeze %dma_wait3A_553 : memref<1x8x1024xf32, #tpu.memory_space<hbm>> -> memref<8x1024xf32, #tpu.memory_space<hbm>>
      %dma_wait3A_555 = arith.constant 0 : i32
      %dma_wait3A_556 = arith.constant 0 : i32
      %dma_wait3A_557 = tpu.memref_slice %arg13[%dma_wait3A_546, %dma_wait3A_547, %dma_wait3A_555, %dma_wait3A_556] : memref<2x4x8x1024xf32, #tpu.memory_space<vmem>> -> memref<1x1x8x1024xf32, #tpu.memory_space<vmem>>
      %dma_wait3A_558 = tpu.memref_squeeze %dma_wait3A_557 : memref<1x1x8x1024xf32, #tpu.memory_space<vmem>> -> memref<8x1024xf32, #tpu.memory_space<vmem>>
      %dma_wait3A_559 = arith.constant 16 : i32
      %dma_wait3A_560 = tpu.memref_slice %arg4[%dma_wait3A_545, %dma_wait3A_559, %multiple_of3A_510] : memref<1x32x1000000xf32, #tpu.memory_space<hbm>> -> memref<1x8x1024xf32, #tpu.memory_space<hbm>>
      %dma_wait3A_561 = tpu.memref_squeeze %dma_wait3A_560 : memref<1x8x1024xf32, #tpu.memory_space<hbm>> -> memref<8x1024xf32, #tpu.memory_space<hbm>>
      tpu.wait_dma2 semaphore(%arg18 : memref<!tpu.dma_semaphore, #tpu.memory_space<semaphore_mem>>) src(%dma_wait3A_561 : memref<8x1024xf32, #tpu.memory_space<hbm>>) dst(%dma_wait3A_558 : memref<8x1024xf32, #tpu.memory_space<vmem>>)
      %dma_wait3A_562 = arith.constant 0 : i32
      %dma_wait3A_563 = arith.constant 1 : i32
      %dma_wait3A_564 = arith.constant 3 : i32
      %dma_wait3A_565 = arith.constant 0 : i32
      %dma_wait3A_566 = arith.constant 0 : i32
      %dma_wait3A_567 = tpu.memref_slice %arg13[%dma_wait3A_563, %dma_wait3A_564, %dma_wait3A_565, %dma_wait3A_566] : memref<2x4x8x1024xf32, #tpu.memory_space<vmem>> -> memref<1x1x8x1024xf32, #tpu.memory_space<vmem>>
      %dma_wait3A_568 = tpu.memref_squeeze %dma_wait3A_567 : memref<1x1x8x1024xf32, #tpu.memory_space<vmem>> -> memref<8x1024xf32, #tpu.memory_space<vmem>>
      %dma_wait3A_569 = arith.constant 24 : i32
      %dma_wait3A_570 = tpu.memref_slice %arg4[%dma_wait3A_562, %dma_wait3A_569, %multiple_of3A_510] : memref<1x32x1000000xf32, #tpu.memory_space<hbm>> -> memref<1x8x1024xf32, #tpu.memory_space<hbm>>
      %dma_wait3A_571 = tpu.memref_squeeze %dma_wait3A_570 : memref<1x8x1024xf32, #tpu.memory_space<hbm>> -> memref<8x1024xf32, #tpu.memory_space<hbm>>
      %dma_wait3A_572 = arith.constant 0 : i32
      %dma_wait3A_573 = arith.constant 0 : i32
      %dma_wait3A_574 = tpu.memref_slice %arg13[%dma_wait3A_563, %dma_wait3A_564, %dma_wait3A_572, %dma_wait3A_573] : memref<2x4x8x1024xf32, #tpu.memory_space<vmem>> -> memref<1x1x8x1024xf32, #tpu.memory_space<vmem>>
      %dma_wait3A_575 = tpu.memref_squeeze %dma_wait3A_574 : memref<1x1x8x1024xf32, #tpu.memory_space<vmem>> -> memref<8x1024xf32, #tpu.memory_space<vmem>>
      %dma_wait3A_576 = arith.constant 24 : i32
      %dma_wait3A_577 = tpu.memref_slice %arg4[%dma_wait3A_562, %dma_wait3A_576, %multiple_of3A_510] : memref<1x32x1000000xf32, #tpu.memory_space<hbm>> -> memref<1x8x1024xf32, #tpu.memory_space<hbm>>
      %dma_wait3A_578 = tpu.memref_squeeze %dma_wait3A_577 : memref<1x8x1024xf32, #tpu.memory_space<hbm>> -> memref<8x1024xf32, #tpu.memory_space<hbm>>
      tpu.wait_dma2 semaphore(%arg18 : memref<!tpu.dma_semaphore, #tpu.memory_space<semaphore_mem>>) src(%dma_wait3A_578 : memref<8x1024xf32, #tpu.memory_space<hbm>>) dst(%dma_wait3A_575 : memref<8x1024xf32, #tpu.memory_space<vmem>>)
      %lt3A_579 = arith.constant 31 : i32
      %lt3A_580 = arith.cmpi slt, %add3A_315, %lt3A_579 : i32
      %jit3A_581 = arith.constant 0 : i32
      %select_n3A_582 = arith.select %lt3A_580, %add3A_315, %jit3A_581 : i32
      %mul3A_583 = arith.constant 1024 : i32
      %mul3A_584 = arith.muli %select_n3A_582, %mul3A_583 : i32
      %while3A_585 = arith.constant 0 : i32
      %while3A_586 = arith.constant 0 : i32
      %while3A_587 = arith.subi %select_n3A_46, %while3A_585 : i32
      %while3A_588 = arith.addi %while3A_585, %while3A_587 : i32
      %while3A_589 = arith.constant 1 : i32
      %while3A_590 = arith.divsi %while3A_587, %while3A_589 : i32
      %while3A_591 = arith.muli %while3A_590, %while3A_589 : i32
      %while3A_592 = arith.addi %while3A_585, %while3A_591 : i32
      %while3A_593 = arith.constant 1 : i32
      %while3A_594 = scf.for %while3A_609 = %while3A_585 to %while3A_592 step %while3A_593 iter_args(%while3A_610 = %while3A_586) -> (i32)  : i32 {
        %mul3A_611 = arith.constant 16 : i32
        %mul3A_612 = arith.muli %while3A_609, %mul3A_611 : i32
        %get3A = arith.index_cast %mul3A_612 : i32 to index
        %get3A_613 = tpu.vector_load %arg11[%get3A] {strides = array<i32>} : memref<16384xi32, #tpu.memory_space<vmem>>, vector<16xi32>,
        %shift_right_arithmetic3A_614 = arith.constant 14 : i32
        %shift_right_arithmetic3A_615 = vector.broadcast %shift_right_arithmetic3A_614 : i32 to vector<16xi32>
        %shift_right_arithmetic3A_616 = arith.shrsi %get3A_613, %shift_right_arithmetic3A_615 : vector<16xi32>
        %mul3A_617 = arith.constant 16 : i32
        %mul3A_618 = arith.muli %while3A_609, %mul3A_617 : i32
        %add3A_619 = vector.broadcast %mul3A_618 : i32 to vector<16xi32>
        %add3A_620 = arith.addi %add3A_619, %iota3A : vector<16xi32>
        %lt3A_621 = vector.broadcast %scan3A_22 : i32 to vector<16xi32>
        %lt3A_622 = arith.cmpi slt, %add3A_620, %lt3A_621 : vector<16xi32>
        %ge3A = vector.broadcast %mul3A_584 : i32 to vector<16xi32>
        %ge3A_623 = arith.cmpi sge, %shift_right_arithmetic3A_616, %ge3A : vector<16xi32>
        %and3A_624 = arith.andi %lt3A_622, %ge3A_623 : vector<16xi1>
        %add3A_625 = arith.constant 1024 : i32
        %add3A_626 = arith.addi %mul3A_584, %add3A_625 : i32
        %lt3A_627 = vector.broadcast %add3A_626 : i32 to vector<16xi32>
        %lt3A_628 = arith.cmpi slt, %shift_right_arithmetic3A_616, %lt3A_627 : vector<16xi32>
        %and3A_629 = arith.andi %and3A_624, %lt3A_628 : vector<16xi1>
        %sub3A_630 = vector.broadcast %mul3A_584 : i32 to vector<16xi32>
        %sub3A_631 = arith.subi %shift_right_arithmetic3A_616, %sub3A_630 : vector<16xi32>
        %shift_left3A = arith.constant 14 : i32
        %shift_left3A_632 = vector.broadcast %shift_left3A : i32 to vector<16xi32>
        %shift_left3A_633 = arith.shli %sub3A_631, %shift_left3A_632 : vector<16xi32>
        %and3A_634 = arith.constant 16383 : i32
        %and3A_635 = vector.broadcast %and3A_634 : i32 to vector<16xi32>
        %and3A_636 = arith.andi %get3A_613, %and3A_635 : vector<16xi32>
        %or3A = arith.ori %shift_left3A_633, %and3A_636 : vector<16xi32>
        %swap3A = arith.index_cast %while3A_610 : i32 to index
        %swap3A_637 = tpu.vector_load %arg12[%swap3A] masked %and3A_629 {strides = array<i32>} : memref<16400xi32, #tpu.memory_space<vmem>>, vector<16xi32>, vector<16xi1>
        tpu.vector_store %arg12[%swap3A], %or3A masked %and3A_629 {strides = array<i32>} : memref<16400xi32, #tpu.memory_space<vmem>>, vector<16xi32>, vector<16xi1>
        %convert_element_type3A_638 = arith.extui %and3A_629 : vector<16xi1> to vector<16xi32>
        %reduce_sum3A = arith.constant true
        %reduce_sum3A_639 = vector.broadcast %reduce_sum3A : i1 to vector<16xi1>
        %reduce_sum3A_640 = tpu.scan <sum>, %convert_element_type3A_638 masked %reduce_sum3A_639 : vector<16xi32>, vector<16xi1> -> vector<16xi32>
        %reduce_sum3A_641 = vector.extract %reduce_sum3A_640[15] : i32 from vector<16xi32>
        %add3A_642 = arith.addi %while3A_610, %reduce_sum3A_641 : i32
        scf.yield %add3A_642 : i32
      }
      %while3A_595 = arith.constant 1 : i32
      %while3A_596 = scf.for %while3A_609 = %while3A_592 to %while3A_588 step %while3A_595 iter_args(%while3A_610 = %while3A_594) -> (i32)  : i32 {
        %mul3A_611 = arith.constant 16 : i32
        %mul3A_612 = arith.muli %while3A_609, %mul3A_611 : i32
        %get3A = arith.index_cast %mul3A_612 : i32 to index
        %get3A_613 = tpu.vector_load %arg11[%get3A] {strides = array<i32>} : memref<16384xi32, #tpu.memory_space<vmem>>, vector<16xi32>,
        %shift_right_arithmetic3A_614 = arith.constant 14 : i32
        %shift_right_arithmetic3A_615 = vector.broadcast %shift_right_arithmetic3A_614 : i32 to vector<16xi32>
        %shift_right_arithmetic3A_616 = arith.shrsi %get3A_613, %shift_right_arithmetic3A_615 : vector<16xi32>
        %mul3A_617 = arith.constant 16 : i32
        %mul3A_618 = arith.muli %while3A_609, %mul3A_617 : i32
        %add3A_619 = vector.broadcast %mul3A_618 : i32 to vector<16xi32>
        %add3A_620 = arith.addi %add3A_619, %iota3A : vector<16xi32>
        %lt3A_621 = vector.broadcast %scan3A_22 : i32 to vector<16xi32>
        %lt3A_622 = arith.cmpi slt, %add3A_620, %lt3A_621 : vector<16xi32>
        %ge3A = vector.broadcast %mul3A_584 : i32 to vector<16xi32>
        %ge3A_623 = arith.cmpi sge, %shift_right_arithmetic3A_616, %ge3A : vector<16xi32>
        %and3A_624 = arith.andi %lt3A_622, %ge3A_623 : vector<16xi1>
        %add3A_625 = arith.constant 1024 : i32
        %add3A_626 = arith.addi %mul3A_584, %add3A_625 : i32
        %lt3A_627 = vector.broadcast %add3A_626 : i32 to vector<16xi32>
        %lt3A_628 = arith.cmpi slt, %shift_right_arithmetic3A_616, %lt3A_627 : vector<16xi32>
        %and3A_629 = arith.andi %and3A_624, %lt3A_628 : vector<16xi1>
        %sub3A_630 = vector.broadcast %mul3A_584 : i32 to vector<16xi32>
        %sub3A_631 = arith.subi %shift_right_arithmetic3A_616, %sub3A_630 : vector<16xi32>
        %shift_left3A = arith.constant 14 : i32
        %shift_left3A_632 = vector.broadcast %shift_left3A : i32 to vector<16xi32>
        %shift_left3A_633 = arith.shli %sub3A_631, %shift_left3A_632 : vector<16xi32>
        %and3A_634 = arith.constant 16383 : i32
        %and3A_635 = vector.broadcast %and3A_634 : i32 to vector<16xi32>
        %and3A_636 = arith.andi %get3A_613, %and3A_635 : vector<16xi32>
        %or3A = arith.ori %shift_left3A_633, %and3A_636 : vector<16xi32>
        %swap3A = arith.index_cast %while3A_610 : i32 to index
        %swap3A_637 = tpu.vector_load %arg12[%swap3A] masked %and3A_629 {strides = array<i32>} : memref<16400xi32, #tpu.memory_space<vmem>>, vector<16xi32>, vector<16xi1>
        tpu.vector_store %arg12[%swap3A], %or3A masked %and3A_629 {strides = array<i32>} : memref<16400xi32, #tpu.memory_space<vmem>>, vector<16xi32>, vector<16xi1>
        %convert_element_type3A_638 = arith.extui %and3A_629 : vector<16xi1> to vector<16xi32>
        %reduce_sum3A = arith.constant true
        %reduce_sum3A_639 = vector.broadcast %reduce_sum3A : i1 to vector<16xi1>
        %reduce_sum3A_640 = tpu.scan <sum>, %convert_element_type3A_638 masked %reduce_sum3A_639 : vector<16xi32>, vector<16xi1> -> vector<16xi32>
        %reduce_sum3A_641 = vector.extract %reduce_sum3A_640[15] : i32 from vector<16xi32>
        %add3A_642 = arith.addi %while3A_610, %reduce_sum3A_641 : i32
        scf.yield %add3A_642 : i32
      }
      %while3A_597 = arith.constant 1 : i32
      %while3A_598 = arith.constant 0 : i32
      %while3A_599 = arith.subi %while3A_596, %while3A_598 : i32
      %while3A_600 = arith.addi %while3A_598, %while3A_599 : i32
      %while3A_601 = arith.constant 1 : i32
      %while3A_602 = arith.divsi %while3A_599, %while3A_601 : i32
      %while3A_603 = arith.muli %while3A_602, %while3A_601 : i32
      %while3A_604 = arith.addi %while3A_598, %while3A_603 : i32
      %while3A_605 = arith.constant 1 : i32
      %while3A_606 = scf.for %while3A_609 = %while3A_598 to %while3A_604 step %while3A_605 iter_args(%while3A_610 = %while3A_495) -> (i32)  : i32 {
        %get3A = arith.index_cast %while3A_609 : i32 to index
        %get3A_611 = tpu.vector_load %arg12[%get3A] {strides = array<i32>} : memref<16400xi32, #tpu.memory_space<vmem>>, vector<16xi32>,
        %slice3A = vector.extract_strided_slice %get3A_611 {offsets = [0], sizes = [1], strides = [1]} : vector<16xi32> to vector<1xi32>
        %squeeze3A = vector.extract %slice3A[0] : i32 from vector<1xi32>
        %shift_right_arithmetic3A_612 = arith.constant 14 : i32
        %shift_right_arithmetic3A_613 = arith.shrsi %squeeze3A, %shift_right_arithmetic3A_612 : i32
        %add3A_614 = vector.broadcast %shift_right_arithmetic3A_613 : i32 to vector<16xi32>
        %add3A_615 = arith.addi %broadcast_in_dim3A_1, %add3A_614 : vector<16xi32>
        %and3A_616 = arith.constant 16383 : i32
        %and3A_617 = arith.andi %squeeze3A, %and3A_616 : i32
        %gather3A = arith.constant 0 : i32
        %gather3A_618 = arith.constant 0 : i32
        %gather3A_619 = arith.constant 0 : i32
        %gather3A_620 = tpu.memref_slice %arg13[%while3A_597, %gather3A, %gather3A_618, %gather3A_619] : memref<2x4x8x1024xf32, #tpu.memory_space<vmem>> -> memref<1x4x8x1024xf32, #tpu.memory_space<vmem>>
        %gather3A_621 = tpu.memref_squeeze %gather3A_620 : memref<1x4x8x1024xf32, #tpu.memory_space<vmem>> -> memref<4x8x1024xf32, #tpu.memory_space<vmem>>
        %gather3A_622 = tpu.vector_load_idx %gather3A_621[%shift_right_arithmetic3A_3, %and3A_5, %add3A_615] : memref<4x8x1024xf32, #tpu.memory_space<vmem>>[vector<16xi32>, vector<16xi32>, vector<16xi32>], vector<16xf32>,
        %add3A_623 = arith.constant 2 : i32
        %add3A_624 = vector.broadcast %add3A_623 : i32 to vector<16xi32>
        %add3A_625 = arith.addi %add3A_624, %shift_right_arithmetic3A_3 : vector<16xi32>
        %gather3A_626 = arith.constant 0 : i32
        %gather3A_627 = arith.constant 0 : i32
        %gather3A_628 = arith.constant 0 : i32
        %gather3A_629 = tpu.memref_slice %arg13[%while3A_597, %gather3A_626, %gather3A_627, %gather3A_628] : memref<2x4x8x1024xf32, #tpu.memory_space<vmem>> -> memref<1x4x8x1024xf32, #tpu.memory_space<vmem>>
        %gather3A_630 = tpu.memref_squeeze %gather3A_629 : memref<1x4x8x1024xf32, #tpu.memory_space<vmem>> -> memref<4x8x1024xf32, #tpu.memory_space<vmem>>
        %gather3A_631 = tpu.vector_load_idx %gather3A_630[%add3A_625, %and3A_5, %add3A_615] : memref<4x8x1024xf32, #tpu.memory_space<vmem>>[vector<16xi32>, vector<16xi32>, vector<16xi32>], vector<16xf32>,
        %swap3A = arith.index_cast %while3A_610 : i32 to index
        %swap3A_632 = arith.constant 0 : index
        %swap3A_633 = tpu.vector_load %arg15[%swap3A, %swap3A_632] {strides = array<i32>} : memref<16x128xf32, #tpu.memory_space<vmem>>, vector<16xf32>,
        tpu.vector_store %arg15[%swap3A, %swap3A_632], %gather3A_622 {strides = array<i32>} : memref<16x128xf32, #tpu.memory_space<vmem>>, vector<16xf32>,
        %swap3A_634 = arith.index_cast %while3A_610 : i32 to index
        %swap3A_635 = arith.constant 16 : index
        %swap3A_636 = tpu.vector_load %arg15[%swap3A_634, %swap3A_635] {strides = array<i32>} : memref<16x128xf32, #tpu.memory_space<vmem>>, vector<16xf32>,
        tpu.vector_store %arg15[%swap3A_634, %swap3A_635], %gather3A_631 {strides = array<i32>} : memref<16x128xf32, #tpu.memory_space<vmem>>, vector<16xf32>,
        %add3A_637 = vector.broadcast %while3A_610 : i32 to vector<16xi32>
        %add3A_638 = arith.addi %broadcast_in_dim3A_1, %add3A_637 : vector<16xi32>
        %add3A_639 = vector.broadcast %and3A_617 : i32 to vector<16xi32>
        %add3A_640 = arith.addi %broadcast_in_dim3A_1, %add3A_639 : vector<16xi32>
        %eq3A_641 = arith.constant 0 : i32
        %eq3A_642 = vector.broadcast %eq3A_641 : i32 to vector<16xi32>
        %eq3A_643 = arith.cmpi eq, %iota3A, %eq3A_642 : vector<16xi32>
        tpu.vector_store_idx %arg16[%add3A_638], %add3A_640 masked %eq3A_643 : memref<32xi32, #tpu.memory_space<vmem>>[vector<16xi32>], vector<16xi32>, vector<16xi1>
        %add3A_644 = arith.constant 1 : i32
        %add3A_645 = arith.addi %while3A_610, %add3A_644 : i32
        %eq3A_646 = arith.constant 16 : i32
        %eq3A_647 = arith.cmpi eq, %add3A_645, %eq3A_646 : i32
        %convert_element_type3A_648 = arith.extui %eq3A_647 : i1 to i32
        %cond3A_649 = arith.constant 0 : i32
        %cond3A_650 = arith.cmpi ne, %convert_element_type3A_648, %cond3A_649 : i32
        scf.if %cond3A_650 {
          %scan3A_655 = arith.constant 0 : i32
          %scan3A_656 = arith.constant 16 : i32
          %scan3A_657 = arith.constant 0 : i32
          %scan3A_658 = arith.addi %scan3A_656, %scan3A_657 : i32
          %scan3A_659 = arith.constant 0 : i32
          %dma_start3A_660 = arith.constant 0 : i32
          %dma_start3A_661 = tpu.memref_slice %arg16[%dma_start3A_660] : memref<32xi32, #tpu.memory_space<vmem>> -> memref<16xi32, #tpu.memory_space<vmem>>
          %dma_start3A_662 = arith.constant 0 : i32
          %dma_start3A_663 = arith.constant 0 : i32
          %dma_start3A_664 = tpu.memref_slice %arg8[%dma_start3A_662, %dma_start3A_663] : memref<16384x128xf32, #tpu.memory_space<hbm>> -> memref<16384x128xf32, #tpu.memory_space<hbm>>
          tpu.enqueue_indirect_dma source(%arg15 : memref<16x128xf32, #tpu.memory_space<vmem>>) target(%dma_start3A_664 : memref<16384x128xf32, #tpu.memory_space<hbm>>) offsets(%dma_start3A_661 : memref<16xi32, #tpu.memory_space<vmem>>) semaphore(%arg19 : memref<!tpu.dma_semaphore, #tpu.memory_space<semaphore_mem>>)
          %dma_wait3A_665 = arith.constant 0 : i32
          %dma_wait3A_666 = tpu.memref_slice %arg16[%dma_wait3A_665] : memref<32xi32, #tpu.memory_space<vmem>> -> memref<16xi32, #tpu.memory_space<vmem>>
          %dma_wait3A_667 = arith.constant 0 : i32
          %dma_wait3A_668 = arith.constant 0 : i32
          %dma_wait3A_669 = tpu.memref_slice %arg8[%dma_wait3A_667, %dma_wait3A_668] : memref<16384x128xf32, #tpu.memory_space<hbm>> -> memref<16384x128xf32, #tpu.memory_space<hbm>>
          tpu.wait_indirect_dma semaphore(%arg19 : memref<!tpu.dma_semaphore, #tpu.memory_space<semaphore_mem>>) src(%arg15 : memref<16x128xf32, #tpu.memory_space<vmem>>) dst(%dma_wait3A_669 : memref<16384x128xf32, #tpu.memory_space<hbm>>)
        } else {
        }
        %eq3A_651 = arith.constant 16 : i32
        %eq3A_652 = arith.cmpi eq, %add3A_645, %eq3A_651 : i32
        %jit3A_653 = arith.constant 0 : i32
        %select_n3A_654 = arith.select %eq3A_652, %jit3A_653, %add3A_645 : i32
        scf.yield %select_n3A_654 : i32
      }
      %while3A_607 = arith.constant 1 : i32
      %while3A_608 = scf.for %while3A_609 = %while3A_604 to %while3A_600 step %while3A_607 iter_args(%while3A_610 = %while3A_606) -> (i32)  : i32 {
        %get3A = arith.index_cast %while3A_609 : i32 to index
        %get3A_611 = tpu.vector_load %arg12[%get3A] {strides = array<i32>} : memref<16400xi32, #tpu.memory_space<vmem>>, vector<16xi32>,
        %slice3A = vector.extract_strided_slice %get3A_611 {offsets = [0], sizes = [1], strides = [1]} : vector<16xi32> to vector<1xi32>
        %squeeze3A = vector.extract %slice3A[0] : i32 from vector<1xi32>
        %shift_right_arithmetic3A_612 = arith.constant 14 : i32
        %shift_right_arithmetic3A_613 = arith.shrsi %squeeze3A, %shift_right_arithmetic3A_612 : i32
        %add3A_614 = vector.broadcast %shift_right_arithmetic3A_613 : i32 to vector<16xi32>
        %add3A_615 = arith.addi %broadcast_in_dim3A_1, %add3A_614 : vector<16xi32>
        %and3A_616 = arith.constant 16383 : i32
        %and3A_617 = arith.andi %squeeze3A, %and3A_616 : i32
        %gather3A = arith.constant 0 : i32
        %gather3A_618 = arith.constant 0 : i32
        %gather3A_619 = arith.constant 0 : i32
        %gather3A_620 = tpu.memref_slice %arg13[%while3A_597, %gather3A, %gather3A_618, %gather3A_619] : memref<2x4x8x1024xf32, #tpu.memory_space<vmem>> -> memref<1x4x8x1024xf32, #tpu.memory_space<vmem>>
        %gather3A_621 = tpu.memref_squeeze %gather3A_620 : memref<1x4x8x1024xf32, #tpu.memory_space<vmem>> -> memref<4x8x1024xf32, #tpu.memory_space<vmem>>
        %gather3A_622 = tpu.vector_load_idx %gather3A_621[%shift_right_arithmetic3A_3, %and3A_5, %add3A_615] : memref<4x8x1024xf32, #tpu.memory_space<vmem>>[vector<16xi32>, vector<16xi32>, vector<16xi32>], vector<16xf32>,
        %add3A_623 = arith.constant 2 : i32
        %add3A_624 = vector.broadcast %add3A_623 : i32 to vector<16xi32>
        %add3A_625 = arith.addi %add3A_624, %shift_right_arithmetic3A_3 : vector<16xi32>
        %gather3A_626 = arith.constant 0 : i32
        %gather3A_627 = arith.constant 0 : i32
        %gather3A_628 = arith.constant 0 : i32
        %gather3A_629 = tpu.memref_slice %arg13[%while3A_597, %gather3A_626, %gather3A_627, %gather3A_628] : memref<2x4x8x1024xf32, #tpu.memory_space<vmem>> -> memref<1x4x8x1024xf32, #tpu.memory_space<vmem>>
        %gather3A_630 = tpu.memref_squeeze %gather3A_629 : memref<1x4x8x1024xf32, #tpu.memory_space<vmem>> -> memref<4x8x1024xf32, #tpu.memory_space<vmem>>
        %gather3A_631 = tpu.vector_load_idx %gather3A_630[%add3A_625, %and3A_5, %add3A_615] : memref<4x8x1024xf32, #tpu.memory_space<vmem>>[vector<16xi32>, vector<16xi32>, vector<16xi32>], vector<16xf32>,
        %swap3A = arith.index_cast %while3A_610 : i32 to index
        %swap3A_632 = arith.constant 0 : index
        %swap3A_633 = tpu.vector_load %arg15[%swap3A, %swap3A_632] {strides = array<i32>} : memref<16x128xf32, #tpu.memory_space<vmem>>, vector<16xf32>,
        tpu.vector_store %arg15[%swap3A, %swap3A_632], %gather3A_622 {strides = array<i32>} : memref<16x128xf32, #tpu.memory_space<vmem>>, vector<16xf32>,
        %swap3A_634 = arith.index_cast %while3A_610 : i32 to index
        %swap3A_635 = arith.constant 16 : index
        %swap3A_636 = tpu.vector_load %arg15[%swap3A_634, %swap3A_635] {strides = array<i32>} : memref<16x128xf32, #tpu.memory_space<vmem>>, vector<16xf32>,
        tpu.vector_store %arg15[%swap3A_634, %swap3A_635], %gather3A_631 {strides = array<i32>} : memref<16x128xf32, #tpu.memory_space<vmem>>, vector<16xf32>,
        %add3A_637 = vector.broadcast %while3A_610 : i32 to vector<16xi32>
        %add3A_638 = arith.addi %broadcast_in_dim3A_1, %add3A_637 : vector<16xi32>
        %add3A_639 = vector.broadcast %and3A_617 : i32 to vector<16xi32>
        %add3A_640 = arith.addi %broadcast_in_dim3A_1, %add3A_639 : vector<16xi32>
        %eq3A_641 = arith.constant 0 : i32
        %eq3A_642 = vector.broadcast %eq3A_641 : i32 to vector<16xi32>
        %eq3A_643 = arith.cmpi eq, %iota3A, %eq3A_642 : vector<16xi32>
        tpu.vector_store_idx %arg16[%add3A_638], %add3A_640 masked %eq3A_643 : memref<32xi32, #tpu.memory_space<vmem>>[vector<16xi32>], vector<16xi32>, vector<16xi1>
        %add3A_644 = arith.constant 1 : i32
        %add3A_645 = arith.addi %while3A_610, %add3A_644 : i32
        %eq3A_646 = arith.constant 16 : i32
        %eq3A_647 = arith.cmpi eq, %add3A_645, %eq3A_646 : i32
        %convert_element_type3A_648 = arith.extui %eq3A_647 : i1 to i32
        %cond3A_649 = arith.constant 0 : i32
        %cond3A_650 = arith.cmpi ne, %convert_element_type3A_648, %cond3A_649 : i32
        scf.if %cond3A_650 {
          %scan3A_655 = arith.constant 0 : i32
          %scan3A_656 = arith.constant 16 : i32
          %scan3A_657 = arith.constant 0 : i32
          %scan3A_658 = arith.addi %scan3A_656, %scan3A_657 : i32
          %scan3A_659 = arith.constant 0 : i32
          %dma_start3A_660 = arith.constant 0 : i32
          %dma_start3A_661 = tpu.memref_slice %arg16[%dma_start3A_660] : memref<32xi32, #tpu.memory_space<vmem>> -> memref<16xi32, #tpu.memory_space<vmem>>
          %dma_start3A_662 = arith.constant 0 : i32
          %dma_start3A_663 = arith.constant 0 : i32
          %dma_start3A_664 = tpu.memref_slice %arg8[%dma_start3A_662, %dma_start3A_663] : memref<16384x128xf32, #tpu.memory_space<hbm>> -> memref<16384x128xf32, #tpu.memory_space<hbm>>
          tpu.enqueue_indirect_dma source(%arg15 : memref<16x128xf32, #tpu.memory_space<vmem>>) target(%dma_start3A_664 : memref<16384x128xf32, #tpu.memory_space<hbm>>) offsets(%dma_start3A_661 : memref<16xi32, #tpu.memory_space<vmem>>) semaphore(%arg19 : memref<!tpu.dma_semaphore, #tpu.memory_space<semaphore_mem>>)
          %dma_wait3A_665 = arith.constant 0 : i32
          %dma_wait3A_666 = tpu.memref_slice %arg16[%dma_wait3A_665] : memref<32xi32, #tpu.memory_space<vmem>> -> memref<16xi32, #tpu.memory_space<vmem>>
          %dma_wait3A_667 = arith.constant 0 : i32
          %dma_wait3A_668 = arith.constant 0 : i32
          %dma_wait3A_669 = tpu.memref_slice %arg8[%dma_wait3A_667, %dma_wait3A_668] : memref<16384x128xf32, #tpu.memory_space<hbm>> -> memref<16384x128xf32, #tpu.memory_space<hbm>>
          tpu.wait_indirect_dma semaphore(%arg19 : memref<!tpu.dma_semaphore, #tpu.memory_space<semaphore_mem>>) src(%arg15 : memref<16x128xf32, #tpu.memory_space<vmem>>) dst(%dma_wait3A_669 : memref<16384x128xf32, #tpu.memory_space<hbm>>)
        } else {
        }
        %eq3A_651 = arith.constant 16 : i32
        %eq3A_652 = arith.cmpi eq, %add3A_645, %eq3A_651 : i32
        %jit3A_653 = arith.constant 0 : i32
        %select_n3A_654 = arith.select %eq3A_652, %jit3A_653, %add3A_645 : i32
        scf.yield %select_n3A_654 : i32
      }
      scf.yield %while3A_608 : i32
    }
    %scan3A_127 = arith.constant 16 : i32
    %sub3A_128 = arith.constant 999936 : i32
    %sub3A_129 = arith.subi %sub3A_128, %mul3A_7 : i32
    %while3A = arith.constant 0 : i32
    %while3A_130 = arith.constant 0 : i32
    %while3A_131 = arith.subi %select_n3A_46, %while3A : i32
    %while3A_132 = arith.addi %while3A, %while3A_131 : i32
    %while3A_133 = arith.constant 1 : i32
    %while3A_134 = arith.divsi %while3A_131, %while3A_133 : i32
    %while3A_135 = arith.muli %while3A_134, %while3A_133 : i32
    %while3A_136 = arith.addi %while3A, %while3A_135 : i32
    %while3A_137 = arith.constant 1 : i32
    %while3A_138 = scf.for %while3A_310 = %while3A to %while3A_136 step %while3A_137 iter_args(%while3A_311 = %while3A_130) -> (i32)  : i32 {
      %mul3A_312 = arith.constant 16 : i32
      %mul3A_313 = arith.muli %while3A_310, %mul3A_312 : i32
      %get3A = arith.index_cast %mul3A_313 : i32 to index
      %get3A_314 = tpu.vector_load %arg11[%get3A] {strides = array<i32>} : memref<16384xi32, #tpu.memory_space<vmem>>, vector<16xi32>,
      %shift_right_arithmetic3A_315 = arith.constant 14 : i32
      %shift_right_arithmetic3A_316 = vector.broadcast %shift_right_arithmetic3A_315 : i32 to vector<16xi32>
      %shift_right_arithmetic3A_317 = arith.shrsi %get3A_314, %shift_right_arithmetic3A_316 : vector<16xi32>
      %mul3A_318 = arith.constant 16 : i32
      %mul3A_319 = arith.muli %while3A_310, %mul3A_318 : i32
      %add3A_320 = vector.broadcast %mul3A_319 : i32 to vector<16xi32>
      %add3A_321 = arith.addi %add3A_320, %iota3A : vector<16xi32>
      %lt3A = vector.broadcast %scan3A_22 : i32 to vector<16xi32>
      %lt3A_322 = arith.cmpi slt, %add3A_321, %lt3A : vector<16xi32>
      %ge3A = vector.broadcast %sub3A_129 : i32 to vector<16xi32>
      %ge3A_323 = arith.cmpi sge, %shift_right_arithmetic3A_317, %ge3A : vector<16xi32>
      %and3A_324 = arith.andi %lt3A_322, %ge3A_323 : vector<16xi1>
      %add3A_325 = arith.constant 128 : i32
      %add3A_326 = arith.addi %sub3A_129, %add3A_325 : i32
      %lt3A_327 = vector.broadcast %add3A_326 : i32 to vector<16xi32>
      %lt3A_328 = arith.cmpi slt, %shift_right_arithmetic3A_317, %lt3A_327 : vector<16xi32>
      %and3A_329 = arith.andi %and3A_324, %lt3A_328 : vector<16xi1>
      %sub3A_330 = vector.broadcast %sub3A_129 : i32 to vector<16xi32>
      %sub3A_331 = arith.subi %shift_right_arithmetic3A_317, %sub3A_330 : vector<16xi32>
      %shift_left3A = arith.constant 14 : i32
      %shift_left3A_332 = vector.broadcast %shift_left3A : i32 to vector<16xi32>
      %shift_left3A_333 = arith.shli %sub3A_331, %shift_left3A_332 : vector<16xi32>
      %and3A_334 = arith.constant 16383 : i32
      %and3A_335 = vector.broadcast %and3A_334 : i32 to vector<16xi32>
      %and3A_336 = arith.andi %get3A_314, %and3A_335 : vector<16xi32>
      %or3A = arith.ori %shift_left3A_333, %and3A_336 : vector<16xi32>
      %swap3A = arith.index_cast %while3A_311 : i32 to index
      %swap3A_337 = tpu.vector_load %arg12[%swap3A] masked %and3A_329 {strides = array<i32>} : memref<16400xi32, #tpu.memory_space<vmem>>, vector<16xi32>, vector<16xi1>
      tpu.vector_store %arg12[%swap3A], %or3A masked %and3A_329 {strides = array<i32>} : memref<16400xi32, #tpu.memory_space<vmem>>, vector<16xi32>, vector<16xi1>
      %convert_element_type3A_338 = arith.extui %and3A_329 : vector<16xi1> to vector<16xi32>
      %reduce_sum3A = arith.constant true
      %reduce_sum3A_339 = vector.broadcast %reduce_sum3A : i1 to vector<16xi1>
      %reduce_sum3A_340 = tpu.scan <sum>, %convert_element_type3A_338 masked %reduce_sum3A_339 : vector<16xi32>, vector<16xi1> -> vector<16xi32>
      %reduce_sum3A_341 = vector.extract %reduce_sum3A_340[15] : i32 from vector<16xi32>
      %add3A_342 = arith.addi %while3A_311, %reduce_sum3A_341 : i32
      scf.yield %add3A_342 : i32
    }
    %while3A_139 = arith.constant 1 : i32
    %while3A_140 = scf.for %while3A_310 = %while3A_136 to %while3A_132 step %while3A_139 iter_args(%while3A_311 = %while3A_138) -> (i32)  : i32 {
      %mul3A_312 = arith.constant 16 : i32
      %mul3A_313 = arith.muli %while3A_310, %mul3A_312 : i32
      %get3A = arith.index_cast %mul3A_313 : i32 to index
      %get3A_314 = tpu.vector_load %arg11[%get3A] {strides = array<i32>} : memref<16384xi32, #tpu.memory_space<vmem>>, vector<16xi32>,
      %shift_right_arithmetic3A_315 = arith.constant 14 : i32
      %shift_right_arithmetic3A_316 = vector.broadcast %shift_right_arithmetic3A_315 : i32 to vector<16xi32>
      %shift_right_arithmetic3A_317 = arith.shrsi %get3A_314, %shift_right_arithmetic3A_316 : vector<16xi32>
      %mul3A_318 = arith.constant 16 : i32
      %mul3A_319 = arith.muli %while3A_310, %mul3A_318 : i32
      %add3A_320 = vector.broadcast %mul3A_319 : i32 to vector<16xi32>
      %add3A_321 = arith.addi %add3A_320, %iota3A : vector<16xi32>
      %lt3A = vector.broadcast %scan3A_22 : i32 to vector<16xi32>
      %lt3A_322 = arith.cmpi slt, %add3A_321, %lt3A : vector<16xi32>
      %ge3A = vector.broadcast %sub3A_129 : i32 to vector<16xi32>
      %ge3A_323 = arith.cmpi sge, %shift_right_arithmetic3A_317, %ge3A : vector<16xi32>
      %and3A_324 = arith.andi %lt3A_322, %ge3A_323 : vector<16xi1>
      %add3A_325 = arith.constant 128 : i32
      %add3A_326 = arith.addi %sub3A_129, %add3A_325 : i32
      %lt3A_327 = vector.broadcast %add3A_326 : i32 to vector<16xi32>
      %lt3A_328 = arith.cmpi slt, %shift_right_arithmetic3A_317, %lt3A_327 : vector<16xi32>
      %and3A_329 = arith.andi %and3A_324, %lt3A_328 : vector<16xi1>
      %sub3A_330 = vector.broadcast %sub3A_129 : i32 to vector<16xi32>
      %sub3A_331 = arith.subi %shift_right_arithmetic3A_317, %sub3A_330 : vector<16xi32>
      %shift_left3A = arith.constant 14 : i32
      %shift_left3A_332 = vector.broadcast %shift_left3A : i32 to vector<16xi32>
      %shift_left3A_333 = arith.shli %sub3A_331, %shift_left3A_332 : vector<16xi32>
      %and3A_334 = arith.constant 16383 : i32
      %and3A_335 = vector.broadcast %and3A_334 : i32 to vector<16xi32>
      %and3A_336 = arith.andi %get3A_314, %and3A_335 : vector<16xi32>
      %or3A = arith.ori %shift_left3A_333, %and3A_336 : vector<16xi32>
      %swap3A = arith.index_cast %while3A_311 : i32 to index
      %swap3A_337 = tpu.vector_load %arg12[%swap3A] masked %and3A_329 {strides = array<i32>} : memref<16400xi32, #tpu.memory_space<vmem>>, vector<16xi32>, vector<16xi1>
      tpu.vector_store %arg12[%swap3A], %or3A masked %and3A_329 {strides = array<i32>} : memref<16400xi32, #tpu.memory_space<vmem>>, vector<16xi32>, vector<16xi1>
      %convert_element_type3A_338 = arith.extui %and3A_329 : vector<16xi1> to vector<16xi32>
      %reduce_sum3A = arith.constant true
      %reduce_sum3A_339 = vector.broadcast %reduce_sum3A : i1 to vector<16xi1>
      %reduce_sum3A_340 = tpu.scan <sum>, %convert_element_type3A_338 masked %reduce_sum3A_339 : vector<16xi32>, vector<16xi1> -> vector<16xi32>
      %reduce_sum3A_341 = vector.extract %reduce_sum3A_340[15] : i32 from vector<16xi32>
      %add3A_342 = arith.addi %while3A_311, %reduce_sum3A_341 : i32
      scf.yield %add3A_342 : i32
    }
    %while3A_141 = arith.constant 0 : i32
    %while3A_142 = arith.subi %while3A_140, %while3A_141 : i32
    %while3A_143 = arith.addi %while3A_141, %while3A_142 : i32
    %while3A_144 = arith.constant 1 : i32
    %while3A_145 = arith.divsi %while3A_142, %while3A_144 : i32
    %while3A_146 = arith.muli %while3A_145, %while3A_144 : i32
    %while3A_147 = arith.addi %while3A_141, %while3A_146 : i32
    %while3A_148 = arith.constant 1 : i32
    %while3A_149 = scf.for %while3A_310 = %while3A_141 to %while3A_147 step %while3A_148 iter_args(%while3A_311 = %scan3A_126) -> (i32)  : i32 {
      %get3A = arith.index_cast %while3A_310 : i32 to index
      %get3A_312 = tpu.vector_load %arg12[%get3A] {strides = array<i32>} : memref<16400xi32, #tpu.memory_space<vmem>>, vector<16xi32>,
      %slice3A = vector.extract_strided_slice %get3A_312 {offsets = [0], sizes = [1], strides = [1]} : vector<16xi32> to vector<1xi32>
      %squeeze3A = vector.extract %slice3A[0] : i32 from vector<1xi32>
      %shift_right_arithmetic3A_313 = arith.constant 14 : i32
      %shift_right_arithmetic3A_314 = arith.shrsi %squeeze3A, %shift_right_arithmetic3A_313 : i32
      %add3A_315 = vector.broadcast %shift_right_arithmetic3A_314 : i32 to vector<16xi32>
      %add3A_316 = arith.addi %broadcast_in_dim3A_1, %add3A_315 : vector<16xi32>
      %and3A_317 = arith.constant 16383 : i32
      %and3A_318 = arith.andi %squeeze3A, %and3A_317 : i32
      %gather3A = tpu.vector_load_idx %arg14[%shift_right_arithmetic3A_3, %and3A_5, %add3A_316] : memref<4x8x128xf32, #tpu.memory_space<vmem>>[vector<16xi32>, vector<16xi32>, vector<16xi32>], vector<16xf32>,
      %add3A_319 = arith.constant 2 : i32
      %add3A_320 = vector.broadcast %add3A_319 : i32 to vector<16xi32>
      %add3A_321 = arith.addi %add3A_320, %shift_right_arithmetic3A_3 : vector<16xi32>
      %gather3A_322 = tpu.vector_load_idx %arg14[%add3A_321, %and3A_5, %add3A_316] : memref<4x8x128xf32, #tpu.memory_space<vmem>>[vector<16xi32>, vector<16xi32>, vector<16xi32>], vector<16xf32>,
      %swap3A = arith.index_cast %while3A_311 : i32 to index
      %swap3A_323 = arith.constant 0 : index
      %swap3A_324 = tpu.vector_load %arg15[%swap3A, %swap3A_323] {strides = array<i32>} : memref<16x128xf32, #tpu.memory_space<vmem>>, vector<16xf32>,
      tpu.vector_store %arg15[%swap3A, %swap3A_323], %gather3A {strides = array<i32>} : memref<16x128xf32, #tpu.memory_space<vmem>>, vector<16xf32>,
      %swap3A_325 = arith.index_cast %while3A_311 : i32 to index
      %swap3A_326 = arith.constant 16 : index
      %swap3A_327 = tpu.vector_load %arg15[%swap3A_325, %swap3A_326] {strides = array<i32>} : memref<16x128xf32, #tpu.memory_space<vmem>>, vector<16xf32>,
      tpu.vector_store %arg15[%swap3A_325, %swap3A_326], %gather3A_322 {strides = array<i32>} : memref<16x128xf32, #tpu.memory_space<vmem>>, vector<16xf32>,
      %add3A_328 = vector.broadcast %while3A_311 : i32 to vector<16xi32>
      %add3A_329 = arith.addi %broadcast_in_dim3A_1, %add3A_328 : vector<16xi32>
      %add3A_330 = vector.broadcast %and3A_318 : i32 to vector<16xi32>
      %add3A_331 = arith.addi %broadcast_in_dim3A_1, %add3A_330 : vector<16xi32>
      %eq3A_332 = arith.constant 0 : i32
      %eq3A_333 = vector.broadcast %eq3A_332 : i32 to vector<16xi32>
      %eq3A_334 = arith.cmpi eq, %iota3A, %eq3A_333 : vector<16xi32>
      tpu.vector_store_idx %arg16[%add3A_329], %add3A_331 masked %eq3A_334 : memref<32xi32, #tpu.memory_space<vmem>>[vector<16xi32>], vector<16xi32>, vector<16xi1>
      %add3A_335 = arith.constant 1 : i32
      %add3A_336 = arith.addi %while3A_311, %add3A_335 : i32
      %eq3A_337 = arith.constant 16 : i32
      %eq3A_338 = arith.cmpi eq, %add3A_336, %eq3A_337 : i32
      %convert_element_type3A_339 = arith.extui %eq3A_338 : i1 to i32
      %cond3A_340 = arith.constant 0 : i32
      %cond3A_341 = arith.cmpi ne, %convert_element_type3A_339, %cond3A_340 : i32
      scf.if %cond3A_341 {
        %scan3A_346 = arith.constant 0 : i32
        %scan3A_347 = arith.constant 16 : i32
        %scan3A_348 = arith.constant 0 : i32
        %scan3A_349 = arith.addi %scan3A_347, %scan3A_348 : i32
        %scan3A_350 = arith.constant 0 : i32
        %dma_start3A_351 = arith.constant 0 : i32
        %dma_start3A_352 = tpu.memref_slice %arg16[%dma_start3A_351] : memref<32xi32, #tpu.memory_space<vmem>> -> memref<16xi32, #tpu.memory_space<vmem>>
        %dma_start3A_353 = arith.constant 0 : i32
        %dma_start3A_354 = arith.constant 0 : i32
        %dma_start3A_355 = tpu.memref_slice %arg8[%dma_start3A_353, %dma_start3A_354] : memref<16384x128xf32, #tpu.memory_space<hbm>> -> memref<16384x128xf32, #tpu.memory_space<hbm>>
        tpu.enqueue_indirect_dma source(%arg15 : memref<16x128xf32, #tpu.memory_space<vmem>>) target(%dma_start3A_355 : memref<16384x128xf32, #tpu.memory_space<hbm>>) offsets(%dma_start3A_352 : memref<16xi32, #tpu.memory_space<vmem>>) semaphore(%arg19 : memref<!tpu.dma_semaphore, #tpu.memory_space<semaphore_mem>>)
        %dma_wait3A = arith.constant 0 : i32
        %dma_wait3A_356 = tpu.memref_slice %arg16[%dma_wait3A] : memref<32xi32, #tpu.memory_space<vmem>> -> memref<16xi32, #tpu.memory_space<vmem>>
        %dma_wait3A_357 = arith.constant 0 : i32
        %dma_wait3A_358 = arith.constant 0 : i32
        %dma_wait3A_359 = tpu.memref_slice %arg8[%dma_wait3A_357, %dma_wait3A_358] : memref<16384x128xf32, #tpu.memory_space<hbm>> -> memref<16384x128xf32, #tpu.memory_space<hbm>>
        tpu.wait_indirect_dma semaphore(%arg19 : memref<!tpu.dma_semaphore, #tpu.memory_space<semaphore_mem>>) src(%arg15 : memref<16x128xf32, #tpu.memory_space<vmem>>) dst(%dma_wait3A_359 : memref<16384x128xf32, #tpu.memory_space<hbm>>)
      } else {
      }
      %eq3A_342 = arith.constant 16 : i32
      %eq3A_343 = arith.cmpi eq, %add3A_336, %eq3A_342 : i32
      %jit3A_344 = arith.constant 0 : i32
      %select_n3A_345 = arith.select %eq3A_343, %jit3A_344, %add3A_336 : i32
      scf.yield %select_n3A_345 : i32
    }
    %while3A_150 = arith.constant 1 : i32
    %while3A_151 = scf.for %while3A_310 = %while3A_147 to %while3A_143 step %while3A_150 iter_args(%while3A_311 = %while3A_149) -> (i32)  : i32 {
      %get3A = arith.index_cast %while3A_310 : i32 to index
      %get3A_312 = tpu.vector_load %arg12[%get3A] {strides = array<i32>} : memref<16400xi32, #tpu.memory_space<vmem>>, vector<16xi32>,
      %slice3A = vector.extract_strided_slice %get3A_312 {offsets = [0], sizes = [1], strides = [1]} : vector<16xi32> to vector<1xi32>
      %squeeze3A = vector.extract %slice3A[0] : i32 from vector<1xi32>
      %shift_right_arithmetic3A_313 = arith.constant 14 : i32
      %shift_right_arithmetic3A_314 = arith.shrsi %squeeze3A, %shift_right_arithmetic3A_313 : i32
      %add3A_315 = vector.broadcast %shift_right_arithmetic3A_314 : i32 to vector<16xi32>
      %add3A_316 = arith.addi %broadcast_in_dim3A_1, %add3A_315 : vector<16xi32>
      %and3A_317 = arith.constant 16383 : i32
      %and3A_318 = arith.andi %squeeze3A, %and3A_317 : i32
      %gather3A = tpu.vector_load_idx %arg14[%shift_right_arithmetic3A_3, %and3A_5, %add3A_316] : memref<4x8x128xf32, #tpu.memory_space<vmem>>[vector<16xi32>, vector<16xi32>, vector<16xi32>], vector<16xf32>,
      %add3A_319 = arith.constant 2 : i32
      %add3A_320 = vector.broadcast %add3A_319 : i32 to vector<16xi32>
      %add3A_321 = arith.addi %add3A_320, %shift_right_arithmetic3A_3 : vector<16xi32>
      %gather3A_322 = tpu.vector_load_idx %arg14[%add3A_321, %and3A_5, %add3A_316] : memref<4x8x128xf32, #tpu.memory_space<vmem>>[vector<16xi32>, vector<16xi32>, vector<16xi32>], vector<16xf32>,
      %swap3A = arith.index_cast %while3A_311 : i32 to index
      %swap3A_323 = arith.constant 0 : index
      %swap3A_324 = tpu.vector_load %arg15[%swap3A, %swap3A_323] {strides = array<i32>} : memref<16x128xf32, #tpu.memory_space<vmem>>, vector<16xf32>,
      tpu.vector_store %arg15[%swap3A, %swap3A_323], %gather3A {strides = array<i32>} : memref<16x128xf32, #tpu.memory_space<vmem>>, vector<16xf32>,
      %swap3A_325 = arith.index_cast %while3A_311 : i32 to index
      %swap3A_326 = arith.constant 16 : index
      %swap3A_327 = tpu.vector_load %arg15[%swap3A_325, %swap3A_326] {strides = array<i32>} : memref<16x128xf32, #tpu.memory_space<vmem>>, vector<16xf32>,
      tpu.vector_store %arg15[%swap3A_325, %swap3A_326], %gather3A_322 {strides = array<i32>} : memref<16x128xf32, #tpu.memory_space<vmem>>, vector<16xf32>,
      %add3A_328 = vector.broadcast %while3A_311 : i32 to vector<16xi32>
      %add3A_329 = arith.addi %broadcast_in_dim3A_1, %add3A_328 : vector<16xi32>
      %add3A_330 = vector.broadcast %and3A_318 : i32 to vector<16xi32>
      %add3A_331 = arith.addi %broadcast_in_dim3A_1, %add3A_330 : vector<16xi32>
      %eq3A_332 = arith.constant 0 : i32
      %eq3A_333 = vector.broadcast %eq3A_332 : i32 to vector<16xi32>
      %eq3A_334 = arith.cmpi eq, %iota3A, %eq3A_333 : vector<16xi32>
      tpu.vector_store_idx %arg16[%add3A_329], %add3A_331 masked %eq3A_334 : memref<32xi32, #tpu.memory_space<vmem>>[vector<16xi32>], vector<16xi32>, vector<16xi1>
      %add3A_335 = arith.constant 1 : i32
      %add3A_336 = arith.addi %while3A_311, %add3A_335 : i32
      %eq3A_337 = arith.constant 16 : i32
      %eq3A_338 = arith.cmpi eq, %add3A_336, %eq3A_337 : i32
      %convert_element_type3A_339 = arith.extui %eq3A_338 : i1 to i32
      %cond3A_340 = arith.constant 0 : i32
      %cond3A_341 = arith.cmpi ne, %convert_element_type3A_339, %cond3A_340 : i32
      scf.if %cond3A_341 {
        %scan3A_346 = arith.constant 0 : i32
        %scan3A_347 = arith.constant 16 : i32
        %scan3A_348 = arith.constant 0 : i32
        %scan3A_349 = arith.addi %scan3A_347, %scan3A_348 : i32
        %scan3A_350 = arith.constant 0 : i32
        %dma_start3A_351 = arith.constant 0 : i32
        %dma_start3A_352 = tpu.memref_slice %arg16[%dma_start3A_351] : memref<32xi32, #tpu.memory_space<vmem>> -> memref<16xi32, #tpu.memory_space<vmem>>
        %dma_start3A_353 = arith.constant 0 : i32
        %dma_start3A_354 = arith.constant 0 : i32
        %dma_start3A_355 = tpu.memref_slice %arg8[%dma_start3A_353, %dma_start3A_354] : memref<16384x128xf32, #tpu.memory_space<hbm>> -> memref<16384x128xf32, #tpu.memory_space<hbm>>
        tpu.enqueue_indirect_dma source(%arg15 : memref<16x128xf32, #tpu.memory_space<vmem>>) target(%dma_start3A_355 : memref<16384x128xf32, #tpu.memory_space<hbm>>) offsets(%dma_start3A_352 : memref<16xi32, #tpu.memory_space<vmem>>) semaphore(%arg19 : memref<!tpu.dma_semaphore, #tpu.memory_space<semaphore_mem>>)
        %dma_wait3A = arith.constant 0 : i32
        %dma_wait3A_356 = tpu.memref_slice %arg16[%dma_wait3A] : memref<32xi32, #tpu.memory_space<vmem>> -> memref<16xi32, #tpu.memory_space<vmem>>
        %dma_wait3A_357 = arith.constant 0 : i32
        %dma_wait3A_358 = arith.constant 0 : i32
        %dma_wait3A_359 = tpu.memref_slice %arg8[%dma_wait3A_357, %dma_wait3A_358] : memref<16384x128xf32, #tpu.memory_space<hbm>> -> memref<16384x128xf32, #tpu.memory_space<hbm>>
        tpu.wait_indirect_dma semaphore(%arg19 : memref<!tpu.dma_semaphore, #tpu.memory_space<semaphore_mem>>) src(%arg15 : memref<16x128xf32, #tpu.memory_space<vmem>>) dst(%dma_wait3A_359 : memref<16384x128xf32, #tpu.memory_space<hbm>>)
      } else {
      }
      %eq3A_342 = arith.constant 16 : i32
      %eq3A_343 = arith.cmpi eq, %add3A_336, %eq3A_342 : i32
      %jit3A_344 = arith.constant 0 : i32
      %select_n3A_345 = arith.select %eq3A_343, %jit3A_344, %add3A_336 : i32
      scf.yield %select_n3A_345 : i32
    }
    %gt3A = arith.constant 0 : i32
    %gt3A_152 = arith.cmpi sgt, %while3A_151, %gt3A : i32
    %convert_element_type3A = arith.extui %gt3A_152 : i1 to i32
    %cond3A = arith.constant 0 : i32
    %cond3A_153 = arith.cmpi ne, %convert_element_type3A, %cond3A : i32
    scf.if %cond3A_153 {
      %while3A_310 = arith.constant 0 : i32
      %while3A_311 = arith.constant 16 : i32
      %while3A_312 = arith.subi %while3A_311, %while3A_151 : i32
      %while3A_313 = arith.addi %while3A_151, %while3A_312 : i32
      %while3A_314 = arith.constant 1 : i32
      %while3A_315 = arith.divsi %while3A_312, %while3A_314 : i32
      %while3A_316 = arith.muli %while3A_315, %while3A_314 : i32
      %while3A_317 = arith.addi %while3A_151, %while3A_316 : i32
      %while3A_318 = arith.constant 1 : i32
      scf.for %while3A_329 = %while3A_151 to %while3A_317 step %while3A_318  : i32 {
        %sub3A_330 = arith.constant 1 : i32
        %sub3A_331 = arith.subi %while3A_151, %sub3A_330 : i32
        %get3A = arith.index_cast %sub3A_331 : i32 to index
        %get3A_332 = arith.constant 0 : index
        %get3A_333 = tpu.vector_load %arg15[%get3A, %get3A_332] {strides = array<i32>} : memref<16x128xf32, #tpu.memory_space<vmem>>, vector<16xf32>,
        %sub3A_334 = arith.constant 1 : i32
        %sub3A_335 = arith.subi %while3A_151, %sub3A_334 : i32
        %get3A_336 = arith.index_cast %sub3A_335 : i32 to index
        %get3A_337 = arith.constant 16 : index
        %get3A_338 = tpu.vector_load %arg15[%get3A_336, %get3A_337] {strides = array<i32>} : memref<16x128xf32, #tpu.memory_space<vmem>>, vector<16xf32>,
        %swap3A = arith.index_cast %while3A_329 : i32 to index
        %swap3A_339 = arith.constant 0 : index
        %swap3A_340 = tpu.vector_load %arg15[%swap3A, %swap3A_339] {strides = array<i32>} : memref<16x128xf32, #tpu.memory_space<vmem>>, vector<16xf32>,
        tpu.vector_store %arg15[%swap3A, %swap3A_339], %get3A_333 {strides = array<i32>} : memref<16x128xf32, #tpu.memory_space<vmem>>, vector<16xf32>,
        %swap3A_341 = arith.index_cast %while3A_329 : i32 to index
        %swap3A_342 = arith.constant 16 : index
        %swap3A_343 = tpu.vector_load %arg15[%swap3A_341, %swap3A_342] {strides = array<i32>} : memref<16x128xf32, #tpu.memory_space<vmem>>, vector<16xf32>,
        tpu.vector_store %arg15[%swap3A_341, %swap3A_342], %get3A_338 {strides = array<i32>} : memref<16x128xf32, #tpu.memory_space<vmem>>, vector<16xf32>,
        %sub3A_344 = arith.constant 1 : i32
        %sub3A_345 = arith.subi %while3A_151, %sub3A_344 : i32
        %get3A_346 = arith.index_cast %sub3A_345 : i32 to index
        %get3A_347 = tpu.vector_load %arg16[%get3A_346] {strides = array<i32>} : memref<32xi32, #tpu.memory_space<vmem>>, vector<16xi32>,
        %slice3A = vector.extract_strided_slice %get3A_347 {offsets = [0], sizes = [1], strides = [1]} : vector<16xi32> to vector<1xi32>
        %squeeze3A = vector.extract %slice3A[0] : i32 from vector<1xi32>
        %add3A_348 = vector.broadcast %while3A_329 : i32 to vector<16xi32>
        %add3A_349 = arith.addi %broadcast_in_dim3A_1, %add3A_348 : vector<16xi32>
        %add3A_350 = vector.broadcast %squeeze3A : i32 to vector<16xi32>
        %add3A_351 = arith.addi %broadcast_in_dim3A_1, %add3A_350 : vector<16xi32>
        %eq3A_352 = arith.constant 0 : i32
        %eq3A_353 = vector.broadcast %eq3A_352 : i32 to vector<16xi32>
        %eq3A_354 = arith.cmpi eq, %iota3A, %eq3A_353 : vector<16xi32>
        tpu.vector_store_idx %arg16[%add3A_349], %add3A_351 masked %eq3A_354 : memref<32xi32, #tpu.memory_space<vmem>>[vector<16xi32>], vector<16xi32>, vector<16xi1>
      }
      %while3A_319 = arith.constant 1 : i32
      scf.for %while3A_329 = %while3A_317 to %while3A_313 step %while3A_319  : i32 {
        %sub3A_330 = arith.constant 1 : i32
        %sub3A_331 = arith.subi %while3A_151, %sub3A_330 : i32
        %get3A = arith.index_cast %sub3A_331 : i32 to index
        %get3A_332 = arith.constant 0 : index
        %get3A_333 = tpu.vector_load %arg15[%get3A, %get3A_332] {strides = array<i32>} : memref<16x128xf32, #tpu.memory_space<vmem>>, vector<16xf32>,
        %sub3A_334 = arith.constant 1 : i32
        %sub3A_335 = arith.subi %while3A_151, %sub3A_334 : i32
        %get3A_336 = arith.index_cast %sub3A_335 : i32 to index
        %get3A_337 = arith.constant 16 : index
        %get3A_338 = tpu.vector_load %arg15[%get3A_336, %get3A_337] {strides = array<i32>} : memref<16x128xf32, #tpu.memory_space<vmem>>, vector<16xf32>,
        %swap3A = arith.index_cast %while3A_329 : i32 to index
        %swap3A_339 = arith.constant 0 : index
        %swap3A_340 = tpu.vector_load %arg15[%swap3A, %swap3A_339] {strides = array<i32>} : memref<16x128xf32, #tpu.memory_space<vmem>>, vector<16xf32>,
        tpu.vector_store %arg15[%swap3A, %swap3A_339], %get3A_333 {strides = array<i32>} : memref<16x128xf32, #tpu.memory_space<vmem>>, vector<16xf32>,
        %swap3A_341 = arith.index_cast %while3A_329 : i32 to index
        %swap3A_342 = arith.constant 16 : index
        %swap3A_343 = tpu.vector_load %arg15[%swap3A_341, %swap3A_342] {strides = array<i32>} : memref<16x128xf32, #tpu.memory_space<vmem>>, vector<16xf32>,
        tpu.vector_store %arg15[%swap3A_341, %swap3A_342], %get3A_338 {strides = array<i32>} : memref<16x128xf32, #tpu.memory_space<vmem>>, vector<16xf32>,
        %sub3A_344 = arith.constant 1 : i32
        %sub3A_345 = arith.subi %while3A_151, %sub3A_344 : i32
        %get3A_346 = arith.index_cast %sub3A_345 : i32 to index
        %get3A_347 = tpu.vector_load %arg16[%get3A_346] {strides = array<i32>} : memref<32xi32, #tpu.memory_space<vmem>>, vector<16xi32>,
        %slice3A = vector.extract_strided_slice %get3A_347 {offsets = [0], sizes = [1], strides = [1]} : vector<16xi32> to vector<1xi32>
        %squeeze3A = vector.extract %slice3A[0] : i32 from vector<1xi32>
        %add3A_348 = vector.broadcast %while3A_329 : i32 to vector<16xi32>
        %add3A_349 = arith.addi %broadcast_in_dim3A_1, %add3A_348 : vector<16xi32>
        %add3A_350 = vector.broadcast %squeeze3A : i32 to vector<16xi32>
        %add3A_351 = arith.addi %broadcast_in_dim3A_1, %add3A_350 : vector<16xi32>
        %eq3A_352 = arith.constant 0 : i32
        %eq3A_353 = vector.broadcast %eq3A_352 : i32 to vector<16xi32>
        %eq3A_354 = arith.cmpi eq, %iota3A, %eq3A_353 : vector<16xi32>
        tpu.vector_store_idx %arg16[%add3A_349], %add3A_351 masked %eq3A_354 : memref<32xi32, #tpu.memory_space<vmem>>[vector<16xi32>], vector<16xi32>, vector<16xi1>
      }
      %dma_start3A_320 = arith.constant 0 : i32
      %dma_start3A_321 = tpu.memref_slice %arg16[%dma_start3A_320] : memref<32xi32, #tpu.memory_space<vmem>> -> memref<16xi32, #tpu.memory_space<vmem>>
      %dma_start3A_322 = arith.constant 0 : i32
      %dma_start3A_323 = arith.constant 0 : i32
      %dma_start3A_324 = tpu.memref_slice %arg8[%dma_start3A_322, %dma_start3A_323] : memref<16384x128xf32, #tpu.memory_space<hbm>> -> memref<16384x128xf32, #tpu.memory_space<hbm>>
      tpu.enqueue_indirect_dma source(%arg15 : memref<16x128xf32, #tpu.memory_space<vmem>>) target(%dma_start3A_324 : memref<16384x128xf32, #tpu.memory_space<hbm>>) offsets(%dma_start3A_321 : memref<16xi32, #tpu.memory_space<vmem>>) semaphore(%arg19 : memref<!tpu.dma_semaphore, #tpu.memory_space<semaphore_mem>>)
      %dma_wait3A = arith.constant 0 : i32
      %dma_wait3A_325 = tpu.memref_slice %arg16[%dma_wait3A] : memref<32xi32, #tpu.memory_space<vmem>> -> memref<16xi32, #tpu.memory_space<vmem>>
      %dma_wait3A_326 = arith.constant 0 : i32
      %dma_wait3A_327 = arith.constant 0 : i32
      %dma_wait3A_328 = tpu.memref_slice %arg8[%dma_wait3A_326, %dma_wait3A_327] : memref<16384x128xf32, #tpu.memory_space<hbm>> -> memref<16384x128xf32, #tpu.memory_space<hbm>>
      tpu.wait_indirect_dma semaphore(%arg19 : memref<!tpu.dma_semaphore, #tpu.memory_space<semaphore_mem>>) src(%arg15 : memref<16x128xf32, #tpu.memory_space<vmem>>) dst(%dma_wait3A_328 : memref<16384x128xf32, #tpu.memory_space<hbm>>)
    } else {
    }
    "tpu.region"() ({
      %run_scoped3A_310 = tpu.sem_alloc : memref<!tpu.dma_semaphore, #tpu.memory_space<semaphore_mem>>
      tpu.enqueue_dma source(%arg3 : memref<16384xi32, #tpu.memory_space<hbm>>) target(%arg10 : memref<16384xi32, #tpu.memory_space<vmem>>) target_semaphore(%run_scoped3A_310 : memref<!tpu.dma_semaphore, #tpu.memory_space<semaphore_mem>>)
      tpu.wait_dma2 semaphore(%run_scoped3A_310 : memref<!tpu.dma_semaphore, #tpu.memory_space<semaphore_mem>>) src(%arg3 : memref<16384xi32, #tpu.memory_space<hbm>>) dst(%arg10 : memref<16384xi32, #tpu.memory_space<vmem>>)
      tpu.yield
    }) : () -> ()
    %run_scoped3A_154 = arith.constant 0 : i32
    %run_scoped3A_155 = arith.constant 0 : i32
    "tpu.region"() ({
      %run_scoped3A_310 = tpu.sem_alloc : memref<!tpu.dma_semaphore, #tpu.memory_space<semaphore_mem>>
      %dma_start3A_311 = arith.constant 0 : i32
      %dma_start3A_312 = arith.constant 0 : i32
      %dma_start3A_313 = tpu.memref_slice %arg14[%run_scoped3A_155, %dma_start3A_311, %dma_start3A_312] : memref<4x8x128xf32, #tpu.memory_space<vmem>> -> memref<1x8x128xf32, #tpu.memory_space<vmem>>
      %dma_start3A_314 = tpu.memref_squeeze %dma_start3A_313 : memref<1x8x128xf32, #tpu.memory_space<vmem>> -> memref<8x128xf32, #tpu.memory_space<vmem>>
      %dma_start3A_315 = arith.constant 0 : i32
      %dma_start3A_316 = arith.constant 0 : i32
      %dma_start3A_317 = tpu.memref_slice %arg7[%run_scoped3A_154, %dma_start3A_315, %dma_start3A_316] : memref<1x32x128xf32, #tpu.memory_space<hbm>> -> memref<1x8x128xf32, #tpu.memory_space<hbm>>
      %dma_start3A_318 = tpu.memref_squeeze %dma_start3A_317 : memref<1x8x128xf32, #tpu.memory_space<hbm>> -> memref<8x128xf32, #tpu.memory_space<hbm>>
      %dma_start3A_319 = arith.constant 0 : i32
      %dma_start3A_320 = arith.constant 0 : i32
      %dma_start3A_321 = tpu.memref_slice %arg14[%run_scoped3A_155, %dma_start3A_319, %dma_start3A_320] : memref<4x8x128xf32, #tpu.memory_space<vmem>> -> memref<1x8x128xf32, #tpu.memory_space<vmem>>
      %dma_start3A_322 = tpu.memref_squeeze %dma_start3A_321 : memref<1x8x128xf32, #tpu.memory_space<vmem>> -> memref<8x128xf32, #tpu.memory_space<vmem>>
      %dma_start3A_323 = arith.constant 0 : i32
      %dma_start3A_324 = arith.constant 0 : i32
      %dma_start3A_325 = tpu.memref_slice %arg7[%run_scoped3A_154, %dma_start3A_323, %dma_start3A_324] : memref<1x32x128xf32, #tpu.memory_space<hbm>> -> memref<1x8x128xf32, #tpu.memory_space<hbm>>
      %dma_start3A_326 = tpu.memref_squeeze %dma_start3A_325 : memref<1x8x128xf32, #tpu.memory_space<hbm>> -> memref<8x128xf32, #tpu.memory_space<hbm>>
      tpu.enqueue_dma source(%dma_start3A_326 : memref<8x128xf32, #tpu.memory_space<hbm>>) target(%dma_start3A_322 : memref<8x128xf32, #tpu.memory_space<vmem>>) target_semaphore(%run_scoped3A_310 : memref<!tpu.dma_semaphore, #tpu.memory_space<semaphore_mem>>)
      %dma_wait3A = arith.constant 0 : i32
      %dma_wait3A_327 = arith.constant 0 : i32
      %dma_wait3A_328 = tpu.memref_slice %arg14[%run_scoped3A_155, %dma_wait3A, %dma_wait3A_327] : memref<4x8x128xf32, #tpu.memory_space<vmem>> -> memref<1x8x128xf32, #tpu.memory_space<vmem>>
      %dma_wait3A_329 = tpu.memref_squeeze %dma_wait3A_328 : memref<1x8x128xf32, #tpu.memory_space<vmem>> -> memref<8x128xf32, #tpu.memory_space<vmem>>
      %dma_wait3A_330 = arith.constant 0 : i32
      %dma_wait3A_331 = arith.constant 0 : i32
      %dma_wait3A_332 = tpu.memref_slice %arg7[%run_scoped3A_154, %dma_wait3A_330, %dma_wait3A_331] : memref<1x32x128xf32, #tpu.memory_space<hbm>> -> memref<1x8x128xf32, #tpu.memory_space<hbm>>
      %dma_wait3A_333 = tpu.memref_squeeze %dma_wait3A_332 : memref<1x8x128xf32, #tpu.memory_space<hbm>> -> memref<8x128xf32, #tpu.memory_space<hbm>>
      %dma_wait3A_334 = arith.constant 0 : i32
      %dma_wait3A_335 = arith.constant 0 : i32
      %dma_wait3A_336 = tpu.memref_slice %arg14[%run_scoped3A_155, %dma_wait3A_334, %dma_wait3A_335] : memref<4x8x128xf32, #tpu.memory_space<vmem>> -> memref<1x8x128xf32, #tpu.memory_space<vmem>>
      %dma_wait3A_337 = tpu.memref_squeeze %dma_wait3A_336 : memref<1x8x128xf32, #tpu.memory_space<vmem>> -> memref<8x128xf32, #tpu.memory_space<vmem>>
      %dma_wait3A_338 = arith.constant 0 : i32
      %dma_wait3A_339 = arith.constant 0 : i32
      %dma_wait3A_340 = tpu.memref_slice %arg7[%run_scoped3A_154, %dma_wait3A_338, %dma_wait3A_339] : memref<1x32x128xf32, #tpu.memory_space<hbm>> -> memref<1x8x128xf32, #tpu.memory_space<hbm>>
      %dma_wait3A_341 = tpu.memref_squeeze %dma_wait3A_340 : memref<1x8x128xf32, #tpu.memory_space<hbm>> -> memref<8x128xf32, #tpu.memory_space<hbm>>
      tpu.wait_dma2 semaphore(%run_scoped3A_310 : memref<!tpu.dma_semaphore, #tpu.memory_space<semaphore_mem>>) src(%dma_wait3A_341 : memref<8x128xf32, #tpu.memory_space<hbm>>) dst(%dma_wait3A_337 : memref<8x128xf32, #tpu.memory_space<vmem>>)
      tpu.yield
    }) : () -> ()
    %run_scoped3A_156 = arith.constant 0 : i32
    %run_scoped3A_157 = arith.constant 1 : i32
    "tpu.region"() ({
      %run_scoped3A_310 = tpu.sem_alloc : memref<!tpu.dma_semaphore, #tpu.memory_space<semaphore_mem>>
      %dma_start3A_311 = arith.constant 0 : i32
      %dma_start3A_312 = arith.constant 0 : i32
      %dma_start3A_313 = tpu.memref_slice %arg14[%run_scoped3A_157, %dma_start3A_311, %dma_start3A_312] : memref<4x8x128xf32, #tpu.memory_space<vmem>> -> memref<1x8x128xf32, #tpu.memory_space<vmem>>
      %dma_start3A_314 = tpu.memref_squeeze %dma_start3A_313 : memref<1x8x128xf32, #tpu.memory_space<vmem>> -> memref<8x128xf32, #tpu.memory_space<vmem>>
      %dma_start3A_315 = arith.constant 8 : i32
      %dma_start3A_316 = arith.constant 0 : i32
      %dma_start3A_317 = tpu.memref_slice %arg7[%run_scoped3A_156, %dma_start3A_315, %dma_start3A_316] : memref<1x32x128xf32, #tpu.memory_space<hbm>> -> memref<1x8x128xf32, #tpu.memory_space<hbm>>
      %dma_start3A_318 = tpu.memref_squeeze %dma_start3A_317 : memref<1x8x128xf32, #tpu.memory_space<hbm>> -> memref<8x128xf32, #tpu.memory_space<hbm>>
      %dma_start3A_319 = arith.constant 0 : i32
      %dma_start3A_320 = arith.constant 0 : i32
      %dma_start3A_321 = tpu.memref_slice %arg14[%run_scoped3A_157, %dma_start3A_319, %dma_start3A_320] : memref<4x8x128xf32, #tpu.memory_space<vmem>> -> memref<1x8x128xf32, #tpu.memory_space<vmem>>
      %dma_start3A_322 = tpu.memref_squeeze %dma_start3A_321 : memref<1x8x128xf32, #tpu.memory_space<vmem>> -> memref<8x128xf32, #tpu.memory_space<vmem>>
      %dma_start3A_323 = arith.constant 8 : i32
      %dma_start3A_324 = arith.constant 0 : i32
      %dma_start3A_325 = tpu.memref_slice %arg7[%run_scoped3A_156, %dma_start3A_323, %dma_start3A_324] : memref<1x32x128xf32, #tpu.memory_space<hbm>> -> memref<1x8x128xf32, #tpu.memory_space<hbm>>
      %dma_start3A_326 = tpu.memref_squeeze %dma_start3A_325 : memref<1x8x128xf32, #tpu.memory_space<hbm>> -> memref<8x128xf32, #tpu.memory_space<hbm>>
      tpu.enqueue_dma source(%dma_start3A_326 : memref<8x128xf32, #tpu.memory_space<hbm>>) target(%dma_start3A_322 : memref<8x128xf32, #tpu.memory_space<vmem>>) target_semaphore(%run_scoped3A_310 : memref<!tpu.dma_semaphore, #tpu.memory_space<semaphore_mem>>)
      %dma_wait3A = arith.constant 0 : i32
      %dma_wait3A_327 = arith.constant 0 : i32
      %dma_wait3A_328 = tpu.memref_slice %arg14[%run_scoped3A_157, %dma_wait3A, %dma_wait3A_327] : memref<4x8x128xf32, #tpu.memory_space<vmem>> -> memref<1x8x128xf32, #tpu.memory_space<vmem>>
      %dma_wait3A_329 = tpu.memref_squeeze %dma_wait3A_328 : memref<1x8x128xf32, #tpu.memory_space<vmem>> -> memref<8x128xf32, #tpu.memory_space<vmem>>
      %dma_wait3A_330 = arith.constant 8 : i32
      %dma_wait3A_331 = arith.constant 0 : i32
      %dma_wait3A_332 = tpu.memref_slice %arg7[%run_scoped3A_156, %dma_wait3A_330, %dma_wait3A_331] : memref<1x32x128xf32, #tpu.memory_space<hbm>> -> memref<1x8x128xf32, #tpu.memory_space<hbm>>
      %dma_wait3A_333 = tpu.memref_squeeze %dma_wait3A_332 : memref<1x8x128xf32, #tpu.memory_space<hbm>> -> memref<8x128xf32, #tpu.memory_space<hbm>>
      %dma_wait3A_334 = arith.constant 0 : i32
      %dma_wait3A_335 = arith.constant 0 : i32
      %dma_wait3A_336 = tpu.memref_slice %arg14[%run_scoped3A_157, %dma_wait3A_334, %dma_wait3A_335] : memref<4x8x128xf32, #tpu.memory_space<vmem>> -> memref<1x8x128xf32, #tpu.memory_space<vmem>>
      %dma_wait3A_337 = tpu.memref_squeeze %dma_wait3A_336 : memref<1x8x128xf32, #tpu.memory_space<vmem>> -> memref<8x128xf32, #tpu.memory_space<vmem>>
      %dma_wait3A_338 = arith.constant 8 : i32
      %dma_wait3A_339 = arith.constant 0 : i32
      %dma_wait3A_340 = tpu.memref_slice %arg7[%run_scoped3A_156, %dma_wait3A_338, %dma_wait3A_339] : memref<1x32x128xf32, #tpu.memory_space<hbm>> -> memref<1x8x128xf32, #tpu.memory_space<hbm>>
      %dma_wait3A_341 = tpu.memref_squeeze %dma_wait3A_340 : memref<1x8x128xf32, #tpu.memory_space<hbm>> -> memref<8x128xf32, #tpu.memory_space<hbm>>
      tpu.wait_dma2 semaphore(%run_scoped3A_310 : memref<!tpu.dma_semaphore, #tpu.memory_space<semaphore_mem>>) src(%dma_wait3A_341 : memref<8x128xf32, #tpu.memory_space<hbm>>) dst(%dma_wait3A_337 : memref<8x128xf32, #tpu.memory_space<vmem>>)
      tpu.yield
    }) : () -> ()
    %run_scoped3A_158 = arith.constant 0 : i32
    %run_scoped3A_159 = arith.constant 2 : i32
    "tpu.region"() ({
      %run_scoped3A_310 = tpu.sem_alloc : memref<!tpu.dma_semaphore, #tpu.memory_space<semaphore_mem>>
      %dma_start3A_311 = arith.constant 0 : i32
      %dma_start3A_312 = arith.constant 0 : i32
      %dma_start3A_313 = tpu.memref_slice %arg14[%run_scoped3A_159, %dma_start3A_311, %dma_start3A_312] : memref<4x8x128xf32, #tpu.memory_space<vmem>> -> memref<1x8x128xf32, #tpu.memory_space<vmem>>
      %dma_start3A_314 = tpu.memref_squeeze %dma_start3A_313 : memref<1x8x128xf32, #tpu.memory_space<vmem>> -> memref<8x128xf32, #tpu.memory_space<vmem>>
      %dma_start3A_315 = arith.constant 16 : i32
      %dma_start3A_316 = arith.constant 0 : i32
      %dma_start3A_317 = tpu.memref_slice %arg7[%run_scoped3A_158, %dma_start3A_315, %dma_start3A_316] : memref<1x32x128xf32, #tpu.memory_space<hbm>> -> memref<1x8x128xf32, #tpu.memory_space<hbm>>
      %dma_start3A_318 = tpu.memref_squeeze %dma_start3A_317 : memref<1x8x128xf32, #tpu.memory_space<hbm>> -> memref<8x128xf32, #tpu.memory_space<hbm>>
      %dma_start3A_319 = arith.constant 0 : i32
      %dma_start3A_320 = arith.constant 0 : i32
      %dma_start3A_321 = tpu.memref_slice %arg14[%run_scoped3A_159, %dma_start3A_319, %dma_start3A_320] : memref<4x8x128xf32, #tpu.memory_space<vmem>> -> memref<1x8x128xf32, #tpu.memory_space<vmem>>
      %dma_start3A_322 = tpu.memref_squeeze %dma_start3A_321 : memref<1x8x128xf32, #tpu.memory_space<vmem>> -> memref<8x128xf32, #tpu.memory_space<vmem>>
      %dma_start3A_323 = arith.constant 16 : i32
      %dma_start3A_324 = arith.constant 0 : i32
      %dma_start3A_325 = tpu.memref_slice %arg7[%run_scoped3A_158, %dma_start3A_323, %dma_start3A_324] : memref<1x32x128xf32, #tpu.memory_space<hbm>> -> memref<1x8x128xf32, #tpu.memory_space<hbm>>
      %dma_start3A_326 = tpu.memref_squeeze %dma_start3A_325 : memref<1x8x128xf32, #tpu.memory_space<hbm>> -> memref<8x128xf32, #tpu.memory_space<hbm>>
      tpu.enqueue_dma source(%dma_start3A_326 : memref<8x128xf32, #tpu.memory_space<hbm>>) target(%dma_start3A_322 : memref<8x128xf32, #tpu.memory_space<vmem>>) target_semaphore(%run_scoped3A_310 : memref<!tpu.dma_semaphore, #tpu.memory_space<semaphore_mem>>)
      %dma_wait3A = arith.constant 0 : i32
      %dma_wait3A_327 = arith.constant 0 : i32
      %dma_wait3A_328 = tpu.memref_slice %arg14[%run_scoped3A_159, %dma_wait3A, %dma_wait3A_327] : memref<4x8x128xf32, #tpu.memory_space<vmem>> -> memref<1x8x128xf32, #tpu.memory_space<vmem>>
      %dma_wait3A_329 = tpu.memref_squeeze %dma_wait3A_328 : memref<1x8x128xf32, #tpu.memory_space<vmem>> -> memref<8x128xf32, #tpu.memory_space<vmem>>
      %dma_wait3A_330 = arith.constant 16 : i32
      %dma_wait3A_331 = arith.constant 0 : i32
      %dma_wait3A_332 = tpu.memref_slice %arg7[%run_scoped3A_158, %dma_wait3A_330, %dma_wait3A_331] : memref<1x32x128xf32, #tpu.memory_space<hbm>> -> memref<1x8x128xf32, #tpu.memory_space<hbm>>
      %dma_wait3A_333 = tpu.memref_squeeze %dma_wait3A_332 : memref<1x8x128xf32, #tpu.memory_space<hbm>> -> memref<8x128xf32, #tpu.memory_space<hbm>>
      %dma_wait3A_334 = arith.constant 0 : i32
      %dma_wait3A_335 = arith.constant 0 : i32
      %dma_wait3A_336 = tpu.memref_slice %arg14[%run_scoped3A_159, %dma_wait3A_334, %dma_wait3A_335] : memref<4x8x128xf32, #tpu.memory_space<vmem>> -> memref<1x8x128xf32, #tpu.memory_space<vmem>>
      %dma_wait3A_337 = tpu.memref_squeeze %dma_wait3A_336 : memref<1x8x128xf32, #tpu.memory_space<vmem>> -> memref<8x128xf32, #tpu.memory_space<vmem>>
      %dma_wait3A_338 = arith.constant 16 : i32
      %dma_wait3A_339 = arith.constant 0 : i32
      %dma_wait3A_340 = tpu.memref_slice %arg7[%run_scoped3A_158, %dma_wait3A_338, %dma_wait3A_339] : memref<1x32x128xf32, #tpu.memory_space<hbm>> -> memref<1x8x128xf32, #tpu.memory_space<hbm>>
      %dma_wait3A_341 = tpu.memref_squeeze %dma_wait3A_340 : memref<1x8x128xf32, #tpu.memory_space<hbm>> -> memref<8x128xf32, #tpu.memory_space<hbm>>
      tpu.wait_dma2 semaphore(%run_scoped3A_310 : memref<!tpu.dma_semaphore, #tpu.memory_space<semaphore_mem>>) src(%dma_wait3A_341 : memref<8x128xf32, #tpu.memory_space<hbm>>) dst(%dma_wait3A_337 : memref<8x128xf32, #tpu.memory_space<vmem>>)
      tpu.yield
    }) : () -> ()
    %run_scoped3A_160 = arith.constant 0 : i32
    %run_scoped3A_161 = arith.constant 3 : i32
    "tpu.region"() ({
      %run_scoped3A_310 = tpu.sem_alloc : memref<!tpu.dma_semaphore, #tpu.memory_space<semaphore_mem>>
      %dma_start3A_311 = arith.constant 0 : i32
      %dma_start3A_312 = arith.constant 0 : i32
      %dma_start3A_313 = tpu.memref_slice %arg14[%run_scoped3A_161, %dma_start3A_311, %dma_start3A_312] : memref<4x8x128xf32, #tpu.memory_space<vmem>> -> memref<1x8x128xf32, #tpu.memory_space<vmem>>
      %dma_start3A_314 = tpu.memref_squeeze %dma_start3A_313 : memref<1x8x128xf32, #tpu.memory_space<vmem>> -> memref<8x128xf32, #tpu.memory_space<vmem>>
      %dma_start3A_315 = arith.constant 24 : i32
      %dma_start3A_316 = arith.constant 0 : i32
      %dma_start3A_317 = tpu.memref_slice %arg7[%run_scoped3A_160, %dma_start3A_315, %dma_start3A_316] : memref<1x32x128xf32, #tpu.memory_space<hbm>> -> memref<1x8x128xf32, #tpu.memory_space<hbm>>
      %dma_start3A_318 = tpu.memref_squeeze %dma_start3A_317 : memref<1x8x128xf32, #tpu.memory_space<hbm>> -> memref<8x128xf32, #tpu.memory_space<hbm>>
      %dma_start3A_319 = arith.constant 0 : i32
      %dma_start3A_320 = arith.constant 0 : i32
      %dma_start3A_321 = tpu.memref_slice %arg14[%run_scoped3A_161, %dma_start3A_319, %dma_start3A_320] : memref<4x8x128xf32, #tpu.memory_space<vmem>> -> memref<1x8x128xf32, #tpu.memory_space<vmem>>
      %dma_start3A_322 = tpu.memref_squeeze %dma_start3A_321 : memref<1x8x128xf32, #tpu.memory_space<vmem>> -> memref<8x128xf32, #tpu.memory_space<vmem>>
      %dma_start3A_323 = arith.constant 24 : i32
      %dma_start3A_324 = arith.constant 0 : i32
      %dma_start3A_325 = tpu.memref_slice %arg7[%run_scoped3A_160, %dma_start3A_323, %dma_start3A_324] : memref<1x32x128xf32, #tpu.memory_space<hbm>> -> memref<1x8x128xf32, #tpu.memory_space<hbm>>
      %dma_start3A_326 = tpu.memref_squeeze %dma_start3A_325 : memref<1x8x128xf32, #tpu.memory_space<hbm>> -> memref<8x128xf32, #tpu.memory_space<hbm>>
      tpu.enqueue_dma source(%dma_start3A_326 : memref<8x128xf32, #tpu.memory_space<hbm>>) target(%dma_start3A_322 : memref<8x128xf32, #tpu.memory_space<vmem>>) target_semaphore(%run_scoped3A_310 : memref<!tpu.dma_semaphore, #tpu.memory_space<semaphore_mem>>)
      %dma_wait3A = arith.constant 0 : i32
      %dma_wait3A_327 = arith.constant 0 : i32
      %dma_wait3A_328 = tpu.memref_slice %arg14[%run_scoped3A_161, %dma_wait3A, %dma_wait3A_327] : memref<4x8x128xf32, #tpu.memory_space<vmem>> -> memref<1x8x128xf32, #tpu.memory_space<vmem>>
      %dma_wait3A_329 = tpu.memref_squeeze %dma_wait3A_328 : memref<1x8x128xf32, #tpu.memory_space<vmem>> -> memref<8x128xf32, #tpu.memory_space<vmem>>
      %dma_wait3A_330 = arith.constant 24 : i32
      %dma_wait3A_331 = arith.constant 0 : i32
      %dma_wait3A_332 = tpu.memref_slice %arg7[%run_scoped3A_160, %dma_wait3A_330, %dma_wait3A_331] : memref<1x32x128xf32, #tpu.memory_space<hbm>> -> memref<1x8x128xf32, #tpu.memory_space<hbm>>
      %dma_wait3A_333 = tpu.memref_squeeze %dma_wait3A_332 : memref<1x8x128xf32, #tpu.memory_space<hbm>> -> memref<8x128xf32, #tpu.memory_space<hbm>>
      %dma_wait3A_334 = arith.constant 0 : i32
      %dma_wait3A_335 = arith.constant 0 : i32
      %dma_wait3A_336 = tpu.memref_slice %arg14[%run_scoped3A_161, %dma_wait3A_334, %dma_wait3A_335] : memref<4x8x128xf32, #tpu.memory_space<vmem>> -> memref<1x8x128xf32, #tpu.memory_space<vmem>>
      %dma_wait3A_337 = tpu.memref_squeeze %dma_wait3A_336 : memref<1x8x128xf32, #tpu.memory_space<vmem>> -> memref<8x128xf32, #tpu.memory_space<vmem>>
      %dma_wait3A_338 = arith.constant 24 : i32
      %dma_wait3A_339 = arith.constant 0 : i32
      %dma_wait3A_340 = tpu.memref_slice %arg7[%run_scoped3A_160, %dma_wait3A_338, %dma_wait3A_339] : memref<1x32x128xf32, #tpu.memory_space<hbm>> -> memref<1x8x128xf32, #tpu.memory_space<hbm>>
      %dma_wait3A_341 = tpu.memref_squeeze %dma_wait3A_340 : memref<1x8x128xf32, #tpu.memory_space<hbm>> -> memref<8x128xf32, #tpu.memory_space<hbm>>
      tpu.wait_dma2 semaphore(%run_scoped3A_310 : memref<!tpu.dma_semaphore, #tpu.memory_space<semaphore_mem>>) src(%dma_wait3A_341 : memref<8x128xf32, #tpu.memory_space<hbm>>) dst(%dma_wait3A_337 : memref<8x128xf32, #tpu.memory_space<vmem>>)
      tpu.yield
    }) : () -> ()
    %scan3A_162 = arith.constant 0 : i32
    %scan3A_163 = arith.constant 0 : i32
    %scan3A_164 = arith.constant 1024 : i32
    %scan3A_165 = arith.addi %scan3A_163, %scan3A_164 : i32
    %scan3A_166 = arith.constant 1 : i32
    %scan3A_167 = scf.for %scan3A_310 = %scan3A_163 to %scan3A_165 step %scan3A_166 iter_args(%scan3A_311 = %scan3A_162) -> (i32)  : i32 {
      %mul3A_312 = arith.constant 16 : i32
      %mul3A_313 = arith.muli %scan3A_310, %mul3A_312 : i32
      %get3A = arith.index_cast %mul3A_313 : i32 to index
      %get3A_314 = tpu.vector_load %arg10[%get3A] {strides = array<i32>} : memref<16384xi32, #tpu.memory_space<vmem>>, vector<16xi32>,
      %ge3A = vector.broadcast %mul3A_7 : i32 to vector<16xi32>
      %ge3A_315 = arith.cmpi sge, %get3A_314, %ge3A : vector<16xi32>
      %lt3A = vector.broadcast %select_n3A : i32 to vector<16xi32>
      %lt3A_316 = arith.cmpi slt, %get3A_314, %lt3A : vector<16xi32>
      %and3A_317 = arith.andi %ge3A_315, %lt3A_316 : vector<16xi1>
      %sub3A_318 = vector.broadcast %mul3A_7 : i32 to vector<16xi32>
      %sub3A_319 = arith.subi %get3A_314, %sub3A_318 : vector<16xi32>
      %shift_left3A = arith.constant 14 : i32
      %shift_left3A_320 = vector.broadcast %shift_left3A : i32 to vector<16xi32>
      %shift_left3A_321 = arith.shli %sub3A_319, %shift_left3A_320 : vector<16xi32>
      %mul3A_322 = arith.constant 16 : i32
      %mul3A_323 = arith.muli %scan3A_310, %mul3A_322 : i32
      %add3A_324 = vector.broadcast %mul3A_323 : i32 to vector<16xi32>
      %add3A_325 = arith.addi %add3A_324, %iota3A : vector<16xi32>
      %or3A = arith.ori %shift_left3A_321, %add3A_325 : vector<16xi32>
      %swap3A = arith.index_cast %scan3A_311 : i32 to index
      %swap3A_326 = tpu.vector_load %arg11[%swap3A] masked %and3A_317 {strides = array<i32>} : memref<16384xi32, #tpu.memory_space<vmem>>, vector<16xi32>, vector<16xi1>
      tpu.vector_store %arg11[%swap3A], %or3A masked %and3A_317 {strides = array<i32>} : memref<16384xi32, #tpu.memory_space<vmem>>, vector<16xi32>, vector<16xi1>
      %convert_element_type3A_327 = arith.extui %and3A_317 : vector<16xi1> to vector<16xi32>
      %reduce_sum3A = arith.constant true
      %reduce_sum3A_328 = vector.broadcast %reduce_sum3A : i1 to vector<16xi1>
      %reduce_sum3A_329 = tpu.scan <sum>, %convert_element_type3A_327 masked %reduce_sum3A_328 : vector<16xi32>, vector<16xi1> -> vector<16xi32>
      %reduce_sum3A_330 = vector.extract %reduce_sum3A_329[15] : i32 from vector<16xi32>
      %add3A_331 = arith.addi %scan3A_311, %reduce_sum3A_330 : i32
      scf.yield %add3A_331 : i32
    }
    %scan3A_168 = arith.constant 1024 : i32
    %add3A_169 = arith.constant 16 : i32
    %add3A_170 = arith.addi %scan3A_167, %add3A_169 : i32
    %sub3A_171 = arith.constant 1 : i32
    %sub3A_172 = arith.subi %add3A_170, %sub3A_171 : i32
    %jit3A_173 = arith.constant 16 : i32
    %div3A_174 = arith.divsi %sub3A_172, %jit3A_173 : i32
    %sign3A_175 = arith.constant 0 : i32
    %sign3A_176 = arith.cmpi sgt, %sub3A_172, %sign3A_175 : i32
    %sign3A_177 = arith.extui %sign3A_176 : i1 to i32
    %sign3A_178 = arith.constant 0 : i32
    %sign3A_179 = arith.cmpi slt, %sub3A_172, %sign3A_178 : i32
    %sign3A_180 = arith.extui %sign3A_179 : i1 to i32
    %sign3A_181 = arith.subi %sign3A_177, %sign3A_180 : i32
    %sign3A_182 = arith.constant 0 : i32
    %sign3A_183 = arith.cmpi sgt, %jit3A_173, %sign3A_182 : i32
    %sign3A_184 = arith.extui %sign3A_183 : i1 to i32
    %sign3A_185 = arith.constant 0 : i32
    %sign3A_186 = arith.cmpi slt, %jit3A_173, %sign3A_185 : i32
    %sign3A_187 = arith.extui %sign3A_186 : i1 to i32
    %sign3A_188 = arith.subi %sign3A_184, %sign3A_187 : i32
    %ne3A_189 = arith.cmpi ne, %sign3A_181, %sign3A_188 : i32
    %rem3A_190 = arith.remsi %sub3A_172, %jit3A_173 : i32
    %ne3A_191 = arith.constant 0 : i32
    %ne3A_192 = arith.cmpi ne, %rem3A_190, %ne3A_191 : i32
    %and3A_193 = arith.andi %ne3A_189, %ne3A_192 : i1
    %sub3A_194 = arith.constant 1 : i32
    %sub3A_195 = arith.subi %div3A_174, %sub3A_194 : i32
    %select_n3A_196 = arith.select %and3A_193, %sub3A_195, %div3A_174 : i32
    %jit3A_197 = arith.constant true
    %jit3A_198 = arith.constant 0 : i32
    %jit3A_199 = arith.constant 0 : i32
    %select_n3A_200 = arith.select %jit3A_197, %jit3A_198, %jit3A_199 : i32
    %mul3A_201 = arith.constant 1024 : i32
    %mul3A_202 = arith.muli %select_n3A_200, %mul3A_201 : i32
    %add3A_203 = arith.addi %mul3A_7, %mul3A_202 : i32
    %multiple_of3A_204 = tpu.assume_multiple %add3A_203, 128 : i32
    %dma_start3A_205 = arith.constant 0 : i32
    %dma_start3A_206 = arith.constant 0 : i32
    %dma_start3A_207 = arith.constant 0 : i32
    %dma_start3A_208 = arith.constant 0 : i32
    %dma_start3A_209 = arith.constant 0 : i32
    %dma_start3A_210 = tpu.memref_slice %arg13[%dma_start3A_206, %dma_start3A_207, %dma_start3A_208, %dma_start3A_209] : memref<2x4x8x1024xf32, #tpu.memory_space<vmem>> -> memref<1x1x8x1024xf32, #tpu.memory_space<vmem>>
    %dma_start3A_211 = tpu.memref_squeeze %dma_start3A_210 : memref<1x1x8x1024xf32, #tpu.memory_space<vmem>> -> memref<8x1024xf32, #tpu.memory_space<vmem>>
    %dma_start3A_212 = arith.constant 0 : i32
    %dma_start3A_213 = tpu.memref_slice %arg5[%dma_start3A_205, %dma_start3A_212, %multiple_of3A_204] : memref<1x32x1000000xf32, #tpu.memory_space<hbm>> -> memref<1x8x1024xf32, #tpu.memory_space<hbm>>
    %dma_start3A_214 = tpu.memref_squeeze %dma_start3A_213 : memref<1x8x1024xf32, #tpu.memory_space<hbm>> -> memref<8x1024xf32, #tpu.memory_space<hbm>>
    %dma_start3A_215 = arith.constant 0 : i32
    %dma_start3A_216 = arith.constant 0 : i32
    %dma_start3A_217 = tpu.memref_slice %arg13[%dma_start3A_206, %dma_start3A_207, %dma_start3A_215, %dma_start3A_216] : memref<2x4x8x1024xf32, #tpu.memory_space<vmem>> -> memref<1x1x8x1024xf32, #tpu.memory_space<vmem>>
    %dma_start3A_218 = tpu.memref_squeeze %dma_start3A_217 : memref<1x1x8x1024xf32, #tpu.memory_space<vmem>> -> memref<8x1024xf32, #tpu.memory_space<vmem>>
    %dma_start3A_219 = arith.constant 0 : i32
    %dma_start3A_220 = tpu.memref_slice %arg5[%dma_start3A_205, %dma_start3A_219, %multiple_of3A_204] : memref<1x32x1000000xf32, #tpu.memory_space<hbm>> -> memref<1x8x1024xf32, #tpu.memory_space<hbm>>
    %dma_start3A_221 = tpu.memref_squeeze %dma_start3A_220 : memref<1x8x1024xf32, #tpu.memory_space<hbm>> -> memref<8x1024xf32, #tpu.memory_space<hbm>>
    tpu.enqueue_dma source(%dma_start3A_221 : memref<8x1024xf32, #tpu.memory_space<hbm>>) target(%dma_start3A_218 : memref<8x1024xf32, #tpu.memory_space<vmem>>) target_semaphore(%arg17 : memref<!tpu.dma_semaphore, #tpu.memory_space<semaphore_mem>>)
    %dma_start3A_222 = arith.constant 0 : i32
    %dma_start3A_223 = arith.constant 0 : i32
    %dma_start3A_224 = arith.constant 1 : i32
    %dma_start3A_225 = arith.constant 0 : i32
    %dma_start3A_226 = arith.constant 0 : i32
    %dma_start3A_227 = tpu.memref_slice %arg13[%dma_start3A_223, %dma_start3A_224, %dma_start3A_225, %dma_start3A_226] : memref<2x4x8x1024xf32, #tpu.memory_space<vmem>> -> memref<1x1x8x1024xf32, #tpu.memory_space<vmem>>
    %dma_start3A_228 = tpu.memref_squeeze %dma_start3A_227 : memref<1x1x8x1024xf32, #tpu.memory_space<vmem>> -> memref<8x1024xf32, #tpu.memory_space<vmem>>
    %dma_start3A_229 = arith.constant 8 : i32
    %dma_start3A_230 = tpu.memref_slice %arg5[%dma_start3A_222, %dma_start3A_229, %multiple_of3A_204] : memref<1x32x1000000xf32, #tpu.memory_space<hbm>> -> memref<1x8x1024xf32, #tpu.memory_space<hbm>>
    %dma_start3A_231 = tpu.memref_squeeze %dma_start3A_230 : memref<1x8x1024xf32, #tpu.memory_space<hbm>> -> memref<8x1024xf32, #tpu.memory_space<hbm>>
    %dma_start3A_232 = arith.constant 0 : i32
    %dma_start3A_233 = arith.constant 0 : i32
    %dma_start3A_234 = tpu.memref_slice %arg13[%dma_start3A_223, %dma_start3A_224, %dma_start3A_232, %dma_start3A_233] : memref<2x4x8x1024xf32, #tpu.memory_space<vmem>> -> memref<1x1x8x1024xf32, #tpu.memory_space<vmem>>
    %dma_start3A_235 = tpu.memref_squeeze %dma_start3A_234 : memref<1x1x8x1024xf32, #tpu.memory_space<vmem>> -> memref<8x1024xf32, #tpu.memory_space<vmem>>
    %dma_start3A_236 = arith.constant 8 : i32
    %dma_start3A_237 = tpu.memref_slice %arg5[%dma_start3A_222, %dma_start3A_236, %multiple_of3A_204] : memref<1x32x1000000xf32, #tpu.memory_space<hbm>> -> memref<1x8x1024xf32, #tpu.memory_space<hbm>>
    %dma_start3A_238 = tpu.memref_squeeze %dma_start3A_237 : memref<1x8x1024xf32, #tpu.memory_space<hbm>> -> memref<8x1024xf32, #tpu.memory_space<hbm>>
    tpu.enqueue_dma source(%dma_start3A_238 : memref<8x1024xf32, #tpu.memory_space<hbm>>) target(%dma_start3A_235 : memref<8x1024xf32, #tpu.memory_space<vmem>>) target_semaphore(%arg17 : memref<!tpu.dma_semaphore, #tpu.memory_space<semaphore_mem>>)
    %dma_start3A_239 = arith.constant 0 : i32
    %dma_start3A_240 = arith.constant 0 : i32
    %dma_start3A_241 = arith.constant 2 : i32
    %dma_start3A_242 = arith.constant 0 : i32
    %dma_start3A_243 = arith.constant 0 : i32
    %dma_start3A_244 = tpu.memref_slice %arg13[%dma_start3A_240, %dma_start3A_241, %dma_start3A_242, %dma_start3A_243] : memref<2x4x8x1024xf32, #tpu.memory_space<vmem>> -> memref<1x1x8x1024xf32, #tpu.memory_space<vmem>>
    %dma_start3A_245 = tpu.memref_squeeze %dma_start3A_244 : memref<1x1x8x1024xf32, #tpu.memory_space<vmem>> -> memref<8x1024xf32, #tpu.memory_space<vmem>>
    %dma_start3A_246 = arith.constant 16 : i32
    %dma_start3A_247 = tpu.memref_slice %arg5[%dma_start3A_239, %dma_start3A_246, %multiple_of3A_204] : memref<1x32x1000000xf32, #tpu.memory_space<hbm>> -> memref<1x8x1024xf32, #tpu.memory_space<hbm>>
    %dma_start3A_248 = tpu.memref_squeeze %dma_start3A_247 : memref<1x8x1024xf32, #tpu.memory_space<hbm>> -> memref<8x1024xf32, #tpu.memory_space<hbm>>
    %dma_start3A_249 = arith.constant 0 : i32
    %dma_start3A_250 = arith.constant 0 : i32
    %dma_start3A_251 = tpu.memref_slice %arg13[%dma_start3A_240, %dma_start3A_241, %dma_start3A_249, %dma_start3A_250] : memref<2x4x8x1024xf32, #tpu.memory_space<vmem>> -> memref<1x1x8x1024xf32, #tpu.memory_space<vmem>>
    %dma_start3A_252 = tpu.memref_squeeze %dma_start3A_251 : memref<1x1x8x1024xf32, #tpu.memory_space<vmem>> -> memref<8x1024xf32, #tpu.memory_space<vmem>>
    %dma_start3A_253 = arith.constant 16 : i32
    %dma_start3A_254 = tpu.memref_slice %arg5[%dma_start3A_239, %dma_start3A_253, %multiple_of3A_204] : memref<1x32x1000000xf32, #tpu.memory_space<hbm>> -> memref<1x8x1024xf32, #tpu.memory_space<hbm>>
    %dma_start3A_255 = tpu.memref_squeeze %dma_start3A_254 : memref<1x8x1024xf32, #tpu.memory_space<hbm>> -> memref<8x1024xf32, #tpu.memory_space<hbm>>
    tpu.enqueue_dma source(%dma_start3A_255 : memref<8x1024xf32, #tpu.memory_space<hbm>>) target(%dma_start3A_252 : memref<8x1024xf32, #tpu.memory_space<vmem>>) target_semaphore(%arg17 : memref<!tpu.dma_semaphore, #tpu.memory_space<semaphore_mem>>)
    %dma_start3A_256 = arith.constant 0 : i32
    %dma_start3A_257 = arith.constant 0 : i32
    %dma_start3A_258 = arith.constant 3 : i32
    %dma_start3A_259 = arith.constant 0 : i32
    %dma_start3A_260 = arith.constant 0 : i32
    %dma_start3A_261 = tpu.memref_slice %arg13[%dma_start3A_257, %dma_start3A_258, %dma_start3A_259, %dma_start3A_260] : memref<2x4x8x1024xf32, #tpu.memory_space<vmem>> -> memref<1x1x8x1024xf32, #tpu.memory_space<vmem>>
    %dma_start3A_262 = tpu.memref_squeeze %dma_start3A_261 : memref<1x1x8x1024xf32, #tpu.memory_space<vmem>> -> memref<8x1024xf32, #tpu.memory_space<vmem>>
    %dma_start3A_263 = arith.constant 24 : i32
    %dma_start3A_264 = tpu.memref_slice %arg5[%dma_start3A_256, %dma_start3A_263, %multiple_of3A_204] : memref<1x32x1000000xf32, #tpu.memory_space<hbm>> -> memref<1x8x1024xf32, #tpu.memory_space<hbm>>
    %dma_start3A_265 = tpu.memref_squeeze %dma_start3A_264 : memref<1x8x1024xf32, #tpu.memory_space<hbm>> -> memref<8x1024xf32, #tpu.memory_space<hbm>>
    %dma_start3A_266 = arith.constant 0 : i32
    %dma_start3A_267 = arith.constant 0 : i32
    %dma_start3A_268 = tpu.memref_slice %arg13[%dma_start3A_257, %dma_start3A_258, %dma_start3A_266, %dma_start3A_267] : memref<2x4x8x1024xf32, #tpu.memory_space<vmem>> -> memref<1x1x8x1024xf32, #tpu.memory_space<vmem>>
    %dma_start3A_269 = tpu.memref_squeeze %dma_start3A_268 : memref<1x1x8x1024xf32, #tpu.memory_space<vmem>> -> memref<8x1024xf32, #tpu.memory_space<vmem>>
    %dma_start3A_270 = arith.constant 24 : i32
    %dma_start3A_271 = tpu.memref_slice %arg5[%dma_start3A_256, %dma_start3A_270, %multiple_of3A_204] : memref<1x32x1000000xf32, #tpu.memory_space<hbm>> -> memref<1x8x1024xf32, #tpu.memory_space<hbm>>
    %dma_start3A_272 = tpu.memref_squeeze %dma_start3A_271 : memref<1x8x1024xf32, #tpu.memory_space<hbm>> -> memref<8x1024xf32, #tpu.memory_space<hbm>>
    tpu.enqueue_dma source(%dma_start3A_272 : memref<8x1024xf32, #tpu.memory_space<hbm>>) target(%dma_start3A_269 : memref<8x1024xf32, #tpu.memory_space<vmem>>) target_semaphore(%arg17 : memref<!tpu.dma_semaphore, #tpu.memory_space<semaphore_mem>>)
    %scan3A_273 = arith.constant 0 : i32
    %scan3A_274 = arith.constant 0 : i32
    %scan3A_275 = arith.constant 16 : i32
    %scan3A_276 = arith.addi %scan3A_274, %scan3A_275 : i32
    %scan3A_277 = arith.constant 1 : i32
    %scan3A_278 = scf.for %scan3A_310 = %scan3A_274 to %scan3A_276 step %scan3A_277 iter_args(%scan3A_311 = %scan3A_273) -> (i32)  : i32 {
      %mul3A_312 = arith.constant 2 : i32
      %mul3A_313 = arith.muli %mul3A_312, %scan3A_310 : i32
      %add3A_314 = arith.constant 1 : i32
      %add3A_315 = arith.addi %mul3A_313, %add3A_314 : i32
      %lt3A = arith.constant 31 : i32
      %lt3A_316 = arith.cmpi slt, %add3A_315, %lt3A : i32
      %jit3A_317 = arith.constant 0 : i32
      %select_n3A_318 = arith.select %lt3A_316, %add3A_315, %jit3A_317 : i32
      %mul3A_319 = arith.constant 1024 : i32
      %mul3A_320 = arith.muli %select_n3A_318, %mul3A_319 : i32
      %add3A_321 = arith.addi %mul3A_7, %mul3A_320 : i32
      %multiple_of3A_322 = tpu.assume_multiple %add3A_321, 128 : i32
      %dma_start3A_323 = arith.constant 0 : i32
      %dma_start3A_324 = arith.constant 1 : i32
      %dma_start3A_325 = arith.constant 0 : i32
      %dma_start3A_326 = arith.constant 0 : i32
      %dma_start3A_327 = arith.constant 0 : i32
      %dma_start3A_328 = tpu.memref_slice %arg13[%dma_start3A_324, %dma_start3A_325, %dma_start3A_326, %dma_start3A_327] : memref<2x4x8x1024xf32, #tpu.memory_space<vmem>> -> memref<1x1x8x1024xf32, #tpu.memory_space<vmem>>
      %dma_start3A_329 = tpu.memref_squeeze %dma_start3A_328 : memref<1x1x8x1024xf32, #tpu.memory_space<vmem>> -> memref<8x1024xf32, #tpu.memory_space<vmem>>
      %dma_start3A_330 = arith.constant 0 : i32
      %dma_start3A_331 = tpu.memref_slice %arg5[%dma_start3A_323, %dma_start3A_330, %multiple_of3A_322] : memref<1x32x1000000xf32, #tpu.memory_space<hbm>> -> memref<1x8x1024xf32, #tpu.memory_space<hbm>>
      %dma_start3A_332 = tpu.memref_squeeze %dma_start3A_331 : memref<1x8x1024xf32, #tpu.memory_space<hbm>> -> memref<8x1024xf32, #tpu.memory_space<hbm>>
      %dma_start3A_333 = arith.constant 0 : i32
      %dma_start3A_334 = arith.constant 0 : i32
      %dma_start3A_335 = tpu.memref_slice %arg13[%dma_start3A_324, %dma_start3A_325, %dma_start3A_333, %dma_start3A_334] : memref<2x4x8x1024xf32, #tpu.memory_space<vmem>> -> memref<1x1x8x1024xf32, #tpu.memory_space<vmem>>
      %dma_start3A_336 = tpu.memref_squeeze %dma_start3A_335 : memref<1x1x8x1024xf32, #tpu.memory_space<vmem>> -> memref<8x1024xf32, #tpu.memory_space<vmem>>
      %dma_start3A_337 = arith.constant 0 : i32
      %dma_start3A_338 = tpu.memref_slice %arg5[%dma_start3A_323, %dma_start3A_337, %multiple_of3A_322] : memref<1x32x1000000xf32, #tpu.memory_space<hbm>> -> memref<1x8x1024xf32, #tpu.memory_space<hbm>>
      %dma_start3A_339 = tpu.memref_squeeze %dma_start3A_338 : memref<1x8x1024xf32, #tpu.memory_space<hbm>> -> memref<8x1024xf32, #tpu.memory_space<hbm>>
      tpu.enqueue_dma source(%dma_start3A_339 : memref<8x1024xf32, #tpu.memory_space<hbm>>) target(%dma_start3A_336 : memref<8x1024xf32, #tpu.memory_space<vmem>>) target_semaphore(%arg18 : memref<!tpu.dma_semaphore, #tpu.memory_space<semaphore_mem>>)
      %dma_start3A_340 = arith.constant 0 : i32
      %dma_start3A_341 = arith.constant 1 : i32
      %dma_start3A_342 = arith.constant 1 : i32
      %dma_start3A_343 = arith.constant 0 : i32
      %dma_start3A_344 = arith.constant 0 : i32
      %dma_start3A_345 = tpu.memref_slice %arg13[%dma_start3A_341, %dma_start3A_342, %dma_start3A_343, %dma_start3A_344] : memref<2x4x8x1024xf32, #tpu.memory_space<vmem>> -> memref<1x1x8x1024xf32, #tpu.memory_space<vmem>>
      %dma_start3A_346 = tpu.memref_squeeze %dma_start3A_345 : memref<1x1x8x1024xf32, #tpu.memory_space<vmem>> -> memref<8x1024xf32, #tpu.memory_space<vmem>>
      %dma_start3A_347 = arith.constant 8 : i32
      %dma_start3A_348 = tpu.memref_slice %arg5[%dma_start3A_340, %dma_start3A_347, %multiple_of3A_322] : memref<1x32x1000000xf32, #tpu.memory_space<hbm>> -> memref<1x8x1024xf32, #tpu.memory_space<hbm>>
      %dma_start3A_349 = tpu.memref_squeeze %dma_start3A_348 : memref<1x8x1024xf32, #tpu.memory_space<hbm>> -> memref<8x1024xf32, #tpu.memory_space<hbm>>
      %dma_start3A_350 = arith.constant 0 : i32
      %dma_start3A_351 = arith.constant 0 : i32
      %dma_start3A_352 = tpu.memref_slice %arg13[%dma_start3A_341, %dma_start3A_342, %dma_start3A_350, %dma_start3A_351] : memref<2x4x8x1024xf32, #tpu.memory_space<vmem>> -> memref<1x1x8x1024xf32, #tpu.memory_space<vmem>>
      %dma_start3A_353 = tpu.memref_squeeze %dma_start3A_352 : memref<1x1x8x1024xf32, #tpu.memory_space<vmem>> -> memref<8x1024xf32, #tpu.memory_space<vmem>>
      %dma_start3A_354 = arith.constant 8 : i32
      %dma_start3A_355 = tpu.memref_slice %arg5[%dma_start3A_340, %dma_start3A_354, %multiple_of3A_322] : memref<1x32x1000000xf32, #tpu.memory_space<hbm>> -> memref<1x8x1024xf32, #tpu.memory_space<hbm>>
      %dma_start3A_356 = tpu.memref_squeeze %dma_start3A_355 : memref<1x8x1024xf32, #tpu.memory_space<hbm>> -> memref<8x1024xf32, #tpu.memory_space<hbm>>
      tpu.enqueue_dma source(%dma_start3A_356 : memref<8x1024xf32, #tpu.memory_space<hbm>>) target(%dma_start3A_353 : memref<8x1024xf32, #tpu.memory_space<vmem>>) target_semaphore(%arg18 : memref<!tpu.dma_semaphore, #tpu.memory_space<semaphore_mem>>)
      %dma_start3A_357 = arith.constant 0 : i32
      %dma_start3A_358 = arith.constant 1 : i32
      %dma_start3A_359 = arith.constant 2 : i32
      %dma_start3A_360 = arith.constant 0 : i32
      %dma_start3A_361 = arith.constant 0 : i32
      %dma_start3A_362 = tpu.memref_slice %arg13[%dma_start3A_358, %dma_start3A_359, %dma_start3A_360, %dma_start3A_361] : memref<2x4x8x1024xf32, #tpu.memory_space<vmem>> -> memref<1x1x8x1024xf32, #tpu.memory_space<vmem>>
      %dma_start3A_363 = tpu.memref_squeeze %dma_start3A_362 : memref<1x1x8x1024xf32, #tpu.memory_space<vmem>> -> memref<8x1024xf32, #tpu.memory_space<vmem>>
      %dma_start3A_364 = arith.constant 16 : i32
      %dma_start3A_365 = tpu.memref_slice %arg5[%dma_start3A_357, %dma_start3A_364, %multiple_of3A_322] : memref<1x32x1000000xf32, #tpu.memory_space<hbm>> -> memref<1x8x1024xf32, #tpu.memory_space<hbm>>
      %dma_start3A_366 = tpu.memref_squeeze %dma_start3A_365 : memref<1x8x1024xf32, #tpu.memory_space<hbm>> -> memref<8x1024xf32, #tpu.memory_space<hbm>>
      %dma_start3A_367 = arith.constant 0 : i32
      %dma_start3A_368 = arith.constant 0 : i32
      %dma_start3A_369 = tpu.memref_slice %arg13[%dma_start3A_358, %dma_start3A_359, %dma_start3A_367, %dma_start3A_368] : memref<2x4x8x1024xf32, #tpu.memory_space<vmem>> -> memref<1x1x8x1024xf32, #tpu.memory_space<vmem>>
      %dma_start3A_370 = tpu.memref_squeeze %dma_start3A_369 : memref<1x1x8x1024xf32, #tpu.memory_space<vmem>> -> memref<8x1024xf32, #tpu.memory_space<vmem>>
      %dma_start3A_371 = arith.constant 16 : i32
      %dma_start3A_372 = tpu.memref_slice %arg5[%dma_start3A_357, %dma_start3A_371, %multiple_of3A_322] : memref<1x32x1000000xf32, #tpu.memory_space<hbm>> -> memref<1x8x1024xf32, #tpu.memory_space<hbm>>
      %dma_start3A_373 = tpu.memref_squeeze %dma_start3A_372 : memref<1x8x1024xf32, #tpu.memory_space<hbm>> -> memref<8x1024xf32, #tpu.memory_space<hbm>>
      tpu.enqueue_dma source(%dma_start3A_373 : memref<8x1024xf32, #tpu.memory_space<hbm>>) target(%dma_start3A_370 : memref<8x1024xf32, #tpu.memory_space<vmem>>) target_semaphore(%arg18 : memref<!tpu.dma_semaphore, #tpu.memory_space<semaphore_mem>>)
      %dma_start3A_374 = arith.constant 0 : i32
      %dma_start3A_375 = arith.constant 1 : i32
      %dma_start3A_376 = arith.constant 3 : i32
      %dma_start3A_377 = arith.constant 0 : i32
      %dma_start3A_378 = arith.constant 0 : i32
      %dma_start3A_379 = tpu.memref_slice %arg13[%dma_start3A_375, %dma_start3A_376, %dma_start3A_377, %dma_start3A_378] : memref<2x4x8x1024xf32, #tpu.memory_space<vmem>> -> memref<1x1x8x1024xf32, #tpu.memory_space<vmem>>
      %dma_start3A_380 = tpu.memref_squeeze %dma_start3A_379 : memref<1x1x8x1024xf32, #tpu.memory_space<vmem>> -> memref<8x1024xf32, #tpu.memory_space<vmem>>
      %dma_start3A_381 = arith.constant 24 : i32
      %dma_start3A_382 = tpu.memref_slice %arg5[%dma_start3A_374, %dma_start3A_381, %multiple_of3A_322] : memref<1x32x1000000xf32, #tpu.memory_space<hbm>> -> memref<1x8x1024xf32, #tpu.memory_space<hbm>>
      %dma_start3A_383 = tpu.memref_squeeze %dma_start3A_382 : memref<1x8x1024xf32, #tpu.memory_space<hbm>> -> memref<8x1024xf32, #tpu.memory_space<hbm>>
      %dma_start3A_384 = arith.constant 0 : i32
      %dma_start3A_385 = arith.constant 0 : i32
      %dma_start3A_386 = tpu.memref_slice %arg13[%dma_start3A_375, %dma_start3A_376, %dma_start3A_384, %dma_start3A_385] : memref<2x4x8x1024xf32, #tpu.memory_space<vmem>> -> memref<1x1x8x1024xf32, #tpu.memory_space<vmem>>
      %dma_start3A_387 = tpu.memref_squeeze %dma_start3A_386 : memref<1x1x8x1024xf32, #tpu.memory_space<vmem>> -> memref<8x1024xf32, #tpu.memory_space<vmem>>
      %dma_start3A_388 = arith.constant 24 : i32
      %dma_start3A_389 = tpu.memref_slice %arg5[%dma_start3A_374, %dma_start3A_388, %multiple_of3A_322] : memref<1x32x1000000xf32, #tpu.memory_space<hbm>> -> memref<1x8x1024xf32, #tpu.memory_space<hbm>>
      %dma_start3A_390 = tpu.memref_squeeze %dma_start3A_389 : memref<1x8x1024xf32, #tpu.memory_space<hbm>> -> memref<8x1024xf32, #tpu.memory_space<hbm>>
      tpu.enqueue_dma source(%dma_start3A_390 : memref<8x1024xf32, #tpu.memory_space<hbm>>) target(%dma_start3A_387 : memref<8x1024xf32, #tpu.memory_space<vmem>>) target_semaphore(%arg18 : memref<!tpu.dma_semaphore, #tpu.memory_space<semaphore_mem>>)
      %lt3A_391 = arith.constant 31 : i32
      %lt3A_392 = arith.cmpi slt, %mul3A_313, %lt3A_391 : i32
      %jit3A_393 = arith.constant 0 : i32
      %select_n3A_394 = arith.select %lt3A_392, %mul3A_313, %jit3A_393 : i32
      %mul3A_395 = arith.constant 1024 : i32
      %mul3A_396 = arith.muli %select_n3A_394, %mul3A_395 : i32
      %add3A_397 = arith.addi %mul3A_7, %mul3A_396 : i32
      %multiple_of3A_398 = tpu.assume_multiple %add3A_397, 128 : i32
      %dma_wait3A = arith.constant 0 : i32
      %dma_wait3A_399 = arith.constant 0 : i32
      %dma_wait3A_400 = arith.constant 0 : i32
      %dma_wait3A_401 = arith.constant 0 : i32
      %dma_wait3A_402 = arith.constant 0 : i32
      %dma_wait3A_403 = tpu.memref_slice %arg13[%dma_wait3A_399, %dma_wait3A_400, %dma_wait3A_401, %dma_wait3A_402] : memref<2x4x8x1024xf32, #tpu.memory_space<vmem>> -> memref<1x1x8x1024xf32, #tpu.memory_space<vmem>>
      %dma_wait3A_404 = tpu.memref_squeeze %dma_wait3A_403 : memref<1x1x8x1024xf32, #tpu.memory_space<vmem>> -> memref<8x1024xf32, #tpu.memory_space<vmem>>
      %dma_wait3A_405 = arith.constant 0 : i32
      %dma_wait3A_406 = tpu.memref_slice %arg5[%dma_wait3A, %dma_wait3A_405, %multiple_of3A_398] : memref<1x32x1000000xf32, #tpu.memory_space<hbm>> -> memref<1x8x1024xf32, #tpu.memory_space<hbm>>
      %dma_wait3A_407 = tpu.memref_squeeze %dma_wait3A_406 : memref<1x8x1024xf32, #tpu.memory_space<hbm>> -> memref<8x1024xf32, #tpu.memory_space<hbm>>
      %dma_wait3A_408 = arith.constant 0 : i32
      %dma_wait3A_409 = arith.constant 0 : i32
      %dma_wait3A_410 = tpu.memref_slice %arg13[%dma_wait3A_399, %dma_wait3A_400, %dma_wait3A_408, %dma_wait3A_409] : memref<2x4x8x1024xf32, #tpu.memory_space<vmem>> -> memref<1x1x8x1024xf32, #tpu.memory_space<vmem>>
      %dma_wait3A_411 = tpu.memref_squeeze %dma_wait3A_410 : memref<1x1x8x1024xf32, #tpu.memory_space<vmem>> -> memref<8x1024xf32, #tpu.memory_space<vmem>>
      %dma_wait3A_412 = arith.constant 0 : i32
      %dma_wait3A_413 = tpu.memref_slice %arg5[%dma_wait3A, %dma_wait3A_412, %multiple_of3A_398] : memref<1x32x1000000xf32, #tpu.memory_space<hbm>> -> memref<1x8x1024xf32, #tpu.memory_space<hbm>>
      %dma_wait3A_414 = tpu.memref_squeeze %dma_wait3A_413 : memref<1x8x1024xf32, #tpu.memory_space<hbm>> -> memref<8x1024xf32, #tpu.memory_space<hbm>>
      tpu.wait_dma2 semaphore(%arg17 : memref<!tpu.dma_semaphore, #tpu.memory_space<semaphore_mem>>) src(%dma_wait3A_414 : memref<8x1024xf32, #tpu.memory_space<hbm>>) dst(%dma_wait3A_411 : memref<8x1024xf32, #tpu.memory_space<vmem>>)
      %dma_wait3A_415 = arith.constant 0 : i32
      %dma_wait3A_416 = arith.constant 0 : i32
      %dma_wait3A_417 = arith.constant 1 : i32
      %dma_wait3A_418 = arith.constant 0 : i32
      %dma_wait3A_419 = arith.constant 0 : i32
      %dma_wait3A_420 = tpu.memref_slice %arg13[%dma_wait3A_416, %dma_wait3A_417, %dma_wait3A_418, %dma_wait3A_419] : memref<2x4x8x1024xf32, #tpu.memory_space<vmem>> -> memref<1x1x8x1024xf32, #tpu.memory_space<vmem>>
      %dma_wait3A_421 = tpu.memref_squeeze %dma_wait3A_420 : memref<1x1x8x1024xf32, #tpu.memory_space<vmem>> -> memref<8x1024xf32, #tpu.memory_space<vmem>>
      %dma_wait3A_422 = arith.constant 8 : i32
      %dma_wait3A_423 = tpu.memref_slice %arg5[%dma_wait3A_415, %dma_wait3A_422, %multiple_of3A_398] : memref<1x32x1000000xf32, #tpu.memory_space<hbm>> -> memref<1x8x1024xf32, #tpu.memory_space<hbm>>
      %dma_wait3A_424 = tpu.memref_squeeze %dma_wait3A_423 : memref<1x8x1024xf32, #tpu.memory_space<hbm>> -> memref<8x1024xf32, #tpu.memory_space<hbm>>
      %dma_wait3A_425 = arith.constant 0 : i32
      %dma_wait3A_426 = arith.constant 0 : i32
      %dma_wait3A_427 = tpu.memref_slice %arg13[%dma_wait3A_416, %dma_wait3A_417, %dma_wait3A_425, %dma_wait3A_426] : memref<2x4x8x1024xf32, #tpu.memory_space<vmem>> -> memref<1x1x8x1024xf32, #tpu.memory_space<vmem>>
      %dma_wait3A_428 = tpu.memref_squeeze %dma_wait3A_427 : memref<1x1x8x1024xf32, #tpu.memory_space<vmem>> -> memref<8x1024xf32, #tpu.memory_space<vmem>>
      %dma_wait3A_429 = arith.constant 8 : i32
      %dma_wait3A_430 = tpu.memref_slice %arg5[%dma_wait3A_415, %dma_wait3A_429, %multiple_of3A_398] : memref<1x32x1000000xf32, #tpu.memory_space<hbm>> -> memref<1x8x1024xf32, #tpu.memory_space<hbm>>
      %dma_wait3A_431 = tpu.memref_squeeze %dma_wait3A_430 : memref<1x8x1024xf32, #tpu.memory_space<hbm>> -> memref<8x1024xf32, #tpu.memory_space<hbm>>
      tpu.wait_dma2 semaphore(%arg17 : memref<!tpu.dma_semaphore, #tpu.memory_space<semaphore_mem>>) src(%dma_wait3A_431 : memref<8x1024xf32, #tpu.memory_space<hbm>>) dst(%dma_wait3A_428 : memref<8x1024xf32, #tpu.memory_space<vmem>>)
      %dma_wait3A_432 = arith.constant 0 : i32
      %dma_wait3A_433 = arith.constant 0 : i32
      %dma_wait3A_434 = arith.constant 2 : i32
      %dma_wait3A_435 = arith.constant 0 : i32
      %dma_wait3A_436 = arith.constant 0 : i32
      %dma_wait3A_437 = tpu.memref_slice %arg13[%dma_wait3A_433, %dma_wait3A_434, %dma_wait3A_435, %dma_wait3A_436] : memref<2x4x8x1024xf32, #tpu.memory_space<vmem>> -> memref<1x1x8x1024xf32, #tpu.memory_space<vmem>>
      %dma_wait3A_438 = tpu.memref_squeeze %dma_wait3A_437 : memref<1x1x8x1024xf32, #tpu.memory_space<vmem>> -> memref<8x1024xf32, #tpu.memory_space<vmem>>
      %dma_wait3A_439 = arith.constant 16 : i32
      %dma_wait3A_440 = tpu.memref_slice %arg5[%dma_wait3A_432, %dma_wait3A_439, %multiple_of3A_398] : memref<1x32x1000000xf32, #tpu.memory_space<hbm>> -> memref<1x8x1024xf32, #tpu.memory_space<hbm>>
      %dma_wait3A_441 = tpu.memref_squeeze %dma_wait3A_440 : memref<1x8x1024xf32, #tpu.memory_space<hbm>> -> memref<8x1024xf32, #tpu.memory_space<hbm>>
      %dma_wait3A_442 = arith.constant 0 : i32
      %dma_wait3A_443 = arith.constant 0 : i32
      %dma_wait3A_444 = tpu.memref_slice %arg13[%dma_wait3A_433, %dma_wait3A_434, %dma_wait3A_442, %dma_wait3A_443] : memref<2x4x8x1024xf32, #tpu.memory_space<vmem>> -> memref<1x1x8x1024xf32, #tpu.memory_space<vmem>>
      %dma_wait3A_445 = tpu.memref_squeeze %dma_wait3A_444 : memref<1x1x8x1024xf32, #tpu.memory_space<vmem>> -> memref<8x1024xf32, #tpu.memory_space<vmem>>
      %dma_wait3A_446 = arith.constant 16 : i32
      %dma_wait3A_447 = tpu.memref_slice %arg5[%dma_wait3A_432, %dma_wait3A_446, %multiple_of3A_398] : memref<1x32x1000000xf32, #tpu.memory_space<hbm>> -> memref<1x8x1024xf32, #tpu.memory_space<hbm>>
      %dma_wait3A_448 = tpu.memref_squeeze %dma_wait3A_447 : memref<1x8x1024xf32, #tpu.memory_space<hbm>> -> memref<8x1024xf32, #tpu.memory_space<hbm>>
      tpu.wait_dma2 semaphore(%arg17 : memref<!tpu.dma_semaphore, #tpu.memory_space<semaphore_mem>>) src(%dma_wait3A_448 : memref<8x1024xf32, #tpu.memory_space<hbm>>) dst(%dma_wait3A_445 : memref<8x1024xf32, #tpu.memory_space<vmem>>)
      %dma_wait3A_449 = arith.constant 0 : i32
      %dma_wait3A_450 = arith.constant 0 : i32
      %dma_wait3A_451 = arith.constant 3 : i32
      %dma_wait3A_452 = arith.constant 0 : i32
      %dma_wait3A_453 = arith.constant 0 : i32
      %dma_wait3A_454 = tpu.memref_slice %arg13[%dma_wait3A_450, %dma_wait3A_451, %dma_wait3A_452, %dma_wait3A_453] : memref<2x4x8x1024xf32, #tpu.memory_space<vmem>> -> memref<1x1x8x1024xf32, #tpu.memory_space<vmem>>
      %dma_wait3A_455 = tpu.memref_squeeze %dma_wait3A_454 : memref<1x1x8x1024xf32, #tpu.memory_space<vmem>> -> memref<8x1024xf32, #tpu.memory_space<vmem>>
      %dma_wait3A_456 = arith.constant 24 : i32
      %dma_wait3A_457 = tpu.memref_slice %arg5[%dma_wait3A_449, %dma_wait3A_456, %multiple_of3A_398] : memref<1x32x1000000xf32, #tpu.memory_space<hbm>> -> memref<1x8x1024xf32, #tpu.memory_space<hbm>>
      %dma_wait3A_458 = tpu.memref_squeeze %dma_wait3A_457 : memref<1x8x1024xf32, #tpu.memory_space<hbm>> -> memref<8x1024xf32, #tpu.memory_space<hbm>>
      %dma_wait3A_459 = arith.constant 0 : i32
      %dma_wait3A_460 = arith.constant 0 : i32
      %dma_wait3A_461 = tpu.memref_slice %arg13[%dma_wait3A_450, %dma_wait3A_451, %dma_wait3A_459, %dma_wait3A_460] : memref<2x4x8x1024xf32, #tpu.memory_space<vmem>> -> memref<1x1x8x1024xf32, #tpu.memory_space<vmem>>
      %dma_wait3A_462 = tpu.memref_squeeze %dma_wait3A_461 : memref<1x1x8x1024xf32, #tpu.memory_space<vmem>> -> memref<8x1024xf32, #tpu.memory_space<vmem>>
      %dma_wait3A_463 = arith.constant 24 : i32
      %dma_wait3A_464 = tpu.memref_slice %arg5[%dma_wait3A_449, %dma_wait3A_463, %multiple_of3A_398] : memref<1x32x1000000xf32, #tpu.memory_space<hbm>> -> memref<1x8x1024xf32, #tpu.memory_space<hbm>>
      %dma_wait3A_465 = tpu.memref_squeeze %dma_wait3A_464 : memref<1x8x1024xf32, #tpu.memory_space<hbm>> -> memref<8x1024xf32, #tpu.memory_space<hbm>>
      tpu.wait_dma2 semaphore(%arg17 : memref<!tpu.dma_semaphore, #tpu.memory_space<semaphore_mem>>) src(%dma_wait3A_465 : memref<8x1024xf32, #tpu.memory_space<hbm>>) dst(%dma_wait3A_462 : memref<8x1024xf32, #tpu.memory_space<vmem>>)
      %lt3A_466 = arith.constant 31 : i32
      %lt3A_467 = arith.cmpi slt, %mul3A_313, %lt3A_466 : i32
      %jit3A_468 = arith.constant 0 : i32
      %select_n3A_469 = arith.select %lt3A_467, %mul3A_313, %jit3A_468 : i32
      %mul3A_470 = arith.constant 1024 : i32
      %mul3A_471 = arith.muli %select_n3A_469, %mul3A_470 : i32
      %while3A_472 = arith.constant 0 : i32
      %while3A_473 = arith.constant 0 : i32
      %while3A_474 = arith.subi %select_n3A_196, %while3A_472 : i32
      %while3A_475 = arith.addi %while3A_472, %while3A_474 : i32
      %while3A_476 = arith.constant 1 : i32
      %while3A_477 = arith.divsi %while3A_474, %while3A_476 : i32
      %while3A_478 = arith.muli %while3A_477, %while3A_476 : i32
      %while3A_479 = arith.addi %while3A_472, %while3A_478 : i32
      %while3A_480 = arith.constant 1 : i32
      %while3A_481 = scf.for %while3A_609 = %while3A_472 to %while3A_479 step %while3A_480 iter_args(%while3A_610 = %while3A_473) -> (i32)  : i32 {
        %mul3A_611 = arith.constant 16 : i32
        %mul3A_612 = arith.muli %while3A_609, %mul3A_611 : i32
        %get3A = arith.index_cast %mul3A_612 : i32 to index
        %get3A_613 = tpu.vector_load %arg11[%get3A] {strides = array<i32>} : memref<16384xi32, #tpu.memory_space<vmem>>, vector<16xi32>,
        %shift_right_arithmetic3A_614 = arith.constant 14 : i32
        %shift_right_arithmetic3A_615 = vector.broadcast %shift_right_arithmetic3A_614 : i32 to vector<16xi32>
        %shift_right_arithmetic3A_616 = arith.shrsi %get3A_613, %shift_right_arithmetic3A_615 : vector<16xi32>
        %mul3A_617 = arith.constant 16 : i32
        %mul3A_618 = arith.muli %while3A_609, %mul3A_617 : i32
        %add3A_619 = vector.broadcast %mul3A_618 : i32 to vector<16xi32>
        %add3A_620 = arith.addi %add3A_619, %iota3A : vector<16xi32>
        %lt3A_621 = vector.broadcast %scan3A_167 : i32 to vector<16xi32>
        %lt3A_622 = arith.cmpi slt, %add3A_620, %lt3A_621 : vector<16xi32>
        %ge3A = vector.broadcast %mul3A_471 : i32 to vector<16xi32>
        %ge3A_623 = arith.cmpi sge, %shift_right_arithmetic3A_616, %ge3A : vector<16xi32>
        %and3A_624 = arith.andi %lt3A_622, %ge3A_623 : vector<16xi1>
        %add3A_625 = arith.constant 1024 : i32
        %add3A_626 = arith.addi %mul3A_471, %add3A_625 : i32
        %lt3A_627 = vector.broadcast %add3A_626 : i32 to vector<16xi32>
        %lt3A_628 = arith.cmpi slt, %shift_right_arithmetic3A_616, %lt3A_627 : vector<16xi32>
        %and3A_629 = arith.andi %and3A_624, %lt3A_628 : vector<16xi1>
        %sub3A_630 = vector.broadcast %mul3A_471 : i32 to vector<16xi32>
        %sub3A_631 = arith.subi %shift_right_arithmetic3A_616, %sub3A_630 : vector<16xi32>
        %shift_left3A = arith.constant 14 : i32
        %shift_left3A_632 = vector.broadcast %shift_left3A : i32 to vector<16xi32>
        %shift_left3A_633 = arith.shli %sub3A_631, %shift_left3A_632 : vector<16xi32>
        %and3A_634 = arith.constant 16383 : i32
        %and3A_635 = vector.broadcast %and3A_634 : i32 to vector<16xi32>
        %and3A_636 = arith.andi %get3A_613, %and3A_635 : vector<16xi32>
        %or3A = arith.ori %shift_left3A_633, %and3A_636 : vector<16xi32>
        %swap3A = arith.index_cast %while3A_610 : i32 to index
        %swap3A_637 = tpu.vector_load %arg12[%swap3A] masked %and3A_629 {strides = array<i32>} : memref<16400xi32, #tpu.memory_space<vmem>>, vector<16xi32>, vector<16xi1>
        tpu.vector_store %arg12[%swap3A], %or3A masked %and3A_629 {strides = array<i32>} : memref<16400xi32, #tpu.memory_space<vmem>>, vector<16xi32>, vector<16xi1>
        %convert_element_type3A_638 = arith.extui %and3A_629 : vector<16xi1> to vector<16xi32>
        %reduce_sum3A = arith.constant true
        %reduce_sum3A_639 = vector.broadcast %reduce_sum3A : i1 to vector<16xi1>
        %reduce_sum3A_640 = tpu.scan <sum>, %convert_element_type3A_638 masked %reduce_sum3A_639 : vector<16xi32>, vector<16xi1> -> vector<16xi32>
        %reduce_sum3A_641 = vector.extract %reduce_sum3A_640[15] : i32 from vector<16xi32>
        %add3A_642 = arith.addi %while3A_610, %reduce_sum3A_641 : i32
        scf.yield %add3A_642 : i32
      }
      %while3A_482 = arith.constant 1 : i32
      %while3A_483 = scf.for %while3A_609 = %while3A_479 to %while3A_475 step %while3A_482 iter_args(%while3A_610 = %while3A_481) -> (i32)  : i32 {
        %mul3A_611 = arith.constant 16 : i32
        %mul3A_612 = arith.muli %while3A_609, %mul3A_611 : i32
        %get3A = arith.index_cast %mul3A_612 : i32 to index
        %get3A_613 = tpu.vector_load %arg11[%get3A] {strides = array<i32>} : memref<16384xi32, #tpu.memory_space<vmem>>, vector<16xi32>,
        %shift_right_arithmetic3A_614 = arith.constant 14 : i32
        %shift_right_arithmetic3A_615 = vector.broadcast %shift_right_arithmetic3A_614 : i32 to vector<16xi32>
        %shift_right_arithmetic3A_616 = arith.shrsi %get3A_613, %shift_right_arithmetic3A_615 : vector<16xi32>
        %mul3A_617 = arith.constant 16 : i32
        %mul3A_618 = arith.muli %while3A_609, %mul3A_617 : i32
        %add3A_619 = vector.broadcast %mul3A_618 : i32 to vector<16xi32>
        %add3A_620 = arith.addi %add3A_619, %iota3A : vector<16xi32>
        %lt3A_621 = vector.broadcast %scan3A_167 : i32 to vector<16xi32>
        %lt3A_622 = arith.cmpi slt, %add3A_620, %lt3A_621 : vector<16xi32>
        %ge3A = vector.broadcast %mul3A_471 : i32 to vector<16xi32>
        %ge3A_623 = arith.cmpi sge, %shift_right_arithmetic3A_616, %ge3A : vector<16xi32>
        %and3A_624 = arith.andi %lt3A_622, %ge3A_623 : vector<16xi1>
        %add3A_625 = arith.constant 1024 : i32
        %add3A_626 = arith.addi %mul3A_471, %add3A_625 : i32
        %lt3A_627 = vector.broadcast %add3A_626 : i32 to vector<16xi32>
        %lt3A_628 = arith.cmpi slt, %shift_right_arithmetic3A_616, %lt3A_627 : vector<16xi32>
        %and3A_629 = arith.andi %and3A_624, %lt3A_628 : vector<16xi1>
        %sub3A_630 = vector.broadcast %mul3A_471 : i32 to vector<16xi32>
        %sub3A_631 = arith.subi %shift_right_arithmetic3A_616, %sub3A_630 : vector<16xi32>
        %shift_left3A = arith.constant 14 : i32
        %shift_left3A_632 = vector.broadcast %shift_left3A : i32 to vector<16xi32>
        %shift_left3A_633 = arith.shli %sub3A_631, %shift_left3A_632 : vector<16xi32>
        %and3A_634 = arith.constant 16383 : i32
        %and3A_635 = vector.broadcast %and3A_634 : i32 to vector<16xi32>
        %and3A_636 = arith.andi %get3A_613, %and3A_635 : vector<16xi32>
        %or3A = arith.ori %shift_left3A_633, %and3A_636 : vector<16xi32>
        %swap3A = arith.index_cast %while3A_610 : i32 to index
        %swap3A_637 = tpu.vector_load %arg12[%swap3A] masked %and3A_629 {strides = array<i32>} : memref<16400xi32, #tpu.memory_space<vmem>>, vector<16xi32>, vector<16xi1>
        tpu.vector_store %arg12[%swap3A], %or3A masked %and3A_629 {strides = array<i32>} : memref<16400xi32, #tpu.memory_space<vmem>>, vector<16xi32>, vector<16xi1>
        %convert_element_type3A_638 = arith.extui %and3A_629 : vector<16xi1> to vector<16xi32>
        %reduce_sum3A = arith.constant true
        %reduce_sum3A_639 = vector.broadcast %reduce_sum3A : i1 to vector<16xi1>
        %reduce_sum3A_640 = tpu.scan <sum>, %convert_element_type3A_638 masked %reduce_sum3A_639 : vector<16xi32>, vector<16xi1> -> vector<16xi32>
        %reduce_sum3A_641 = vector.extract %reduce_sum3A_640[15] : i32 from vector<16xi32>
        %add3A_642 = arith.addi %while3A_610, %reduce_sum3A_641 : i32
        scf.yield %add3A_642 : i32
      }
      %while3A_484 = arith.constant 0 : i32
      %while3A_485 = arith.constant 0 : i32
      %while3A_486 = arith.subi %while3A_483, %while3A_485 : i32
      %while3A_487 = arith.addi %while3A_485, %while3A_486 : i32
      %while3A_488 = arith.constant 1 : i32
      %while3A_489 = arith.divsi %while3A_486, %while3A_488 : i32
      %while3A_490 = arith.muli %while3A_489, %while3A_488 : i32
      %while3A_491 = arith.addi %while3A_485, %while3A_490 : i32
      %while3A_492 = arith.constant 1 : i32
      %while3A_493 = scf.for %while3A_609 = %while3A_485 to %while3A_491 step %while3A_492 iter_args(%while3A_610 = %scan3A_311) -> (i32)  : i32 {
        %get3A = arith.index_cast %while3A_609 : i32 to index
        %get3A_611 = tpu.vector_load %arg12[%get3A] {strides = array<i32>} : memref<16400xi32, #tpu.memory_space<vmem>>, vector<16xi32>,
        %slice3A = vector.extract_strided_slice %get3A_611 {offsets = [0], sizes = [1], strides = [1]} : vector<16xi32> to vector<1xi32>
        %squeeze3A = vector.extract %slice3A[0] : i32 from vector<1xi32>
        %shift_right_arithmetic3A_612 = arith.constant 14 : i32
        %shift_right_arithmetic3A_613 = arith.shrsi %squeeze3A, %shift_right_arithmetic3A_612 : i32
        %add3A_614 = vector.broadcast %shift_right_arithmetic3A_613 : i32 to vector<16xi32>
        %add3A_615 = arith.addi %broadcast_in_dim3A_1, %add3A_614 : vector<16xi32>
        %and3A_616 = arith.constant 16383 : i32
        %and3A_617 = arith.andi %squeeze3A, %and3A_616 : i32
        %gather3A = arith.constant 0 : i32
        %gather3A_618 = arith.constant 0 : i32
        %gather3A_619 = arith.constant 0 : i32
        %gather3A_620 = tpu.memref_slice %arg13[%while3A_484, %gather3A, %gather3A_618, %gather3A_619] : memref<2x4x8x1024xf32, #tpu.memory_space<vmem>> -> memref<1x4x8x1024xf32, #tpu.memory_space<vmem>>
        %gather3A_621 = tpu.memref_squeeze %gather3A_620 : memref<1x4x8x1024xf32, #tpu.memory_space<vmem>> -> memref<4x8x1024xf32, #tpu.memory_space<vmem>>
        %gather3A_622 = tpu.vector_load_idx %gather3A_621[%shift_right_arithmetic3A_3, %and3A_5, %add3A_615] : memref<4x8x1024xf32, #tpu.memory_space<vmem>>[vector<16xi32>, vector<16xi32>, vector<16xi32>], vector<16xf32>,
        %add3A_623 = arith.constant 2 : i32
        %add3A_624 = vector.broadcast %add3A_623 : i32 to vector<16xi32>
        %add3A_625 = arith.addi %add3A_624, %shift_right_arithmetic3A_3 : vector<16xi32>
        %gather3A_626 = arith.constant 0 : i32
        %gather3A_627 = arith.constant 0 : i32
        %gather3A_628 = arith.constant 0 : i32
        %gather3A_629 = tpu.memref_slice %arg13[%while3A_484, %gather3A_626, %gather3A_627, %gather3A_628] : memref<2x4x8x1024xf32, #tpu.memory_space<vmem>> -> memref<1x4x8x1024xf32, #tpu.memory_space<vmem>>
        %gather3A_630 = tpu.memref_squeeze %gather3A_629 : memref<1x4x8x1024xf32, #tpu.memory_space<vmem>> -> memref<4x8x1024xf32, #tpu.memory_space<vmem>>
        %gather3A_631 = tpu.vector_load_idx %gather3A_630[%add3A_625, %and3A_5, %add3A_615] : memref<4x8x1024xf32, #tpu.memory_space<vmem>>[vector<16xi32>, vector<16xi32>, vector<16xi32>], vector<16xf32>,
        %swap3A = arith.index_cast %while3A_610 : i32 to index
        %swap3A_632 = arith.constant 0 : index
        %swap3A_633 = tpu.vector_load %arg15[%swap3A, %swap3A_632] {strides = array<i32>} : memref<16x128xf32, #tpu.memory_space<vmem>>, vector<16xf32>,
        tpu.vector_store %arg15[%swap3A, %swap3A_632], %gather3A_622 {strides = array<i32>} : memref<16x128xf32, #tpu.memory_space<vmem>>, vector<16xf32>,
        %swap3A_634 = arith.index_cast %while3A_610 : i32 to index
        %swap3A_635 = arith.constant 16 : index
        %swap3A_636 = tpu.vector_load %arg15[%swap3A_634, %swap3A_635] {strides = array<i32>} : memref<16x128xf32, #tpu.memory_space<vmem>>, vector<16xf32>,
        tpu.vector_store %arg15[%swap3A_634, %swap3A_635], %gather3A_631 {strides = array<i32>} : memref<16x128xf32, #tpu.memory_space<vmem>>, vector<16xf32>,
        %add3A_637 = vector.broadcast %while3A_610 : i32 to vector<16xi32>
        %add3A_638 = arith.addi %broadcast_in_dim3A_1, %add3A_637 : vector<16xi32>
        %add3A_639 = vector.broadcast %and3A_617 : i32 to vector<16xi32>
        %add3A_640 = arith.addi %broadcast_in_dim3A_1, %add3A_639 : vector<16xi32>
        %eq3A_641 = arith.constant 0 : i32
        %eq3A_642 = vector.broadcast %eq3A_641 : i32 to vector<16xi32>
        %eq3A_643 = arith.cmpi eq, %iota3A, %eq3A_642 : vector<16xi32>
        tpu.vector_store_idx %arg16[%add3A_638], %add3A_640 masked %eq3A_643 : memref<32xi32, #tpu.memory_space<vmem>>[vector<16xi32>], vector<16xi32>, vector<16xi1>
        %add3A_644 = arith.constant 1 : i32
        %add3A_645 = arith.addi %while3A_610, %add3A_644 : i32
        %eq3A_646 = arith.constant 16 : i32
        %eq3A_647 = arith.cmpi eq, %add3A_645, %eq3A_646 : i32
        %convert_element_type3A_648 = arith.extui %eq3A_647 : i1 to i32
        %cond3A_649 = arith.constant 0 : i32
        %cond3A_650 = arith.cmpi ne, %convert_element_type3A_648, %cond3A_649 : i32
        scf.if %cond3A_650 {
          %scan3A_655 = arith.constant 0 : i32
          %scan3A_656 = arith.constant 16 : i32
          %scan3A_657 = arith.constant 0 : i32
          %scan3A_658 = arith.addi %scan3A_656, %scan3A_657 : i32
          %scan3A_659 = arith.constant 0 : i32
          %dma_start3A_660 = arith.constant 0 : i32
          %dma_start3A_661 = tpu.memref_slice %arg16[%dma_start3A_660] : memref<32xi32, #tpu.memory_space<vmem>> -> memref<16xi32, #tpu.memory_space<vmem>>
          %dma_start3A_662 = arith.constant 0 : i32
          %dma_start3A_663 = arith.constant 0 : i32
          %dma_start3A_664 = tpu.memref_slice %arg9[%dma_start3A_662, %dma_start3A_663] : memref<16384x128xf32, #tpu.memory_space<hbm>> -> memref<16384x128xf32, #tpu.memory_space<hbm>>
          tpu.enqueue_indirect_dma source(%arg15 : memref<16x128xf32, #tpu.memory_space<vmem>>) target(%dma_start3A_664 : memref<16384x128xf32, #tpu.memory_space<hbm>>) offsets(%dma_start3A_661 : memref<16xi32, #tpu.memory_space<vmem>>) semaphore(%arg19 : memref<!tpu.dma_semaphore, #tpu.memory_space<semaphore_mem>>)
          %dma_wait3A_665 = arith.constant 0 : i32
          %dma_wait3A_666 = tpu.memref_slice %arg16[%dma_wait3A_665] : memref<32xi32, #tpu.memory_space<vmem>> -> memref<16xi32, #tpu.memory_space<vmem>>
          %dma_wait3A_667 = arith.constant 0 : i32
          %dma_wait3A_668 = arith.constant 0 : i32
          %dma_wait3A_669 = tpu.memref_slice %arg9[%dma_wait3A_667, %dma_wait3A_668] : memref<16384x128xf32, #tpu.memory_space<hbm>> -> memref<16384x128xf32, #tpu.memory_space<hbm>>
          tpu.wait_indirect_dma semaphore(%arg19 : memref<!tpu.dma_semaphore, #tpu.memory_space<semaphore_mem>>) src(%arg15 : memref<16x128xf32, #tpu.memory_space<vmem>>) dst(%dma_wait3A_669 : memref<16384x128xf32, #tpu.memory_space<hbm>>)
        } else {
        }
        %eq3A_651 = arith.constant 16 : i32
        %eq3A_652 = arith.cmpi eq, %add3A_645, %eq3A_651 : i32
        %jit3A_653 = arith.constant 0 : i32
        %select_n3A_654 = arith.select %eq3A_652, %jit3A_653, %add3A_645 : i32
        scf.yield %select_n3A_654 : i32
      }
      %while3A_494 = arith.constant 1 : i32
      %while3A_495 = scf.for %while3A_609 = %while3A_491 to %while3A_487 step %while3A_494 iter_args(%while3A_610 = %while3A_493) -> (i32)  : i32 {
        %get3A = arith.index_cast %while3A_609 : i32 to index
        %get3A_611 = tpu.vector_load %arg12[%get3A] {strides = array<i32>} : memref<16400xi32, #tpu.memory_space<vmem>>, vector<16xi32>,
        %slice3A = vector.extract_strided_slice %get3A_611 {offsets = [0], sizes = [1], strides = [1]} : vector<16xi32> to vector<1xi32>
        %squeeze3A = vector.extract %slice3A[0] : i32 from vector<1xi32>
        %shift_right_arithmetic3A_612 = arith.constant 14 : i32
        %shift_right_arithmetic3A_613 = arith.shrsi %squeeze3A, %shift_right_arithmetic3A_612 : i32
        %add3A_614 = vector.broadcast %shift_right_arithmetic3A_613 : i32 to vector<16xi32>
        %add3A_615 = arith.addi %broadcast_in_dim3A_1, %add3A_614 : vector<16xi32>
        %and3A_616 = arith.constant 16383 : i32
        %and3A_617 = arith.andi %squeeze3A, %and3A_616 : i32
        %gather3A = arith.constant 0 : i32
        %gather3A_618 = arith.constant 0 : i32
        %gather3A_619 = arith.constant 0 : i32
        %gather3A_620 = tpu.memref_slice %arg13[%while3A_484, %gather3A, %gather3A_618, %gather3A_619] : memref<2x4x8x1024xf32, #tpu.memory_space<vmem>> -> memref<1x4x8x1024xf32, #tpu.memory_space<vmem>>
        %gather3A_621 = tpu.memref_squeeze %gather3A_620 : memref<1x4x8x1024xf32, #tpu.memory_space<vmem>> -> memref<4x8x1024xf32, #tpu.memory_space<vmem>>
        %gather3A_622 = tpu.vector_load_idx %gather3A_621[%shift_right_arithmetic3A_3, %and3A_5, %add3A_615] : memref<4x8x1024xf32, #tpu.memory_space<vmem>>[vector<16xi32>, vector<16xi32>, vector<16xi32>], vector<16xf32>,
        %add3A_623 = arith.constant 2 : i32
        %add3A_624 = vector.broadcast %add3A_623 : i32 to vector<16xi32>
        %add3A_625 = arith.addi %add3A_624, %shift_right_arithmetic3A_3 : vector<16xi32>
        %gather3A_626 = arith.constant 0 : i32
        %gather3A_627 = arith.constant 0 : i32
        %gather3A_628 = arith.constant 0 : i32
        %gather3A_629 = tpu.memref_slice %arg13[%while3A_484, %gather3A_626, %gather3A_627, %gather3A_628] : memref<2x4x8x1024xf32, #tpu.memory_space<vmem>> -> memref<1x4x8x1024xf32, #tpu.memory_space<vmem>>
        %gather3A_630 = tpu.memref_squeeze %gather3A_629 : memref<1x4x8x1024xf32, #tpu.memory_space<vmem>> -> memref<4x8x1024xf32, #tpu.memory_space<vmem>>
        %gather3A_631 = tpu.vector_load_idx %gather3A_630[%add3A_625, %and3A_5, %add3A_615] : memref<4x8x1024xf32, #tpu.memory_space<vmem>>[vector<16xi32>, vector<16xi32>, vector<16xi32>], vector<16xf32>,
        %swap3A = arith.index_cast %while3A_610 : i32 to index
        %swap3A_632 = arith.constant 0 : index
        %swap3A_633 = tpu.vector_load %arg15[%swap3A, %swap3A_632] {strides = array<i32>} : memref<16x128xf32, #tpu.memory_space<vmem>>, vector<16xf32>,
        tpu.vector_store %arg15[%swap3A, %swap3A_632], %gather3A_622 {strides = array<i32>} : memref<16x128xf32, #tpu.memory_space<vmem>>, vector<16xf32>,
        %swap3A_634 = arith.index_cast %while3A_610 : i32 to index
        %swap3A_635 = arith.constant 16 : index
        %swap3A_636 = tpu.vector_load %arg15[%swap3A_634, %swap3A_635] {strides = array<i32>} : memref<16x128xf32, #tpu.memory_space<vmem>>, vector<16xf32>,
        tpu.vector_store %arg15[%swap3A_634, %swap3A_635], %gather3A_631 {strides = array<i32>} : memref<16x128xf32, #tpu.memory_space<vmem>>, vector<16xf32>,
        %add3A_637 = vector.broadcast %while3A_610 : i32 to vector<16xi32>
        %add3A_638 = arith.addi %broadcast_in_dim3A_1, %add3A_637 : vector<16xi32>
        %add3A_639 = vector.broadcast %and3A_617 : i32 to vector<16xi32>
        %add3A_640 = arith.addi %broadcast_in_dim3A_1, %add3A_639 : vector<16xi32>
        %eq3A_641 = arith.constant 0 : i32
        %eq3A_642 = vector.broadcast %eq3A_641 : i32 to vector<16xi32>
        %eq3A_643 = arith.cmpi eq, %iota3A, %eq3A_642 : vector<16xi32>
        tpu.vector_store_idx %arg16[%add3A_638], %add3A_640 masked %eq3A_643 : memref<32xi32, #tpu.memory_space<vmem>>[vector<16xi32>], vector<16xi32>, vector<16xi1>
        %add3A_644 = arith.constant 1 : i32
        %add3A_645 = arith.addi %while3A_610, %add3A_644 : i32
        %eq3A_646 = arith.constant 16 : i32
        %eq3A_647 = arith.cmpi eq, %add3A_645, %eq3A_646 : i32
        %convert_element_type3A_648 = arith.extui %eq3A_647 : i1 to i32
        %cond3A_649 = arith.constant 0 : i32
        %cond3A_650 = arith.cmpi ne, %convert_element_type3A_648, %cond3A_649 : i32
        scf.if %cond3A_650 {
          %scan3A_655 = arith.constant 0 : i32
          %scan3A_656 = arith.constant 16 : i32
          %scan3A_657 = arith.constant 0 : i32
          %scan3A_658 = arith.addi %scan3A_656, %scan3A_657 : i32
          %scan3A_659 = arith.constant 0 : i32
          %dma_start3A_660 = arith.constant 0 : i32
          %dma_start3A_661 = tpu.memref_slice %arg16[%dma_start3A_660] : memref<32xi32, #tpu.memory_space<vmem>> -> memref<16xi32, #tpu.memory_space<vmem>>
          %dma_start3A_662 = arith.constant 0 : i32
          %dma_start3A_663 = arith.constant 0 : i32
          %dma_start3A_664 = tpu.memref_slice %arg9[%dma_start3A_662, %dma_start3A_663] : memref<16384x128xf32, #tpu.memory_space<hbm>> -> memref<16384x128xf32, #tpu.memory_space<hbm>>
          tpu.enqueue_indirect_dma source(%arg15 : memref<16x128xf32, #tpu.memory_space<vmem>>) target(%dma_start3A_664 : memref<16384x128xf32, #tpu.memory_space<hbm>>) offsets(%dma_start3A_661 : memref<16xi32, #tpu.memory_space<vmem>>) semaphore(%arg19 : memref<!tpu.dma_semaphore, #tpu.memory_space<semaphore_mem>>)
          %dma_wait3A_665 = arith.constant 0 : i32
          %dma_wait3A_666 = tpu.memref_slice %arg16[%dma_wait3A_665] : memref<32xi32, #tpu.memory_space<vmem>> -> memref<16xi32, #tpu.memory_space<vmem>>
          %dma_wait3A_667 = arith.constant 0 : i32
          %dma_wait3A_668 = arith.constant 0 : i32
          %dma_wait3A_669 = tpu.memref_slice %arg9[%dma_wait3A_667, %dma_wait3A_668] : memref<16384x128xf32, #tpu.memory_space<hbm>> -> memref<16384x128xf32, #tpu.memory_space<hbm>>
          tpu.wait_indirect_dma semaphore(%arg19 : memref<!tpu.dma_semaphore, #tpu.memory_space<semaphore_mem>>) src(%arg15 : memref<16x128xf32, #tpu.memory_space<vmem>>) dst(%dma_wait3A_669 : memref<16384x128xf32, #tpu.memory_space<hbm>>)
        } else {
        }
        %eq3A_651 = arith.constant 16 : i32
        %eq3A_652 = arith.cmpi eq, %add3A_645, %eq3A_651 : i32
        %jit3A_653 = arith.constant 0 : i32
        %select_n3A_654 = arith.select %eq3A_652, %jit3A_653, %add3A_645 : i32
        scf.yield %select_n3A_654 : i32
      }
      %add3A_496 = arith.constant 2 : i32
      %add3A_497 = arith.addi %mul3A_313, %add3A_496 : i32
      %lt3A_498 = arith.constant 32 : i32
      %lt3A_499 = arith.cmpi slt, %add3A_497, %lt3A_498 : i32
      %convert_element_type3A_500 = arith.extui %lt3A_499 : i1 to i32
      %cond3A_501 = arith.constant 0 : i32
      %cond3A_502 = arith.cmpi ne, %convert_element_type3A_500, %cond3A_501 : i32
      scf.if %cond3A_502 {
        %add3A_609 = arith.constant 2 : i32
        %add3A_610 = arith.addi %mul3A_313, %add3A_609 : i32
        %lt3A_611 = arith.constant 31 : i32
        %lt3A_612 = arith.cmpi slt, %add3A_610, %lt3A_611 : i32
        %jit3A_613 = arith.constant 0 : i32
        %select_n3A_614 = arith.select %lt3A_612, %add3A_610, %jit3A_613 : i32
        %mul3A_615 = arith.constant 1024 : i32
        %mul3A_616 = arith.muli %select_n3A_614, %mul3A_615 : i32
        %add3A_617 = arith.addi %mul3A_7, %mul3A_616 : i32
        %multiple_of3A_618 = tpu.assume_multiple %add3A_617, 128 : i32
        %dma_start3A_619 = arith.constant 0 : i32
        %dma_start3A_620 = arith.constant 0 : i32
        %dma_start3A_621 = arith.constant 0 : i32
        %dma_start3A_622 = arith.constant 0 : i32
        %dma_start3A_623 = arith.constant 0 : i32
        %dma_start3A_624 = tpu.memref_slice %arg13[%dma_start3A_620, %dma_start3A_621, %dma_start3A_622, %dma_start3A_623] : memref<2x4x8x1024xf32, #tpu.memory_space<vmem>> -> memref<1x1x8x1024xf32, #tpu.memory_space<vmem>>
        %dma_start3A_625 = tpu.memref_squeeze %dma_start3A_624 : memref<1x1x8x1024xf32, #tpu.memory_space<vmem>> -> memref<8x1024xf32, #tpu.memory_space<vmem>>
        %dma_start3A_626 = arith.constant 0 : i32
        %dma_start3A_627 = tpu.memref_slice %arg5[%dma_start3A_619, %dma_start3A_626, %multiple_of3A_618] : memref<1x32x1000000xf32, #tpu.memory_space<hbm>> -> memref<1x8x1024xf32, #tpu.memory_space<hbm>>
        %dma_start3A_628 = tpu.memref_squeeze %dma_start3A_627 : memref<1x8x1024xf32, #tpu.memory_space<hbm>> -> memref<8x1024xf32, #tpu.memory_space<hbm>>
        %dma_start3A_629 = arith.constant 0 : i32
        %dma_start3A_630 = arith.constant 0 : i32
        %dma_start3A_631 = tpu.memref_slice %arg13[%dma_start3A_620, %dma_start3A_621, %dma_start3A_629, %dma_start3A_630] : memref<2x4x8x1024xf32, #tpu.memory_space<vmem>> -> memref<1x1x8x1024xf32, #tpu.memory_space<vmem>>
        %dma_start3A_632 = tpu.memref_squeeze %dma_start3A_631 : memref<1x1x8x1024xf32, #tpu.memory_space<vmem>> -> memref<8x1024xf32, #tpu.memory_space<vmem>>
        %dma_start3A_633 = arith.constant 0 : i32
        %dma_start3A_634 = tpu.memref_slice %arg5[%dma_start3A_619, %dma_start3A_633, %multiple_of3A_618] : memref<1x32x1000000xf32, #tpu.memory_space<hbm>> -> memref<1x8x1024xf32, #tpu.memory_space<hbm>>
        %dma_start3A_635 = tpu.memref_squeeze %dma_start3A_634 : memref<1x8x1024xf32, #tpu.memory_space<hbm>> -> memref<8x1024xf32, #tpu.memory_space<hbm>>
        tpu.enqueue_dma source(%dma_start3A_635 : memref<8x1024xf32, #tpu.memory_space<hbm>>) target(%dma_start3A_632 : memref<8x1024xf32, #tpu.memory_space<vmem>>) target_semaphore(%arg17 : memref<!tpu.dma_semaphore, #tpu.memory_space<semaphore_mem>>)
        %dma_start3A_636 = arith.constant 0 : i32
        %dma_start3A_637 = arith.constant 0 : i32
        %dma_start3A_638 = arith.constant 1 : i32
        %dma_start3A_639 = arith.constant 0 : i32
        %dma_start3A_640 = arith.constant 0 : i32
        %dma_start3A_641 = tpu.memref_slice %arg13[%dma_start3A_637, %dma_start3A_638, %dma_start3A_639, %dma_start3A_640] : memref<2x4x8x1024xf32, #tpu.memory_space<vmem>> -> memref<1x1x8x1024xf32, #tpu.memory_space<vmem>>
        %dma_start3A_642 = tpu.memref_squeeze %dma_start3A_641 : memref<1x1x8x1024xf32, #tpu.memory_space<vmem>> -> memref<8x1024xf32, #tpu.memory_space<vmem>>
        %dma_start3A_643 = arith.constant 8 : i32
        %dma_start3A_644 = tpu.memref_slice %arg5[%dma_start3A_636, %dma_start3A_643, %multiple_of3A_618] : memref<1x32x1000000xf32, #tpu.memory_space<hbm>> -> memref<1x8x1024xf32, #tpu.memory_space<hbm>>
        %dma_start3A_645 = tpu.memref_squeeze %dma_start3A_644 : memref<1x8x1024xf32, #tpu.memory_space<hbm>> -> memref<8x1024xf32, #tpu.memory_space<hbm>>
        %dma_start3A_646 = arith.constant 0 : i32
        %dma_start3A_647 = arith.constant 0 : i32
        %dma_start3A_648 = tpu.memref_slice %arg13[%dma_start3A_637, %dma_start3A_638, %dma_start3A_646, %dma_start3A_647] : memref<2x4x8x1024xf32, #tpu.memory_space<vmem>> -> memref<1x1x8x1024xf32, #tpu.memory_space<vmem>>
        %dma_start3A_649 = tpu.memref_squeeze %dma_start3A_648 : memref<1x1x8x1024xf32, #tpu.memory_space<vmem>> -> memref<8x1024xf32, #tpu.memory_space<vmem>>
        %dma_start3A_650 = arith.constant 8 : i32
        %dma_start3A_651 = tpu.memref_slice %arg5[%dma_start3A_636, %dma_start3A_650, %multiple_of3A_618] : memref<1x32x1000000xf32, #tpu.memory_space<hbm>> -> memref<1x8x1024xf32, #tpu.memory_space<hbm>>
        %dma_start3A_652 = tpu.memref_squeeze %dma_start3A_651 : memref<1x8x1024xf32, #tpu.memory_space<hbm>> -> memref<8x1024xf32, #tpu.memory_space<hbm>>
        tpu.enqueue_dma source(%dma_start3A_652 : memref<8x1024xf32, #tpu.memory_space<hbm>>) target(%dma_start3A_649 : memref<8x1024xf32, #tpu.memory_space<vmem>>) target_semaphore(%arg17 : memref<!tpu.dma_semaphore, #tpu.memory_space<semaphore_mem>>)
        %dma_start3A_653 = arith.constant 0 : i32
        %dma_start3A_654 = arith.constant 0 : i32
        %dma_start3A_655 = arith.constant 2 : i32
        %dma_start3A_656 = arith.constant 0 : i32
        %dma_start3A_657 = arith.constant 0 : i32
        %dma_start3A_658 = tpu.memref_slice %arg13[%dma_start3A_654, %dma_start3A_655, %dma_start3A_656, %dma_start3A_657] : memref<2x4x8x1024xf32, #tpu.memory_space<vmem>> -> memref<1x1x8x1024xf32, #tpu.memory_space<vmem>>
        %dma_start3A_659 = tpu.memref_squeeze %dma_start3A_658 : memref<1x1x8x1024xf32, #tpu.memory_space<vmem>> -> memref<8x1024xf32, #tpu.memory_space<vmem>>
        %dma_start3A_660 = arith.constant 16 : i32
        %dma_start3A_661 = tpu.memref_slice %arg5[%dma_start3A_653, %dma_start3A_660, %multiple_of3A_618] : memref<1x32x1000000xf32, #tpu.memory_space<hbm>> -> memref<1x8x1024xf32, #tpu.memory_space<hbm>>
        %dma_start3A_662 = tpu.memref_squeeze %dma_start3A_661 : memref<1x8x1024xf32, #tpu.memory_space<hbm>> -> memref<8x1024xf32, #tpu.memory_space<hbm>>
        %dma_start3A_663 = arith.constant 0 : i32
        %dma_start3A_664 = arith.constant 0 : i32
        %dma_start3A_665 = tpu.memref_slice %arg13[%dma_start3A_654, %dma_start3A_655, %dma_start3A_663, %dma_start3A_664] : memref<2x4x8x1024xf32, #tpu.memory_space<vmem>> -> memref<1x1x8x1024xf32, #tpu.memory_space<vmem>>
        %dma_start3A_666 = tpu.memref_squeeze %dma_start3A_665 : memref<1x1x8x1024xf32, #tpu.memory_space<vmem>> -> memref<8x1024xf32, #tpu.memory_space<vmem>>
        %dma_start3A_667 = arith.constant 16 : i32
        %dma_start3A_668 = tpu.memref_slice %arg5[%dma_start3A_653, %dma_start3A_667, %multiple_of3A_618] : memref<1x32x1000000xf32, #tpu.memory_space<hbm>> -> memref<1x8x1024xf32, #tpu.memory_space<hbm>>
        %dma_start3A_669 = tpu.memref_squeeze %dma_start3A_668 : memref<1x8x1024xf32, #tpu.memory_space<hbm>> -> memref<8x1024xf32, #tpu.memory_space<hbm>>
        tpu.enqueue_dma source(%dma_start3A_669 : memref<8x1024xf32, #tpu.memory_space<hbm>>) target(%dma_start3A_666 : memref<8x1024xf32, #tpu.memory_space<vmem>>) target_semaphore(%arg17 : memref<!tpu.dma_semaphore, #tpu.memory_space<semaphore_mem>>)
        %dma_start3A_670 = arith.constant 0 : i32
        %dma_start3A_671 = arith.constant 0 : i32
        %dma_start3A_672 = arith.constant 3 : i32
        %dma_start3A_673 = arith.constant 0 : i32
        %dma_start3A_674 = arith.constant 0 : i32
        %dma_start3A_675 = tpu.memref_slice %arg13[%dma_start3A_671, %dma_start3A_672, %dma_start3A_673, %dma_start3A_674] : memref<2x4x8x1024xf32, #tpu.memory_space<vmem>> -> memref<1x1x8x1024xf32, #tpu.memory_space<vmem>>
        %dma_start3A_676 = tpu.memref_squeeze %dma_start3A_675 : memref<1x1x8x1024xf32, #tpu.memory_space<vmem>> -> memref<8x1024xf32, #tpu.memory_space<vmem>>
        %dma_start3A_677 = arith.constant 24 : i32
        %dma_start3A_678 = tpu.memref_slice %arg5[%dma_start3A_670, %dma_start3A_677, %multiple_of3A_618] : memref<1x32x1000000xf32, #tpu.memory_space<hbm>> -> memref<1x8x1024xf32, #tpu.memory_space<hbm>>
        %dma_start3A_679 = tpu.memref_squeeze %dma_start3A_678 : memref<1x8x1024xf32, #tpu.memory_space<hbm>> -> memref<8x1024xf32, #tpu.memory_space<hbm>>
        %dma_start3A_680 = arith.constant 0 : i32
        %dma_start3A_681 = arith.constant 0 : i32
        %dma_start3A_682 = tpu.memref_slice %arg13[%dma_start3A_671, %dma_start3A_672, %dma_start3A_680, %dma_start3A_681] : memref<2x4x8x1024xf32, #tpu.memory_space<vmem>> -> memref<1x1x8x1024xf32, #tpu.memory_space<vmem>>
        %dma_start3A_683 = tpu.memref_squeeze %dma_start3A_682 : memref<1x1x8x1024xf32, #tpu.memory_space<vmem>> -> memref<8x1024xf32, #tpu.memory_space<vmem>>
        %dma_start3A_684 = arith.constant 24 : i32
        %dma_start3A_685 = tpu.memref_slice %arg5[%dma_start3A_670, %dma_start3A_684, %multiple_of3A_618] : memref<1x32x1000000xf32, #tpu.memory_space<hbm>> -> memref<1x8x1024xf32, #tpu.memory_space<hbm>>
        %dma_start3A_686 = tpu.memref_squeeze %dma_start3A_685 : memref<1x8x1024xf32, #tpu.memory_space<hbm>> -> memref<8x1024xf32, #tpu.memory_space<hbm>>
        tpu.enqueue_dma source(%dma_start3A_686 : memref<8x1024xf32, #tpu.memory_space<hbm>>) target(%dma_start3A_683 : memref<8x1024xf32, #tpu.memory_space<vmem>>) target_semaphore(%arg17 : memref<!tpu.dma_semaphore, #tpu.memory_space<semaphore_mem>>)
      } else {
      }
      %lt3A_503 = arith.constant 31 : i32
      %lt3A_504 = arith.cmpi slt, %add3A_315, %lt3A_503 : i32
      %jit3A_505 = arith.constant 0 : i32
      %select_n3A_506 = arith.select %lt3A_504, %add3A_315, %jit3A_505 : i32
      %mul3A_507 = arith.constant 1024 : i32
      %mul3A_508 = arith.muli %select_n3A_506, %mul3A_507 : i32
      %add3A_509 = arith.addi %mul3A_7, %mul3A_508 : i32
      %multiple_of3A_510 = tpu.assume_multiple %add3A_509, 128 : i32
      %dma_wait3A_511 = arith.constant 0 : i32
      %dma_wait3A_512 = arith.constant 1 : i32
      %dma_wait3A_513 = arith.constant 0 : i32
      %dma_wait3A_514 = arith.constant 0 : i32
      %dma_wait3A_515 = arith.constant 0 : i32
      %dma_wait3A_516 = tpu.memref_slice %arg13[%dma_wait3A_512, %dma_wait3A_513, %dma_wait3A_514, %dma_wait3A_515] : memref<2x4x8x1024xf32, #tpu.memory_space<vmem>> -> memref<1x1x8x1024xf32, #tpu.memory_space<vmem>>
      %dma_wait3A_517 = tpu.memref_squeeze %dma_wait3A_516 : memref<1x1x8x1024xf32, #tpu.memory_space<vmem>> -> memref<8x1024xf32, #tpu.memory_space<vmem>>
      %dma_wait3A_518 = arith.constant 0 : i32
      %dma_wait3A_519 = tpu.memref_slice %arg5[%dma_wait3A_511, %dma_wait3A_518, %multiple_of3A_510] : memref<1x32x1000000xf32, #tpu.memory_space<hbm>> -> memref<1x8x1024xf32, #tpu.memory_space<hbm>>
      %dma_wait3A_520 = tpu.memref_squeeze %dma_wait3A_519 : memref<1x8x1024xf32, #tpu.memory_space<hbm>> -> memref<8x1024xf32, #tpu.memory_space<hbm>>
      %dma_wait3A_521 = arith.constant 0 : i32
      %dma_wait3A_522 = arith.constant 0 : i32
      %dma_wait3A_523 = tpu.memref_slice %arg13[%dma_wait3A_512, %dma_wait3A_513, %dma_wait3A_521, %dma_wait3A_522] : memref<2x4x8x1024xf32, #tpu.memory_space<vmem>> -> memref<1x1x8x1024xf32, #tpu.memory_space<vmem>>
      %dma_wait3A_524 = tpu.memref_squeeze %dma_wait3A_523 : memref<1x1x8x1024xf32, #tpu.memory_space<vmem>> -> memref<8x1024xf32, #tpu.memory_space<vmem>>
      %dma_wait3A_525 = arith.constant 0 : i32
      %dma_wait3A_526 = tpu.memref_slice %arg5[%dma_wait3A_511, %dma_wait3A_525, %multiple_of3A_510] : memref<1x32x1000000xf32, #tpu.memory_space<hbm>> -> memref<1x8x1024xf32, #tpu.memory_space<hbm>>
      %dma_wait3A_527 = tpu.memref_squeeze %dma_wait3A_526 : memref<1x8x1024xf32, #tpu.memory_space<hbm>> -> memref<8x1024xf32, #tpu.memory_space<hbm>>
      tpu.wait_dma2 semaphore(%arg18 : memref<!tpu.dma_semaphore, #tpu.memory_space<semaphore_mem>>) src(%dma_wait3A_527 : memref<8x1024xf32, #tpu.memory_space<hbm>>) dst(%dma_wait3A_524 : memref<8x1024xf32, #tpu.memory_space<vmem>>)
      %dma_wait3A_528 = arith.constant 0 : i32
      %dma_wait3A_529 = arith.constant 1 : i32
      %dma_wait3A_530 = arith.constant 1 : i32
      %dma_wait3A_531 = arith.constant 0 : i32
      %dma_wait3A_532 = arith.constant 0 : i32
      %dma_wait3A_533 = tpu.memref_slice %arg13[%dma_wait3A_529, %dma_wait3A_530, %dma_wait3A_531, %dma_wait3A_532] : memref<2x4x8x1024xf32, #tpu.memory_space<vmem>> -> memref<1x1x8x1024xf32, #tpu.memory_space<vmem>>
      %dma_wait3A_534 = tpu.memref_squeeze %dma_wait3A_533 : memref<1x1x8x1024xf32, #tpu.memory_space<vmem>> -> memref<8x1024xf32, #tpu.memory_space<vmem>>
      %dma_wait3A_535 = arith.constant 8 : i32
      %dma_wait3A_536 = tpu.memref_slice %arg5[%dma_wait3A_528, %dma_wait3A_535, %multiple_of3A_510] : memref<1x32x1000000xf32, #tpu.memory_space<hbm>> -> memref<1x8x1024xf32, #tpu.memory_space<hbm>>
      %dma_wait3A_537 = tpu.memref_squeeze %dma_wait3A_536 : memref<1x8x1024xf32, #tpu.memory_space<hbm>> -> memref<8x1024xf32, #tpu.memory_space<hbm>>
      %dma_wait3A_538 = arith.constant 0 : i32
      %dma_wait3A_539 = arith.constant 0 : i32
      %dma_wait3A_540 = tpu.memref_slice %arg13[%dma_wait3A_529, %dma_wait3A_530, %dma_wait3A_538, %dma_wait3A_539] : memref<2x4x8x1024xf32, #tpu.memory_space<vmem>> -> memref<1x1x8x1024xf32, #tpu.memory_space<vmem>>
      %dma_wait3A_541 = tpu.memref_squeeze %dma_wait3A_540 : memref<1x1x8x1024xf32, #tpu.memory_space<vmem>> -> memref<8x1024xf32, #tpu.memory_space<vmem>>
      %dma_wait3A_542 = arith.constant 8 : i32
      %dma_wait3A_543 = tpu.memref_slice %arg5[%dma_wait3A_528, %dma_wait3A_542, %multiple_of3A_510] : memref<1x32x1000000xf32, #tpu.memory_space<hbm>> -> memref<1x8x1024xf32, #tpu.memory_space<hbm>>
      %dma_wait3A_544 = tpu.memref_squeeze %dma_wait3A_543 : memref<1x8x1024xf32, #tpu.memory_space<hbm>> -> memref<8x1024xf32, #tpu.memory_space<hbm>>
      tpu.wait_dma2 semaphore(%arg18 : memref<!tpu.dma_semaphore, #tpu.memory_space<semaphore_mem>>) src(%dma_wait3A_544 : memref<8x1024xf32, #tpu.memory_space<hbm>>) dst(%dma_wait3A_541 : memref<8x1024xf32, #tpu.memory_space<vmem>>)
      %dma_wait3A_545 = arith.constant 0 : i32
      %dma_wait3A_546 = arith.constant 1 : i32
      %dma_wait3A_547 = arith.constant 2 : i32
      %dma_wait3A_548 = arith.constant 0 : i32
      %dma_wait3A_549 = arith.constant 0 : i32
      %dma_wait3A_550 = tpu.memref_slice %arg13[%dma_wait3A_546, %dma_wait3A_547, %dma_wait3A_548, %dma_wait3A_549] : memref<2x4x8x1024xf32, #tpu.memory_space<vmem>> -> memref<1x1x8x1024xf32, #tpu.memory_space<vmem>>
      %dma_wait3A_551 = tpu.memref_squeeze %dma_wait3A_550 : memref<1x1x8x1024xf32, #tpu.memory_space<vmem>> -> memref<8x1024xf32, #tpu.memory_space<vmem>>
      %dma_wait3A_552 = arith.constant 16 : i32
      %dma_wait3A_553 = tpu.memref_slice %arg5[%dma_wait3A_545, %dma_wait3A_552, %multiple_of3A_510] : memref<1x32x1000000xf32, #tpu.memory_space<hbm>> -> memref<1x8x1024xf32, #tpu.memory_space<hbm>>
      %dma_wait3A_554 = tpu.memref_squeeze %dma_wait3A_553 : memref<1x8x1024xf32, #tpu.memory_space<hbm>> -> memref<8x1024xf32, #tpu.memory_space<hbm>>
      %dma_wait3A_555 = arith.constant 0 : i32
      %dma_wait3A_556 = arith.constant 0 : i32
      %dma_wait3A_557 = tpu.memref_slice %arg13[%dma_wait3A_546, %dma_wait3A_547, %dma_wait3A_555, %dma_wait3A_556] : memref<2x4x8x1024xf32, #tpu.memory_space<vmem>> -> memref<1x1x8x1024xf32, #tpu.memory_space<vmem>>
      %dma_wait3A_558 = tpu.memref_squeeze %dma_wait3A_557 : memref<1x1x8x1024xf32, #tpu.memory_space<vmem>> -> memref<8x1024xf32, #tpu.memory_space<vmem>>
      %dma_wait3A_559 = arith.constant 16 : i32
      %dma_wait3A_560 = tpu.memref_slice %arg5[%dma_wait3A_545, %dma_wait3A_559, %multiple_of3A_510] : memref<1x32x1000000xf32, #tpu.memory_space<hbm>> -> memref<1x8x1024xf32, #tpu.memory_space<hbm>>
      %dma_wait3A_561 = tpu.memref_squeeze %dma_wait3A_560 : memref<1x8x1024xf32, #tpu.memory_space<hbm>> -> memref<8x1024xf32, #tpu.memory_space<hbm>>
      tpu.wait_dma2 semaphore(%arg18 : memref<!tpu.dma_semaphore, #tpu.memory_space<semaphore_mem>>) src(%dma_wait3A_561 : memref<8x1024xf32, #tpu.memory_space<hbm>>) dst(%dma_wait3A_558 : memref<8x1024xf32, #tpu.memory_space<vmem>>)
      %dma_wait3A_562 = arith.constant 0 : i32
      %dma_wait3A_563 = arith.constant 1 : i32
      %dma_wait3A_564 = arith.constant 3 : i32
      %dma_wait3A_565 = arith.constant 0 : i32
      %dma_wait3A_566 = arith.constant 0 : i32
      %dma_wait3A_567 = tpu.memref_slice %arg13[%dma_wait3A_563, %dma_wait3A_564, %dma_wait3A_565, %dma_wait3A_566] : memref<2x4x8x1024xf32, #tpu.memory_space<vmem>> -> memref<1x1x8x1024xf32, #tpu.memory_space<vmem>>
      %dma_wait3A_568 = tpu.memref_squeeze %dma_wait3A_567 : memref<1x1x8x1024xf32, #tpu.memory_space<vmem>> -> memref<8x1024xf32, #tpu.memory_space<vmem>>
      %dma_wait3A_569 = arith.constant 24 : i32
      %dma_wait3A_570 = tpu.memref_slice %arg5[%dma_wait3A_562, %dma_wait3A_569, %multiple_of3A_510] : memref<1x32x1000000xf32, #tpu.memory_space<hbm>> -> memref<1x8x1024xf32, #tpu.memory_space<hbm>>
      %dma_wait3A_571 = tpu.memref_squeeze %dma_wait3A_570 : memref<1x8x1024xf32, #tpu.memory_space<hbm>> -> memref<8x1024xf32, #tpu.memory_space<hbm>>
      %dma_wait3A_572 = arith.constant 0 : i32
      %dma_wait3A_573 = arith.constant 0 : i32
      %dma_wait3A_574 = tpu.memref_slice %arg13[%dma_wait3A_563, %dma_wait3A_564, %dma_wait3A_572, %dma_wait3A_573] : memref<2x4x8x1024xf32, #tpu.memory_space<vmem>> -> memref<1x1x8x1024xf32, #tpu.memory_space<vmem>>
      %dma_wait3A_575 = tpu.memref_squeeze %dma_wait3A_574 : memref<1x1x8x1024xf32, #tpu.memory_space<vmem>> -> memref<8x1024xf32, #tpu.memory_space<vmem>>
      %dma_wait3A_576 = arith.constant 24 : i32
      %dma_wait3A_577 = tpu.memref_slice %arg5[%dma_wait3A_562, %dma_wait3A_576, %multiple_of3A_510] : memref<1x32x1000000xf32, #tpu.memory_space<hbm>> -> memref<1x8x1024xf32, #tpu.memory_space<hbm>>
      %dma_wait3A_578 = tpu.memref_squeeze %dma_wait3A_577 : memref<1x8x1024xf32, #tpu.memory_space<hbm>> -> memref<8x1024xf32, #tpu.memory_space<hbm>>
      tpu.wait_dma2 semaphore(%arg18 : memref<!tpu.dma_semaphore, #tpu.memory_space<semaphore_mem>>) src(%dma_wait3A_578 : memref<8x1024xf32, #tpu.memory_space<hbm>>) dst(%dma_wait3A_575 : memref<8x1024xf32, #tpu.memory_space<vmem>>)
      %lt3A_579 = arith.constant 31 : i32
      %lt3A_580 = arith.cmpi slt, %add3A_315, %lt3A_579 : i32
      %jit3A_581 = arith.constant 0 : i32
      %select_n3A_582 = arith.select %lt3A_580, %add3A_315, %jit3A_581 : i32
      %mul3A_583 = arith.constant 1024 : i32
      %mul3A_584 = arith.muli %select_n3A_582, %mul3A_583 : i32
      %while3A_585 = arith.constant 0 : i32
      %while3A_586 = arith.constant 0 : i32
      %while3A_587 = arith.subi %select_n3A_196, %while3A_585 : i32
      %while3A_588 = arith.addi %while3A_585, %while3A_587 : i32
      %while3A_589 = arith.constant 1 : i32
      %while3A_590 = arith.divsi %while3A_587, %while3A_589 : i32
      %while3A_591 = arith.muli %while3A_590, %while3A_589 : i32
      %while3A_592 = arith.addi %while3A_585, %while3A_591 : i32
      %while3A_593 = arith.constant 1 : i32
      %while3A_594 = scf.for %while3A_609 = %while3A_585 to %while3A_592 step %while3A_593 iter_args(%while3A_610 = %while3A_586) -> (i32)  : i32 {
        %mul3A_611 = arith.constant 16 : i32
        %mul3A_612 = arith.muli %while3A_609, %mul3A_611 : i32
        %get3A = arith.index_cast %mul3A_612 : i32 to index
        %get3A_613 = tpu.vector_load %arg11[%get3A] {strides = array<i32>} : memref<16384xi32, #tpu.memory_space<vmem>>, vector<16xi32>,
        %shift_right_arithmetic3A_614 = arith.constant 14 : i32
        %shift_right_arithmetic3A_615 = vector.broadcast %shift_right_arithmetic3A_614 : i32 to vector<16xi32>
        %shift_right_arithmetic3A_616 = arith.shrsi %get3A_613, %shift_right_arithmetic3A_615 : vector<16xi32>
        %mul3A_617 = arith.constant 16 : i32
        %mul3A_618 = arith.muli %while3A_609, %mul3A_617 : i32
        %add3A_619 = vector.broadcast %mul3A_618 : i32 to vector<16xi32>
        %add3A_620 = arith.addi %add3A_619, %iota3A : vector<16xi32>
        %lt3A_621 = vector.broadcast %scan3A_167 : i32 to vector<16xi32>
        %lt3A_622 = arith.cmpi slt, %add3A_620, %lt3A_621 : vector<16xi32>
        %ge3A = vector.broadcast %mul3A_584 : i32 to vector<16xi32>
        %ge3A_623 = arith.cmpi sge, %shift_right_arithmetic3A_616, %ge3A : vector<16xi32>
        %and3A_624 = arith.andi %lt3A_622, %ge3A_623 : vector<16xi1>
        %add3A_625 = arith.constant 1024 : i32
        %add3A_626 = arith.addi %mul3A_584, %add3A_625 : i32
        %lt3A_627 = vector.broadcast %add3A_626 : i32 to vector<16xi32>
        %lt3A_628 = arith.cmpi slt, %shift_right_arithmetic3A_616, %lt3A_627 : vector<16xi32>
        %and3A_629 = arith.andi %and3A_624, %lt3A_628 : vector<16xi1>
        %sub3A_630 = vector.broadcast %mul3A_584 : i32 to vector<16xi32>
        %sub3A_631 = arith.subi %shift_right_arithmetic3A_616, %sub3A_630 : vector<16xi32>
        %shift_left3A = arith.constant 14 : i32
        %shift_left3A_632 = vector.broadcast %shift_left3A : i32 to vector<16xi32>
        %shift_left3A_633 = arith.shli %sub3A_631, %shift_left3A_632 : vector<16xi32>
        %and3A_634 = arith.constant 16383 : i32
        %and3A_635 = vector.broadcast %and3A_634 : i32 to vector<16xi32>
        %and3A_636 = arith.andi %get3A_613, %and3A_635 : vector<16xi32>
        %or3A = arith.ori %shift_left3A_633, %and3A_636 : vector<16xi32>
        %swap3A = arith.index_cast %while3A_610 : i32 to index
        %swap3A_637 = tpu.vector_load %arg12[%swap3A] masked %and3A_629 {strides = array<i32>} : memref<16400xi32, #tpu.memory_space<vmem>>, vector<16xi32>, vector<16xi1>
        tpu.vector_store %arg12[%swap3A], %or3A masked %and3A_629 {strides = array<i32>} : memref<16400xi32, #tpu.memory_space<vmem>>, vector<16xi32>, vector<16xi1>
        %convert_element_type3A_638 = arith.extui %and3A_629 : vector<16xi1> to vector<16xi32>
        %reduce_sum3A = arith.constant true
        %reduce_sum3A_639 = vector.broadcast %reduce_sum3A : i1 to vector<16xi1>
        %reduce_sum3A_640 = tpu.scan <sum>, %convert_element_type3A_638 masked %reduce_sum3A_639 : vector<16xi32>, vector<16xi1> -> vector<16xi32>
        %reduce_sum3A_641 = vector.extract %reduce_sum3A_640[15] : i32 from vector<16xi32>
        %add3A_642 = arith.addi %while3A_610, %reduce_sum3A_641 : i32
        scf.yield %add3A_642 : i32
      }
      %while3A_595 = arith.constant 1 : i32
      %while3A_596 = scf.for %while3A_609 = %while3A_592 to %while3A_588 step %while3A_595 iter_args(%while3A_610 = %while3A_594) -> (i32)  : i32 {
        %mul3A_611 = arith.constant 16 : i32
        %mul3A_612 = arith.muli %while3A_609, %mul3A_611 : i32
        %get3A = arith.index_cast %mul3A_612 : i32 to index
        %get3A_613 = tpu.vector_load %arg11[%get3A] {strides = array<i32>} : memref<16384xi32, #tpu.memory_space<vmem>>, vector<16xi32>,
        %shift_right_arithmetic3A_614 = arith.constant 14 : i32
        %shift_right_arithmetic3A_615 = vector.broadcast %shift_right_arithmetic3A_614 : i32 to vector<16xi32>
        %shift_right_arithmetic3A_616 = arith.shrsi %get3A_613, %shift_right_arithmetic3A_615 : vector<16xi32>
        %mul3A_617 = arith.constant 16 : i32
        %mul3A_618 = arith.muli %while3A_609, %mul3A_617 : i32
        %add3A_619 = vector.broadcast %mul3A_618 : i32 to vector<16xi32>
        %add3A_620 = arith.addi %add3A_619, %iota3A : vector<16xi32>
        %lt3A_621 = vector.broadcast %scan3A_167 : i32 to vector<16xi32>
        %lt3A_622 = arith.cmpi slt, %add3A_620, %lt3A_621 : vector<16xi32>
        %ge3A = vector.broadcast %mul3A_584 : i32 to vector<16xi32>
        %ge3A_623 = arith.cmpi sge, %shift_right_arithmetic3A_616, %ge3A : vector<16xi32>
        %and3A_624 = arith.andi %lt3A_622, %ge3A_623 : vector<16xi1>
        %add3A_625 = arith.constant 1024 : i32
        %add3A_626 = arith.addi %mul3A_584, %add3A_625 : i32
        %lt3A_627 = vector.broadcast %add3A_626 : i32 to vector<16xi32>
        %lt3A_628 = arith.cmpi slt, %shift_right_arithmetic3A_616, %lt3A_627 : vector<16xi32>
        %and3A_629 = arith.andi %and3A_624, %lt3A_628 : vector<16xi1>
        %sub3A_630 = vector.broadcast %mul3A_584 : i32 to vector<16xi32>
        %sub3A_631 = arith.subi %shift_right_arithmetic3A_616, %sub3A_630 : vector<16xi32>
        %shift_left3A = arith.constant 14 : i32
        %shift_left3A_632 = vector.broadcast %shift_left3A : i32 to vector<16xi32>
        %shift_left3A_633 = arith.shli %sub3A_631, %shift_left3A_632 : vector<16xi32>
        %and3A_634 = arith.constant 16383 : i32
        %and3A_635 = vector.broadcast %and3A_634 : i32 to vector<16xi32>
        %and3A_636 = arith.andi %get3A_613, %and3A_635 : vector<16xi32>
        %or3A = arith.ori %shift_left3A_633, %and3A_636 : vector<16xi32>
        %swap3A = arith.index_cast %while3A_610 : i32 to index
        %swap3A_637 = tpu.vector_load %arg12[%swap3A] masked %and3A_629 {strides = array<i32>} : memref<16400xi32, #tpu.memory_space<vmem>>, vector<16xi32>, vector<16xi1>
        tpu.vector_store %arg12[%swap3A], %or3A masked %and3A_629 {strides = array<i32>} : memref<16400xi32, #tpu.memory_space<vmem>>, vector<16xi32>, vector<16xi1>
        %convert_element_type3A_638 = arith.extui %and3A_629 : vector<16xi1> to vector<16xi32>
        %reduce_sum3A = arith.constant true
        %reduce_sum3A_639 = vector.broadcast %reduce_sum3A : i1 to vector<16xi1>
        %reduce_sum3A_640 = tpu.scan <sum>, %convert_element_type3A_638 masked %reduce_sum3A_639 : vector<16xi32>, vector<16xi1> -> vector<16xi32>
        %reduce_sum3A_641 = vector.extract %reduce_sum3A_640[15] : i32 from vector<16xi32>
        %add3A_642 = arith.addi %while3A_610, %reduce_sum3A_641 : i32
        scf.yield %add3A_642 : i32
      }
      %while3A_597 = arith.constant 1 : i32
      %while3A_598 = arith.constant 0 : i32
      %while3A_599 = arith.subi %while3A_596, %while3A_598 : i32
      %while3A_600 = arith.addi %while3A_598, %while3A_599 : i32
      %while3A_601 = arith.constant 1 : i32
      %while3A_602 = arith.divsi %while3A_599, %while3A_601 : i32
      %while3A_603 = arith.muli %while3A_602, %while3A_601 : i32
      %while3A_604 = arith.addi %while3A_598, %while3A_603 : i32
      %while3A_605 = arith.constant 1 : i32
      %while3A_606 = scf.for %while3A_609 = %while3A_598 to %while3A_604 step %while3A_605 iter_args(%while3A_610 = %while3A_495) -> (i32)  : i32 {
        %get3A = arith.index_cast %while3A_609 : i32 to index
        %get3A_611 = tpu.vector_load %arg12[%get3A] {strides = array<i32>} : memref<16400xi32, #tpu.memory_space<vmem>>, vector<16xi32>,
        %slice3A = vector.extract_strided_slice %get3A_611 {offsets = [0], sizes = [1], strides = [1]} : vector<16xi32> to vector<1xi32>
        %squeeze3A = vector.extract %slice3A[0] : i32 from vector<1xi32>
        %shift_right_arithmetic3A_612 = arith.constant 14 : i32
        %shift_right_arithmetic3A_613 = arith.shrsi %squeeze3A, %shift_right_arithmetic3A_612 : i32
        %add3A_614 = vector.broadcast %shift_right_arithmetic3A_613 : i32 to vector<16xi32>
        %add3A_615 = arith.addi %broadcast_in_dim3A_1, %add3A_614 : vector<16xi32>
        %and3A_616 = arith.constant 16383 : i32
        %and3A_617 = arith.andi %squeeze3A, %and3A_616 : i32
        %gather3A = arith.constant 0 : i32
        %gather3A_618 = arith.constant 0 : i32
        %gather3A_619 = arith.constant 0 : i32
        %gather3A_620 = tpu.memref_slice %arg13[%while3A_597, %gather3A, %gather3A_618, %gather3A_619] : memref<2x4x8x1024xf32, #tpu.memory_space<vmem>> -> memref<1x4x8x1024xf32, #tpu.memory_space<vmem>>
        %gather3A_621 = tpu.memref_squeeze %gather3A_620 : memref<1x4x8x1024xf32, #tpu.memory_space<vmem>> -> memref<4x8x1024xf32, #tpu.memory_space<vmem>>
        %gather3A_622 = tpu.vector_load_idx %gather3A_621[%shift_right_arithmetic3A_3, %and3A_5, %add3A_615] : memref<4x8x1024xf32, #tpu.memory_space<vmem>>[vector<16xi32>, vector<16xi32>, vector<16xi32>], vector<16xf32>,
        %add3A_623 = arith.constant 2 : i32
        %add3A_624 = vector.broadcast %add3A_623 : i32 to vector<16xi32>
        %add3A_625 = arith.addi %add3A_624, %shift_right_arithmetic3A_3 : vector<16xi32>
        %gather3A_626 = arith.constant 0 : i32
        %gather3A_627 = arith.constant 0 : i32
        %gather3A_628 = arith.constant 0 : i32
        %gather3A_629 = tpu.memref_slice %arg13[%while3A_597, %gather3A_626, %gather3A_627, %gather3A_628] : memref<2x4x8x1024xf32, #tpu.memory_space<vmem>> -> memref<1x4x8x1024xf32, #tpu.memory_space<vmem>>
        %gather3A_630 = tpu.memref_squeeze %gather3A_629 : memref<1x4x8x1024xf32, #tpu.memory_space<vmem>> -> memref<4x8x1024xf32, #tpu.memory_space<vmem>>
        %gather3A_631 = tpu.vector_load_idx %gather3A_630[%add3A_625, %and3A_5, %add3A_615] : memref<4x8x1024xf32, #tpu.memory_space<vmem>>[vector<16xi32>, vector<16xi32>, vector<16xi32>], vector<16xf32>,
        %swap3A = arith.index_cast %while3A_610 : i32 to index
        %swap3A_632 = arith.constant 0 : index
        %swap3A_633 = tpu.vector_load %arg15[%swap3A, %swap3A_632] {strides = array<i32>} : memref<16x128xf32, #tpu.memory_space<vmem>>, vector<16xf32>,
        tpu.vector_store %arg15[%swap3A, %swap3A_632], %gather3A_622 {strides = array<i32>} : memref<16x128xf32, #tpu.memory_space<vmem>>, vector<16xf32>,
        %swap3A_634 = arith.index_cast %while3A_610 : i32 to index
        %swap3A_635 = arith.constant 16 : index
        %swap3A_636 = tpu.vector_load %arg15[%swap3A_634, %swap3A_635] {strides = array<i32>} : memref<16x128xf32, #tpu.memory_space<vmem>>, vector<16xf32>,
        tpu.vector_store %arg15[%swap3A_634, %swap3A_635], %gather3A_631 {strides = array<i32>} : memref<16x128xf32, #tpu.memory_space<vmem>>, vector<16xf32>,
        %add3A_637 = vector.broadcast %while3A_610 : i32 to vector<16xi32>
        %add3A_638 = arith.addi %broadcast_in_dim3A_1, %add3A_637 : vector<16xi32>
        %add3A_639 = vector.broadcast %and3A_617 : i32 to vector<16xi32>
        %add3A_640 = arith.addi %broadcast_in_dim3A_1, %add3A_639 : vector<16xi32>
        %eq3A_641 = arith.constant 0 : i32
        %eq3A_642 = vector.broadcast %eq3A_641 : i32 to vector<16xi32>
        %eq3A_643 = arith.cmpi eq, %iota3A, %eq3A_642 : vector<16xi32>
        tpu.vector_store_idx %arg16[%add3A_638], %add3A_640 masked %eq3A_643 : memref<32xi32, #tpu.memory_space<vmem>>[vector<16xi32>], vector<16xi32>, vector<16xi1>
        %add3A_644 = arith.constant 1 : i32
        %add3A_645 = arith.addi %while3A_610, %add3A_644 : i32
        %eq3A_646 = arith.constant 16 : i32
        %eq3A_647 = arith.cmpi eq, %add3A_645, %eq3A_646 : i32
        %convert_element_type3A_648 = arith.extui %eq3A_647 : i1 to i32
        %cond3A_649 = arith.constant 0 : i32
        %cond3A_650 = arith.cmpi ne, %convert_element_type3A_648, %cond3A_649 : i32
        scf.if %cond3A_650 {
          %scan3A_655 = arith.constant 0 : i32
          %scan3A_656 = arith.constant 16 : i32
          %scan3A_657 = arith.constant 0 : i32
          %scan3A_658 = arith.addi %scan3A_656, %scan3A_657 : i32
          %scan3A_659 = arith.constant 0 : i32
          %dma_start3A_660 = arith.constant 0 : i32
          %dma_start3A_661 = tpu.memref_slice %arg16[%dma_start3A_660] : memref<32xi32, #tpu.memory_space<vmem>> -> memref<16xi32, #tpu.memory_space<vmem>>
          %dma_start3A_662 = arith.constant 0 : i32
          %dma_start3A_663 = arith.constant 0 : i32
          %dma_start3A_664 = tpu.memref_slice %arg9[%dma_start3A_662, %dma_start3A_663] : memref<16384x128xf32, #tpu.memory_space<hbm>> -> memref<16384x128xf32, #tpu.memory_space<hbm>>
          tpu.enqueue_indirect_dma source(%arg15 : memref<16x128xf32, #tpu.memory_space<vmem>>) target(%dma_start3A_664 : memref<16384x128xf32, #tpu.memory_space<hbm>>) offsets(%dma_start3A_661 : memref<16xi32, #tpu.memory_space<vmem>>) semaphore(%arg19 : memref<!tpu.dma_semaphore, #tpu.memory_space<semaphore_mem>>)
          %dma_wait3A_665 = arith.constant 0 : i32
          %dma_wait3A_666 = tpu.memref_slice %arg16[%dma_wait3A_665] : memref<32xi32, #tpu.memory_space<vmem>> -> memref<16xi32, #tpu.memory_space<vmem>>
          %dma_wait3A_667 = arith.constant 0 : i32
          %dma_wait3A_668 = arith.constant 0 : i32
          %dma_wait3A_669 = tpu.memref_slice %arg9[%dma_wait3A_667, %dma_wait3A_668] : memref<16384x128xf32, #tpu.memory_space<hbm>> -> memref<16384x128xf32, #tpu.memory_space<hbm>>
          tpu.wait_indirect_dma semaphore(%arg19 : memref<!tpu.dma_semaphore, #tpu.memory_space<semaphore_mem>>) src(%arg15 : memref<16x128xf32, #tpu.memory_space<vmem>>) dst(%dma_wait3A_669 : memref<16384x128xf32, #tpu.memory_space<hbm>>)
        } else {
        }
        %eq3A_651 = arith.constant 16 : i32
        %eq3A_652 = arith.cmpi eq, %add3A_645, %eq3A_651 : i32
        %jit3A_653 = arith.constant 0 : i32
        %select_n3A_654 = arith.select %eq3A_652, %jit3A_653, %add3A_645 : i32
        scf.yield %select_n3A_654 : i32
      }
      %while3A_607 = arith.constant 1 : i32
      %while3A_608 = scf.for %while3A_609 = %while3A_604 to %while3A_600 step %while3A_607 iter_args(%while3A_610 = %while3A_606) -> (i32)  : i32 {
        %get3A = arith.index_cast %while3A_609 : i32 to index
        %get3A_611 = tpu.vector_load %arg12[%get3A] {strides = array<i32>} : memref<16400xi32, #tpu.memory_space<vmem>>, vector<16xi32>,
        %slice3A = vector.extract_strided_slice %get3A_611 {offsets = [0], sizes = [1], strides = [1]} : vector<16xi32> to vector<1xi32>
        %squeeze3A = vector.extract %slice3A[0] : i32 from vector<1xi32>
        %shift_right_arithmetic3A_612 = arith.constant 14 : i32
        %shift_right_arithmetic3A_613 = arith.shrsi %squeeze3A, %shift_right_arithmetic3A_612 : i32
        %add3A_614 = vector.broadcast %shift_right_arithmetic3A_613 : i32 to vector<16xi32>
        %add3A_615 = arith.addi %broadcast_in_dim3A_1, %add3A_614 : vector<16xi32>
        %and3A_616 = arith.constant 16383 : i32
        %and3A_617 = arith.andi %squeeze3A, %and3A_616 : i32
        %gather3A = arith.constant 0 : i32
        %gather3A_618 = arith.constant 0 : i32
        %gather3A_619 = arith.constant 0 : i32
        %gather3A_620 = tpu.memref_slice %arg13[%while3A_597, %gather3A, %gather3A_618, %gather3A_619] : memref<2x4x8x1024xf32, #tpu.memory_space<vmem>> -> memref<1x4x8x1024xf32, #tpu.memory_space<vmem>>
        %gather3A_621 = tpu.memref_squeeze %gather3A_620 : memref<1x4x8x1024xf32, #tpu.memory_space<vmem>> -> memref<4x8x1024xf32, #tpu.memory_space<vmem>>
        %gather3A_622 = tpu.vector_load_idx %gather3A_621[%shift_right_arithmetic3A_3, %and3A_5, %add3A_615] : memref<4x8x1024xf32, #tpu.memory_space<vmem>>[vector<16xi32>, vector<16xi32>, vector<16xi32>], vector<16xf32>,
        %add3A_623 = arith.constant 2 : i32
        %add3A_624 = vector.broadcast %add3A_623 : i32 to vector<16xi32>
        %add3A_625 = arith.addi %add3A_624, %shift_right_arithmetic3A_3 : vector<16xi32>
        %gather3A_626 = arith.constant 0 : i32
        %gather3A_627 = arith.constant 0 : i32
        %gather3A_628 = arith.constant 0 : i32
        %gather3A_629 = tpu.memref_slice %arg13[%while3A_597, %gather3A_626, %gather3A_627, %gather3A_628] : memref<2x4x8x1024xf32, #tpu.memory_space<vmem>> -> memref<1x4x8x1024xf32, #tpu.memory_space<vmem>>
        %gather3A_630 = tpu.memref_squeeze %gather3A_629 : memref<1x4x8x1024xf32, #tpu.memory_space<vmem>> -> memref<4x8x1024xf32, #tpu.memory_space<vmem>>
        %gather3A_631 = tpu.vector_load_idx %gather3A_630[%add3A_625, %and3A_5, %add3A_615] : memref<4x8x1024xf32, #tpu.memory_space<vmem>>[vector<16xi32>, vector<16xi32>, vector<16xi32>], vector<16xf32>,
        %swap3A = arith.index_cast %while3A_610 : i32 to index
        %swap3A_632 = arith.constant 0 : index
        %swap3A_633 = tpu.vector_load %arg15[%swap3A, %swap3A_632] {strides = array<i32>} : memref<16x128xf32, #tpu.memory_space<vmem>>, vector<16xf32>,
        tpu.vector_store %arg15[%swap3A, %swap3A_632], %gather3A_622 {strides = array<i32>} : memref<16x128xf32, #tpu.memory_space<vmem>>, vector<16xf32>,
        %swap3A_634 = arith.index_cast %while3A_610 : i32 to index
        %swap3A_635 = arith.constant 16 : index
        %swap3A_636 = tpu.vector_load %arg15[%swap3A_634, %swap3A_635] {strides = array<i32>} : memref<16x128xf32, #tpu.memory_space<vmem>>, vector<16xf32>,
        tpu.vector_store %arg15[%swap3A_634, %swap3A_635], %gather3A_631 {strides = array<i32>} : memref<16x128xf32, #tpu.memory_space<vmem>>, vector<16xf32>,
        %add3A_637 = vector.broadcast %while3A_610 : i32 to vector<16xi32>
        %add3A_638 = arith.addi %broadcast_in_dim3A_1, %add3A_637 : vector<16xi32>
        %add3A_639 = vector.broadcast %and3A_617 : i32 to vector<16xi32>
        %add3A_640 = arith.addi %broadcast_in_dim3A_1, %add3A_639 : vector<16xi32>
        %eq3A_641 = arith.constant 0 : i32
        %eq3A_642 = vector.broadcast %eq3A_641 : i32 to vector<16xi32>
        %eq3A_643 = arith.cmpi eq, %iota3A, %eq3A_642 : vector<16xi32>
        tpu.vector_store_idx %arg16[%add3A_638], %add3A_640 masked %eq3A_643 : memref<32xi32, #tpu.memory_space<vmem>>[vector<16xi32>], vector<16xi32>, vector<16xi1>
        %add3A_644 = arith.constant 1 : i32
        %add3A_645 = arith.addi %while3A_610, %add3A_644 : i32
        %eq3A_646 = arith.constant 16 : i32
        %eq3A_647 = arith.cmpi eq, %add3A_645, %eq3A_646 : i32
        %convert_element_type3A_648 = arith.extui %eq3A_647 : i1 to i32
        %cond3A_649 = arith.constant 0 : i32
        %cond3A_650 = arith.cmpi ne, %convert_element_type3A_648, %cond3A_649 : i32
        scf.if %cond3A_650 {
          %scan3A_655 = arith.constant 0 : i32
          %scan3A_656 = arith.constant 16 : i32
          %scan3A_657 = arith.constant 0 : i32
          %scan3A_658 = arith.addi %scan3A_656, %scan3A_657 : i32
          %scan3A_659 = arith.constant 0 : i32
          %dma_start3A_660 = arith.constant 0 : i32
          %dma_start3A_661 = tpu.memref_slice %arg16[%dma_start3A_660] : memref<32xi32, #tpu.memory_space<vmem>> -> memref<16xi32, #tpu.memory_space<vmem>>
          %dma_start3A_662 = arith.constant 0 : i32
          %dma_start3A_663 = arith.constant 0 : i32
          %dma_start3A_664 = tpu.memref_slice %arg9[%dma_start3A_662, %dma_start3A_663] : memref<16384x128xf32, #tpu.memory_space<hbm>> -> memref<16384x128xf32, #tpu.memory_space<hbm>>
          tpu.enqueue_indirect_dma source(%arg15 : memref<16x128xf32, #tpu.memory_space<vmem>>) target(%dma_start3A_664 : memref<16384x128xf32, #tpu.memory_space<hbm>>) offsets(%dma_start3A_661 : memref<16xi32, #tpu.memory_space<vmem>>) semaphore(%arg19 : memref<!tpu.dma_semaphore, #tpu.memory_space<semaphore_mem>>)
          %dma_wait3A_665 = arith.constant 0 : i32
          %dma_wait3A_666 = tpu.memref_slice %arg16[%dma_wait3A_665] : memref<32xi32, #tpu.memory_space<vmem>> -> memref<16xi32, #tpu.memory_space<vmem>>
          %dma_wait3A_667 = arith.constant 0 : i32
          %dma_wait3A_668 = arith.constant 0 : i32
          %dma_wait3A_669 = tpu.memref_slice %arg9[%dma_wait3A_667, %dma_wait3A_668] : memref<16384x128xf32, #tpu.memory_space<hbm>> -> memref<16384x128xf32, #tpu.memory_space<hbm>>
          tpu.wait_indirect_dma semaphore(%arg19 : memref<!tpu.dma_semaphore, #tpu.memory_space<semaphore_mem>>) src(%arg15 : memref<16x128xf32, #tpu.memory_space<vmem>>) dst(%dma_wait3A_669 : memref<16384x128xf32, #tpu.memory_space<hbm>>)
        } else {
        }
        %eq3A_651 = arith.constant 16 : i32
        %eq3A_652 = arith.cmpi eq, %add3A_645, %eq3A_651 : i32
        %jit3A_653 = arith.constant 0 : i32
        %select_n3A_654 = arith.select %eq3A_652, %jit3A_653, %add3A_645 : i32
        scf.yield %select_n3A_654 : i32
      }
      scf.yield %while3A_608 : i32
    }
    %scan3A_279 = arith.constant 16 : i32
    %sub3A_280 = arith.constant 999936 : i32
    %sub3A_281 = arith.subi %sub3A_280, %mul3A_7 : i32
    %while3A_282 = arith.constant 0 : i32
    %while3A_283 = arith.constant 0 : i32
    %while3A_284 = arith.subi %select_n3A_196, %while3A_282 : i32
    %while3A_285 = arith.addi %while3A_282, %while3A_284 : i32
    %while3A_286 = arith.constant 1 : i32
    %while3A_287 = arith.divsi %while3A_284, %while3A_286 : i32
    %while3A_288 = arith.muli %while3A_287, %while3A_286 : i32
    %while3A_289 = arith.addi %while3A_282, %while3A_288 : i32
    %while3A_290 = arith.constant 1 : i32
    %while3A_291 = scf.for %while3A_310 = %while3A_282 to %while3A_289 step %while3A_290 iter_args(%while3A_311 = %while3A_283) -> (i32)  : i32 {
      %mul3A_312 = arith.constant 16 : i32
      %mul3A_313 = arith.muli %while3A_310, %mul3A_312 : i32
      %get3A = arith.index_cast %mul3A_313 : i32 to index
      %get3A_314 = tpu.vector_load %arg11[%get3A] {strides = array<i32>} : memref<16384xi32, #tpu.memory_space<vmem>>, vector<16xi32>,
      %shift_right_arithmetic3A_315 = arith.constant 14 : i32
      %shift_right_arithmetic3A_316 = vector.broadcast %shift_right_arithmetic3A_315 : i32 to vector<16xi32>
      %shift_right_arithmetic3A_317 = arith.shrsi %get3A_314, %shift_right_arithmetic3A_316 : vector<16xi32>
      %mul3A_318 = arith.constant 16 : i32
      %mul3A_319 = arith.muli %while3A_310, %mul3A_318 : i32
      %add3A_320 = vector.broadcast %mul3A_319 : i32 to vector<16xi32>
      %add3A_321 = arith.addi %add3A_320, %iota3A : vector<16xi32>
      %lt3A = vector.broadcast %scan3A_167 : i32 to vector<16xi32>
      %lt3A_322 = arith.cmpi slt, %add3A_321, %lt3A : vector<16xi32>
      %ge3A = vector.broadcast %sub3A_281 : i32 to vector<16xi32>
      %ge3A_323 = arith.cmpi sge, %shift_right_arithmetic3A_317, %ge3A : vector<16xi32>
      %and3A_324 = arith.andi %lt3A_322, %ge3A_323 : vector<16xi1>
      %add3A_325 = arith.constant 128 : i32
      %add3A_326 = arith.addi %sub3A_281, %add3A_325 : i32
      %lt3A_327 = vector.broadcast %add3A_326 : i32 to vector<16xi32>
      %lt3A_328 = arith.cmpi slt, %shift_right_arithmetic3A_317, %lt3A_327 : vector<16xi32>
      %and3A_329 = arith.andi %and3A_324, %lt3A_328 : vector<16xi1>
      %sub3A_330 = vector.broadcast %sub3A_281 : i32 to vector<16xi32>
      %sub3A_331 = arith.subi %shift_right_arithmetic3A_317, %sub3A_330 : vector<16xi32>
      %shift_left3A = arith.constant 14 : i32
      %shift_left3A_332 = vector.broadcast %shift_left3A : i32 to vector<16xi32>
      %shift_left3A_333 = arith.shli %sub3A_331, %shift_left3A_332 : vector<16xi32>
      %and3A_334 = arith.constant 16383 : i32
      %and3A_335 = vector.broadcast %and3A_334 : i32 to vector<16xi32>
      %and3A_336 = arith.andi %get3A_314, %and3A_335 : vector<16xi32>
      %or3A = arith.ori %shift_left3A_333, %and3A_336 : vector<16xi32>
      %swap3A = arith.index_cast %while3A_311 : i32 to index
      %swap3A_337 = tpu.vector_load %arg12[%swap3A] masked %and3A_329 {strides = array<i32>} : memref<16400xi32, #tpu.memory_space<vmem>>, vector<16xi32>, vector<16xi1>
      tpu.vector_store %arg12[%swap3A], %or3A masked %and3A_329 {strides = array<i32>} : memref<16400xi32, #tpu.memory_space<vmem>>, vector<16xi32>, vector<16xi1>
      %convert_element_type3A_338 = arith.extui %and3A_329 : vector<16xi1> to vector<16xi32>
      %reduce_sum3A = arith.constant true
      %reduce_sum3A_339 = vector.broadcast %reduce_sum3A : i1 to vector<16xi1>
      %reduce_sum3A_340 = tpu.scan <sum>, %convert_element_type3A_338 masked %reduce_sum3A_339 : vector<16xi32>, vector<16xi1> -> vector<16xi32>
      %reduce_sum3A_341 = vector.extract %reduce_sum3A_340[15] : i32 from vector<16xi32>
      %add3A_342 = arith.addi %while3A_311, %reduce_sum3A_341 : i32
      scf.yield %add3A_342 : i32
    }
    %while3A_292 = arith.constant 1 : i32
    %while3A_293 = scf.for %while3A_310 = %while3A_289 to %while3A_285 step %while3A_292 iter_args(%while3A_311 = %while3A_291) -> (i32)  : i32 {
      %mul3A_312 = arith.constant 16 : i32
      %mul3A_313 = arith.muli %while3A_310, %mul3A_312 : i32
      %get3A = arith.index_cast %mul3A_313 : i32 to index
      %get3A_314 = tpu.vector_load %arg11[%get3A] {strides = array<i32>} : memref<16384xi32, #tpu.memory_space<vmem>>, vector<16xi32>,
      %shift_right_arithmetic3A_315 = arith.constant 14 : i32
      %shift_right_arithmetic3A_316 = vector.broadcast %shift_right_arithmetic3A_315 : i32 to vector<16xi32>
      %shift_right_arithmetic3A_317 = arith.shrsi %get3A_314, %shift_right_arithmetic3A_316 : vector<16xi32>
      %mul3A_318 = arith.constant 16 : i32
      %mul3A_319 = arith.muli %while3A_310, %mul3A_318 : i32
      %add3A_320 = vector.broadcast %mul3A_319 : i32 to vector<16xi32>
      %add3A_321 = arith.addi %add3A_320, %iota3A : vector<16xi32>
      %lt3A = vector.broadcast %scan3A_167 : i32 to vector<16xi32>
      %lt3A_322 = arith.cmpi slt, %add3A_321, %lt3A : vector<16xi32>
      %ge3A = vector.broadcast %sub3A_281 : i32 to vector<16xi32>
      %ge3A_323 = arith.cmpi sge, %shift_right_arithmetic3A_317, %ge3A : vector<16xi32>
      %and3A_324 = arith.andi %lt3A_322, %ge3A_323 : vector<16xi1>
      %add3A_325 = arith.constant 128 : i32
      %add3A_326 = arith.addi %sub3A_281, %add3A_325 : i32
      %lt3A_327 = vector.broadcast %add3A_326 : i32 to vector<16xi32>
      %lt3A_328 = arith.cmpi slt, %shift_right_arithmetic3A_317, %lt3A_327 : vector<16xi32>
      %and3A_329 = arith.andi %and3A_324, %lt3A_328 : vector<16xi1>
      %sub3A_330 = vector.broadcast %sub3A_281 : i32 to vector<16xi32>
      %sub3A_331 = arith.subi %shift_right_arithmetic3A_317, %sub3A_330 : vector<16xi32>
      %shift_left3A = arith.constant 14 : i32
      %shift_left3A_332 = vector.broadcast %shift_left3A : i32 to vector<16xi32>
      %shift_left3A_333 = arith.shli %sub3A_331, %shift_left3A_332 : vector<16xi32>
      %and3A_334 = arith.constant 16383 : i32
      %and3A_335 = vector.broadcast %and3A_334 : i32 to vector<16xi32>
      %and3A_336 = arith.andi %get3A_314, %and3A_335 : vector<16xi32>
      %or3A = arith.ori %shift_left3A_333, %and3A_336 : vector<16xi32>
      %swap3A = arith.index_cast %while3A_311 : i32 to index
      %swap3A_337 = tpu.vector_load %arg12[%swap3A] masked %and3A_329 {strides = array<i32>} : memref<16400xi32, #tpu.memory_space<vmem>>, vector<16xi32>, vector<16xi1>
      tpu.vector_store %arg12[%swap3A], %or3A masked %and3A_329 {strides = array<i32>} : memref<16400xi32, #tpu.memory_space<vmem>>, vector<16xi32>, vector<16xi1>
      %convert_element_type3A_338 = arith.extui %and3A_329 : vector<16xi1> to vector<16xi32>
      %reduce_sum3A = arith.constant true
      %reduce_sum3A_339 = vector.broadcast %reduce_sum3A : i1 to vector<16xi1>
      %reduce_sum3A_340 = tpu.scan <sum>, %convert_element_type3A_338 masked %reduce_sum3A_339 : vector<16xi32>, vector<16xi1> -> vector<16xi32>
      %reduce_sum3A_341 = vector.extract %reduce_sum3A_340[15] : i32 from vector<16xi32>
      %add3A_342 = arith.addi %while3A_311, %reduce_sum3A_341 : i32
      scf.yield %add3A_342 : i32
    }
    %while3A_294 = arith.constant 0 : i32
    %while3A_295 = arith.subi %while3A_293, %while3A_294 : i32
    %while3A_296 = arith.addi %while3A_294, %while3A_295 : i32
    %while3A_297 = arith.constant 1 : i32
    %while3A_298 = arith.divsi %while3A_295, %while3A_297 : i32
    %while3A_299 = arith.muli %while3A_298, %while3A_297 : i32
    %while3A_300 = arith.addi %while3A_294, %while3A_299 : i32
    %while3A_301 = arith.constant 1 : i32
    %while3A_302 = scf.for %while3A_310 = %while3A_294 to %while3A_300 step %while3A_301 iter_args(%while3A_311 = %scan3A_278) -> (i32)  : i32 {
      %get3A = arith.index_cast %while3A_310 : i32 to index
      %get3A_312 = tpu.vector_load %arg12[%get3A] {strides = array<i32>} : memref<16400xi32, #tpu.memory_space<vmem>>, vector<16xi32>,
      %slice3A = vector.extract_strided_slice %get3A_312 {offsets = [0], sizes = [1], strides = [1]} : vector<16xi32> to vector<1xi32>
      %squeeze3A = vector.extract %slice3A[0] : i32 from vector<1xi32>
      %shift_right_arithmetic3A_313 = arith.constant 14 : i32
      %shift_right_arithmetic3A_314 = arith.shrsi %squeeze3A, %shift_right_arithmetic3A_313 : i32
      %add3A_315 = vector.broadcast %shift_right_arithmetic3A_314 : i32 to vector<16xi32>
      %add3A_316 = arith.addi %broadcast_in_dim3A_1, %add3A_315 : vector<16xi32>
      %and3A_317 = arith.constant 16383 : i32
      %and3A_318 = arith.andi %squeeze3A, %and3A_317 : i32
      %gather3A = tpu.vector_load_idx %arg14[%shift_right_arithmetic3A_3, %and3A_5, %add3A_316] : memref<4x8x128xf32, #tpu.memory_space<vmem>>[vector<16xi32>, vector<16xi32>, vector<16xi32>], vector<16xf32>,
      %add3A_319 = arith.constant 2 : i32
      %add3A_320 = vector.broadcast %add3A_319 : i32 to vector<16xi32>
      %add3A_321 = arith.addi %add3A_320, %shift_right_arithmetic3A_3 : vector<16xi32>
      %gather3A_322 = tpu.vector_load_idx %arg14[%add3A_321, %and3A_5, %add3A_316] : memref<4x8x128xf32, #tpu.memory_space<vmem>>[vector<16xi32>, vector<16xi32>, vector<16xi32>], vector<16xf32>,
      %swap3A = arith.index_cast %while3A_311 : i32 to index
      %swap3A_323 = arith.constant 0 : index
      %swap3A_324 = tpu.vector_load %arg15[%swap3A, %swap3A_323] {strides = array<i32>} : memref<16x128xf32, #tpu.memory_space<vmem>>, vector<16xf32>,
      tpu.vector_store %arg15[%swap3A, %swap3A_323], %gather3A {strides = array<i32>} : memref<16x128xf32, #tpu.memory_space<vmem>>, vector<16xf32>,
      %swap3A_325 = arith.index_cast %while3A_311 : i32 to index
      %swap3A_326 = arith.constant 16 : index
      %swap3A_327 = tpu.vector_load %arg15[%swap3A_325, %swap3A_326] {strides = array<i32>} : memref<16x128xf32, #tpu.memory_space<vmem>>, vector<16xf32>,
      tpu.vector_store %arg15[%swap3A_325, %swap3A_326], %gather3A_322 {strides = array<i32>} : memref<16x128xf32, #tpu.memory_space<vmem>>, vector<16xf32>,
      %add3A_328 = vector.broadcast %while3A_311 : i32 to vector<16xi32>
      %add3A_329 = arith.addi %broadcast_in_dim3A_1, %add3A_328 : vector<16xi32>
      %add3A_330 = vector.broadcast %and3A_318 : i32 to vector<16xi32>
      %add3A_331 = arith.addi %broadcast_in_dim3A_1, %add3A_330 : vector<16xi32>
      %eq3A_332 = arith.constant 0 : i32
      %eq3A_333 = vector.broadcast %eq3A_332 : i32 to vector<16xi32>
      %eq3A_334 = arith.cmpi eq, %iota3A, %eq3A_333 : vector<16xi32>
      tpu.vector_store_idx %arg16[%add3A_329], %add3A_331 masked %eq3A_334 : memref<32xi32, #tpu.memory_space<vmem>>[vector<16xi32>], vector<16xi32>, vector<16xi1>
      %add3A_335 = arith.constant 1 : i32
      %add3A_336 = arith.addi %while3A_311, %add3A_335 : i32
      %eq3A_337 = arith.constant 16 : i32
      %eq3A_338 = arith.cmpi eq, %add3A_336, %eq3A_337 : i32
      %convert_element_type3A_339 = arith.extui %eq3A_338 : i1 to i32
      %cond3A_340 = arith.constant 0 : i32
      %cond3A_341 = arith.cmpi ne, %convert_element_type3A_339, %cond3A_340 : i32
      scf.if %cond3A_341 {
        %scan3A_346 = arith.constant 0 : i32
        %scan3A_347 = arith.constant 16 : i32
        %scan3A_348 = arith.constant 0 : i32
        %scan3A_349 = arith.addi %scan3A_347, %scan3A_348 : i32
        %scan3A_350 = arith.constant 0 : i32
        %dma_start3A_351 = arith.constant 0 : i32
        %dma_start3A_352 = tpu.memref_slice %arg16[%dma_start3A_351] : memref<32xi32, #tpu.memory_space<vmem>> -> memref<16xi32, #tpu.memory_space<vmem>>
        %dma_start3A_353 = arith.constant 0 : i32
        %dma_start3A_354 = arith.constant 0 : i32
        %dma_start3A_355 = tpu.memref_slice %arg9[%dma_start3A_353, %dma_start3A_354] : memref<16384x128xf32, #tpu.memory_space<hbm>> -> memref<16384x128xf32, #tpu.memory_space<hbm>>
        tpu.enqueue_indirect_dma source(%arg15 : memref<16x128xf32, #tpu.memory_space<vmem>>) target(%dma_start3A_355 : memref<16384x128xf32, #tpu.memory_space<hbm>>) offsets(%dma_start3A_352 : memref<16xi32, #tpu.memory_space<vmem>>) semaphore(%arg19 : memref<!tpu.dma_semaphore, #tpu.memory_space<semaphore_mem>>)
        %dma_wait3A = arith.constant 0 : i32
        %dma_wait3A_356 = tpu.memref_slice %arg16[%dma_wait3A] : memref<32xi32, #tpu.memory_space<vmem>> -> memref<16xi32, #tpu.memory_space<vmem>>
        %dma_wait3A_357 = arith.constant 0 : i32
        %dma_wait3A_358 = arith.constant 0 : i32
        %dma_wait3A_359 = tpu.memref_slice %arg9[%dma_wait3A_357, %dma_wait3A_358] : memref<16384x128xf32, #tpu.memory_space<hbm>> -> memref<16384x128xf32, #tpu.memory_space<hbm>>
        tpu.wait_indirect_dma semaphore(%arg19 : memref<!tpu.dma_semaphore, #tpu.memory_space<semaphore_mem>>) src(%arg15 : memref<16x128xf32, #tpu.memory_space<vmem>>) dst(%dma_wait3A_359 : memref<16384x128xf32, #tpu.memory_space<hbm>>)
      } else {
      }
      %eq3A_342 = arith.constant 16 : i32
      %eq3A_343 = arith.cmpi eq, %add3A_336, %eq3A_342 : i32
      %jit3A_344 = arith.constant 0 : i32
      %select_n3A_345 = arith.select %eq3A_343, %jit3A_344, %add3A_336 : i32
      scf.yield %select_n3A_345 : i32
    }
    %while3A_303 = arith.constant 1 : i32
    %while3A_304 = scf.for %while3A_310 = %while3A_300 to %while3A_296 step %while3A_303 iter_args(%while3A_311 = %while3A_302) -> (i32)  : i32 {
      %get3A = arith.index_cast %while3A_310 : i32 to index
      %get3A_312 = tpu.vector_load %arg12[%get3A] {strides = array<i32>} : memref<16400xi32, #tpu.memory_space<vmem>>, vector<16xi32>,
      %slice3A = vector.extract_strided_slice %get3A_312 {offsets = [0], sizes = [1], strides = [1]} : vector<16xi32> to vector<1xi32>
      %squeeze3A = vector.extract %slice3A[0] : i32 from vector<1xi32>
      %shift_right_arithmetic3A_313 = arith.constant 14 : i32
      %shift_right_arithmetic3A_314 = arith.shrsi %squeeze3A, %shift_right_arithmetic3A_313 : i32
      %add3A_315 = vector.broadcast %shift_right_arithmetic3A_314 : i32 to vector<16xi32>
      %add3A_316 = arith.addi %broadcast_in_dim3A_1, %add3A_315 : vector<16xi32>
      %and3A_317 = arith.constant 16383 : i32
      %and3A_318 = arith.andi %squeeze3A, %and3A_317 : i32
      %gather3A = tpu.vector_load_idx %arg14[%shift_right_arithmetic3A_3, %and3A_5, %add3A_316] : memref<4x8x128xf32, #tpu.memory_space<vmem>>[vector<16xi32>, vector<16xi32>, vector<16xi32>], vector<16xf32>,
      %add3A_319 = arith.constant 2 : i32
      %add3A_320 = vector.broadcast %add3A_319 : i32 to vector<16xi32>
      %add3A_321 = arith.addi %add3A_320, %shift_right_arithmetic3A_3 : vector<16xi32>
      %gather3A_322 = tpu.vector_load_idx %arg14[%add3A_321, %and3A_5, %add3A_316] : memref<4x8x128xf32, #tpu.memory_space<vmem>>[vector<16xi32>, vector<16xi32>, vector<16xi32>], vector<16xf32>,
      %swap3A = arith.index_cast %while3A_311 : i32 to index
      %swap3A_323 = arith.constant 0 : index
      %swap3A_324 = tpu.vector_load %arg15[%swap3A, %swap3A_323] {strides = array<i32>} : memref<16x128xf32, #tpu.memory_space<vmem>>, vector<16xf32>,
      tpu.vector_store %arg15[%swap3A, %swap3A_323], %gather3A {strides = array<i32>} : memref<16x128xf32, #tpu.memory_space<vmem>>, vector<16xf32>,
      %swap3A_325 = arith.index_cast %while3A_311 : i32 to index
      %swap3A_326 = arith.constant 16 : index
      %swap3A_327 = tpu.vector_load %arg15[%swap3A_325, %swap3A_326] {strides = array<i32>} : memref<16x128xf32, #tpu.memory_space<vmem>>, vector<16xf32>,
      tpu.vector_store %arg15[%swap3A_325, %swap3A_326], %gather3A_322 {strides = array<i32>} : memref<16x128xf32, #tpu.memory_space<vmem>>, vector<16xf32>,
      %add3A_328 = vector.broadcast %while3A_311 : i32 to vector<16xi32>
      %add3A_329 = arith.addi %broadcast_in_dim3A_1, %add3A_328 : vector<16xi32>
      %add3A_330 = vector.broadcast %and3A_318 : i32 to vector<16xi32>
      %add3A_331 = arith.addi %broadcast_in_dim3A_1, %add3A_330 : vector<16xi32>
      %eq3A_332 = arith.constant 0 : i32
      %eq3A_333 = vector.broadcast %eq3A_332 : i32 to vector<16xi32>
      %eq3A_334 = arith.cmpi eq, %iota3A, %eq3A_333 : vector<16xi32>
      tpu.vector_store_idx %arg16[%add3A_329], %add3A_331 masked %eq3A_334 : memref<32xi32, #tpu.memory_space<vmem>>[vector<16xi32>], vector<16xi32>, vector<16xi1>
      %add3A_335 = arith.constant 1 : i32
      %add3A_336 = arith.addi %while3A_311, %add3A_335 : i32
      %eq3A_337 = arith.constant 16 : i32
      %eq3A_338 = arith.cmpi eq, %add3A_336, %eq3A_337 : i32
      %convert_element_type3A_339 = arith.extui %eq3A_338 : i1 to i32
      %cond3A_340 = arith.constant 0 : i32
      %cond3A_341 = arith.cmpi ne, %convert_element_type3A_339, %cond3A_340 : i32
      scf.if %cond3A_341 {
        %scan3A_346 = arith.constant 0 : i32
        %scan3A_347 = arith.constant 16 : i32
        %scan3A_348 = arith.constant 0 : i32
        %scan3A_349 = arith.addi %scan3A_347, %scan3A_348 : i32
        %scan3A_350 = arith.constant 0 : i32
        %dma_start3A_351 = arith.constant 0 : i32
        %dma_start3A_352 = tpu.memref_slice %arg16[%dma_start3A_351] : memref<32xi32, #tpu.memory_space<vmem>> -> memref<16xi32, #tpu.memory_space<vmem>>
        %dma_start3A_353 = arith.constant 0 : i32
        %dma_start3A_354 = arith.constant 0 : i32
        %dma_start3A_355 = tpu.memref_slice %arg9[%dma_start3A_353, %dma_start3A_354] : memref<16384x128xf32, #tpu.memory_space<hbm>> -> memref<16384x128xf32, #tpu.memory_space<hbm>>
        tpu.enqueue_indirect_dma source(%arg15 : memref<16x128xf32, #tpu.memory_space<vmem>>) target(%dma_start3A_355 : memref<16384x128xf32, #tpu.memory_space<hbm>>) offsets(%dma_start3A_352 : memref<16xi32, #tpu.memory_space<vmem>>) semaphore(%arg19 : memref<!tpu.dma_semaphore, #tpu.memory_space<semaphore_mem>>)
        %dma_wait3A = arith.constant 0 : i32
        %dma_wait3A_356 = tpu.memref_slice %arg16[%dma_wait3A] : memref<32xi32, #tpu.memory_space<vmem>> -> memref<16xi32, #tpu.memory_space<vmem>>
        %dma_wait3A_357 = arith.constant 0 : i32
        %dma_wait3A_358 = arith.constant 0 : i32
        %dma_wait3A_359 = tpu.memref_slice %arg9[%dma_wait3A_357, %dma_wait3A_358] : memref<16384x128xf32, #tpu.memory_space<hbm>> -> memref<16384x128xf32, #tpu.memory_space<hbm>>
        tpu.wait_indirect_dma semaphore(%arg19 : memref<!tpu.dma_semaphore, #tpu.memory_space<semaphore_mem>>) src(%arg15 : memref<16x128xf32, #tpu.memory_space<vmem>>) dst(%dma_wait3A_359 : memref<16384x128xf32, #tpu.memory_space<hbm>>)
      } else {
      }
      %eq3A_342 = arith.constant 16 : i32
      %eq3A_343 = arith.cmpi eq, %add3A_336, %eq3A_342 : i32
      %jit3A_344 = arith.constant 0 : i32
      %select_n3A_345 = arith.select %eq3A_343, %jit3A_344, %add3A_336 : i32
      scf.yield %select_n3A_345 : i32
    }
    %gt3A_305 = arith.constant 0 : i32
    %gt3A_306 = arith.cmpi sgt, %while3A_304, %gt3A_305 : i32
    %convert_element_type3A_307 = arith.extui %gt3A_306 : i1 to i32
    %cond3A_308 = arith.constant 0 : i32
    %cond3A_309 = arith.cmpi ne, %convert_element_type3A_307, %cond3A_308 : i32
    scf.if %cond3A_309 {
      %while3A_310 = arith.constant 0 : i32
      %while3A_311 = arith.constant 16 : i32
      %while3A_312 = arith.subi %while3A_311, %while3A_304 : i32
      %while3A_313 = arith.addi %while3A_304, %while3A_312 : i32
      %while3A_314 = arith.constant 1 : i32
      %while3A_315 = arith.divsi %while3A_312, %while3A_314 : i32
      %while3A_316 = arith.muli %while3A_315, %while3A_314 : i32
      %while3A_317 = arith.addi %while3A_304, %while3A_316 : i32
      %while3A_318 = arith.constant 1 : i32
      scf.for %while3A_329 = %while3A_304 to %while3A_317 step %while3A_318  : i32 {
        %sub3A_330 = arith.constant 1 : i32
        %sub3A_331 = arith.subi %while3A_304, %sub3A_330 : i32
        %get3A = arith.index_cast %sub3A_331 : i32 to index
        %get3A_332 = arith.constant 0 : index
        %get3A_333 = tpu.vector_load %arg15[%get3A, %get3A_332] {strides = array<i32>} : memref<16x128xf32, #tpu.memory_space<vmem>>, vector<16xf32>,
        %sub3A_334 = arith.constant 1 : i32
        %sub3A_335 = arith.subi %while3A_304, %sub3A_334 : i32
        %get3A_336 = arith.index_cast %sub3A_335 : i32 to index
        %get3A_337 = arith.constant 16 : index
        %get3A_338 = tpu.vector_load %arg15[%get3A_336, %get3A_337] {strides = array<i32>} : memref<16x128xf32, #tpu.memory_space<vmem>>, vector<16xf32>,
        %swap3A = arith.index_cast %while3A_329 : i32 to index
        %swap3A_339 = arith.constant 0 : index
        %swap3A_340 = tpu.vector_load %arg15[%swap3A, %swap3A_339] {strides = array<i32>} : memref<16x128xf32, #tpu.memory_space<vmem>>, vector<16xf32>,
        tpu.vector_store %arg15[%swap3A, %swap3A_339], %get3A_333 {strides = array<i32>} : memref<16x128xf32, #tpu.memory_space<vmem>>, vector<16xf32>,
        %swap3A_341 = arith.index_cast %while3A_329 : i32 to index
        %swap3A_342 = arith.constant 16 : index
        %swap3A_343 = tpu.vector_load %arg15[%swap3A_341, %swap3A_342] {strides = array<i32>} : memref<16x128xf32, #tpu.memory_space<vmem>>, vector<16xf32>,
        tpu.vector_store %arg15[%swap3A_341, %swap3A_342], %get3A_338 {strides = array<i32>} : memref<16x128xf32, #tpu.memory_space<vmem>>, vector<16xf32>,
        %sub3A_344 = arith.constant 1 : i32
        %sub3A_345 = arith.subi %while3A_304, %sub3A_344 : i32
        %get3A_346 = arith.index_cast %sub3A_345 : i32 to index
        %get3A_347 = tpu.vector_load %arg16[%get3A_346] {strides = array<i32>} : memref<32xi32, #tpu.memory_space<vmem>>, vector<16xi32>,
        %slice3A = vector.extract_strided_slice %get3A_347 {offsets = [0], sizes = [1], strides = [1]} : vector<16xi32> to vector<1xi32>
        %squeeze3A = vector.extract %slice3A[0] : i32 from vector<1xi32>
        %add3A_348 = vector.broadcast %while3A_329 : i32 to vector<16xi32>
        %add3A_349 = arith.addi %broadcast_in_dim3A_1, %add3A_348 : vector<16xi32>
        %add3A_350 = vector.broadcast %squeeze3A : i32 to vector<16xi32>
        %add3A_351 = arith.addi %broadcast_in_dim3A_1, %add3A_350 : vector<16xi32>
        %eq3A_352 = arith.constant 0 : i32
        %eq3A_353 = vector.broadcast %eq3A_352 : i32 to vector<16xi32>
        %eq3A_354 = arith.cmpi eq, %iota3A, %eq3A_353 : vector<16xi32>
        tpu.vector_store_idx %arg16[%add3A_349], %add3A_351 masked %eq3A_354 : memref<32xi32, #tpu.memory_space<vmem>>[vector<16xi32>], vector<16xi32>, vector<16xi1>
      }
      %while3A_319 = arith.constant 1 : i32
      scf.for %while3A_329 = %while3A_317 to %while3A_313 step %while3A_319  : i32 {
        %sub3A_330 = arith.constant 1 : i32
        %sub3A_331 = arith.subi %while3A_304, %sub3A_330 : i32
        %get3A = arith.index_cast %sub3A_331 : i32 to index
        %get3A_332 = arith.constant 0 : index
        %get3A_333 = tpu.vector_load %arg15[%get3A, %get3A_332] {strides = array<i32>} : memref<16x128xf32, #tpu.memory_space<vmem>>, vector<16xf32>,
        %sub3A_334 = arith.constant 1 : i32
        %sub3A_335 = arith.subi %while3A_304, %sub3A_334 : i32
        %get3A_336 = arith.index_cast %sub3A_335 : i32 to index
        %get3A_337 = arith.constant 16 : index
        %get3A_338 = tpu.vector_load %arg15[%get3A_336, %get3A_337] {strides = array<i32>} : memref<16x128xf32, #tpu.memory_space<vmem>>, vector<16xf32>,
        %swap3A = arith.index_cast %while3A_329 : i32 to index
        %swap3A_339 = arith.constant 0 : index
        %swap3A_340 = tpu.vector_load %arg15[%swap3A, %swap3A_339] {strides = array<i32>} : memref<16x128xf32, #tpu.memory_space<vmem>>, vector<16xf32>,
        tpu.vector_store %arg15[%swap3A, %swap3A_339], %get3A_333 {strides = array<i32>} : memref<16x128xf32, #tpu.memory_space<vmem>>, vector<16xf32>,
        %swap3A_341 = arith.index_cast %while3A_329 : i32 to index
        %swap3A_342 = arith.constant 16 : index
        %swap3A_343 = tpu.vector_load %arg15[%swap3A_341, %swap3A_342] {strides = array<i32>} : memref<16x128xf32, #tpu.memory_space<vmem>>, vector<16xf32>,
        tpu.vector_store %arg15[%swap3A_341, %swap3A_342], %get3A_338 {strides = array<i32>} : memref<16x128xf32, #tpu.memory_space<vmem>>, vector<16xf32>,
        %sub3A_344 = arith.constant 1 : i32
        %sub3A_345 = arith.subi %while3A_304, %sub3A_344 : i32
        %get3A_346 = arith.index_cast %sub3A_345 : i32 to index
        %get3A_347 = tpu.vector_load %arg16[%get3A_346] {strides = array<i32>} : memref<32xi32, #tpu.memory_space<vmem>>, vector<16xi32>,
        %slice3A = vector.extract_strided_slice %get3A_347 {offsets = [0], sizes = [1], strides = [1]} : vector<16xi32> to vector<1xi32>
        %squeeze3A = vector.extract %slice3A[0] : i32 from vector<1xi32>
        %add3A_348 = vector.broadcast %while3A_329 : i32 to vector<16xi32>
        %add3A_349 = arith.addi %broadcast_in_dim3A_1, %add3A_348 : vector<16xi32>
        %add3A_350 = vector.broadcast %squeeze3A : i32 to vector<16xi32>
        %add3A_351 = arith.addi %broadcast_in_dim3A_1, %add3A_350 : vector<16xi32>
        %eq3A_352 = arith.constant 0 : i32
        %eq3A_353 = vector.broadcast %eq3A_352 : i32 to vector<16xi32>
        %eq3A_354 = arith.cmpi eq, %iota3A, %eq3A_353 : vector<16xi32>
        tpu.vector_store_idx %arg16[%add3A_349], %add3A_351 masked %eq3A_354 : memref<32xi32, #tpu.memory_space<vmem>>[vector<16xi32>], vector<16xi32>, vector<16xi1>
      }
      %dma_start3A_320 = arith.constant 0 : i32
      %dma_start3A_321 = tpu.memref_slice %arg16[%dma_start3A_320] : memref<32xi32, #tpu.memory_space<vmem>> -> memref<16xi32, #tpu.memory_space<vmem>>
      %dma_start3A_322 = arith.constant 0 : i32
      %dma_start3A_323 = arith.constant 0 : i32
      %dma_start3A_324 = tpu.memref_slice %arg9[%dma_start3A_322, %dma_start3A_323] : memref<16384x128xf32, #tpu.memory_space<hbm>> -> memref<16384x128xf32, #tpu.memory_space<hbm>>
      tpu.enqueue_indirect_dma source(%arg15 : memref<16x128xf32, #tpu.memory_space<vmem>>) target(%dma_start3A_324 : memref<16384x128xf32, #tpu.memory_space<hbm>>) offsets(%dma_start3A_321 : memref<16xi32, #tpu.memory_space<vmem>>) semaphore(%arg19 : memref<!tpu.dma_semaphore, #tpu.memory_space<semaphore_mem>>)
      %dma_wait3A = arith.constant 0 : i32
      %dma_wait3A_325 = tpu.memref_slice %arg16[%dma_wait3A] : memref<32xi32, #tpu.memory_space<vmem>> -> memref<16xi32, #tpu.memory_space<vmem>>
      %dma_wait3A_326 = arith.constant 0 : i32
      %dma_wait3A_327 = arith.constant 0 : i32
      %dma_wait3A_328 = tpu.memref_slice %arg9[%dma_wait3A_326, %dma_wait3A_327] : memref<16384x128xf32, #tpu.memory_space<hbm>> -> memref<16384x128xf32, #tpu.memory_space<hbm>>
      tpu.wait_indirect_dma semaphore(%arg19 : memref<!tpu.dma_semaphore, #tpu.memory_space<semaphore_mem>>) src(%arg15 : memref<16x128xf32, #tpu.memory_space<vmem>>) dst(%dma_wait3A_328 : memref<16384x128xf32, #tpu.memory_space<hbm>>)
    } else {
    }
    return
  }
}

</mosaic_0001>

<sc_bundles>
// kernel: kernel.4.cloned.1.call-start
scs
__scs_entry_jumppad:
0x0: {  	(pc) =	sbr.rel $0x88, $3  }
0x1: {  	(tag) =	ssettag $0x0;
	lr =	simm.s32 $0x1  }
0x2: {  	[smem:$0x3F9B] =	sst lr;
	_ =	strace $0xD0000000  }
0x3: {  	_ = 	snop  }
0x4: {  	_ = 	snop  }
0x5: {  	_ = 	snop  }
0x6: {  	_ = 	snop  }
0x7: {  	_ = 	snop  }
__scs_overlays_trampoline_lowered:
0x8: {  	[smem:$0x3FAA] =	sst s0  }
0x9: {  	[smem:$0x3FAB] =	sst s1  }
0xa: {  	[smem:$0x3FAC] =	sst s2  }
0xb: {  	[smem:$0x3FAD] =	sst s3  }
0xc: {  	[smem:$0x3FAE] =	sst s4  }
0xd: {  	[smem:$0x3FAF] =	sst s5  }
0xe: {  	[smem:$0x3FB0] =	sst s6  }
0xf: {  	[smem:$0x3FB1] =	sst s7  }
0x10: {  	[smem:$0x3FB2] =	sst s8  }
0x11: {  	[smem:$0x3FB3] =	sst s9;
	s0 =	simm.s32 @!p0 $0x0  }
0x12: {  	s1 =	sld [smem:$0x3F99];
	s0 =	simm.s32 @p0 $0x1  }
0x13: {  	[smem:$0x3FB4] =	sst s0;
	s0 =	simm.s32 @!p1 $0x0  }
0x14: {  	s2 =	sld [smem:$0x3F98];
	s0 =	simm.s32 @p1 $0x1  }
0x15: {  	[smem:$0x3FB5] =	sst s0;
	s0 =	simm.s32 @!p2 $0x0  }
0x16: {  	s3 =	sld [smem:$0x3FDB];
	s0 =	simm.s32 @p2 $0x1  }
0x17: {  	s4 =	simm.s32 $0x1BF5;
	[smem:$0x3FB7] =	sst s0  }
0x18: {  	s0 =	sld [smem:$0x3F9A];
	_ =	swait.ge [sflag:s4], $0x0  }
0x19: {  	s7 =	sld [smem:$0x3F9B]  }
0x1a: {  	s8 =	sadd.s32 $0xFFFFE003, lr  }
0x1b: {  	s9 =	sadd.s32 $0xFFFFFEF7, lr;
	s5 =	simm.s32 $0xFFFFFFFF;
	p2 =	slt.u32 s8, $0xFFFFF086  }
0x1c: {  	p1 =	slt.u32 s9, $0xF7A;
	s5 =	simm.s32 @!p2 $0x0  }
0x1d: {  	s5 =	simm.s32 @p1 $0x1;
	p0 =	seq.s32 s7, s2  }
0x1e: {  	s7 =	smul.u32 @!p0 $0xF7A, s2;
	p2 =	seq.s32 @!p0 s5, $0x0  }
0x1f: {  	s9 =	smul.u32 $0xF7A, s1;
	s8 =	simm.s32 @!p0 $0x1BF5;
	p2 =	por !p2, p0  }
0x20: {  	[sflag:s8] =	ssyncset.s32 @!p0 $0xFFFFF086;
	s6 =	sadd.s32 @!p0 s3, s7;
	s7 =	simm.s32 @!p0 $0x108  }
0x21: {  	s3 =	sadd.s32 s3, s9;
	s6 =	sadd.s32 @!p0 $0x88, s6;
	s7 =	simm.s32 @p2 $0x1082  }
0x22: {  	[simem:s7], [sflag:s8] =	dma.local @!p0 [hbm:s6], $0xF7A  }
0x23: {  	s9 =	sor.u32 $0xD0000000, s2;
	s6 =	simm.s32 $0x108;
	_ =	swait.ge @!p0 [sflag:s8], $0x0  }
0x24: {  	s3 =	sadd.s32 $0x88, s3;
	s6 =	simm.s32 @!p1 $0x1082;
	[sflag:s4] =	ssyncset.s32 $0xFFFFF086  }
0x25: {  	[simem:s6], [sflag:s4] =	dma.local [hbm:s3], $0xF7A  }
0x26: {  	[smem:$0x3F9B] =	sst s1;
	(tag) =	ssettag s2;
	_ =	strace s9  }
0x27: {  	s1 =	sld [smem:$0x3FAB]  }
0x28: {  	s2 =	sld [smem:$0x3FAC]  }
0x29: {  	s4 =	sld [smem:$0x3FAE]  }
0x2a: {  	p0 =	seq.s32 s5, $0x0;
	s5 =	sld [smem:$0x3FAF]  }
0x2b: {  	s6 =	sld [smem:$0x3FB0]  }
0x2c: {  	s7 =	sld [smem:$0x3FB1]  }
0x2d: {  	s3 =	simm.s32 $0x108;
	s8 =	sld [smem:$0x3FB2]  }
0x2e: {  	s3 =	simm.s32 @!p0 $0x1082;
	s9 =	sld [smem:$0x3FB3]  }
0x2f: {  	lr =	sadd.s32 s0, s3;
	s0 =	sld [smem:$0x3FAA]  }
0x30: {  	s3 =	sld [smem:$0x3FAD]  }
0x31: {  	[smem:$0x3FB6] =	sst s10  }
0x32: {  	s10 =	sld [smem:$0x3FB4];
	_ =	sdelay $0x3  }
0x33: {  	p0 =	seq.s32 s10, $0x1;
	s10 =	sld [smem:$0x3FB6];
	_ =	sdelay $0x3  }
0x34: {  	[smem:$0x3FB6] =	sst s10  }
0x35: {  	s10 =	sld [smem:$0x3FB5];
	_ =	sdelay $0x3  }
0x36: {  	p1 =	seq.s32 s10, $0x1;
	s10 =	sld [smem:$0x3FB6];
	_ =	sdelay $0x3  }
0x37: {  	[smem:$0x3FB6] =	sst s10  }
0x38: {  	s10 =	sld [smem:$0x3FB7]  }
0x39: {  	_ = 	snop;
	(pc) =	sbr.ind lr, $3  }
0x3a: {  	_ = 	snop  }
0x3b: {  	_ = 	snop  }
0x3c: {  	p2 =	seq.s32 s10, $0x1;
	s10 =	sld [smem:$0x3FB6]  }
0x3d: {  	_ =	shalt  }
0x3e: {  	_ =	shalt  }
0x3f: {  	_ =	shalt  }
0x40: {  	_ =	shalt  }
0x41: {  	_ =	shalt  }
0x42: {  	_ =	shalt  }
0x43: {  	_ =	shalt  }
0x44: {  	_ =	shalt  }
0x45: {  	_ =	shalt  }
0x46: {  	_ =	shalt  }
0x47: {  	_ =	shalt  }
0x48: {  	_ =	shalt  }
0x49: {  	_ =	shalt  }
0x4a: {  	_ =	shalt  }
0x4b: {  	_ =	shalt  }
0x4c: {  	_ =	shalt  }
0x4d: {  	_ =	shalt  }
0x4e: {  	_ =	shalt  }
0x4f: {  	_ =	shalt  }
0x50: {  	_ =	shalt  }
0x51: {  	_ =	shalt  }
0x52: {  	_ =	shalt  }
0x53: {  	_ =	shalt  }
0x54: {  	_ =	shalt  }
0x55: {  	_ =	shalt  }
0x56: {  	_ =	shalt  }
0x57: {  	_ =	shalt  }
0x58: {  	_ =	shalt  }
0x59: {  	_ =	shalt  }
0x5a: {  	_ =	shalt  }
0x5b: {  	_ =	shalt  }
0x5c: {  	_ =	shalt  }
0x5d: {  	_ =	shalt  }
0x5e: {  	_ =	shalt  }
0x5f: {  	_ =	shalt  }
0x60: {  	_ =	shalt  }
0x61: {  	_ =	shalt  }
0x62: {  	_ =	shalt  }
0x63: {  	_ =	shalt  }
0x64: {  	_ =	shalt  }
0x65: {  	_ =	shalt  }
0x66: {  	_ =	shalt  }
0x67: {  	_ =	shalt  }
0x68: {  	_ =	shalt  }
0x69: {  	_ =	shalt  }
0x6a: {  	_ =	shalt  }
0x6b: {  	_ =	shalt  }
0x6c: {  	_ =	shalt  }
0x6d: {  	_ =	shalt  }
0x6e: {  	_ =	shalt  }
0x6f: {  	_ =	shalt  }
0x70: {  	_ =	shalt  }
0x71: {  	_ =	shalt  }
0x72: {  	_ =	shalt  }
0x73: {  	_ =	shalt  }
0x74: {  	_ =	shalt  }
0x75: {  	_ =	shalt  }
0x76: {  	_ =	shalt  }
0x77: {  	_ =	shalt  }
0x78: {  	_ =	shalt  }
0x79: {  	_ =	shalt  }
0x7a: {  	_ =	shalt  }
0x7b: {  	_ =	shalt  }
0x7c: {  	_ =	shalt  }
0x7d: {  	_ =	shalt  }
0x7e: {  	_ =	shalt  }
0x7f: {  	_ =	shalt  }
0x80: {  	_ =	shalt  }
0x81: {  	_ =	shalt  }
0x82: {  	_ =	shalt  }
0x83: {  	_ =	shalt  }
0x84: {  	_ =	shalt  }
0x85: {  	_ =	shalt  }
0x86: {  	_ =	shalt  }
0x87: {  	_ =	shalt  }
.Lfunc_end0:
.L_simem_size_0:
called_computation_lowered:
.L_overlay_start_0:
0x88: {  	s2 =	sld [smem:$0x3FD9]  }
0x89: {  	s3 =	sld [smem:$0x3FFE];
	_ =	sdelay $0x1  }
0x8a: {  	s1 =	srdreg.scid  }
0x8b: {  	s0 =	sand.u32 $0x1, s1  }
0x8c: {  	s17 =	sshll.u32 s0, $0xA;
	s2 =	sadd.s32 s3, s2  }
0x8d: {  	s2 =	sadd.s32 s2, s17  }
0x8e: {  	[smem:$0x3FC2] =	sst s2  }
0x8f: {  	_ = 	snop  }
0x90: {  	s2 =	sld [smem:$0x3FC9]  }
0x91: {  	s18 =	sld [smem:$0x3FC8]  }
0x92: {  	s4 =	sld [smem:$0x3FC7]  }
0x93: {  	s5 =	sld [smem:$0x3FC6]  }
0x94: {  	s6 =	sld [smem:$0x3FD0];
	(tm) =	ssettm $0x1  }
0x95: {  	s7 =	sld [smem:$0x3FFB];
	_ =	sdelay $0x3  }
0x96: {  	_ =	strace s7  }
0x97: {  	s7 =	sld [smem:$0x3FFC];
	_ =	sdelay $0x3  }
0x98: {  	_ =	strace s7  }
0x99: {  	s7 =	sld [smem:$0x3FFD];
	_ =	sdelay $0x3  }
0x9a: {  	_ =	strace s7  }
0x9b: {  	_ =	strace $0x8FFFFFFF  }
0x9c: {  	s19 =	sld [smem:$0x3FDB];
	_ =	sdelay $0x1  }
0x9d: {  	s8 =	simm.s32 $_scs_section_size  }
0x9e: {  	s9 =	simm.s32 $_size__tile_overlayer_lowered;
	s10 =	simm.s32 $_tile_overlayer_lowered  }
0x9f: {  	s22 =	simm.s32 $0x1BFF;
	s21 =	sshll.u32 s10, $0x1;
	s7 =	sadd.s32 s8, s19  }
0xa0: {  	s11 =	simm.s32 $0x0;
	s20 =	sshll.u32 s9, $0x1;
	s9 =	sadd.s32 s21, s7  }
0xa1: {  	[timem:s11], [sflag:s22] =	dma.local [hbm:s9], s20  }
0xa2: {  	_ =	swait.ge [sflag:s22], s20  }
0xa3: {  	s8 =	ssub.s32 $0x0, s20;
	[sflag:s22] =	ssyncset.done $0x0  }
0xa4: {  	[sflag:s22] =	ssyncadd.s32 s8;
	_ =	sdelay $0x1  }
0xa5: {  	s23 =	simm.s32 $0x1B8B  }
0xa6: {  	_ =	swait.ge [sflag:s23], $0x1  }
0xa7: {  	[sflag:s23] =	ssyncset.done $0x0  }
0xa8: {  	s25 =	simm.s32 $0x1B8E;
	s24 =	sld [smem:$0x3FFE];
	[sflag:s23] =	ssyncadd.s32 $0xFFFFFFFF  }
0xa9: {  	s26 =	simm.s32 $execute0_lowered;
	[smem:$0x3FD2] =	sst s25  }
0xaa: {  	s9 =	sshll.u32 s26, $0x1;
	_ =	strace $0x80000046;
	[dreg:$0x1] =	wrdreg $0xFFFFFFFF  }
0xab: {  	s28 =	simm.s32 $_size_execute0_lowered;
	s7 =	sadd.s32 s7, s9;
	[dreg:$0x0] =	wrdreg $0x0  }
0xac: {  	s9 =	sshll.u32 s28, $0x1;
	[dreg:$0x2] =	wrdreg s7  }
0xad: {  	[dreg:$0x3] =	wrdreg s9  }
0xae: {  	[dreg:$0x4] =	wrdreg $0xC0  }
0xaf: {  	_ =	task [dreg:s11], $0x5FFFF  }
0xb0: {  	[dreg:$0x1] =	wrdreg $0xFFFFFFFF  }
0xb1: {  	[dreg:$0x0] =	wrdreg $0x60  }
0xb2: {  	[dreg:$0x2] =	wrdreg s2  }
0xb3: {  	[dreg:$0x3] =	wrdreg s18  }
0xb4: {  	[dreg:$0x4] =	wrdreg s4  }
0xb5: {  	[dreg:$0x5] =	wrdreg s5  }
0xb6: {  	[dreg:$0x6] =	wrdreg s24  }
0xb7: {  	[dreg:$0x7] =	wrdreg s6  }
0xb8: {  	[dreg:$0x8] =	wrdreg $0x9  }
0xb9: {  	_ =	task.clear_ibuf [dreg:s11], $0x9FFFF;
	_ =	strace $0x90000046  }
0xba: {  	s29 =	simm.s32 $0x9;
	_ =	strace $0x80000048  }
0xbb: {  	_ =	swait.ge [sflag:s29], $0x1  }
0xbc: {  	[sflag:s29] =	ssyncadd.s32 $0xFFFFFFFF  }
0xbd: {  	_ =	strace $0x90000048  }
0xbe: {  	_ =	sfence  }
0xbf: {  	s30 =	sld [smem:$0x0];
	_ =	sdelay $0x2  }
0xc0: {  	s31 =	sshll.u32 s1, $0xD;
	s1 =	sshrl.u32 s1, $0x2  }
0xc1: {  	s3 =	sand.u32 $0x4000, s31;
	s1 =	sadd.s32 s1, s30  }
0xc2: {  	s0 =	sor.u32 s3, s0;
	s1 =	sshll.u32 s1, $0x11  }
0xc3: {  	s0 =	sor.u32 s1, s0  }
0xc4: {  	s0 =	sadd.s32 $0x8F2B, s0  }
0xc5: {  	[sflag:s0] =	ssyncadd.remote.s32 $0x1  }
0xc6: {  	_ =	sfence.sel $0xFFFF  }
0xc7: {  	[dreg:$0x0] =	wrdreg $0xFFFFFFFF;
	(pc) =	sbr.abs _section_cstart, $3  }
0xc8: {  	[dreg:$0x1] =	wrdreg $0xFFFFFFFF  }
0xc9: {  	_ =	task.clear_ibuf [dreg:s11], $0x2FFFF;
	_ =	strace $0x9FFFFFFF  }
0xca: {  	(tm) =	ssettm $0x7FFFFFFF  }
0xcb: {  	_ =	shalt  }
tec
execute0_lowered:
.L_overlay_start_1:
0x0: {  	(tag) =	ssettag $0x1  }
0x1: {  	s9 =	rddreg [dreg:$0x2]  }
0x2: {  	s12 =	rddreg [dreg:$0x3]  }
0x3: {  	s2 =	rddreg [dreg:$0x4]  }
0x4: {  	s0 =	srdreg.scid;
	s13 =	rddreg [dreg:$0x5];
	s8 =	simm.s32 $0x0  }
0x5: {  	s1 =	stileid.u32;
	[smem:$0x7FF] =	sst s8;
	s4 =	sadd.s32 $0x800, s2  }
0x6: {  	s6 =	sadd.s32 $0x880, s2;
	_ =	strace $0x80000047;
	[dreg:$0x7] =	wrdreg s4  }
0x7: {  	s10 =	sadd.s32 $0xA00, s2;
	s14 =	sadd.s32 $0x900, s2;
	[dreg:$0x8] =	wrdreg s6  }
0x8: {  	s11 =	sadd.s32 $0x40A00, s2;
	s2 =	sadd.s32 $0x980, s2;
	[dreg:$0x9] =	wrdreg s14  }
0x9: {  	s0 =	sand.u32 $0x1, s0;
	s22 =	sadd.s32 $0xF4280, s9;
	[dreg:$0xa] =	wrdreg s2  }
0xa: {  	s1 =	sshll.u32 s1, $0x1;
	s29 =	sadd.s32 $0x80, s13;
	[dreg:$0xf] =	wrdreg s22  }
0xb: {  	v3 =	vimm.s32 $0x2380;
	s28 =	sadd.s32 $0x2DC780, s9;
	s30 =	sadd.s32 $0x100, s13;
	[dreg:$0x15] =	wrdreg s29  }
0xc: {  	vm0 =	vcmask $0x300;
	vm1 =	vcmask $0x704;
	vm2 =	vcmask $0xB08;
	s1 =	sor.u32 s0, s1;
	s0 =	ssub.s32 $0x2, s0;
	[dreg:$0x16] =	wrdreg s30  }
0xd: {  	v4 =	vimm.s32 $0x6380;
	vm3 =	vcmask $0xF0C;
	vm15 =	vcmask $0x1310;
	s14 =	simm.s32 $0x1;
	s22 =	simm.s32 $0x16080;
	s7 =	smul.u32 $0x7A00, s1  }
0xe: {  	vm6 =	vcmask $0x1714;
	vm7 =	vcmask $0x1B18;
	vm8 =	vcmask $0x1F1C;
	p0 =	seq.s32 s1, $0x1F;
	s5 =	sshrl.u32 s0, $0x1;
	s1 =	smul.u32 $0x3D000, s1  }
0xf: {  	vm9 =	vcmask $0x2320;
	v3 =	vsel vm0, $0x0, v3;
	v4 =	vsel vm0, $0x4000, v4;
	s0 =	ssub.s32 s0, s5;
	s5 =	sadd.s32 $0xF4280, s12;
	s3 =	sadd.s32 $0x7A00, s7  }
0x10: {  	vm10 =	vcmask $0x2724;
	v3 =	vsel vm1, $0x80, v3;
	v4 =	vsel vm1, $0x4080, v4;
	s31 =	ssub.s32 $0xF4200, s7;
	s4 =	ssub.s32 $0xF4280, s7;
	s15 =	sshrl.u32 s1, $0x3  }
0x11: {  	vm11 =	vcmask $0x2B28;
	v3 =	vsel vm2, $0x100, v3;
	v4 =	vsel vm2, $0x4100, v4;
	s0 =	smax.u32 s0, $0x1;
	s3 =	simm.s32 @p0 $0xF4240;
	s16 =	sadd.s32 s9, s15  }
0x12: {  	vm12 =	vcmask $0x2F2C;
	v3 =	vsel vm3, $0x180, v3;
	v4 =	vsel vm3, $0x4180, v4;
	s17 =	sadd.s32 $0xF4280, s15;
	s18 =	sadd.s32 $0x1E8500, s15;
	[dreg:$0x14] =	wrdreg s0  }
0x13: {  	v3 =	vsel vm15, $0x200, v3;
	v4 =	vsel vm15, $0x4200, v4;
	v1 =	vmov s31;
	s6 =	sadd.s32 $0x2DC780, s15;
	s23 =	sadd.s32 s12, s15;
	[dreg:$0xb] =	wrdreg s16  }
0x14: {  	v2 =	vmov s4;
	v3 =	vsel vm6, $0x280, v3;
	v4 =	vsel vm6, $0x4280, v4;
	s4 =	smov.u32 s9;
	s31 =	sadd.s32 $0x180, s13;
	[dreg:$0x10] =	wrdreg s23  }
0x15: {  	vm13 =	vcmask $0x3330;
	s0 =	sadd.s32 $0x1E8500, s12;
	s19 =	sadd.s32 s9, s17;
	v3 =	vsel vm7, $0x300, v3;
	v6 =	vsel vm7, $0x4300, v4;
	[dreg:$0x17] =	wrdreg s31  }
0x16: {  	vm14 =	vcmask $0x3734;
	s15 =	simm.s32 $0xC080;
	s20 =	sadd.s32 s9, s18;
	[dreg:$0xc] =	wrdreg s19;
	v5 =	vsel vm8, $0x380, v3;
	v6 =	vsel vm8, $0x4380, v6  }
0x17: {  	vm15 =	vcmask $0x3B38;
	s13 =	simm.s32 $0x2;
	s21 =	sadd.s32 s9, s6;
	[dreg:$0xd] =	wrdreg s20;
	v5 =	vsel vm9, $0x2000, v5;
	v6 =	vsel vm9, $0x6000, v6  }
0x18: {  	v0 =	vmov s3;
	s24 =	sadd.s32 s12, s17;
	s25 =	sadd.s32 s12, s18;
	[dreg:$0xe] =	wrdreg s21;
	v5 =	vsel vm10, $0x2080, v5;
	v6 =	vsel vm10, $0x6080, v6  }
.Ltmp0:
0x19: {  	s26 =	sadd.s32 s12, s6;
	v4 =	vlaneseq.u32;
	[dreg:$0x11] =	wrdreg s24;
	v5 =	vsel vm11, $0x2100, v5;
	v6 =	vsel vm11, $0x6100, v6;
	(pc) =	sbr.rel .LBB2_1-.Ltmp0, $4  }
0x1a: {  	s6 =	simm.s32 $0x1C080;
	s23 =	simm.s32 $0x18080;
	[dreg:$0x12] =	wrdreg s25;
	v3 =	vmov s7;
	v7 =	vsel vm12, $0x2180, v5;
	v6 =	vsel vm12, $0x6180, v6  }
0x1b: {  	s3 =	simm.s32 $0x0;
	s20 =	sadd.s32 $0x4000, s1;
	[dreg:$0x13] =	wrdreg s26;
	v7 =	vsel vm13, $0x2200, v7;
	v8 =	vsel vm13, $0x6200, v6;
	v6 =	vmul.u32 $0x80, v4  }
0x1c: {  	s26 =	sadd.s32 $0x1E8500, s9;
	s19 =	smov.u32 s12;
	s1 =	sadd.s32 $0x2DC780, s12;
	v5 =	vimm.s32 $0x0;
	v7 =	vsel vm14, $0x2280, v7;
	v8 =	vsel vm14, $0x6280, v8  }
0x1d: {  	s21 =	simm.s32 $0x14080;
	s9 =	simm.s32 $0x1A080;
	s12 =	simm.s32 $0x1D880;
	v7 =	vsel vm15, $0x2300, v7;
	v8 =	vsel vm15, $0x6300, v8;
	v9 =	vor.u32 $0x800, v6  }
.LBB2_77:
0x1e: {  	_ =	sdelay $0x3  }
0x1f: {  	[tilespmem:v11+s12+$0x0] =	vst.idx.msk $0x1, v10  }
.LBB2_78:
0x20: {  	s2 =	simm.s32 $0x10;
	s3 =	simm.s32 $0x1D080;
	s31 =	simm.s32 $0x3  }
0x21: {  	[hbm4b:s11+s2] =	stream.indirect.scatter [tilespmem:s3], [sflag:$0x3], $0x80, s12, s2, $0xb8;
	[tilespmem:$0x1D900] =	vst v63  }
0x22: {  	_ =	swait.ge [sflag:s31], $0x800  }
0x23: {  	[sflag:s31] =	ssyncset.done $0x0  }
0x24: {  	s3 =	rddreg [dreg:$0x18];
	[sflag:s31] =	ssyncadd.s32 $0xFFFFF800  }
.LBB2_79:
0x25: {  	s3 =	sadd.s32 $0x1, s3;
	s2 =	rddreg [dreg:$0x14]  }
0x26: {  	p0 =	sne.s32 s3, s2  }
.Ltmp1:
0x27: {  	_ = 	snop;
	(pc) =	sbr.rel @!p0 .LBB2_80-.Ltmp1, $1  }
0x28: {  	_ =	sdelay $0x3  }
.LBB2_1:
0x29: {  	[dreg:$0x18] =	wrdreg s3  }
0x2a: {  	s2 =	rddreg [dreg:$0x0];
	s17 =	simm.s32 $0x4  }
0x2b: {  	[tilespmem:s8], [sflag:$0x4] =	stream.linear.gather [hbm4b:s2+s8], $0x4000, $0x38;
	[tilespmem:$0x1D900] =	vst v63  }
0x2c: {  	_ =	swait.ge [sflag:s17], $0x4000  }
0x2d: {  	[sflag:s17] =	ssyncset.done $0x0  }
0x2e: {  	s18 =	rddreg [dreg:$0x7];
	[sflag:s17] =	ssyncadd.s32 $0xFFFFC000  }
0x2f: {  	[tilespmem:s6], [sflag:$0x4] =	stream.linear.gather [hbm4b:s18+s8], $0x400, $0x38;
	[tilespmem:$0x1D900] =	vst v63  }
0x30: {  	_ =	swait.ge [sflag:s17], $0x400  }
0x31: {  	[sflag:s17] =	ssyncset.done $0x0  }
0x32: {  	s16 =	simm.s32 $0x1C480;
	s24 =	rddreg [dreg:$0x8];
	[sflag:s17] =	ssyncadd.s32 $0xFFFFFC00  }
0x33: {  	[tilespmem:s16], [sflag:$0x4] =	stream.linear.gather [hbm4b:s24+s8], $0x400, $0x38;
	[tilespmem:$0x1D900] =	vst v63  }
0x34: {  	_ =	swait.ge [sflag:s17], $0x400  }
0x35: {  	[sflag:s17] =	ssyncset.done $0x0  }
0x36: {  	s29 =	simm.s32 $0x1C880;
	s25 =	rddreg [dreg:$0x9];
	[sflag:s17] =	ssyncadd.s32 $0xFFFFFC00  }
0x37: {  	[tilespmem:s29], [sflag:$0x4] =	stream.linear.gather [hbm4b:s25+s8], $0x400, $0x38;
	[tilespmem:$0x1D900] =	vst v63  }
0x38: {  	_ =	swait.ge [sflag:s17], $0x400  }
0x39: {  	[sflag:s17] =	ssyncset.done $0x0  }
0x3a: {  	s31 =	simm.s32 $0x1CC80;
	s30 =	rddreg [dreg:$0xa];
	[sflag:s17] =	ssyncadd.s32 $0xFFFFFC00  }
0x3b: {  	[tilespmem:s31], [sflag:$0x4] =	stream.linear.gather [hbm4b:s30+s8], $0x400, $0x38;
	[tilespmem:$0x1D900] =	vst v63  }
0x3c: {  	_ =	swait.ge [sflag:s17], $0x400  }
0x3d: {  	[sflag:s17] =	ssyncset.done $0x0  }
0x3e: {  	[sflag:s17] =	ssyncadd.s32 $0xFFFFFC00  }
0x3f: {  	v10 =	vld [tilespmem:s8+$0x0];
	_ =	sdelay $0x4  }
0x40: {  	vm0 =	vge.s32 v10, v3;
	vm1 =	vlt.s32 v10, v0  }
0x41: {  	vm0 =	vmand vm0, vm1  }
0x42: {  	v11 =	vsel vm0, $0x1, v5  }
0x43: {  	(xrf0) =	vadd.scan.msk.s32 $0xffff, v11;
	_ =	sdelay $0x4  }
0x44: {  	v10 =	vsub.s32 v10, v3  }
0x45: {  	v10 =	vshll.u32 v10, $0xE;
	v11, _, _ =	vpop (xrf0)  }
0x46: {  	v10 =	vadd.s32 s8, v10;
	(v2sf) =	vpush v11, $0xF  }
0x47: {  	v10 =	vadd.s32 v4, v10  }
0x48: {  	s16 =	simm.s32 $0x10;
	[tilespmem:s8+$0x4000] =	vst.msk vm0, v10  }
0x49: {  	v10 =	vld [tilespmem:s16+$0x0];
	_ =	sdelay $0x4  }
0x4a: {  	vm0 =	vge.s32 v10, v3;
	vm1 =	vlt.s32 v10, v0  }
0x4b: {  	vm0 =	vmand vm0, vm1  }
0x4c: {  	v11 =	vsel vm0, $0x1, v5  }
0x4d: {  	(xrf0) =	vadd.scan.msk.s32 $0xffff, v11  }
0x4e: {  	v10 =	vsub.s32 v10, v3  }
0x4f: {  	v10 =	vshll.u32 v10, $0xE  }
0x50: {  	v10 =	vadd.s32 s16, v10  }
0x51: {  	s2 =	simm.s32 $0x20;
	s17 =	simm.s32 $0x0;
	v10 =	vadd.s32 v4, v10;
	s3 =	spop (v2sf)  }
.LBB2_2:
0x52: {  	p0 =	sne.s32 s2, $0x3FF0  }
0x53: {  	v11, _, _ =	vpop (xrf0);
	s17 =	sadd.s32 s17, s3;
	s3 =	smov.u32 s2;
	s2 =	sadd.s32 $0x10, s2  }
0x54: {  	[tilespmem:s17+$0x4000] =	vst.msk vm0, v10;
	(v2sf) =	vpush v11, $0xF  }
0x55: {  	s16 =	sadd.s32 $0x10, s16  }
0x56: {  	v10 =	vld [tilespmem:s16+$0x0];
	_ =	sdelay $0x4  }
0x57: {  	vm0 =	vge.s32 v10, v3;
	vm1 =	vlt.s32 v10, v0;
	v10 =	vsub.s32 v10, v3  }
0x58: {  	vm0 =	vmand vm0, vm1;
	v10 =	vshll.u32 v10, $0xE  }
0x59: {  	v10 =	vadd.s32 s3, v10;
	v11 =	vsel vm0, $0x1, v5  }
0x5a: {  	v10 =	vadd.s32 v4, v10;
	(xrf0) =	vadd.scan.msk.s32 $0xffff, v11  }
.Ltmp2:
0x5b: {  	(pc) =	sbr.rel @p0 .LBB2_2-.Ltmp2, $2  }
0x5c: {  	_ =	sdelay $0x2  }
0x5d: {  	s3 =	spop (v2sf)  }
0x5e: {  	v11, _, _ =	vpop (xrf0)  }
0x5f: {  	(v2sf) =	vpush v11, $0xF;
	_ =	sdelay $0xe  }
0x60: {  	s2 =	sadd.s32 s17, s3;
	s24 =	spop (v2sf)  }
0x61: {  	s29 =	rddreg [dreg:$0xb];
	s3 =	sadd.s32 s2, s24  }
0x62: {  	s31 =	rddreg [dreg:$0xc];
	s25 =	sadd.s32 $0xF, s3  }
0x63: {  	s17 =	simm.s32 $0x1;
	s18 =	sshra.s32 s25, $0x1F;
	s16 =	sand.u32 $0xF, s25  }
0x64: {  	[tilespmem:s2+$0x4000] =	vst.msk vm0, v10;
	p0 =	slt.s32 s25, $0x1;
	p1 =	sne.s32 s16, $0x0;
	s16 =	simm.s32 $0x0  }
0x65: {  	[tilespmem:s15], [sflag:$0x1] =	stream.linear.gather [hbm4b:s29+s16], $0x2000, $0x38;
	[tilespmem:$0x1D900] =	vst v63  }
0x66: {  	s24 =	simm.s32 $0xE080;
	s30 =	sshrl.u32 s18, $0x1C;
	p0 =	por !p0, !p1  }
0x67: {  	s18 =	simm.s32 $0x0;
	s2 =	sadd.s32 s30, s25;
	p0 =	por !p0, !p0  }
0x68: {  	[tilespmem:s24], [sflag:$0x1] =	stream.linear.gather [hbm4b:s31+s16], $0x2000, $0x38;
	[tilespmem:$0x1D900] =	vst v63  }
.Ltmp3:
0x69: {  	s2 =	sshra.s32 s2, $0x4;
	s17 =	simm.s32 @!p0 $0x0;
	(pc) =	sbr.rel .LBB2_4-.Ltmp3, $4  }
0x6a: {  	s25 =	rddreg [dreg:$0xd];
	s29 =	simm.s32 $0x10080;
	s17 =	ssub.s32 s2, s17  }
0x6b: {  	[tilespmem:s29], [sflag:$0x1] =	stream.linear.gather [hbm4b:s25+s16], $0x2000, $0x38;
	[tilespmem:$0x1D900] =	vst v63  }
0x6c: {  	s30 =	rddreg [dreg:$0xe];
	s31 =	simm.s32 $0x12080;
	p0 =	slt.s32 s17, $0x1  }
0x6d: {  	v10 =	vmov s3;
	[tilespmem:s31], [sflag:$0x1] =	stream.linear.gather [hbm4b:s30+s16], $0x2000, $0x38;
	[tilespmem:$0x1D900] =	vst v63  }
.LBB2_26:
0x6e: {  	s18 =	sadd.s32 $0x1, s18  }
0x6f: {  	p1 =	seq.s32 s18, $0x10  }
.Ltmp4:
0x70: {  	_ = 	snop;
	(pc) =	sbr.rel @p1 .LBB2_27-.Ltmp4, $1  }
0x71: {  	_ =	sdelay $0x3  }
.LBB2_4:
0x72: {  	s2 =	sshllo.u32 s18, $0x1  }
0x73: {  	p1 =	slt.u32 s2, $0x1F;
	s29 =	sshll.u32 s2, $0xA  }
0x74: {  	s29 =	simm.s32 @!p1 $0x0  }
0x75: {  	s25 =	sadd.s32 s7, s29  }
0x76: {  	s30 =	rddreg [dreg:$0xf];
	s3 =	sadd.s32 s4, s25  }
0x77: {  	[tilespmem:s21], [sflag:$0x2] =	stream.linear.gather [hbm4b:s3+s8], $0x2000, $0x38;
	[tilespmem:$0x1D900] =	vst v63  }
0x78: {  	s3 =	sadd.s32 s25, s30  }
0x79: {  	[tilespmem:s22], [sflag:$0x2] =	stream.linear.gather [hbm4b:s3+s8], $0x2000, $0x38;
	[tilespmem:$0x1D900] =	vst v63  }
0x7a: {  	s31 =	sadd.s32 s25, s26  }
0x7b: {  	[tilespmem:s23], [sflag:$0x2] =	stream.linear.gather [hbm4b:s31+s8], $0x2000, $0x38;
	[tilespmem:$0x1D900] =	vst v63  }
0x7c: {  	s2 =	sadd.s32 s25, s28  }
0x7d: {  	[tilespmem:s9], [sflag:$0x2] =	stream.linear.gather [hbm4b:s2+s8], $0x2000, $0x38;
	[tilespmem:$0x1D900] =	vst v63  }
0x7e: {  	_ =	swait.ge [sflag:s14], $0x2000  }
0x7f: {  	[sflag:s14] =	ssyncset.done $0x0  }
0x80: {  	[sflag:s14] =	ssyncadd.s32 $0xFFFFE000  }
0x81: {  	_ =	swait.ge [sflag:s14], $0x2000  }
0x82: {  	[sflag:s14] =	ssyncset.done $0x0  }
0x83: {  	[sflag:s14] =	ssyncadd.s32 $0xFFFFE000  }
0x84: {  	_ =	swait.ge [sflag:s14], $0x2000  }
.Ltmp5:
0x85: {  	[sflag:s14] =	ssyncset.done $0x0;
	(pc) =	sbr.rel @p0 .LBB2_11-.Ltmp5, $4  }
0x86: {  	[sflag:s14] =	ssyncadd.s32 $0xFFFFE000  }
0x87: {  	_ =	swait.ge [sflag:s14], $0x2000  }
0x88: {  	[sflag:s14] =	ssyncset.done $0x0  }
0x89: {  	[sflag:s14] =	ssyncadd.s32 $0xFFFFE000  }
0x8a: {  	s31 =	simm.s32 $0x4000  }
0x8b: {  	v13 =	vld [tilespmem:s31+$0x0];
	_ =	sdelay $0x2  }
0x8c: {  	s2 =	sshll.u32 s18, $0xB  }
0x8d: {  	s30 =	simm.s32 $0x0;
	s3 =	sor.u32 $0x400, s2  }
0x8e: {  	p2 =	seq.s32 s17, $0x1;
	v15 =	vor.u32 s30, v4;
	v12 =	vmov s3;
	v14 =	vshra.s32 v13, $0xE  }
.Ltmp6:
0x8f: {  	v11 =	vmov s2;
	vm0 =	vlt.s32 v15, v10;
	vm1 =	vlt.s32 v14, v12;
	(pc) =	sbr.rel @p2 .LBB2_6-.Ltmp6, $4  }
0x90: {  	vm2 =	vge.s32 v14, v11;
	vm0 =	vmand vm0, vm1  }
0x91: {  	v14 =	vsub.s32 v14, v11;
	vm0 =	vmand vm0, vm2  }
0x92: {  	v13 =	vand.u32 $0x3FFF, v13;
	v14 =	vshll.u32 v14, $0xE;
	v15 =	vsel vm0, $0x1, v5  }
0x93: {  	p1 =	por $0x0, $0x0;
	s2 =	sadd.s32 $0xFFFFFFFF, s17;
	v13 =	vor.u32 v13, v14;
	(xrf0) =	vadd.scan.msk.s32 $0xffff, v15  }
0x94: {  	_ =	sdelay $0x4  }
0x95: {  	v14, _, _ =	vpop (xrf0)  }
0x96: {  	[tilespmem:s30+$0x8000] =	vst.msk vm0, v13;
	s31 =	simm.s32 $0x4010;
	(v2sf) =	vpush v14, $0xF  }
0x97: {  	v13 =	vld [tilespmem:s31+$0x0];
	_ =	sdelay $0x3  }
0x98: {  	s24 =	simm.s32 $0x10  }
0x99: {  	v15 =	vor.u32 s24, v4;
	v14 =	vshra.s32 v13, $0xE  }
0x9a: {  	vm0 =	vlt.s32 v15, v10;
	vm1 =	vlt.s32 v14, v12  }
0x9b: {  	vm2 =	vge.s32 v14, v11;
	vm0 =	vmand vm0, vm1  }
0x9c: {  	vm0 =	vmand vm0, vm2  }
0x9d: {  	p2 =	seq.s32 s2, $0x1;
	v15 =	vsel vm0, $0x1, v5  }
.Ltmp7:
0x9e: {  	(xrf0) =	vadd.scan.msk.s32 $0xffff, v15;
	(pc) =	sbr.rel @p2 .LBB2_15-.Ltmp7, $4  }
0x9f: {  	_ = 	snop  }
0xa0: {  	v14 =	vsub.s32 v14, v11  }
0xa1: {  	s25 =	sadd.s32 $0xFFFFFFFF, s2;
	v13 =	vand.u32 $0x3FFF, v13;
	v14 =	vshll.u32 v14, $0xE  }
0xa2: {  	p1 =	por $0x1, $0x1;
	s2 =	simm.s32 $0x0;
	v13 =	vor.u32 v13, v14;
	s3 =	spop (v2sf)  }
.LBB2_16:
0xa3: {  	p2 =	seq.s32 s25, $0x1;
	s25 =	sadd.s32 $0xFFFFFFFF, s25;
	s2 =	sadd.s32 s2, s3  }
0xa4: {  	[tilespmem:s2+$0x8000] =	vst.msk vm0, v13;
	v13, _, _ =	vpop (xrf0)  }
0xa5: {  	s31 =	sadd.s32 $0x10, s31;
	(v2sf) =	vpush v13, $0xF  }
0xa6: {  	v13 =	vld [tilespmem:s31+$0x0];
	_ =	sdelay $0x3  }
0xa7: {  	s24 =	sadd.s32 $0x10, s24  }
0xa8: {  	v15 =	vor.u32 s24, v4;
	v14 =	vshra.s32 v13, $0xE;
	v13 =	vand.u32 $0x3FFF, v13  }
0xa9: {  	vm0 =	vlt.s32 v15, v10;
	vm1 =	vlt.s32 v14, v12;
	v15 =	vsub.s32 v14, v11  }
0xaa: {  	vm2 =	vge.s32 v14, v11;
	vm0 =	vmand vm0, vm1;
	v14 =	vshll.u32 v15, $0xE  }
0xab: {  	vm0 =	vmand vm0, vm2;
	v13 =	vor.u32 v13, v14  }
0xac: {  	v14 =	vsel vm0, $0x1, v5  }
.Ltmp8:
0xad: {  	(xrf0) =	vadd.scan.msk.s32 $0xffff, v14;
	(pc) =	sbr.rel @!p2 .LBB2_16-.Ltmp8, $2  }
0xae: {  	_ =	sdelay $0x2  }
0xaf: {  	s3 =	spop (v2sf)  }
.LBB2_17:
0xb0: {  	_ = 	snop  }
0xb1: {  	v11, _, _ =	vpop (xrf0)  }
0xb2: {  	(v2sf) =	vpush v11, $0xF;
	_ =	sdelay $0xd  }
0xb3: {  	s2 =	sadd.s32 @p1 s2, s3  }
0xb4: {  	s30 =	smov.u32 @p1 s2;
	s31 =	spop (v2sf)  }
0xb5: {  	[tilespmem:s30+$0x8000] =	vst.msk vm0, v13;
	s2 =	sadd.s32 s30, s31  }
0xb6: {  	p1 =	slt.s32 s2, $0x1  }
.Ltmp9:
0xb7: {  	_ = 	snop;
	(pc) =	sbr.rel @p1 .LBB2_11-.Ltmp9, $1  }
0xb8: {  	_ =	sdelay $0x3  }
0xb9: {  	s30 =	simm.s32 $0x8000  }
0xba: {  	v11 =	vld [tilespmem:s30+$0x0];
	_ =	sdelay $0x4  }
0xbb: {  	(v2sf) =	vpush v11, $0x0;
	_ =	sdelay $0xe  }
0xbc: {  	s3 =	spop (v2sf)  }
0xbd: {  	s24 =	sshra.s32 s3, $0xE  }
0xbe: {  	v11 =	vmov s24  }
0xbf: {  	v12 =	vshll.u32 v11, $0x3  }
0xc0: {  	v11 =	vand.u32 $0x7F, v11;
	v12 =	vand.u32 $0xFFFFFC00, v12  }
0xc1: {  	v11 =	vor.u32 v11, v12  }
0xc2: {  	v12 =	vadd.s32 v7, v11  }
0xc3: {  	v11 =	vadd.s32 v8, v11;
	_ =	sdelay $0x3  }
0xc4: {  	v12 =	vld.idx.msk [tilespmem:v12+s15+$0x0], $0xffff  }
0xc5: {  	v11 =	vld.idx.msk [tilespmem:v11+s15+$0x0], $0xffff  }
0xc6: {  	v13 =	vmov s16  }
0xc7: {  	s25 =	sshll.u32 s16, $0x9  }
0xc8: {  	s31 =	sadd.s32 $0xFFFFFFFF, s2;
	s24 =	sshra.s32 s25, $0x2  }
0xc9: {  	s16 =	sadd.s32 $0x1, s16;
	p1 =	sne.s32 s31, $0x0;
	s3 =	sand.u32 $0x3FFF, s3;
	[tilespmem:s24+$0x1D080] =	vst v12  }
.Ltmp10:
0xca: {  	p2 =	sne.s32 s16, $0x10;
	v63 =	vmov s3;
	[tilespmem:s24+$0x1D090] =	vst v11;
	(pc) =	sbr.rel @!p1 .LBB2_10-.Ltmp10, $4  }
0xcb: {  	s2 =	simm.s32 @!p2 $0x10;
	s3 =	simm.s32 @!p2 $0x1D880;
	s24 =	simm.s32 @!p2 $0x1D080;
	[tilespmem:v13+s12+$0x0] =	vst.idx.msk $0x1, v63  }
0xcc: {  	[hbm4b:s10+s2] =	stream.indirect.scatter @!p2 [tilespmem:s24], [sflag:$0x3], $0x80, s3, s2, $0xb8;
	[tilespmem:$0x1D900] =	vst v63  }
0xcd: {  	s2 =	simm.s32 @!p2 $0x3  }
0xce: {  	s16 =	simm.s32 @!p2 $0x0;
	_ =	swait.ge @!p2 [sflag:s2], $0x800  }
.LBB2_9:
0xcf: {  	s31 =	sadd.s32 $0xFFFFFFFF, s31;
	[sflag:s2] =	ssyncset.done @!p2 $0x0;
	s30 =	sadd.s32 $0x1, s30  }
0xd0: {  	p1 =	sne.s32 s31, $0x0;
	[sflag:s2] =	ssyncadd.s32 @!p2 $0xFFFFF800  }
0xd1: {  	v11 =	vld [tilespmem:s30+$0x0];
	_ =	sdelay $0x4  }
0xd2: {  	(v2sf) =	vpush v11, $0x0;
	_ =	sdelay $0xe  }
0xd3: {  	s2 =	spop (v2sf)  }
0xd4: {  	s3 =	sshra.s32 s2, $0xE;
	s2 =	sand.u32 $0x3FFF, s2  }
0xd5: {  	v11 =	vmov s3  }
0xd6: {  	v12 =	vshll.u32 v11, $0x3  }
0xd7: {  	v11 =	vand.u32 $0x7F, v11;
	v12 =	vand.u32 $0xFFFFFC00, v12  }
0xd8: {  	v11 =	vor.u32 v11, v12  }
0xd9: {  	v12 =	vadd.s32 v7, v11;
	v11 =	vadd.s32 v8, v11;
	_ =	sdelay $0x4  }
0xda: {  	v12 =	vld.idx.msk [tilespmem:v12+s15+$0x0], $0xffff  }
0xdb: {  	v11 =	vld.idx.msk [tilespmem:v11+s15+$0x0], $0xffff  }
0xdc: {  	v13 =	vmov s16;
	_ =	sdelay $0x1  }
0xdd: {  	s3 =	sshll.u32 s16, $0x9  }
0xde: {  	s16 =	sadd.s32 $0x1, s16;
	s3 =	sshra.s32 s3, $0x2  }
.Ltmp11:
0xdf: {  	p2 =	sne.s32 s16, $0x10;
	[tilespmem:s3+$0x1D080] =	vst v12;
	v12 =	vmov s2;
	(pc) =	sbr.rel @p1 .LBB2_9-.Ltmp11, $4  }
0xe0: {  	s24 =	simm.s32 @!p2 $0x1D880;
	s25 =	simm.s32 @!p2 $0x1D080;
	[tilespmem:s3+$0x1D090] =	vst v11;
	s3 =	simm.s32 @!p2 $0x10  }
0xe1: {  	s16 =	simm.s32 @!p2 $0x0;
	s2 =	simm.s32 @!p2 $0x3;
	[tilespmem:v13+s12+$0x0] =	vst.idx.msk $0x1, v12  }
0xe2: {  	[hbm4b:s10+s3] =	stream.indirect.scatter @!p2 [tilespmem:s25], [sflag:$0x3], $0x80, s24, s3, $0xb8;
	[tilespmem:$0x1D900] =	vst v63  }
0xe3: {  	_ =	swait.ge @!p2 [sflag:s2], $0x800  }
.LBB2_10:
0xe4: {  	[sflag:s2] =	ssyncset.done @!p2 $0x0  }
0xe5: {  	[sflag:s2] =	ssyncadd.s32 @!p2 $0xFFFFF800  }
.LBB2_11:
0xe6: {  	p1 =	seq.s32 s18, $0xF  }
0xe7: {  	s2 =	sshll.u32 @!p1 s18, $0xE  }
0xe8: {  	s2 =	sadd.s32 @!p1 s2, s20  }
0xe9: {  	s2 =	sshrl.u32 @!p1 s2, $0x3  }
0xea: {  	s3 =	simm.s32 @!p1 $0x0;
	s24 =	simm.s32 @!p1 $0xC080;
	s2 =	sadd.s32 @!p1 s4, s2  }
0xeb: {  	[tilespmem:s24], [sflag:$0x1] =	stream.linear.gather @!p1 [hbm4b:s2+s3], $0x2000, $0x38;
	[tilespmem:$0x1D900] =	vst v63  }
0xec: {  	s25 =	simm.s32 @!p1 $0xE080;
	s24 =	sadd.s32 @!p1 $0xF4280, s2  }
0xed: {  	[tilespmem:s25], [sflag:$0x1] =	stream.linear.gather @!p1 [hbm4b:s24+s3], $0x2000, $0x38;
	[tilespmem:$0x1D900] =	vst v63  }
0xee: {  	s24 =	sadd.s32 @!p1 $0x1E8500, s2;
	s25 =	simm.s32 @!p1 $0x10080  }
0xef: {  	[tilespmem:s25], [sflag:$0x1] =	stream.linear.gather @!p1 [hbm4b:s24+s3], $0x2000, $0x38;
	[tilespmem:$0x1D900] =	vst v63  }
0xf0: {  	s2 =	sadd.s32 @!p1 $0x2DC780, s2;
	s24 =	simm.s32 @!p1 $0x12080  }
0xf1: {  	[tilespmem:s24], [sflag:$0x1] =	stream.linear.gather @!p1 [hbm4b:s2+s3], $0x2000, $0x38;
	[tilespmem:$0x1D900] =	vst v63  }
0xf2: {  	_ =	swait.ge [sflag:s13], $0x2000  }
0xf3: {  	[sflag:s13] =	ssyncset.done $0x0  }
0xf4: {  	[sflag:s13] =	ssyncadd.s32 $0xFFFFE000  }
0xf5: {  	_ =	swait.ge [sflag:s13], $0x2000  }
0xf6: {  	[sflag:s13] =	ssyncset.done $0x0  }
0xf7: {  	[sflag:s13] =	ssyncadd.s32 $0xFFFFE000  }
0xf8: {  	_ =	swait.ge [sflag:s13], $0x2000  }
.Ltmp12:
0xf9: {  	[sflag:s13] =	ssyncset.done $0x0;
	(pc) =	sbr.rel @p0 .LBB2_26-.Ltmp12, $4  }
0xfa: {  	[sflag:s13] =	ssyncadd.s32 $0xFFFFE000  }
0xfb: {  	_ =	swait.ge [sflag:s13], $0x2000  }
0xfc: {  	[sflag:s13] =	ssyncset.done $0x0  }
0xfd: {  	[sflag:s13] =	ssyncadd.s32 $0xFFFFE000  }
0xfe: {  	s31 =	simm.s32 $0x4000  }
0xff: {  	v13 =	vld [tilespmem:s31+$0x0];
	_ =	sdelay $0x3  }
0x100: {  	s2 =	sadd.s32 $0x400, s29;
	s30 =	simm.s32 $0x0  }
0x101: {  	p1 =	seq.s32 s17, $0x1;
	v12 =	vmov s2;
	v15 =	vor.u32 s30, v4;
	v14 =	vshra.s32 v13, $0xE  }
.Ltmp13:
0x102: {  	v11 =	vmov s29;
	vm0 =	vlt.s32 v15, v10;
	vm1 =	vlt.s32 v14, v12;
	(pc) =	sbr.rel @p1 .LBB2_13-.Ltmp13, $4  }
0x103: {  	vm2 =	vge.s32 v14, v11;
	vm0 =	vmand vm0, vm1  }
0x104: {  	v14 =	vsub.s32 v14, v11;
	vm0 =	vmand vm0, vm2  }
0x105: {  	v13 =	vand.u32 $0x3FFF, v13;
	v14 =	vshll.u32 v14, $0xE;
	v15 =	vsel vm0, $0x1, v5  }
0x106: {  	s29 =	sadd.s32 $0xFFFFFFFF, s17;
	p2 =	por $0x0, $0x0;
	v13 =	vor.u32 v13, v14;
	(xrf0) =	vadd.scan.msk.s32 $0xffff, v15  }
0x107: {  	_ =	sdelay $0x4  }
0x108: {  	v14, _, _ =	vpop (xrf0)  }
0x109: {  	[tilespmem:s30+$0x8000] =	vst.msk vm0, v13;
	s31 =	simm.s32 $0x4010;
	(v2sf) =	vpush v14, $0xF  }
0x10a: {  	v13 =	vld [tilespmem:s31+$0x0];
	_ =	sdelay $0x3  }
0x10b: {  	s24 =	simm.s32 $0x10  }
0x10c: {  	v15 =	vor.u32 s24, v4;
	v14 =	vshra.s32 v13, $0xE  }
0x10d: {  	vm0 =	vlt.s32 v15, v10;
	vm1 =	vlt.s32 v14, v12  }
0x10e: {  	vm2 =	vge.s32 v14, v11;
	vm0 =	vmand vm0, vm1  }
0x10f: {  	vm0 =	vmand vm0, vm2  }
0x110: {  	p3 =	seq.s32 s29, $0x1;
	v15 =	vsel vm0, $0x1, v5  }
.Ltmp14:
0x111: {  	(xrf0) =	vadd.scan.msk.s32 $0xffff, v15;
	(pc) =	sbr.rel @p3 .LBB2_23-.Ltmp14, $4  }
0x112: {  	_ = 	snop  }
0x113: {  	v14 =	vsub.s32 v14, v11  }
0x114: {  	s25 =	sadd.s32 $0xFFFFFFFF, s29;
	v13 =	vand.u32 $0x3FFF, v13;
	v14 =	vshll.u32 v14, $0xE  }
0x115: {  	p2 =	por $0x1, $0x1;
	s2 =	simm.s32 $0x0;
	v13 =	vor.u32 v13, v14;
	s3 =	spop (v2sf)  }
.LBB2_24:
0x116: {  	p3 =	seq.s32 s25, $0x1;
	s25 =	sadd.s32 $0xFFFFFFFF, s25;
	s2 =	sadd.s32 s2, s3  }
0x117: {  	[tilespmem:s2+$0x8000] =	vst.msk vm0, v13;
	v13, _, _ =	vpop (xrf0)  }
0x118: {  	s31 =	sadd.s32 $0x10, s31;
	(v2sf) =	vpush v13, $0xF  }
0x119: {  	v13 =	vld [tilespmem:s31+$0x0];
	_ =	sdelay $0x3  }
0x11a: {  	s24 =	sadd.s32 $0x10, s24  }
0x11b: {  	v15 =	vor.u32 s24, v4;
	v14 =	vshra.s32 v13, $0xE;
	v13 =	vand.u32 $0x3FFF, v13  }
0x11c: {  	vm0 =	vlt.s32 v15, v10;
	vm1 =	vlt.s32 v14, v12;
	v15 =	vsub.s32 v14, v11  }
0x11d: {  	vm2 =	vge.s32 v14, v11;
	vm0 =	vmand vm0, vm1;
	v14 =	vshll.u32 v15, $0xE  }
0x11e: {  	vm0 =	vmand vm0, vm2;
	v13 =	vor.u32 v13, v14  }
0x11f: {  	v14 =	vsel vm0, $0x1, v5  }
.Ltmp15:
0x120: {  	(xrf0) =	vadd.scan.msk.s32 $0xffff, v14;
	(pc) =	sbr.rel @!p3 .LBB2_24-.Ltmp15, $2  }
0x121: {  	_ =	sdelay $0x2  }
0x122: {  	s3 =	spop (v2sf)  }
.LBB2_25:
0x123: {  	_ = 	snop  }
0x124: {  	v11, _, _ =	vpop (xrf0)  }
0x125: {  	(v2sf) =	vpush v11, $0xF;
	_ =	sdelay $0xd  }
0x126: {  	s2 =	sadd.s32 @p2 s2, s3  }
0x127: {  	s30 =	smov.u32 @p2 s2;
	s31 =	spop (v2sf)  }
0x128: {  	[tilespmem:s30+$0x8000] =	vst.msk vm0, v13;
	s2 =	sadd.s32 s30, s31  }
0x129: {  	p2 =	slt.s32 s2, $0x1  }
.Ltmp16:
0x12a: {  	_ = 	snop;
	(pc) =	sbr.rel @p2 .LBB2_39-.Ltmp16, $1  }
0x12b: {  	_ =	sdelay $0x3  }
0x12c: {  	s30 =	simm.s32 $0x8000  }
0x12d: {  	v11 =	vld [tilespmem:s30+$0x0];
	_ =	sdelay $0x4  }
0x12e: {  	(v2sf) =	vpush v11, $0x0;
	_ =	sdelay $0xe  }
0x12f: {  	s3 =	spop (v2sf)  }
0x130: {  	s24 =	sshra.s32 s3, $0xE  }
0x131: {  	v11 =	vmov s24  }
0x132: {  	v12 =	vshll.u32 v11, $0x3  }
0x133: {  	v11 =	vand.u32 $0x7F, v11;
	v12 =	vand.u32 $0xFFFFFC00, v12  }
0x134: {  	v11 =	vor.u32 v11, v12  }
0x135: {  	v12 =	vadd.s32 v7, v11  }
0x136: {  	v11 =	vadd.s32 v8, v11;
	_ =	sdelay $0x3  }
0x137: {  	v12 =	vld.idx.msk [tilespmem:v12+s21+$0x0], $0xffff  }
0x138: {  	v11 =	vld.idx.msk [tilespmem:v11+s21+$0x0], $0xffff  }
0x139: {  	v13 =	vmov s16  }
0x13a: {  	s25 =	sshll.u32 s16, $0x9  }
0x13b: {  	s31 =	sadd.s32 $0xFFFFFFFF, s2;
	s24 =	sshra.s32 s25, $0x2  }
0x13c: {  	s16 =	sadd.s32 $0x1, s16;
	p2 =	sne.s32 s31, $0x0;
	s3 =	sand.u32 $0x3FFF, s3;
	[tilespmem:s24+$0x1D080] =	vst v12  }
.Ltmp17:
0x13d: {  	p3 =	sne.s32 s16, $0x10;
	v63 =	vmov s3;
	[tilespmem:s24+$0x1D090] =	vst v11;
	(pc) =	sbr.rel @!p2 .LBB2_21-.Ltmp17, $4  }
0x13e: {  	s2 =	simm.s32 @!p3 $0x10;
	s3 =	simm.s32 @!p3 $0x1D880;
	s24 =	simm.s32 @!p3 $0x1D080;
	[tilespmem:v13+s12+$0x0] =	vst.idx.msk $0x1, v63  }
0x13f: {  	[hbm4b:s10+s2] =	stream.indirect.scatter @!p3 [tilespmem:s24], [sflag:$0x3], $0x80, s3, s2, $0xb8;
	[tilespmem:$0x1D900] =	vst v63  }
0x140: {  	s2 =	simm.s32 @!p3 $0x3  }
0x141: {  	s16 =	simm.s32 @!p3 $0x0;
	_ =	swait.ge @!p3 [sflag:s2], $0x800  }
.LBB2_20:
0x142: {  	s31 =	sadd.s32 $0xFFFFFFFF, s31;
	[sflag:s2] =	ssyncset.done @!p3 $0x0;
	s30 =	sadd.s32 $0x1, s30  }
0x143: {  	p2 =	sne.s32 s31, $0x0;
	[sflag:s2] =	ssyncadd.s32 @!p3 $0xFFFFF800  }
0x144: {  	v11 =	vld [tilespmem:s30+$0x0];
	_ =	sdelay $0x4  }
0x145: {  	(v2sf) =	vpush v11, $0x0;
	_ =	sdelay $0xe  }
0x146: {  	s2 =	spop (v2sf)  }
0x147: {  	s3 =	sshra.s32 s2, $0xE;
	s2 =	sand.u32 $0x3FFF, s2  }
0x148: {  	v11 =	vmov s3  }
0x149: {  	v12 =	vshll.u32 v11, $0x3  }
0x14a: {  	v11 =	vand.u32 $0x7F, v11;
	v12 =	vand.u32 $0xFFFFFC00, v12  }
0x14b: {  	v11 =	vor.u32 v11, v12  }
0x14c: {  	v12 =	vadd.s32 v7, v11;
	v11 =	vadd.s32 v8, v11;
	_ =	sdelay $0x4  }
0x14d: {  	v12 =	vld.idx.msk [tilespmem:v12+s21+$0x0], $0xffff  }
0x14e: {  	v11 =	vld.idx.msk [tilespmem:v11+s21+$0x0], $0xffff  }
0x14f: {  	v13 =	vmov s16;
	_ =	sdelay $0x1  }
0x150: {  	s3 =	sshll.u32 s16, $0x9  }
0x151: {  	s16 =	sadd.s32 $0x1, s16;
	s3 =	sshra.s32 s3, $0x2  }
.Ltmp18:
0x152: {  	p3 =	sne.s32 s16, $0x10;
	[tilespmem:s3+$0x1D080] =	vst v12;
	v12 =	vmov s2;
	(pc) =	sbr.rel @p2 .LBB2_20-.Ltmp18, $4  }
0x153: {  	s24 =	simm.s32 @!p3 $0x1D880;
	s25 =	simm.s32 @!p3 $0x1D080;
	[tilespmem:s3+$0x1D090] =	vst v11;
	s3 =	simm.s32 @!p3 $0x10  }
0x154: {  	s16 =	simm.s32 @!p3 $0x0;
	s2 =	simm.s32 @!p3 $0x3;
	[tilespmem:v13+s12+$0x0] =	vst.idx.msk $0x1, v12  }
0x155: {  	[hbm4b:s10+s3] =	stream.indirect.scatter @!p3 [tilespmem:s25], [sflag:$0x3], $0x80, s24, s3, $0xb8;
	[tilespmem:$0x1D900] =	vst v63  }
0x156: {  	_ =	swait.ge @!p3 [sflag:s2], $0x800  }
.LBB2_21:
0x157: {  	s18 =	sadd.s32 $0x1, s18  }
0x158: {  	p2 =	seq.s32 s18, $0x10  }
.Ltmp19:
0x159: {  	_ = 	snop;
	(pc) =	sbr.rel @!p2 .LBB2_4-.Ltmp19, $4  }
.Ltmp20:
0x15a: {  	_ = 	snop;
	(pc) =	sbr.rel @p2 .LBB2_40-.Ltmp20, $4  }
0x15b: {  	_ = 	snop  }
0x15c: {  	[sflag:s2] =	ssyncset.done @!p3 $0x0  }
0x15d: {  	[sflag:s2] =	ssyncadd.s32 @!p3 $0xFFFFF800  }
0x15e: {  	_ = 	snop  }
.LBB2_39:
0x15f: {  	s18 =	sadd.s32 $0x1, s18  }
0x160: {  	p2 =	seq.s32 s18, $0x10  }
.Ltmp21:
0x161: {  	_ = 	snop;
	(pc) =	sbr.rel @!p2 .LBB2_4-.Ltmp21, $4  }
.Ltmp22:
0x162: {  	_ = 	snop;
	(pc) =	sbr.rel @p2 .LBB2_40-.Ltmp22, $4  }
0x163: {  	_ = 	snop  }
0x164: {  	_ = 	snop  }
0x165: {  	_ = 	snop  }
0x166: {  	_ = 	snop  }
.LBB2_6:
.Ltmp23:
0x167: {  	(pc) =	sbr.rel .LBB2_17-.Ltmp23, $2  }
0x168: {  	_ =	sdelay $0x2  }
0x169: {  	s2 =	simm.s32 $0x0  }
.LBB2_13:
.Ltmp24:
0x16a: {  	(pc) =	sbr.rel .LBB2_25-.Ltmp24, $2  }
0x16b: {  	_ =	sdelay $0x2  }
0x16c: {  	s2 =	simm.s32 $0x0  }
.LBB2_15:
.Ltmp25:
0x16d: {  	(pc) =	sbr.rel .LBB2_17-.Ltmp25, $2  }
0x16e: {  	_ =	sdelay $0x2  }
0x16f: {  	s2 =	simm.s32 $0x0  }
.LBB2_23:
.Ltmp26:
0x170: {  	(pc) =	sbr.rel .LBB2_25-.Ltmp26, $2  }
0x171: {  	_ =	sdelay $0x2  }
0x172: {  	s2 =	simm.s32 $0x0  }
.LBB2_40:
0x173: {  	s2 =	simm.s32 $0x4000  }
0x174: {  	v11 =	vld [tilespmem:s2+$0x0];
	_ =	sdelay $0x3  }
0x175: {  	s17 =	simm.s32 $0x0  }
0x176: {  	v13 =	vor.u32 s17, v4;
	v12 =	vshra.s32 v11, $0xE  }
.Ltmp27:
0x177: {  	vm0 =	vlt.s32 v13, v10;
	vm1 =	vlt.s32 v12, v2;
	(pc) =	sbr.rel @p1 .LBB2_41-.Ltmp27, $4  }
0x178: {  	vm2 =	vge.s32 v12, v1;
	vm0 =	vmand vm0, vm1  }
0x179: {  	v12 =	vsub.s32 v12, v1;
	vm0 =	vmand vm0, vm2  }
0x17a: {  	v11 =	vand.u32 $0x3FFF, v11;
	v12 =	vshll.u32 v12, $0xE;
	v63 =	vsel vm0, $0x1, v5  }
0x17b: {  	p0 =	por $0x0, $0x0;
	v11 =	vor.u32 v11, v12;
	(xrf0) =	vadd.scan.msk.s32 $0xffff, v63  }
0x17c: {  	_ =	sdelay $0x4  }
0x17d: {  	v12, _, _ =	vpop (xrf0)  }
0x17e: {  	[tilespmem:s17+$0x8000] =	vst.msk vm0, v11;
	s18 =	simm.s32 $0x4010;
	(v2sf) =	vpush v12, $0xF  }
0x17f: {  	v11 =	vld [tilespmem:s18+$0x0];
	_ =	sdelay $0x3  }
0x180: {  	s24 =	simm.s32 $0x10  }
0x181: {  	v13 =	vor.u32 s24, v4;
	v62 =	vshra.s32 v11, $0xE  }
0x182: {  	vm0 =	vlt.s32 v13, v10;
	vm1 =	vlt.s32 v62, v2  }
0x183: {  	vm2 =	vge.s32 v62, v1;
	vm0 =	vmand vm0, vm1  }
0x184: {  	vm0 =	vmand vm0, vm2  }
0x185: {  	p1 =	seq.s32 s29, $0x1;
	v63 =	vsel vm0, $0x1, v5  }
.Ltmp28:
0x186: {  	(xrf0) =	vadd.scan.msk.s32 $0xffff, v63;
	(pc) =	sbr.rel @p1 .LBB2_47-.Ltmp28, $4  }
0x187: {  	_ = 	snop  }
0x188: {  	v12 =	vsub.s32 v62, v1  }
0x189: {  	s25 =	sadd.s32 $0xFFFFFFFF, s29;
	v11 =	vand.u32 $0x3FFF, v11;
	v12 =	vshll.u32 v12, $0xE  }
0x18a: {  	p0 =	por $0x1, $0x1;
	s2 =	simm.s32 $0x0;
	v11 =	vor.u32 v11, v12;
	s3 =	spop (v2sf)  }
.LBB2_48:
0x18b: {  	p1 =	seq.s32 s25, $0x1;
	s25 =	sadd.s32 $0xFFFFFFFF, s25;
	s2 =	sadd.s32 s2, s3  }
0x18c: {  	[tilespmem:s2+$0x8000] =	vst.msk vm0, v11;
	v11, _, _ =	vpop (xrf0)  }
0x18d: {  	s18 =	sadd.s32 $0x10, s18;
	(v2sf) =	vpush v11, $0xF  }
0x18e: {  	v11 =	vld [tilespmem:s18+$0x0];
	_ =	sdelay $0x3  }
0x18f: {  	s24 =	sadd.s32 $0x10, s24  }
0x190: {  	v13 =	vor.u32 s24, v4;
	v12 =	vshra.s32 v11, $0xE;
	v11 =	vand.u32 $0x3FFF, v11  }
0x191: {  	vm0 =	vlt.s32 v13, v10;
	vm1 =	vlt.s32 v12, v2;
	v13 =	vsub.s32 v12, v1  }
0x192: {  	vm2 =	vge.s32 v12, v1;
	vm0 =	vmand vm0, vm1;
	v12 =	vshll.u32 v13, $0xE  }
0x193: {  	vm0 =	vmand vm0, vm2;
	v11 =	vor.u32 v11, v12  }
0x194: {  	v12 =	vsel vm0, $0x1, v5  }
.Ltmp29:
0x195: {  	(xrf0) =	vadd.scan.msk.s32 $0xffff, v12;
	(pc) =	sbr.rel @!p1 .LBB2_48-.Ltmp29, $2  }
0x196: {  	_ =	sdelay $0x2  }
0x197: {  	s3 =	spop (v2sf)  }
.LBB2_49:
0x198: {  	_ = 	snop  }
0x199: {  	v10, _, _ =	vpop (xrf0)  }
0x19a: {  	(v2sf) =	vpush v10, $0xF;
	_ =	sdelay $0xd  }
0x19b: {  	s2 =	sadd.s32 @p0 s2, s3  }
0x19c: {  	s17 =	smov.u32 @p0 s2;
	s31 =	spop (v2sf)  }
0x19d: {  	[tilespmem:s17+$0x8000] =	vst.msk vm0, v11;
	s2 =	sadd.s32 s17, s31  }
0x19e: {  	p0 =	slt.s32 s2, $0x1  }
.Ltmp30:
0x19f: {  	_ = 	snop;
	(pc) =	sbr.rel @p0 .LBB2_27-.Ltmp30, $1  }
0x1a0: {  	_ =	sdelay $0x3  }
0x1a1: {  	s17 =	simm.s32 $0x8000  }
0x1a2: {  	v10 =	vld [tilespmem:s17+$0x0];
	_ =	sdelay $0x4  }
0x1a3: {  	(v2sf) =	vpush v10, $0x0;
	_ =	sdelay $0xe  }
0x1a4: {  	s3 =	spop (v2sf)  }
0x1a5: {  	s18 =	sshra.s32 s3, $0xE  }
0x1a6: {  	v10 =	vadd.s32 s18, v6  }
0x1a7: {  	v11 =	vadd.s32 s18, v9;
	_ =	sdelay $0x3  }
0x1a8: {  	v10 =	vld.idx.msk [tilespmem:v10+s6+$0x0], $0xffff  }
0x1a9: {  	v11 =	vld.idx.msk [tilespmem:v11+s6+$0x0], $0xffff  }
0x1aa: {  	v12 =	vmov s16  }
0x1ab: {  	s31 =	sshll.u32 s16, $0x9  }
0x1ac: {  	s24 =	sshra.s32 s31, $0x2;
	s18 =	sadd.s32 $0xFFFFFFFF, s2  }
0x1ad: {  	s16 =	sadd.s32 $0x1, s16;
	s3 =	sand.u32 $0x3FFF, s3;
	p0 =	sne.s32 s18, $0x0;
	[tilespmem:s24+$0x1D080] =	vst v10  }
.Ltmp31:
0x1ae: {  	p1 =	sne.s32 s16, $0x10;
	v10 =	vmov s3;
	[tilespmem:s24+$0x1D090] =	vst v11;
	(pc) =	sbr.rel @!p0 .LBB2_45-.Ltmp31, $4  }
0x1af: {  	s2 =	simm.s32 @!p1 $0x10;
	s3 =	simm.s32 @!p1 $0x1D880;
	s24 =	simm.s32 @!p1 $0x1D080;
	[tilespmem:v12+s12+$0x0] =	vst.idx.msk $0x1, v10  }
0x1b0: {  	[hbm4b:s10+s2] =	stream.indirect.scatter @!p1 [tilespmem:s24], [sflag:$0x3], $0x80, s3, s2, $0xb8;
	[tilespmem:$0x1D900] =	vst v63  }
0x1b1: {  	s2 =	simm.s32 @!p1 $0x3  }
0x1b2: {  	s16 =	simm.s32 @!p1 $0x0;
	_ =	swait.ge @!p1 [sflag:s2], $0x800  }
.LBB2_44:
0x1b3: {  	s18 =	sadd.s32 $0xFFFFFFFF, s18;
	[sflag:s2] =	ssyncset.done @!p1 $0x0;
	s17 =	sadd.s32 $0x1, s17  }
0x1b4: {  	p0 =	sne.s32 s18, $0x0;
	[sflag:s2] =	ssyncadd.s32 @!p1 $0xFFFFF800  }
0x1b5: {  	v10 =	vld [tilespmem:s17+$0x0];
	_ =	sdelay $0x4  }
0x1b6: {  	(v2sf) =	vpush v10, $0x0;
	_ =	sdelay $0xe  }
0x1b7: {  	s2 =	spop (v2sf)  }
0x1b8: {  	s3 =	sshra.s32 s2, $0xE;
	s2 =	sand.u32 $0x3FFF, s2  }
0x1b9: {  	v10 =	vadd.s32 s3, v6;
	v11 =	vadd.s32 s3, v9;
	_ =	sdelay $0x4  }
0x1ba: {  	v10 =	vld.idx.msk [tilespmem:v10+s6+$0x0], $0xffff  }
0x1bb: {  	v11 =	vld.idx.msk [tilespmem:v11+s6+$0x0], $0xffff  }
0x1bc: {  	v12 =	vmov s16;
	_ =	sdelay $0x1  }
0x1bd: {  	s3 =	sshll.u32 s16, $0x9  }
0x1be: {  	s16 =	sadd.s32 $0x1, s16;
	s3 =	sshra.s32 s3, $0x2  }
.Ltmp32:
0x1bf: {  	p1 =	sne.s32 s16, $0x10;
	[tilespmem:s3+$0x1D080] =	vst v10;
	v10 =	vmov s2;
	(pc) =	sbr.rel @p0 .LBB2_44-.Ltmp32, $4  }
0x1c0: {  	s24 =	simm.s32 @!p1 $0x1D880;
	s25 =	simm.s32 @!p1 $0x1D080;
	[tilespmem:s3+$0x1D090] =	vst v11;
	s3 =	simm.s32 @!p1 $0x10  }
0x1c1: {  	s16 =	simm.s32 @!p1 $0x0;
	s2 =	simm.s32 @!p1 $0x3;
	[tilespmem:v12+s12+$0x0] =	vst.idx.msk $0x1, v10  }
0x1c2: {  	[hbm4b:s10+s3] =	stream.indirect.scatter @!p1 [tilespmem:s25], [sflag:$0x3], $0x80, s24, s3, $0xb8;
	[tilespmem:$0x1D900] =	vst v63  }
0x1c3: {  	_ =	swait.ge @!p1 [sflag:s2], $0x800  }
.LBB2_45:
0x1c4: {  	[sflag:s2] =	ssyncset.done @!p1 $0x0  }
0x1c5: {  	[sflag:s2] =	ssyncadd.s32 @!p1 $0xFFFFF800  }
.LBB2_27:
0x1c6: {  	p0 =	slt.s32 s16, $0x1  }
.Ltmp33:
0x1c7: {  	_ = 	snop;
	(pc) =	sbr.rel @p0 .LBB2_33-.Ltmp33, $1  }
0x1c8: {  	_ =	sdelay $0x3  }
0x1c9: {  	p0 =	sgt.u32 s16, $0xF  }
.Ltmp34:
0x1ca: {  	_ = 	snop;
	(pc) =	sbr.rel @p0 .LBB2_32-.Ltmp34, $1  }
0x1cb: {  	_ =	sdelay $0x3  }
0x1cc: {  	s2 =	sshll.u32 s16, $0x7  }
0x1cd: {  	s2 =	sadd.s32 $0xFFFFFF80, s2  }
0x1ce: {  	s2 =	sand.u32 $0x3FFFFF80, s2  }
0x1cf: {  	v10 =	vld [tilespmem:s2+$0x1D080]  }
0x1d0: {  	v11 =	vld [tilespmem:s2+$0x1D090]  }
0x1d1: {  	s3 =	sshll.u32 s16, $0x9;
	p0 =	sne.s32 s16, $0xF  }
.Ltmp35:
0x1d2: {  	s3 =	sshra.s32 s3, $0x2;
	(pc) =	sbr.rel @!p0 .LBB2_31-.Ltmp35, $4  }
0x1d3: {  	s17 =	sadd.s32 $0x1D090, s3  }
0x1d4: {  	[tilespmem:s17+$0xFFFFFFF0] =	vst v10  }
0x1d5: {  	s18 =	sadd.s32 $0x1D87F, s16;
	[tilespmem:s17+$0x0] =	vst v11  }
0x1d6: {  	s24 =	sadd.s32 $0x1, s16;
	v11 =	vmov s16;
	v10 =	vld.msk [tilespmem:s18+$0x0 ss:$0x0], $0xffff  }
.LBB2_30:
0x1d7: {  	_ =	sdelay $0x2  }
0x1d8: {  	p0 =	sne.s32 s24, $0xF  }
0x1d9: {  	s17 =	sadd.s32 $0x80, s17;
	s3 =	smov.u32 s24;
	s24 =	sadd.s32 $0x1, s24;
	[tilespmem:v11+s12+$0x0] =	vst.idx.msk $0x1, v10  }
0x1da: {  	v10 =	vld [tilespmem:s2+$0x1D080]  }
0x1db: {  	v11 =	vld [tilespmem:s2+$0x1D090];
	_ =	sdelay $0x2  }
.Ltmp36:
0x1dc: {  	(pc) =	sbr.rel @p0 .LBB2_30-.Ltmp36, $4  }
0x1dd: {  	[tilespmem:s17+$0xFFFFFFF0] =	vst v10  }
0x1de: {  	[tilespmem:s17+$0x0] =	vst v11  }
0x1df: {  	v10 =	vld.msk [tilespmem:s18+$0x0 ss:$0x0], $0xffff  }
0x1e0: {  	v11 =	vmov s3  }
.LBB2_31:
0x1e1: {  	_ =	sdelay $0x3  }
0x1e2: {  	[tilespmem:v11+s12+$0x0] =	vst.idx.msk $0x1, v10  }
.LBB2_32:
0x1e3: {  	s2 =	simm.s32 $0x10;
	s3 =	simm.s32 $0x1D080;
	s31 =	simm.s32 $0x3  }
0x1e4: {  	[hbm4b:s10+s2] =	stream.indirect.scatter [tilespmem:s3], [sflag:$0x3], $0x80, s12, s2, $0xb8;
	[tilespmem:$0x1D900] =	vst v63  }
0x1e5: {  	_ =	swait.ge [sflag:s31], $0x800  }
0x1e6: {  	[sflag:s31] =	ssyncset.done $0x0  }
0x1e7: {  	[sflag:s31] =	ssyncadd.s32 $0xFFFFF800  }
.LBB2_33:
0x1e8: {  	s16 =	simm.s32 $0x0;
	s2 =	rddreg [dreg:$0x1];
	s3 =	simm.s32 $0x4  }
0x1e9: {  	[tilespmem:s16], [sflag:$0x4] =	stream.linear.gather [hbm4b:s2+s16], $0x4000, $0x38;
	[tilespmem:$0x1D900] =	vst v63  }
0x1ea: {  	_ =	swait.ge [sflag:s3], $0x4000  }
0x1eb: {  	[sflag:s3] =	ssyncset.done $0x0  }
0x1ec: {  	[sflag:s3] =	ssyncadd.s32 $0xFFFFC000  }
0x1ed: {  	s18 =	rddreg [dreg:$0x5]  }
0x1ee: {  	[tilespmem:s6], [sflag:$0x4] =	stream.linear.gather [hbm4b:s18+s16], $0x400, $0x38;
	[tilespmem:$0x1D900] =	vst v63  }
0x1ef: {  	_ =	swait.ge [sflag:s3], $0x400  }
0x1f0: {  	[sflag:s3] =	ssyncset.done $0x0  }
0x1f1: {  	s17 =	simm.s32 $0x1C480;
	s24 =	rddreg [dreg:$0x15];
	[sflag:s3] =	ssyncadd.s32 $0xFFFFFC00  }
0x1f2: {  	[tilespmem:s17], [sflag:$0x4] =	stream.linear.gather [hbm4b:s24+s16], $0x400, $0x38;
	[tilespmem:$0x1D900] =	vst v63  }
0x1f3: {  	_ =	swait.ge [sflag:s3], $0x400  }
0x1f4: {  	[sflag:s3] =	ssyncset.done $0x0  }
0x1f5: {  	s29 =	simm.s32 $0x1C880;
	s25 =	rddreg [dreg:$0x16];
	[sflag:s3] =	ssyncadd.s32 $0xFFFFFC00  }
0x1f6: {  	[tilespmem:s29], [sflag:$0x4] =	stream.linear.gather [hbm4b:s25+s16], $0x400, $0x38;
	[tilespmem:$0x1D900] =	vst v63  }
0x1f7: {  	_ =	swait.ge [sflag:s3], $0x400  }
0x1f8: {  	[sflag:s3] =	ssyncset.done $0x0  }
0x1f9: {  	s31 =	simm.s32 $0x1CC80;
	s30 =	rddreg [dreg:$0x17];
	[sflag:s3] =	ssyncadd.s32 $0xFFFFFC00  }
0x1fa: {  	[tilespmem:s31], [sflag:$0x4] =	stream.linear.gather [hbm4b:s30+s16], $0x400, $0x38;
	[tilespmem:$0x1D900] =	vst v63  }
0x1fb: {  	_ =	swait.ge [sflag:s3], $0x400  }
0x1fc: {  	[sflag:s3] =	ssyncset.done $0x0  }
0x1fd: {  	[sflag:s3] =	ssyncadd.s32 $0xFFFFFC00  }
0x1fe: {  	v10 =	vld [tilespmem:s16+$0x0];
	_ =	sdelay $0x4  }
0x1ff: {  	vm0 =	vge.s32 v10, v3;
	vm1 =	vlt.s32 v10, v0  }
0x200: {  	vm0 =	vmand vm0, vm1  }
0x201: {  	v11 =	vsel vm0, $0x1, v5  }
0x202: {  	(xrf0) =	vadd.scan.msk.s32 $0xffff, v11;
	_ =	sdelay $0x4  }
0x203: {  	v10 =	vsub.s32 v10, v3  }
0x204: {  	v10 =	vshll.u32 v10, $0xE;
	v11, _, _ =	vpop (xrf0)  }
0x205: {  	v10 =	vadd.s32 s16, v10;
	(v2sf) =	vpush v11, $0xF  }
0x206: {  	v10 =	vadd.s32 v4, v10  }
0x207: {  	s17 =	simm.s32 $0x10;
	[tilespmem:s16+$0x4000] =	vst.msk vm0, v10  }
0x208: {  	v10 =	vld [tilespmem:s17+$0x0];
	_ =	sdelay $0x4  }
0x209: {  	vm0 =	vge.s32 v10, v3;
	vm1 =	vlt.s32 v10, v0  }
0x20a: {  	vm0 =	vmand vm0, vm1  }
0x20b: {  	v11 =	vsel vm0, $0x1, v5  }
0x20c: {  	(xrf0) =	vadd.scan.msk.s32 $0xffff, v11  }
0x20d: {  	v10 =	vsub.s32 v10, v3  }
0x20e: {  	v10 =	vshll.u32 v10, $0xE  }
0x20f: {  	v10 =	vadd.s32 s17, v10  }
0x210: {  	s2 =	simm.s32 $0x20;
	v10 =	vadd.s32 v4, v10;
	s3 =	spop (v2sf)  }
.LBB2_34:
0x211: {  	p0 =	sne.s32 s2, $0x3FF0  }
0x212: {  	v11, _, _ =	vpop (xrf0);
	s16 =	sadd.s32 s16, s3;
	s3 =	smov.u32 s2;
	s2 =	sadd.s32 $0x10, s2  }
0x213: {  	[tilespmem:s16+$0x4000] =	vst.msk vm0, v10;
	(v2sf) =	vpush v11, $0xF  }
0x214: {  	s17 =	sadd.s32 $0x10, s17  }
0x215: {  	v10 =	vld [tilespmem:s17+$0x0];
	_ =	sdelay $0x4  }
0x216: {  	vm0 =	vge.s32 v10, v3;
	vm1 =	vlt.s32 v10, v0;
	v10 =	vsub.s32 v10, v3  }
0x217: {  	vm0 =	vmand vm0, vm1;
	v10 =	vshll.u32 v10, $0xE  }
0x218: {  	v10 =	vadd.s32 s3, v10;
	v11 =	vsel vm0, $0x1, v5  }
0x219: {  	v10 =	vadd.s32 v4, v10;
	(xrf0) =	vadd.scan.msk.s32 $0xffff, v11  }
.Ltmp37:
0x21a: {  	(pc) =	sbr.rel @p0 .LBB2_34-.Ltmp37, $2  }
0x21b: {  	_ =	sdelay $0x2  }
0x21c: {  	s3 =	spop (v2sf)  }
0x21d: {  	v11, _, _ =	vpop (xrf0)  }
0x21e: {  	(v2sf) =	vpush v11, $0xF;
	_ =	sdelay $0xb  }
0x21f: {  	s2 =	sadd.s32 s16, s3  }
0x220: {  	s16 =	simm.s32 $0x0;
	s29 =	rddreg [dreg:$0x10];
	[tilespmem:s2+$0x4000] =	vst.msk vm0, v10  }
0x221: {  	[tilespmem:s15], [sflag:$0x1] =	stream.linear.gather [hbm4b:s29+s16], $0x2000, $0x38;
	[tilespmem:$0x1D900] =	vst v63  }
0x222: {  	s24 =	spop (v2sf)  }
0x223: {  	s31 =	rddreg [dreg:$0x11];
	s3 =	sadd.s32 s2, s24  }
0x224: {  	s29 =	simm.s32 $0x10080;
	s24 =	simm.s32 $0xE080;
	s17 =	sadd.s32 $0xF, s3  }
0x225: {  	[tilespmem:s24], [sflag:$0x1] =	stream.linear.gather [hbm4b:s31+s16], $0x2000, $0x38;
	[tilespmem:$0x1D900] =	vst v63  }
0x226: {  	s31 =	simm.s32 $0x12080;
	s18 =	sshra.s32 s17, $0x1F;
	s25 =	sand.u32 $0xF, s17  }
0x227: {  	p0 =	slt.s32 s17, $0x1;
	p1 =	sne.s32 s25, $0x0;
	s30 =	sshrl.u32 s18, $0x1C  }
0x228: {  	s25 =	rddreg [dreg:$0x12];
	p0 =	por !p0, !p1;
	s2 =	sadd.s32 s30, s17  }
0x229: {  	[tilespmem:s29], [sflag:$0x1] =	stream.linear.gather [hbm4b:s25+s16], $0x2000, $0x38;
	[tilespmem:$0x1D900] =	vst v63  }
.Ltmp38:
0x22a: {  	s17 =	simm.s32 $0x1;
	p0 =	por !p0, !p0;
	(pc) =	sbr.rel .LBB2_36-.Ltmp38, $4  }
0x22b: {  	s30 =	rddreg [dreg:$0x13];
	s2 =	sshra.s32 s2, $0x4;
	s17 =	simm.s32 @!p0 $0x0  }
0x22c: {  	[tilespmem:s31], [sflag:$0x1] =	stream.linear.gather [hbm4b:s30+s16], $0x2000, $0x38;
	[tilespmem:$0x1D900] =	vst v63  }
0x22d: {  	s17 =	ssub.s32 s2, s17  }
0x22e: {  	v10 =	vmov s3;
	s18 =	simm.s32 $0x0;
	p0 =	slt.s32 s17, $0x1  }
.LBB2_72:
0x22f: {  	s18 =	sadd.s32 $0x1, s18  }
0x230: {  	p1 =	seq.s32 s18, $0x10  }
.Ltmp39:
0x231: {  	_ = 	snop;
	(pc) =	sbr.rel @p1 .LBB2_73-.Ltmp39, $1  }
0x232: {  	_ =	sdelay $0x3  }
.LBB2_36:
0x233: {  	s2 =	sshllo.u32 s18, $0x1  }
0x234: {  	p1 =	slt.u32 s2, $0x1F;
	s29 =	sshll.u32 s2, $0xA  }
0x235: {  	s29 =	simm.s32 @!p1 $0x0  }
0x236: {  	s25 =	sadd.s32 s7, s29  }
0x237: {  	s3 =	sadd.s32 s19, s25  }
0x238: {  	[tilespmem:s21], [sflag:$0x2] =	stream.linear.gather [hbm4b:s3+s8], $0x2000, $0x38;
	[tilespmem:$0x1D900] =	vst v63  }
0x239: {  	s30 =	sadd.s32 s25, s5  }
0x23a: {  	[tilespmem:s22], [sflag:$0x2] =	stream.linear.gather [hbm4b:s30+s8], $0x2000, $0x38;
	[tilespmem:$0x1D900] =	vst v63  }
0x23b: {  	s31 =	sadd.s32 s25, s0  }
0x23c: {  	[tilespmem:s23], [sflag:$0x2] =	stream.linear.gather [hbm4b:s31+s8], $0x2000, $0x38;
	[tilespmem:$0x1D900] =	vst v63  }
0x23d: {  	s2 =	sadd.s32 s25, s1  }
0x23e: {  	[tilespmem:s9], [sflag:$0x2] =	stream.linear.gather [hbm4b:s2+s8], $0x2000, $0x38;
	[tilespmem:$0x1D900] =	vst v63  }
0x23f: {  	_ =	swait.ge [sflag:s14], $0x2000  }
0x240: {  	[sflag:s14] =	ssyncset.done $0x0  }
0x241: {  	[sflag:s14] =	ssyncadd.s32 $0xFFFFE000  }
0x242: {  	_ =	swait.ge [sflag:s14], $0x2000  }
0x243: {  	[sflag:s14] =	ssyncset.done $0x0  }
0x244: {  	[sflag:s14] =	ssyncadd.s32 $0xFFFFE000  }
0x245: {  	_ =	swait.ge [sflag:s14], $0x2000  }
.Ltmp40:
0x246: {  	[sflag:s14] =	ssyncset.done $0x0;
	(pc) =	sbr.rel @p0 .LBB2_54-.Ltmp40, $4  }
0x247: {  	[sflag:s14] =	ssyncadd.s32 $0xFFFFE000  }
0x248: {  	_ =	swait.ge [sflag:s14], $0x2000  }
0x249: {  	[sflag:s14] =	ssyncset.done $0x0  }
0x24a: {  	[sflag:s14] =	ssyncadd.s32 $0xFFFFE000  }
0x24b: {  	s31 =	simm.s32 $0x4000  }
0x24c: {  	v13 =	vld [tilespmem:s31+$0x0];
	_ =	sdelay $0x2  }
0x24d: {  	s2 =	sshll.u32 s18, $0xB  }
0x24e: {  	s30 =	simm.s32 $0x0;
	s3 =	sor.u32 $0x400, s2  }
0x24f: {  	p2 =	seq.s32 s17, $0x1;
	v15 =	vor.u32 s30, v4;
	v12 =	vmov s3;
	v14 =	vshra.s32 v13, $0xE  }
.Ltmp41:
0x250: {  	v11 =	vmov s2;
	vm0 =	vlt.s32 v15, v10;
	vm1 =	vlt.s32 v14, v12;
	(pc) =	sbr.rel @p2 .LBB2_38-.Ltmp41, $4  }
0x251: {  	vm2 =	vge.s32 v14, v11;
	vm0 =	vmand vm0, vm1  }
0x252: {  	v14 =	vsub.s32 v14, v11;
	vm0 =	vmand vm0, vm2  }
0x253: {  	v13 =	vand.u32 $0x3FFF, v13;
	v14 =	vshll.u32 v14, $0xE;
	v15 =	vsel vm0, $0x1, v5  }
0x254: {  	p1 =	por $0x0, $0x0;
	s2 =	sadd.s32 $0xFFFFFFFF, s17;
	v13 =	vor.u32 v13, v14;
	(xrf0) =	vadd.scan.msk.s32 $0xffff, v15  }
0x255: {  	_ =	sdelay $0x4  }
0x256: {  	v14, _, _ =	vpop (xrf0)  }
0x257: {  	[tilespmem:s30+$0x8000] =	vst.msk vm0, v13;
	s31 =	simm.s32 $0x4010;
	(v2sf) =	vpush v14, $0xF  }
0x258: {  	v13 =	vld [tilespmem:s31+$0x0];
	_ =	sdelay $0x3  }
0x259: {  	s24 =	simm.s32 $0x10  }
0x25a: {  	v15 =	vor.u32 s24, v4;
	v14 =	vshra.s32 v13, $0xE  }
0x25b: {  	vm0 =	vlt.s32 v15, v10;
	vm1 =	vlt.s32 v14, v12  }
0x25c: {  	vm2 =	vge.s32 v14, v11;
	vm0 =	vmand vm0, vm1  }
0x25d: {  	vm0 =	vmand vm0, vm2  }
0x25e: {  	p2 =	seq.s32 s2, $0x1;
	v15 =	vsel vm0, $0x1, v5  }
.Ltmp42:
0x25f: {  	(xrf0) =	vadd.scan.msk.s32 $0xffff, v15;
	(pc) =	sbr.rel @p2 .LBB2_58-.Ltmp42, $4  }
0x260: {  	_ = 	snop  }
0x261: {  	v14 =	vsub.s32 v14, v11  }
0x262: {  	s25 =	sadd.s32 $0xFFFFFFFF, s2;
	v13 =	vand.u32 $0x3FFF, v13;
	v14 =	vshll.u32 v14, $0xE  }
0x263: {  	p1 =	por $0x1, $0x1;
	s2 =	simm.s32 $0x0;
	v13 =	vor.u32 v13, v14;
	s3 =	spop (v2sf)  }
.LBB2_59:
0x264: {  	p2 =	seq.s32 s25, $0x1;
	s25 =	sadd.s32 $0xFFFFFFFF, s25;
	s2 =	sadd.s32 s2, s3  }
0x265: {  	[tilespmem:s2+$0x8000] =	vst.msk vm0, v13;
	v13, _, _ =	vpop (xrf0)  }
0x266: {  	s31 =	sadd.s32 $0x10, s31;
	(v2sf) =	vpush v13, $0xF  }
0x267: {  	v13 =	vld [tilespmem:s31+$0x0];
	_ =	sdelay $0x3  }
0x268: {  	s24 =	sadd.s32 $0x10, s24  }
0x269: {  	v15 =	vor.u32 s24, v4;
	v14 =	vshra.s32 v13, $0xE;
	v13 =	vand.u32 $0x3FFF, v13  }
0x26a: {  	vm0 =	vlt.s32 v15, v10;
	vm1 =	vlt.s32 v14, v12;
	v15 =	vsub.s32 v14, v11  }
0x26b: {  	vm2 =	vge.s32 v14, v11;
	vm0 =	vmand vm0, vm1;
	v14 =	vshll.u32 v15, $0xE  }
0x26c: {  	vm0 =	vmand vm0, vm2;
	v13 =	vor.u32 v13, v14  }
0x26d: {  	v14 =	vsel vm0, $0x1, v5  }
.Ltmp43:
0x26e: {  	(xrf0) =	vadd.scan.msk.s32 $0xffff, v14;
	(pc) =	sbr.rel @!p2 .LBB2_59-.Ltmp43, $2  }
0x26f: {  	_ =	sdelay $0x2  }
0x270: {  	s3 =	spop (v2sf)  }
.LBB2_60:
0x271: {  	_ = 	snop  }
0x272: {  	v11, _, _ =	vpop (xrf0)  }
0x273: {  	(v2sf) =	vpush v11, $0xF;
	_ =	sdelay $0xd  }
0x274: {  	s2 =	sadd.s32 @p1 s2, s3  }
0x275: {  	s30 =	smov.u32 @p1 s2;
	s31 =	spop (v2sf)  }
0x276: {  	[tilespmem:s30+$0x8000] =	vst.msk vm0, v13;
	s2 =	sadd.s32 s30, s31  }
0x277: {  	p1 =	slt.s32 s2, $0x1  }
.Ltmp44:
0x278: {  	_ = 	snop;
	(pc) =	sbr.rel @p1 .LBB2_54-.Ltmp44, $1  }
0x279: {  	_ =	sdelay $0x3  }
0x27a: {  	s30 =	simm.s32 $0x8000  }
0x27b: {  	v11 =	vld [tilespmem:s30+$0x0];
	_ =	sdelay $0x4  }
0x27c: {  	(v2sf) =	vpush v11, $0x0;
	_ =	sdelay $0xe  }
0x27d: {  	s3 =	spop (v2sf)  }
0x27e: {  	s24 =	sshra.s32 s3, $0xE  }
0x27f: {  	v11 =	vmov s24  }
0x280: {  	v12 =	vshll.u32 v11, $0x3  }
0x281: {  	v11 =	vand.u32 $0x7F, v11;
	v12 =	vand.u32 $0xFFFFFC00, v12  }
0x282: {  	v11 =	vor.u32 v11, v12  }
0x283: {  	v12 =	vadd.s32 v7, v11  }
0x284: {  	v11 =	vadd.s32 v8, v11;
	_ =	sdelay $0x3  }
0x285: {  	v12 =	vld.idx.msk [tilespmem:v12+s15+$0x0], $0xffff  }
0x286: {  	v11 =	vld.idx.msk [tilespmem:v11+s15+$0x0], $0xffff  }
0x287: {  	v13 =	vmov s16  }
0x288: {  	s25 =	sshll.u32 s16, $0x9  }
0x289: {  	s31 =	sadd.s32 $0xFFFFFFFF, s2;
	s24 =	sshra.s32 s25, $0x2  }
0x28a: {  	s16 =	sadd.s32 $0x1, s16;
	p1 =	sne.s32 s31, $0x0;
	s3 =	sand.u32 $0x3FFF, s3;
	[tilespmem:s24+$0x1D080] =	vst v12  }
.Ltmp45:
0x28b: {  	p2 =	sne.s32 s16, $0x10;
	v63 =	vmov s3;
	[tilespmem:s24+$0x1D090] =	vst v11;
	(pc) =	sbr.rel @!p1 .LBB2_53-.Ltmp45, $4  }
0x28c: {  	s2 =	simm.s32 @!p2 $0x10;
	s3 =	simm.s32 @!p2 $0x1D880;
	s24 =	simm.s32 @!p2 $0x1D080;
	[tilespmem:v13+s12+$0x0] =	vst.idx.msk $0x1, v63  }
0x28d: {  	[hbm4b:s11+s2] =	stream.indirect.scatter @!p2 [tilespmem:s24], [sflag:$0x3], $0x80, s3, s2, $0xb8;
	[tilespmem:$0x1D900] =	vst v63  }
0x28e: {  	s2 =	simm.s32 @!p2 $0x3  }
0x28f: {  	s16 =	simm.s32 @!p2 $0x0;
	_ =	swait.ge @!p2 [sflag:s2], $0x800  }
.LBB2_52:
0x290: {  	s31 =	sadd.s32 $0xFFFFFFFF, s31;
	[sflag:s2] =	ssyncset.done @!p2 $0x0;
	s30 =	sadd.s32 $0x1, s30  }
0x291: {  	p1 =	sne.s32 s31, $0x0;
	[sflag:s2] =	ssyncadd.s32 @!p2 $0xFFFFF800  }
0x292: {  	v11 =	vld [tilespmem:s30+$0x0];
	_ =	sdelay $0x4  }
0x293: {  	(v2sf) =	vpush v11, $0x0;
	_ =	sdelay $0xe  }
0x294: {  	s2 =	spop (v2sf)  }
0x295: {  	s3 =	sshra.s32 s2, $0xE;
	s2 =	sand.u32 $0x3FFF, s2  }
0x296: {  	v11 =	vmov s3  }
0x297: {  	v12 =	vshll.u32 v11, $0x3  }
0x298: {  	v11 =	vand.u32 $0x7F, v11;
	v12 =	vand.u32 $0xFFFFFC00, v12  }
0x299: {  	v11 =	vor.u32 v11, v12  }
0x29a: {  	v12 =	vadd.s32 v7, v11;
	v11 =	vadd.s32 v8, v11;
	_ =	sdelay $0x4  }
0x29b: {  	v12 =	vld.idx.msk [tilespmem:v12+s15+$0x0], $0xffff  }
0x29c: {  	v11 =	vld.idx.msk [tilespmem:v11+s15+$0x0], $0xffff  }
0x29d: {  	v13 =	vmov s16;
	_ =	sdelay $0x1  }
0x29e: {  	s3 =	sshll.u32 s16, $0x9  }
0x29f: {  	s16 =	sadd.s32 $0x1, s16;
	s3 =	sshra.s32 s3, $0x2  }
.Ltmp46:
0x2a0: {  	p2 =	sne.s32 s16, $0x10;
	[tilespmem:s3+$0x1D080] =	vst v12;
	v12 =	vmov s2;
	(pc) =	sbr.rel @p1 .LBB2_52-.Ltmp46, $4  }
0x2a1: {  	s24 =	simm.s32 @!p2 $0x1D880;
	s25 =	simm.s32 @!p2 $0x1D080;
	[tilespmem:s3+$0x1D090] =	vst v11;
	s3 =	simm.s32 @!p2 $0x10  }
0x2a2: {  	s16 =	simm.s32 @!p2 $0x0;
	s2 =	simm.s32 @!p2 $0x3;
	[tilespmem:v13+s12+$0x0] =	vst.idx.msk $0x1, v12  }
0x2a3: {  	[hbm4b:s11+s3] =	stream.indirect.scatter @!p2 [tilespmem:s25], [sflag:$0x3], $0x80, s24, s3, $0xb8;
	[tilespmem:$0x1D900] =	vst v63  }
0x2a4: {  	_ =	swait.ge @!p2 [sflag:s2], $0x800  }
.LBB2_53:
0x2a5: {  	[sflag:s2] =	ssyncset.done @!p2 $0x0  }
0x2a6: {  	[sflag:s2] =	ssyncadd.s32 @!p2 $0xFFFFF800  }
.LBB2_54:
0x2a7: {  	p1 =	seq.s32 s18, $0xF  }
0x2a8: {  	s2 =	sshll.u32 @!p1 s18, $0xE  }
0x2a9: {  	s2 =	sadd.s32 @!p1 s2, s20  }
0x2aa: {  	s2 =	sshrl.u32 @!p1 s2, $0x3  }
0x2ab: {  	s3 =	simm.s32 @!p1 $0x0;
	s24 =	simm.s32 @!p1 $0xC080;
	s2 =	sadd.s32 @!p1 s19, s2  }
0x2ac: {  	[tilespmem:s24], [sflag:$0x1] =	stream.linear.gather @!p1 [hbm4b:s2+s3], $0x2000, $0x38;
	[tilespmem:$0x1D900] =	vst v63  }
0x2ad: {  	s25 =	simm.s32 @!p1 $0xE080;
	s24 =	sadd.s32 @!p1 $0xF4280, s2  }
0x2ae: {  	[tilespmem:s25], [sflag:$0x1] =	stream.linear.gather @!p1 [hbm4b:s24+s3], $0x2000, $0x38;
	[tilespmem:$0x1D900] =	vst v63  }
0x2af: {  	s24 =	sadd.s32 @!p1 $0x1E8500, s2;
	s25 =	simm.s32 @!p1 $0x10080  }
0x2b0: {  	[tilespmem:s25], [sflag:$0x1] =	stream.linear.gather @!p1 [hbm4b:s24+s3], $0x2000, $0x38;
	[tilespmem:$0x1D900] =	vst v63  }
0x2b1: {  	s2 =	sadd.s32 @!p1 $0x2DC780, s2;
	s24 =	simm.s32 @!p1 $0x12080  }
0x2b2: {  	[tilespmem:s24], [sflag:$0x1] =	stream.linear.gather @!p1 [hbm4b:s2+s3], $0x2000, $0x38;
	[tilespmem:$0x1D900] =	vst v63  }
0x2b3: {  	_ =	swait.ge [sflag:s13], $0x2000  }
0x2b4: {  	[sflag:s13] =	ssyncset.done $0x0  }
0x2b5: {  	[sflag:s13] =	ssyncadd.s32 $0xFFFFE000  }
0x2b6: {  	_ =	swait.ge [sflag:s13], $0x2000  }
0x2b7: {  	[sflag:s13] =	ssyncset.done $0x0  }
0x2b8: {  	[sflag:s13] =	ssyncadd.s32 $0xFFFFE000  }
0x2b9: {  	_ =	swait.ge [sflag:s13], $0x2000  }
.Ltmp47:
0x2ba: {  	[sflag:s13] =	ssyncset.done $0x0;
	(pc) =	sbr.rel @p0 .LBB2_72-.Ltmp47, $4  }
0x2bb: {  	[sflag:s13] =	ssyncadd.s32 $0xFFFFE000  }
0x2bc: {  	_ =	swait.ge [sflag:s13], $0x2000  }
0x2bd: {  	[sflag:s13] =	ssyncset.done $0x0  }
0x2be: {  	[sflag:s13] =	ssyncadd.s32 $0xFFFFE000  }
0x2bf: {  	s31 =	simm.s32 $0x4000  }
0x2c0: {  	v13 =	vld [tilespmem:s31+$0x0];
	_ =	sdelay $0x3  }
0x2c1: {  	s2 =	sadd.s32 $0x400, s29;
	s30 =	simm.s32 $0x0  }
0x2c2: {  	p1 =	seq.s32 s17, $0x1;
	v12 =	vmov s2;
	v15 =	vor.u32 s30, v4;
	v14 =	vshra.s32 v13, $0xE  }
.Ltmp48:
0x2c3: {  	v11 =	vmov s29;
	vm0 =	vlt.s32 v15, v10;
	vm1 =	vlt.s32 v14, v12;
	(pc) =	sbr.rel @p1 .LBB2_56-.Ltmp48, $4  }
0x2c4: {  	vm2 =	vge.s32 v14, v11;
	vm0 =	vmand vm0, vm1  }
0x2c5: {  	v14 =	vsub.s32 v14, v11;
	vm0 =	vmand vm0, vm2  }
0x2c6: {  	v13 =	vand.u32 $0x3FFF, v13;
	v14 =	vshll.u32 v14, $0xE;
	v15 =	vsel vm0, $0x1, v5  }
0x2c7: {  	s29 =	sadd.s32 $0xFFFFFFFF, s17;
	p2 =	por $0x0, $0x0;
	v13 =	vor.u32 v13, v14;
	(xrf0) =	vadd.scan.msk.s32 $0xffff, v15  }
0x2c8: {  	_ =	sdelay $0x4  }
0x2c9: {  	v14, _, _ =	vpop (xrf0)  }
0x2ca: {  	[tilespmem:s30+$0x8000] =	vst.msk vm0, v13;
	s31 =	simm.s32 $0x4010;
	(v2sf) =	vpush v14, $0xF  }
0x2cb: {  	v13 =	vld [tilespmem:s31+$0x0];
	_ =	sdelay $0x3  }
0x2cc: {  	s24 =	simm.s32 $0x10  }
0x2cd: {  	v15 =	vor.u32 s24, v4;
	v14 =	vshra.s32 v13, $0xE  }
0x2ce: {  	vm0 =	vlt.s32 v15, v10;
	vm1 =	vlt.s32 v14, v12  }
0x2cf: {  	vm2 =	vge.s32 v14, v11;
	vm0 =	vmand vm0, vm1  }
0x2d0: {  	vm0 =	vmand vm0, vm2  }
0x2d1: {  	p3 =	seq.s32 s29, $0x1;
	v15 =	vsel vm0, $0x1, v5  }
.Ltmp49:
0x2d2: {  	(xrf0) =	vadd.scan.msk.s32 $0xffff, v15;
	(pc) =	sbr.rel @p3 .LBB2_66-.Ltmp49, $4  }
0x2d3: {  	_ = 	snop  }
0x2d4: {  	v14 =	vsub.s32 v14, v11  }
0x2d5: {  	s25 =	sadd.s32 $0xFFFFFFFF, s29;
	v13 =	vand.u32 $0x3FFF, v13;
	v14 =	vshll.u32 v14, $0xE  }
0x2d6: {  	p2 =	por $0x1, $0x1;
	s2 =	simm.s32 $0x0;
	v13 =	vor.u32 v13, v14;
	s3 =	spop (v2sf)  }
.LBB2_67:
0x2d7: {  	p3 =	seq.s32 s25, $0x1;
	s25 =	sadd.s32 $0xFFFFFFFF, s25;
	s2 =	sadd.s32 s2, s3  }
0x2d8: {  	[tilespmem:s2+$0x8000] =	vst.msk vm0, v13;
	v13, _, _ =	vpop (xrf0)  }
0x2d9: {  	s31 =	sadd.s32 $0x10, s31;
	(v2sf) =	vpush v13, $0xF  }
0x2da: {  	v13 =	vld [tilespmem:s31+$0x0];
	_ =	sdelay $0x3  }
0x2db: {  	s24 =	sadd.s32 $0x10, s24  }
0x2dc: {  	v15 =	vor.u32 s24, v4;
	v14 =	vshra.s32 v13, $0xE;
	v13 =	vand.u32 $0x3FFF, v13  }
0x2dd: {  	vm0 =	vlt.s32 v15, v10;
	vm1 =	vlt.s32 v14, v12;
	v15 =	vsub.s32 v14, v11  }
0x2de: {  	vm2 =	vge.s32 v14, v11;
	vm0 =	vmand vm0, vm1;
	v14 =	vshll.u32 v15, $0xE  }
0x2df: {  	vm0 =	vmand vm0, vm2;
	v13 =	vor.u32 v13, v14  }
0x2e0: {  	v14 =	vsel vm0, $0x1, v5  }
.Ltmp50:
0x2e1: {  	(xrf0) =	vadd.scan.msk.s32 $0xffff, v14;
	(pc) =	sbr.rel @!p3 .LBB2_67-.Ltmp50, $2  }
0x2e2: {  	_ =	sdelay $0x2  }
0x2e3: {  	s3 =	spop (v2sf)  }
.LBB2_68:
0x2e4: {  	_ = 	snop  }
0x2e5: {  	v11, _, _ =	vpop (xrf0)  }
0x2e6: {  	(v2sf) =	vpush v11, $0xF;
	_ =	sdelay $0xd  }
0x2e7: {  	s2 =	sadd.s32 @p2 s2, s3  }
0x2e8: {  	s30 =	smov.u32 @p2 s2;
	s31 =	spop (v2sf)  }
0x2e9: {  	[tilespmem:s30+$0x8000] =	vst.msk vm0, v13;
	s2 =	sadd.s32 s30, s31  }
0x2ea: {  	p2 =	slt.s32 s2, $0x1  }
.Ltmp51:
0x2eb: {  	_ = 	snop;
	(pc) =	sbr.rel @p2 .LBB2_69-.Ltmp51, $1  }
0x2ec: {  	_ =	sdelay $0x3  }
0x2ed: {  	s30 =	simm.s32 $0x8000  }
0x2ee: {  	v11 =	vld [tilespmem:s30+$0x0];
	_ =	sdelay $0x4  }
0x2ef: {  	(v2sf) =	vpush v11, $0x0;
	_ =	sdelay $0xe  }
0x2f0: {  	s3 =	spop (v2sf)  }
0x2f1: {  	s24 =	sshra.s32 s3, $0xE  }
0x2f2: {  	v11 =	vmov s24  }
0x2f3: {  	v12 =	vshll.u32 v11, $0x3  }
0x2f4: {  	v11 =	vand.u32 $0x7F, v11;
	v12 =	vand.u32 $0xFFFFFC00, v12  }
0x2f5: {  	v11 =	vor.u32 v11, v12  }
0x2f6: {  	v12 =	vadd.s32 v7, v11  }
0x2f7: {  	v11 =	vadd.s32 v8, v11;
	_ =	sdelay $0x3  }
0x2f8: {  	v12 =	vld.idx.msk [tilespmem:v12+s21+$0x0], $0xffff  }
0x2f9: {  	v11 =	vld.idx.msk [tilespmem:v11+s21+$0x0], $0xffff  }
0x2fa: {  	v13 =	vmov s16  }
0x2fb: {  	s25 =	sshll.u32 s16, $0x9  }
0x2fc: {  	s31 =	sadd.s32 $0xFFFFFFFF, s2;
	s24 =	sshra.s32 s25, $0x2  }
0x2fd: {  	s16 =	sadd.s32 $0x1, s16;
	p2 =	sne.s32 s31, $0x0;
	s3 =	sand.u32 $0x3FFF, s3;
	[tilespmem:s24+$0x1D080] =	vst v12  }
.Ltmp52:
0x2fe: {  	p3 =	sne.s32 s16, $0x10;
	v63 =	vmov s3;
	[tilespmem:s24+$0x1D090] =	vst v11;
	(pc) =	sbr.rel @!p2 .LBB2_64-.Ltmp52, $4  }
0x2ff: {  	s2 =	simm.s32 @!p3 $0x10;
	s3 =	simm.s32 @!p3 $0x1D880;
	s24 =	simm.s32 @!p3 $0x1D080;
	[tilespmem:v13+s12+$0x0] =	vst.idx.msk $0x1, v63  }
0x300: {  	[hbm4b:s11+s2] =	stream.indirect.scatter @!p3 [tilespmem:s24], [sflag:$0x3], $0x80, s3, s2, $0xb8;
	[tilespmem:$0x1D900] =	vst v63  }
0x301: {  	s2 =	simm.s32 @!p3 $0x3  }
0x302: {  	s16 =	simm.s32 @!p3 $0x0;
	_ =	swait.ge @!p3 [sflag:s2], $0x800  }
.LBB2_63:
0x303: {  	s31 =	sadd.s32 $0xFFFFFFFF, s31;
	[sflag:s2] =	ssyncset.done @!p3 $0x0;
	s30 =	sadd.s32 $0x1, s30  }
0x304: {  	p2 =	sne.s32 s31, $0x0;
	[sflag:s2] =	ssyncadd.s32 @!p3 $0xFFFFF800  }
0x305: {  	v11 =	vld [tilespmem:s30+$0x0];
	_ =	sdelay $0x4  }
0x306: {  	(v2sf) =	vpush v11, $0x0;
	_ =	sdelay $0xe  }
0x307: {  	s2 =	spop (v2sf)  }
0x308: {  	s3 =	sshra.s32 s2, $0xE;
	s2 =	sand.u32 $0x3FFF, s2  }
0x309: {  	v11 =	vmov s3  }
0x30a: {  	v12 =	vshll.u32 v11, $0x3  }
0x30b: {  	v11 =	vand.u32 $0x7F, v11;
	v12 =	vand.u32 $0xFFFFFC00, v12  }
0x30c: {  	v11 =	vor.u32 v11, v12  }
0x30d: {  	v12 =	vadd.s32 v7, v11;
	v11 =	vadd.s32 v8, v11;
	_ =	sdelay $0x4  }
0x30e: {  	v12 =	vld.idx.msk [tilespmem:v12+s21+$0x0], $0xffff  }
0x30f: {  	v11 =	vld.idx.msk [tilespmem:v11+s21+$0x0], $0xffff  }
0x310: {  	v13 =	vmov s16;
	_ =	sdelay $0x1  }
0x311: {  	s3 =	sshll.u32 s16, $0x9  }
0x312: {  	s16 =	sadd.s32 $0x1, s16;
	s3 =	sshra.s32 s3, $0x2  }
.Ltmp53:
0x313: {  	p3 =	sne.s32 s16, $0x10;
	[tilespmem:s3+$0x1D080] =	vst v12;
	v12 =	vmov s2;
	(pc) =	sbr.rel @p2 .LBB2_63-.Ltmp53, $4  }
0x314: {  	s24 =	simm.s32 @!p3 $0x1D880;
	s25 =	simm.s32 @!p3 $0x1D080;
	[tilespmem:s3+$0x1D090] =	vst v11;
	s3 =	simm.s32 @!p3 $0x10  }
0x315: {  	s16 =	simm.s32 @!p3 $0x0;
	s2 =	simm.s32 @!p3 $0x3;
	[tilespmem:v13+s12+$0x0] =	vst.idx.msk $0x1, v12  }
0x316: {  	[hbm4b:s11+s3] =	stream.indirect.scatter @!p3 [tilespmem:s25], [sflag:$0x3], $0x80, s24, s3, $0xb8;
	[tilespmem:$0x1D900] =	vst v63  }
0x317: {  	_ =	swait.ge @!p3 [sflag:s2], $0x800  }
.LBB2_64:
0x318: {  	s18 =	sadd.s32 $0x1, s18  }
0x319: {  	p2 =	seq.s32 s18, $0x10  }
.Ltmp54:
0x31a: {  	_ = 	snop;
	(pc) =	sbr.rel @!p2 .LBB2_36-.Ltmp54, $4  }
.Ltmp55:
0x31b: {  	_ = 	snop;
	(pc) =	sbr.rel @p2 .LBB2_70-.Ltmp55, $4  }
0x31c: {  	_ = 	snop  }
0x31d: {  	[sflag:s2] =	ssyncset.done @!p3 $0x0  }
0x31e: {  	[sflag:s2] =	ssyncadd.s32 @!p3 $0xFFFFF800  }
0x31f: {  	_ = 	snop  }
.LBB2_69:
0x320: {  	s18 =	sadd.s32 $0x1, s18  }
0x321: {  	p2 =	seq.s32 s18, $0x10  }
.Ltmp56:
0x322: {  	_ = 	snop;
	(pc) =	sbr.rel @!p2 .LBB2_36-.Ltmp56, $4  }
.Ltmp57:
0x323: {  	_ = 	snop;
	(pc) =	sbr.rel @p2 .LBB2_70-.Ltmp57, $4  }
0x324: {  	_ = 	snop  }
0x325: {  	_ = 	snop  }
0x326: {  	_ = 	snop  }
0x327: {  	_ = 	snop  }
.LBB2_38:
.Ltmp58:
0x328: {  	(pc) =	sbr.rel .LBB2_60-.Ltmp58, $2  }
0x329: {  	_ =	sdelay $0x2  }
0x32a: {  	s2 =	simm.s32 $0x0  }
.LBB2_56:
.Ltmp59:
0x32b: {  	(pc) =	sbr.rel .LBB2_68-.Ltmp59, $2  }
0x32c: {  	_ =	sdelay $0x2  }
0x32d: {  	s2 =	simm.s32 $0x0  }
.LBB2_58:
.Ltmp60:
0x32e: {  	(pc) =	sbr.rel .LBB2_60-.Ltmp60, $2  }
0x32f: {  	_ =	sdelay $0x2  }
0x330: {  	s2 =	simm.s32 $0x0  }
.LBB2_66:
.Ltmp61:
0x331: {  	(pc) =	sbr.rel .LBB2_68-.Ltmp61, $2  }
0x332: {  	_ =	sdelay $0x2  }
0x333: {  	s2 =	simm.s32 $0x0  }
.LBB2_70:
0x334: {  	s2 =	simm.s32 $0x4000  }
0x335: {  	v11 =	vld [tilespmem:s2+$0x0];
	_ =	sdelay $0x3  }
0x336: {  	s17 =	simm.s32 $0x0  }
0x337: {  	v13 =	vor.u32 s17, v4;
	v12 =	vshra.s32 v11, $0xE  }
.Ltmp62:
0x338: {  	vm0 =	vlt.s32 v13, v10;
	vm1 =	vlt.s32 v12, v2;
	(pc) =	sbr.rel @p1 .LBB2_71-.Ltmp62, $4  }
0x339: {  	vm2 =	vge.s32 v12, v1;
	vm0 =	vmand vm0, vm1  }
0x33a: {  	v12 =	vsub.s32 v12, v1;
	vm0 =	vmand vm0, vm2  }
0x33b: {  	v11 =	vand.u32 $0x3FFF, v11;
	v12 =	vshll.u32 v12, $0xE;
	v63 =	vsel vm0, $0x1, v5  }
0x33c: {  	p0 =	por $0x0, $0x0;
	v11 =	vor.u32 v11, v12;
	(xrf0) =	vadd.scan.msk.s32 $0xffff, v63  }
0x33d: {  	_ =	sdelay $0x4  }
0x33e: {  	v12, _, _ =	vpop (xrf0)  }
0x33f: {  	[tilespmem:s17+$0x8000] =	vst.msk vm0, v11;
	s18 =	simm.s32 $0x4010;
	(v2sf) =	vpush v12, $0xF  }
0x340: {  	v11 =	vld [tilespmem:s18+$0x0];
	_ =	sdelay $0x3  }
0x341: {  	s24 =	simm.s32 $0x10  }
0x342: {  	v13 =	vor.u32 s24, v4;
	v62 =	vshra.s32 v11, $0xE  }
0x343: {  	vm0 =	vlt.s32 v13, v10;
	vm1 =	vlt.s32 v62, v2  }
0x344: {  	vm2 =	vge.s32 v62, v1;
	vm0 =	vmand vm0, vm1  }
0x345: {  	vm0 =	vmand vm0, vm2  }
0x346: {  	p1 =	seq.s32 s29, $0x1;
	v63 =	vsel vm0, $0x1, v5  }
.Ltmp63:
0x347: {  	(xrf0) =	vadd.scan.msk.s32 $0xffff, v63;
	(pc) =	sbr.rel @p1 .LBB2_86-.Ltmp63, $4  }
0x348: {  	_ = 	snop  }
0x349: {  	v12 =	vsub.s32 v62, v1  }
0x34a: {  	s25 =	sadd.s32 $0xFFFFFFFF, s29;
	v11 =	vand.u32 $0x3FFF, v11;
	v12 =	vshll.u32 v12, $0xE  }
0x34b: {  	p0 =	por $0x1, $0x1;
	s2 =	simm.s32 $0x0;
	v11 =	vor.u32 v11, v12;
	s3 =	spop (v2sf)  }
.LBB2_87:
0x34c: {  	p1 =	seq.s32 s25, $0x1;
	s25 =	sadd.s32 $0xFFFFFFFF, s25;
	s2 =	sadd.s32 s2, s3  }
0x34d: {  	[tilespmem:s2+$0x8000] =	vst.msk vm0, v11;
	v11, _, _ =	vpop (xrf0)  }
0x34e: {  	s18 =	sadd.s32 $0x10, s18;
	(v2sf) =	vpush v11, $0xF  }
0x34f: {  	v11 =	vld [tilespmem:s18+$0x0];
	_ =	sdelay $0x3  }
0x350: {  	s24 =	sadd.s32 $0x10, s24  }
0x351: {  	v13 =	vor.u32 s24, v4;
	v12 =	vshra.s32 v11, $0xE;
	v11 =	vand.u32 $0x3FFF, v11  }
0x352: {  	vm0 =	vlt.s32 v13, v10;
	vm1 =	vlt.s32 v12, v2;
	v13 =	vsub.s32 v12, v1  }
0x353: {  	vm2 =	vge.s32 v12, v1;
	vm0 =	vmand vm0, vm1;
	v12 =	vshll.u32 v13, $0xE  }
0x354: {  	vm0 =	vmand vm0, vm2;
	v11 =	vor.u32 v11, v12  }
0x355: {  	v12 =	vsel vm0, $0x1, v5  }
.Ltmp64:
0x356: {  	(xrf0) =	vadd.scan.msk.s32 $0xffff, v12;
	(pc) =	sbr.rel @!p1 .LBB2_87-.Ltmp64, $2  }
0x357: {  	_ =	sdelay $0x2  }
0x358: {  	s3 =	spop (v2sf)  }
.LBB2_88:
0x359: {  	_ = 	snop  }
0x35a: {  	v10, _, _ =	vpop (xrf0)  }
0x35b: {  	(v2sf) =	vpush v10, $0xF;
	_ =	sdelay $0xd  }
0x35c: {  	s2 =	sadd.s32 @p0 s2, s3  }
0x35d: {  	s17 =	smov.u32 @p0 s2;
	s31 =	spop (v2sf)  }
0x35e: {  	[tilespmem:s17+$0x8000] =	vst.msk vm0, v11;
	s2 =	sadd.s32 s17, s31  }
0x35f: {  	p0 =	slt.s32 s2, $0x1  }
.Ltmp65:
0x360: {  	_ = 	snop;
	(pc) =	sbr.rel @p0 .LBB2_73-.Ltmp65, $1  }
0x361: {  	_ =	sdelay $0x3  }
0x362: {  	s17 =	simm.s32 $0x8000  }
0x363: {  	v10 =	vld [tilespmem:s17+$0x0];
	_ =	sdelay $0x4  }
0x364: {  	(v2sf) =	vpush v10, $0x0;
	_ =	sdelay $0xe  }
0x365: {  	s3 =	spop (v2sf)  }
0x366: {  	s18 =	sshra.s32 s3, $0xE  }
0x367: {  	v10 =	vadd.s32 s18, v6  }
0x368: {  	v11 =	vadd.s32 s18, v9;
	_ =	sdelay $0x3  }
0x369: {  	v10 =	vld.idx.msk [tilespmem:v10+s6+$0x0], $0xffff  }
0x36a: {  	v11 =	vld.idx.msk [tilespmem:v11+s6+$0x0], $0xffff  }
0x36b: {  	v12 =	vmov s16  }
0x36c: {  	s31 =	sshll.u32 s16, $0x9  }
0x36d: {  	s24 =	sshra.s32 s31, $0x2;
	s18 =	sadd.s32 $0xFFFFFFFF, s2  }
0x36e: {  	s16 =	sadd.s32 $0x1, s16;
	s3 =	sand.u32 $0x3FFF, s3;
	p0 =	sne.s32 s18, $0x0;
	[tilespmem:s24+$0x1D080] =	vst v10  }
.Ltmp66:
0x36f: {  	p1 =	sne.s32 s16, $0x10;
	v10 =	vmov s3;
	[tilespmem:s24+$0x1D090] =	vst v11;
	(pc) =	sbr.rel @!p0 .LBB2_84-.Ltmp66, $4  }
0x370: {  	s2 =	simm.s32 @!p1 $0x10;
	s3 =	simm.s32 @!p1 $0x1D880;
	s24 =	simm.s32 @!p1 $0x1D080;
	[tilespmem:v12+s12+$0x0] =	vst.idx.msk $0x1, v10  }
0x371: {  	[hbm4b:s11+s2] =	stream.indirect.scatter @!p1 [tilespmem:s24], [sflag:$0x3], $0x80, s3, s2, $0xb8;
	[tilespmem:$0x1D900] =	vst v63  }
0x372: {  	s2 =	simm.s32 @!p1 $0x3  }
0x373: {  	s16 =	simm.s32 @!p1 $0x0;
	_ =	swait.ge @!p1 [sflag:s2], $0x800  }
.LBB2_83:
0x374: {  	s18 =	sadd.s32 $0xFFFFFFFF, s18;
	[sflag:s2] =	ssyncset.done @!p1 $0x0;
	s17 =	sadd.s32 $0x1, s17  }
0x375: {  	p0 =	sne.s32 s18, $0x0;
	[sflag:s2] =	ssyncadd.s32 @!p1 $0xFFFFF800  }
0x376: {  	v10 =	vld [tilespmem:s17+$0x0];
	_ =	sdelay $0x4  }
0x377: {  	(v2sf) =	vpush v10, $0x0;
	_ =	sdelay $0xe  }
0x378: {  	s2 =	spop (v2sf)  }
0x379: {  	s3 =	sshra.s32 s2, $0xE;
	s2 =	sand.u32 $0x3FFF, s2  }
0x37a: {  	v10 =	vadd.s32 s3, v6;
	v11 =	vadd.s32 s3, v9;
	_ =	sdelay $0x4  }
0x37b: {  	v10 =	vld.idx.msk [tilespmem:v10+s6+$0x0], $0xffff  }
0x37c: {  	v11 =	vld.idx.msk [tilespmem:v11+s6+$0x0], $0xffff  }
0x37d: {  	v12 =	vmov s16;
	_ =	sdelay $0x1  }
0x37e: {  	s3 =	sshll.u32 s16, $0x9  }
0x37f: {  	s16 =	sadd.s32 $0x1, s16;
	s3 =	sshra.s32 s3, $0x2  }
.Ltmp67:
0x380: {  	p1 =	sne.s32 s16, $0x10;
	[tilespmem:s3+$0x1D080] =	vst v10;
	v10 =	vmov s2;
	(pc) =	sbr.rel @p0 .LBB2_83-.Ltmp67, $4  }
0x381: {  	s24 =	simm.s32 @!p1 $0x1D880;
	s25 =	simm.s32 @!p1 $0x1D080;
	[tilespmem:s3+$0x1D090] =	vst v11;
	s3 =	simm.s32 @!p1 $0x10  }
0x382: {  	s16 =	simm.s32 @!p1 $0x0;
	s2 =	simm.s32 @!p1 $0x3;
	[tilespmem:v12+s12+$0x0] =	vst.idx.msk $0x1, v10  }
0x383: {  	[hbm4b:s11+s3] =	stream.indirect.scatter @!p1 [tilespmem:s25], [sflag:$0x3], $0x80, s24, s3, $0xb8;
	[tilespmem:$0x1D900] =	vst v63  }
0x384: {  	_ =	swait.ge @!p1 [sflag:s2], $0x800  }
.LBB2_84:
0x385: {  	[sflag:s2] =	ssyncset.done @!p1 $0x0  }
0x386: {  	[sflag:s2] =	ssyncadd.s32 @!p1 $0xFFFFF800  }
.LBB2_73:
0x387: {  	p0 =	slt.s32 s16, $0x1  }
.Ltmp68:
0x388: {  	_ = 	snop;
	(pc) =	sbr.rel @p0 .LBB2_79-.Ltmp68, $2  }
0x389: {  	_ =	sdelay $0x2  }
0x38a: {  	s3 =	rddreg [dreg:$0x18]  }
0x38b: {  	p0 =	sgt.u32 s16, $0xF  }
.Ltmp69:
0x38c: {  	_ = 	snop;
	(pc) =	sbr.rel @p0 .LBB2_78-.Ltmp69, $1  }
0x38d: {  	_ =	sdelay $0x3  }
0x38e: {  	s2 =	sshll.u32 s16, $0x7  }
0x38f: {  	s2 =	sadd.s32 $0xFFFFFF80, s2  }
0x390: {  	s2 =	sand.u32 $0x3FFFFF80, s2  }
0x391: {  	v10 =	vld [tilespmem:s2+$0x1D080]  }
0x392: {  	v11 =	vld [tilespmem:s2+$0x1D090]  }
0x393: {  	s3 =	sshll.u32 s16, $0x9  }
0x394: {  	s3 =	sshra.s32 s3, $0x2  }
0x395: {  	s17 =	sadd.s32 $0x1D090, s3  }
0x396: {  	p0 =	sne.s32 s16, $0xF;
	[tilespmem:s17+$0xFFFFFFF0] =	vst v10  }
.Ltmp70:
0x397: {  	s18 =	sadd.s32 $0x1D87F, s16;
	[tilespmem:s17+$0x0] =	vst v11;
	(pc) =	sbr.rel @!p0 .LBB2_77-.Ltmp70, $2  }
0x398: {  	v11 =	vmov s16;
	v10 =	vld.msk [tilespmem:s18+$0x0 ss:$0x0], $0xffff;
	_ =	sdelay $0x2  }
0x399: {  	s24 =	sadd.s32 $0x1, s16  }
.LBB2_76:
0x39a: {  	p0 =	sne.s32 s24, $0xF  }
0x39b: {  	[tilespmem:v11+s12+$0x0] =	vst.idx.msk $0x1, v10;
	s17 =	sadd.s32 $0x80, s17;
	s3 =	smov.u32 s24;
	s24 =	sadd.s32 $0x1, s24  }
0x39c: {  	v10 =	vld [tilespmem:s2+$0x1D080]  }
0x39d: {  	v11 =	vld [tilespmem:s2+$0x1D090];
	_ =	sdelay $0x2  }
.Ltmp71:
0x39e: {  	(pc) =	sbr.rel @p0 .LBB2_76-.Ltmp71, $4  }
0x39f: {  	[tilespmem:s17+$0xFFFFFFF0] =	vst v10  }
0x3a0: {  	[tilespmem:s17+$0x0] =	vst v11  }
0x3a1: {  	v10 =	vld.msk [tilespmem:s18+$0x0 ss:$0x0], $0xffff  }
0x3a2: {  	v11 =	vmov s3  }
.Ltmp72:
0x3a3: {  	_ = 	snop;
	(pc) =	sbr.rel .LBB2_77-.Ltmp72, $1  }
0x3a4: {  	_ =	sdelay $0x3  }
.LBB2_41:
.Ltmp73:
0x3a5: {  	(pc) =	sbr.rel .LBB2_49-.Ltmp73, $2  }
0x3a6: {  	_ =	sdelay $0x2  }
0x3a7: {  	s2 =	simm.s32 $0x0  }
.LBB2_71:
.Ltmp74:
0x3a8: {  	(pc) =	sbr.rel .LBB2_88-.Ltmp74, $2  }
0x3a9: {  	_ =	sdelay $0x2  }
0x3aa: {  	s2 =	simm.s32 $0x0  }
.LBB2_47:
.Ltmp75:
0x3ab: {  	(pc) =	sbr.rel .LBB2_49-.Ltmp75, $2  }
0x3ac: {  	_ =	sdelay $0x2  }
0x3ad: {  	s2 =	simm.s32 $0x0  }
.LBB2_86:
.Ltmp76:
0x3ae: {  	(pc) =	sbr.rel .LBB2_88-.Ltmp76, $2  }
0x3af: {  	_ =	sdelay $0x2  }
0x3b0: {  	s2 =	simm.s32 $0x0  }
.LBB2_80:
0x3b1: {  	_ =	sfence.sel $0x180000  }
0x3b2: {  	[bflag:$0x0] =	sbarrier.arrive $0xFFFF  }
0x3b3: {  	_ =	strace $0x90000047  }
0x3b4: {  	s0 =	stileid.u32;
	[bflag:$0x2] =	sbarrier.arrive $0xFFFF  }
0x3b5: {  	p0 =	sne.s32 s0, $0x0;
	s0 =	rddreg [dreg:$0x6]  }
0x3b6: {  	s0 =	sadd.s32 @!p0 $0x100000, s0  }
0x3b7: {  	[sflag:s0] =	ssyncadd.tile.s32 @!p0 $0x1;
	_ =	shalt  }
.Lfunc_end2:
_tile_overlayer_lowered:
.L_overlay_start_2:
0x3b8: {  	(tag) =	ssettag $0x2  }
0x3b9: {  	s0 =	rddreg [dreg:$0x0];
	s2 =	stileid.u32  }
0x3ba: {  	s1 =	rddreg [dreg:$0x1];
	p0 =	sne.s32 s2, $0x0  }
0x3bb: {  	s3 =	rddreg [dreg:$0x2];
	[bflag:$0x3] =	sbarrier.arrive $0xFFFF;
	s2 =	simm.s32 @!p0 $0x1C04  }
0x3bc: {  	[timem:s3], [sflag:s2] =	dma.local @!p0 [hbm:s0], s1  }
0x3bd: {  	s0 =	simm.s32 @!p0 $0x4  }
0x3be: {  	_ =	swait.ge @!p0 [sflag:s0], s1  }
0x3bf: {  	s1 =	ssub.s32 @!p0 $0x0, s1;
	[sflag:s0] =	ssyncset.done @!p0 $0x0  }
0x3c0: {  	[sflag:s0] =	ssyncadd.s32 @!p0 s1  }
0x3c1: {  	[bflag:$0x3] =	sbarrier.arrive $0xFFFF  }
0x3c2: {  	_ =	shalt  }

// kernel: kernel.7.cloned.1.call-start
scs
__scs_entry_jumppad:
0x0: {  	(pc) =	sbr.rel $0x88, $3  }
0x1: {  	(tag) =	ssettag $0x0;
	lr =	simm.s32 $0x1  }
0x2: {  	[smem:$0x3F9B] =	sst lr;
	_ =	strace $0xD0000000  }
0x3: {  	_ = 	snop  }
0x4: {  	_ = 	snop  }
0x5: {  	_ = 	snop  }
0x6: {  	_ = 	snop  }
0x7: {  	_ = 	snop  }
__scs_overlays_trampoline_lowered:
0x8: {  	[smem:$0x3FAA] =	sst s0  }
0x9: {  	[smem:$0x3FAB] =	sst s1  }
0xa: {  	[smem:$0x3FAC] =	sst s2  }
0xb: {  	[smem:$0x3FAD] =	sst s3  }
0xc: {  	[smem:$0x3FAE] =	sst s4  }
0xd: {  	[smem:$0x3FAF] =	sst s5  }
0xe: {  	[smem:$0x3FB0] =	sst s6  }
0xf: {  	[smem:$0x3FB1] =	sst s7  }
0x10: {  	[smem:$0x3FB2] =	sst s8  }
0x11: {  	[smem:$0x3FB3] =	sst s9;
	s0 =	simm.s32 @!p0 $0x0  }
0x12: {  	s1 =	sld [smem:$0x3F99];
	s0 =	simm.s32 @p0 $0x1  }
0x13: {  	[smem:$0x3FB4] =	sst s0;
	s0 =	simm.s32 @!p1 $0x0  }
0x14: {  	s2 =	sld [smem:$0x3F98];
	s0 =	simm.s32 @p1 $0x1  }
0x15: {  	[smem:$0x3FB5] =	sst s0;
	s0 =	simm.s32 @!p2 $0x0  }
0x16: {  	s3 =	sld [smem:$0x3FDB];
	s0 =	simm.s32 @p2 $0x1  }
0x17: {  	s4 =	simm.s32 $0x1BF5;
	[smem:$0x3FB7] =	sst s0  }
0x18: {  	s0 =	sld [smem:$0x3F9A];
	_ =	swait.ge [sflag:s4], $0x0  }
0x19: {  	s7 =	sld [smem:$0x3F9B]  }
0x1a: {  	s8 =	sadd.s32 $0xFFFFE003, lr  }
0x1b: {  	s9 =	sadd.s32 $0xFFFFFEF7, lr;
	s5 =	simm.s32 $0xFFFFFFFF;
	p2 =	slt.u32 s8, $0xFFFFF086  }
0x1c: {  	p1 =	slt.u32 s9, $0xF7A;
	s5 =	simm.s32 @!p2 $0x0  }
0x1d: {  	s5 =	simm.s32 @p1 $0x1;
	p0 =	seq.s32 s7, s2  }
0x1e: {  	s7 =	smul.u32 @!p0 $0xF7A, s2;
	p2 =	seq.s32 @!p0 s5, $0x0  }
0x1f: {  	s9 =	smul.u32 $0xF7A, s1;
	s8 =	simm.s32 @!p0 $0x1BF5;
	p2 =	por !p2, p0  }
0x20: {  	[sflag:s8] =	ssyncset.s32 @!p0 $0xFFFFF086;
	s6 =	sadd.s32 @!p0 s3, s7;
	s7 =	simm.s32 @!p0 $0x108  }
0x21: {  	s3 =	sadd.s32 s3, s9;
	s6 =	sadd.s32 @!p0 $0x88, s6;
	s7 =	simm.s32 @p2 $0x1082  }
0x22: {  	[simem:s7], [sflag:s8] =	dma.local @!p0 [hbm:s6], $0xF7A  }
0x23: {  	s9 =	sor.u32 $0xD0000000, s2;
	s6 =	simm.s32 $0x108;
	_ =	swait.ge @!p0 [sflag:s8], $0x0  }
0x24: {  	s3 =	sadd.s32 $0x88, s3;
	s6 =	simm.s32 @!p1 $0x1082;
	[sflag:s4] =	ssyncset.s32 $0xFFFFF086  }
0x25: {  	[simem:s6], [sflag:s4] =	dma.local [hbm:s3], $0xF7A  }
0x26: {  	[smem:$0x3F9B] =	sst s1;
	(tag) =	ssettag s2;
	_ =	strace s9  }
0x27: {  	s1 =	sld [smem:$0x3FAB]  }
0x28: {  	s2 =	sld [smem:$0x3FAC]  }
0x29: {  	s4 =	sld [smem:$0x3FAE]  }
0x2a: {  	p0 =	seq.s32 s5, $0x0;
	s5 =	sld [smem:$0x3FAF]  }
0x2b: {  	s6 =	sld [smem:$0x3FB0]  }
0x2c: {  	s7 =	sld [smem:$0x3FB1]  }
0x2d: {  	s3 =	simm.s32 $0x108;
	s8 =	sld [smem:$0x3FB2]  }
0x2e: {  	s3 =	simm.s32 @!p0 $0x1082;
	s9 =	sld [smem:$0x3FB3]  }
0x2f: {  	lr =	sadd.s32 s0, s3;
	s0 =	sld [smem:$0x3FAA]  }
0x30: {  	s3 =	sld [smem:$0x3FAD]  }
0x31: {  	[smem:$0x3FB6] =	sst s10  }
0x32: {  	s10 =	sld [smem:$0x3FB4];
	_ =	sdelay $0x3  }
0x33: {  	p0 =	seq.s32 s10, $0x1;
	s10 =	sld [smem:$0x3FB6];
	_ =	sdelay $0x3  }
0x34: {  	[smem:$0x3FB6] =	sst s10  }
0x35: {  	s10 =	sld [smem:$0x3FB5];
	_ =	sdelay $0x3  }
0x36: {  	p1 =	seq.s32 s10, $0x1;
	s10 =	sld [smem:$0x3FB6];
	_ =	sdelay $0x3  }
0x37: {  	[smem:$0x3FB6] =	sst s10  }
0x38: {  	s10 =	sld [smem:$0x3FB7]  }
0x39: {  	_ = 	snop;
	(pc) =	sbr.ind lr, $3  }
0x3a: {  	_ = 	snop  }
0x3b: {  	_ = 	snop  }
0x3c: {  	p2 =	seq.s32 s10, $0x1;
	s10 =	sld [smem:$0x3FB6]  }
0x3d: {  	_ =	shalt  }
0x3e: {  	_ =	shalt  }
0x3f: {  	_ =	shalt  }
0x40: {  	_ =	shalt  }
0x41: {  	_ =	shalt  }
0x42: {  	_ =	shalt  }
0x43: {  	_ =	shalt  }
0x44: {  	_ =	shalt  }
0x45: {  	_ =	shalt  }
0x46: {  	_ =	shalt  }
0x47: {  	_ =	shalt  }
0x48: {  	_ =	shalt  }
0x49: {  	_ =	shalt  }
0x4a: {  	_ =	shalt  }
0x4b: {  	_ =	shalt  }
0x4c: {  	_ =	shalt  }
0x4d: {  	_ =	shalt  }
0x4e: {  	_ =	shalt  }
0x4f: {  	_ =	shalt  }
0x50: {  	_ =	shalt  }
0x51: {  	_ =	shalt  }
0x52: {  	_ =	shalt  }
0x53: {  	_ =	shalt  }
0x54: {  	_ =	shalt  }
0x55: {  	_ =	shalt  }
0x56: {  	_ =	shalt  }
0x57: {  	_ =	shalt  }
0x58: {  	_ =	shalt  }
0x59: {  	_ =	shalt  }
0x5a: {  	_ =	shalt  }
0x5b: {  	_ =	shalt  }
0x5c: {  	_ =	shalt  }
0x5d: {  	_ =	shalt  }
0x5e: {  	_ =	shalt  }
0x5f: {  	_ =	shalt  }
0x60: {  	_ =	shalt  }
0x61: {  	_ =	shalt  }
0x62: {  	_ =	shalt  }
0x63: {  	_ =	shalt  }
0x64: {  	_ =	shalt  }
0x65: {  	_ =	shalt  }
0x66: {  	_ =	shalt  }
0x67: {  	_ =	shalt  }
0x68: {  	_ =	shalt  }
0x69: {  	_ =	shalt  }
0x6a: {  	_ =	shalt  }
0x6b: {  	_ =	shalt  }
0x6c: {  	_ =	shalt  }
0x6d: {  	_ =	shalt  }
0x6e: {  	_ =	shalt  }
0x6f: {  	_ =	shalt  }
0x70: {  	_ =	shalt  }
0x71: {  	_ =	shalt  }
0x72: {  	_ =	shalt  }
0x73: {  	_ =	shalt  }
0x74: {  	_ =	shalt  }
0x75: {  	_ =	shalt  }
0x76: {  	_ =	shalt  }
0x77: {  	_ =	shalt  }
0x78: {  	_ =	shalt  }
0x79: {  	_ =	shalt  }
0x7a: {  	_ =	shalt  }
0x7b: {  	_ =	shalt  }
0x7c: {  	_ =	shalt  }
0x7d: {  	_ =	shalt  }
0x7e: {  	_ =	shalt  }
0x7f: {  	_ =	shalt  }
0x80: {  	_ =	shalt  }
0x81: {  	_ =	shalt  }
0x82: {  	_ =	shalt  }
0x83: {  	_ =	shalt  }
0x84: {  	_ =	shalt  }
0x85: {  	_ =	shalt  }
0x86: {  	_ =	shalt  }
0x87: {  	_ =	shalt  }
.Lfunc_end0:
.L_simem_size_0:
called_computation.1_lowered:
.L_overlay_start_0:
0x88: {  	s2 =	sld [smem:$0x3FD9]  }
0x89: {  	s3 =	sld [smem:$0x3FFE];
	_ =	sdelay $0x1  }
0x8a: {  	s1 =	srdreg.scid  }
0x8b: {  	s0 =	sand.u32 $0x1, s1  }
0x8c: {  	s17 =	sshll.u32 s0, $0xA;
	s2 =	sadd.s32 s3, s2  }
0x8d: {  	s2 =	sadd.s32 s2, s17  }
0x8e: {  	[smem:$0x3FC2] =	sst s2  }
0x8f: {  	_ = 	snop  }
0x90: {  	s2 =	sld [smem:$0x3FC9]  }
0x91: {  	s18 =	sld [smem:$0x3FC8]  }
0x92: {  	s4 =	sld [smem:$0x3FD0];
	(tm) =	ssettm $0x1  }
0x93: {  	s5 =	sld [smem:$0x3FFB];
	_ =	sdelay $0x3  }
0x94: {  	_ =	strace s5  }
0x95: {  	s5 =	sld [smem:$0x3FFC];
	_ =	sdelay $0x3  }
0x96: {  	_ =	strace s5  }
0x97: {  	s5 =	sld [smem:$0x3FFD];
	_ =	sdelay $0x3  }
0x98: {  	_ =	strace s5  }
0x99: {  	_ =	strace $0x8FFFFFFF  }
0x9a: {  	s19 =	sld [smem:$0x3FDB];
	_ =	sdelay $0x1  }
0x9b: {  	s6 =	simm.s32 $_scs_section_size  }
0x9c: {  	s7 =	simm.s32 $_size__tile_overlayer_lowered;
	s8 =	simm.s32 $_tile_overlayer_lowered  }
0x9d: {  	s22 =	simm.s32 $0x1BFF;
	s21 =	sshll.u32 s8, $0x1;
	s5 =	sadd.s32 s6, s19  }
0x9e: {  	s9 =	simm.s32 $0x0;
	s20 =	sshll.u32 s7, $0x1;
	s7 =	sadd.s32 s21, s5  }
0x9f: {  	[timem:s9], [sflag:s22] =	dma.local [hbm:s7], s20  }
0xa0: {  	_ =	swait.ge [sflag:s22], s20  }
0xa1: {  	s6 =	ssub.s32 $0x0, s20;
	[sflag:s22] =	ssyncset.done $0x0  }
0xa2: {  	[sflag:s22] =	ssyncadd.s32 s6;
	_ =	sdelay $0x1  }
0xa3: {  	s23 =	simm.s32 $0x1B8B  }
0xa4: {  	_ =	swait.ge [sflag:s23], $0x1  }
0xa5: {  	[sflag:s23] =	ssyncset.done $0x0  }
0xa6: {  	s25 =	simm.s32 $0x1B8E;
	s24 =	sld [smem:$0x3FFE];
	[sflag:s23] =	ssyncadd.s32 $0xFFFFFFFF  }
0xa7: {  	s26 =	simm.s32 $execute0_lowered;
	[smem:$0x3FD2] =	sst s25  }
0xa8: {  	s7 =	sshll.u32 s26, $0x1;
	_ =	strace $0x80000049;
	[dreg:$0x1] =	wrdreg $0xFFFFFFFF  }
0xa9: {  	s28 =	simm.s32 $_size_execute0_lowered;
	s5 =	sadd.s32 s5, s7;
	[dreg:$0x0] =	wrdreg $0x0  }
0xaa: {  	s7 =	sshll.u32 s28, $0x1;
	[dreg:$0x2] =	wrdreg s5  }
0xab: {  	[dreg:$0x3] =	wrdreg s7  }
0xac: {  	[dreg:$0x4] =	wrdreg $0xC0  }
0xad: {  	_ =	task [dreg:s9], $0x5FFFF  }
0xae: {  	[dreg:$0x1] =	wrdreg $0xFFFFFFFF  }
0xaf: {  	[dreg:$0x0] =	wrdreg $0x60  }
0xb0: {  	[dreg:$0x2] =	wrdreg s2  }
0xb1: {  	[dreg:$0x3] =	wrdreg s18  }
0xb2: {  	[dreg:$0x4] =	wrdreg s24  }
0xb3: {  	[dreg:$0x5] =	wrdreg s4  }
0xb4: {  	[dreg:$0x6] =	wrdreg $0x9  }
0xb5: {  	_ =	task.clear_ibuf [dreg:s9], $0x7FFFF;
	_ =	strace $0x90000049  }
0xb6: {  	s29 =	simm.s32 $0x9;
	_ =	strace $0x8000004B  }
0xb7: {  	_ =	swait.ge [sflag:s29], $0x1  }
0xb8: {  	[sflag:s29] =	ssyncadd.s32 $0xFFFFFFFF  }
0xb9: {  	_ =	strace $0x9000004B  }
0xba: {  	_ =	sfence  }
0xbb: {  	s30 =	sld [smem:$0x0];
	_ =	sdelay $0x2  }
0xbc: {  	s31 =	sshll.u32 s1, $0xD;
	s1 =	sshrl.u32 s1, $0x2  }
0xbd: {  	s3 =	sand.u32 $0x4000, s31;
	s1 =	sadd.s32 s1, s30  }
0xbe: {  	s0 =	sor.u32 s3, s0;
	s1 =	sshll.u32 s1, $0x11  }
0xbf: {  	s0 =	sor.u32 s1, s0  }
0xc0: {  	s0 =	sadd.s32 $0x8F2B, s0  }
0xc1: {  	[sflag:s0] =	ssyncadd.remote.s32 $0x1  }
0xc2: {  	_ =	sfence.sel $0xFFFF  }
0xc3: {  	[dreg:$0x0] =	wrdreg $0xFFFFFFFF;
	(pc) =	sbr.abs _section_cstart, $3  }
0xc4: {  	[dreg:$0x1] =	wrdreg $0xFFFFFFFF  }
0xc5: {  	_ =	task.clear_ibuf [dreg:s9], $0x2FFFF;
	_ =	strace $0x9FFFFFFF  }
0xc6: {  	(tm) =	ssettm $0x7FFFFFFF  }
0xc7: {  	_ =	shalt  }
tec
execute0_lowered:
.L_overlay_start_1:
0x0: {  	(tag) =	ssettag $0x1  }
0x1: {  	s7 =	rddreg [dreg:$0x0]  }
0x2: {  	s8 =	rddreg [dreg:$0x1]  }
0x3: {  	s6 =	rddreg [dreg:$0x2]  }
0x4: {  	s9 =	rddreg [dreg:$0x3]  }
0x5: {  	s0 =	rddreg [dreg:$0x4];
	s1 =	simm.s32 $0x0  }
0x6: {  	s4 =	srdreg.scid;
	s2 =	stileid.u32;
	s13 =	simm.s32 $0x1  }
0x7: {  	s14 =	simm.s32 $0x2;
	s16 =	simm.s32 $0x400;
	s17 =	simm.s32 $0x4400  }
0x8: {  	v0 =	vlaneseq.u32;
	s18 =	simm.s32 $0x8800;
	s19 =	simm.s32 $0x8900;
	s20 =	simm.s32 $0x0  }
0x9: {  	[smem:$0x7FF] =	sst s1;
	s3 =	sadd.s32 $0xA00, s6;
	s10 =	sand.u32 $0x1, s4;
	v0 =	vmul.u32 $0x10, v0  }
0xa: {  	s4 =	sadd.s32 $0x40A00, s6;
	s11 =	sshll.u32 s2, $0xA;
	s5 =	sadd.s32 $0x80A00, s6  }
0xb: {  	s6 =	sadd.s32 $0x9F400, s6;
	s12 =	sshll.u32 s10, $0x9;
	s10 =	ssub.s32 $0x2, s10;
	v1 =	vor.u32 $0x1, v0;
	v2 =	vor.u32 $0x2, v0;
	v3 =	vor.u32 $0x3, v0  }
0xc: {  	_ =	strace $0x8000004A;
	s15 =	sor.u32 s12, s11;
	s31 =	sshrl.u32 s10, $0x1;
	v4 =	vor.u32 $0x4, v0;
	v5 =	vor.u32 $0x5, v0;
	v6 =	vor.u32 $0x6, v0  }
0xd: {  	s11 =	simm.s32 $0x3;
	v7 =	vor.u32 $0x7, v0;
	v8 =	vor.u32 $0x8, v0;
	v9 =	vor.u32 $0x9, v0;
	s12 =	sshrl.u32 s15, $0x3;
	s10 =	ssub.s32 s10, s31  }
0xe: {  	v10 =	vor.u32 $0xA, v0;
	v11 =	vor.u32 $0xB, v0;
	v12 =	vor.u32 $0xC, v0;
	s15 =	sshll.u32 s15, $0x4;
	s7 =	sadd.s32 s7, s12;
	s8 =	sadd.s32 s8, s12  }
0xf: {  	v13 =	vor.u32 $0xD, v0;
	v14 =	vor.u32 $0xE, v0;
	v15 =	vor.u32 $0xF, v0;
	s9 =	sadd.s32 s9, s12;
	s10 =	smax.u32 s10, $0x1;
	s12 =	simm.s32 $0x200  }
.LBB2_1:
0x10: {  	[tilespmem:s1], [sflag:$0x3] =	stream.linear.gather [hbm4b:s7+s1], $0x200, $0x38;
	[tilespmem:$0x8B00] =	vst v63  }
0x11: {  	_ =	swait.ge [sflag:s11], $0x200  }
0x12: {  	[sflag:s11] =	ssyncset.done $0x0  }
0x13: {  	[sflag:s11] =	ssyncadd.s32 $0xFFFFFE00  }
0x14: {  	[tilespmem:s12], [sflag:$0x3] =	stream.linear.gather [hbm4b:s8+s1], $0x200, $0x38;
	[tilespmem:$0x8B00] =	vst v63  }
0x15: {  	_ =	swait.ge [sflag:s11], $0x200  }
0x16: {  	[sflag:s11] =	ssyncset.done $0x0  }
0x17: {  	s21 =	simm.s32 $0x8400;
	[sflag:s11] =	ssyncadd.s32 $0xFFFFFE00  }
0x18: {  	[tilespmem:s21], [sflag:$0x1] =	stream.indirect.gather [hbm4b:s5+s12], $0x1, s1, s12, $0xb8;
	[tilespmem:$0x8B00] =	vst v63  }
0x19: {  	s22 =	simm.s32 $0x8600  }
0x1a: {  	[tilespmem:s22], [sflag:$0x2] =	stream.indirect.gather [hbm4b:s6+s12], $0x1, s12, s12, $0xb8;
	[tilespmem:$0x8B00] =	vst v63  }
0x1b: {  	_ =	swait.ge [sflag:s13], $0x200  }
0x1c: {  	[sflag:s13] =	ssyncset.done $0x0  }
0x1d: {  	[sflag:s13] =	ssyncadd.s32 $0xFFFFFE00  }
0x1e: {  	_ =	swait.ge [sflag:s14], $0x200  }
0x1f: {  	[sflag:s14] =	ssyncset.done $0x0  }
0x20: {  	s23 =	simm.s32 $0x8900;
	s24 =	simm.s32 $0x0;
	[sflag:s14] =	ssyncadd.s32 $0xFFFFFE00  }
.LBB2_2:
0x21: {  	s25 =	sshll.u32 s24, $0xB  }
0x22: {  	s26 =	sor.u32 s15, s25  }
0x23: {  	s25 =	simm.s32 $0x0;
	s28 =	sadd.s32 s3, s26  }
0x24: {  	[tilespmem:s16], [sflag:$0x3] =	stream.linear.gather [hbm4b:s28+s25], $0x4000, $0x38;
	[tilespmem:$0x8B00] =	vst v63  }
0x25: {  	_ =	swait.ge [sflag:s11], $0x4000  }
0x26: {  	[sflag:s11] =	ssyncset.done $0x0  }
0x27: {  	s26 =	sadd.s32 s4, s26;
	[sflag:s11] =	ssyncadd.s32 $0xFFFFC000  }
0x28: {  	[tilespmem:s17], [sflag:$0x3] =	stream.linear.gather [hbm4b:s26+s25], $0x4000, $0x38;
	[tilespmem:$0x8B00] =	vst v63  }
0x29: {  	_ =	swait.ge [sflag:s11], $0x4000  }
0x2a: {  	[sflag:s11] =	ssyncset.done $0x0  }
0x2b: {  	s26 =	simm.s32 $0x800;
	[sflag:s11] =	ssyncadd.s32 $0xFFFFC000  }
0x2c: {  	s28 =	simm.s32 $0x4800;
	v16 =	vld [tilespmem:s26+$0xFFFFFC00]  }
0x2d: {  	v17 =	vld [tilespmem:s28+$0xFFFFFC10]  }
0x2e: {  	v18 =	vld [tilespmem:s28+$0xFFFFFC00]  }
0x2f: {  	v19 =	vld [tilespmem:s26+$0xFFFFFC10];
	_ =	sdelay $0x4  }
0x30: {  	v16 =	vmul.f32 v18, v16;
	v17 =	vmul.f32 v17, v19;
	_ =	sdelay $0x1  }
0x31: {  	v16 =	vadd.f32 v17, v16;
	_ =	sdelay $0x1  }
0x32: {  	[tilespmem:$0x8800] =	vst v16  }
0x33: {  	v16 =	vld [tilespmem:s28+$0xFFFFFC90]  }
0x34: {  	v17 =	vld [tilespmem:s28+$0xFFFFFC80]  }
0x35: {  	v18 =	vld [tilespmem:s26+$0xFFFFFC90]  }
0x36: {  	v19 =	vld [tilespmem:s26+$0xFFFFFC80];
	_ =	sdelay $0x4  }
0x37: {  	v16 =	vmul.f32 v16, v18;
	v17 =	vmul.f32 v17, v19;
	_ =	sdelay $0x1  }
0x38: {  	v16 =	vadd.f32 v16, v17;
	_ =	sdelay $0x1  }
0x39: {  	[tilespmem:$0x8810] =	vst v16  }
0x3a: {  	v16 =	vld [tilespmem:s28+$0xFFFFFD00]  }
0x3b: {  	v17 =	vld [tilespmem:s26+$0xFFFFFD10]  }
0x3c: {  	v18 =	vld [tilespmem:s26+$0xFFFFFD00]  }
0x3d: {  	v19 =	vld [tilespmem:s28+$0xFFFFFD10];
	_ =	sdelay $0x4  }
0x3e: {  	v16 =	vmul.f32 v16, v18;
	v17 =	vmul.f32 v19, v17;
	_ =	sdelay $0x1  }
0x3f: {  	v16 =	vadd.f32 v17, v16;
	_ =	sdelay $0x1  }
0x40: {  	[tilespmem:$0x8820] =	vst v16  }
0x41: {  	v16 =	vld [tilespmem:s28+$0xFFFFFD80]  }
0x42: {  	v17 =	vld [tilespmem:s26+$0xFFFFFD90]  }
0x43: {  	v18 =	vld [tilespmem:s26+$0xFFFFFD80]  }
0x44: {  	v19 =	vld [tilespmem:s28+$0xFFFFFD90];
	_ =	sdelay $0x4  }
0x45: {  	v16 =	vmul.f32 v16, v18;
	v17 =	vmul.f32 v19, v17;
	_ =	sdelay $0x1  }
0x46: {  	v16 =	vadd.f32 v17, v16;
	_ =	sdelay $0x1  }
0x47: {  	[tilespmem:$0x8830] =	vst v16  }
0x48: {  	v16 =	vld [tilespmem:s28+$0xFFFFFE00]  }
0x49: {  	v17 =	vld [tilespmem:s26+$0xFFFFFE10]  }
0x4a: {  	v18 =	vld [tilespmem:s26+$0xFFFFFE00]  }
0x4b: {  	v19 =	vld [tilespmem:s28+$0xFFFFFE10];
	_ =	sdelay $0x4  }
0x4c: {  	v16 =	vmul.f32 v16, v18;
	v17 =	vmul.f32 v19, v17;
	_ =	sdelay $0x1  }
0x4d: {  	v16 =	vadd.f32 v17, v16;
	_ =	sdelay $0x1  }
0x4e: {  	[tilespmem:$0x8840] =	vst v16  }
0x4f: {  	v16 =	vld [tilespmem:s28+$0xFFFFFE80]  }
0x50: {  	v17 =	vld [tilespmem:s26+$0xFFFFFE90]  }
0x51: {  	v18 =	vld [tilespmem:s26+$0xFFFFFE80]  }
0x52: {  	v19 =	vld [tilespmem:s28+$0xFFFFFE90];
	_ =	sdelay $0x4  }
0x53: {  	v16 =	vmul.f32 v16, v18;
	v17 =	vmul.f32 v19, v17;
	_ =	sdelay $0x1  }
0x54: {  	v16 =	vadd.f32 v17, v16;
	_ =	sdelay $0x1  }
0x55: {  	[tilespmem:$0x8850] =	vst v16  }
0x56: {  	v16 =	vld [tilespmem:s28+$0xFFFFFF10]  }
0x57: {  	v17 =	vld [tilespmem:s26+$0xFFFFFF10]  }
0x58: {  	v18 =	vld [tilespmem:s26+$0xFFFFFF00]  }
0x59: {  	v19 =	vld [tilespmem:s28+$0xFFFFFF00];
	_ =	sdelay $0x4  }
0x5a: {  	v16 =	vmul.f32 v16, v17;
	v17 =	vmul.f32 v19, v18;
	_ =	sdelay $0x1  }
0x5b: {  	v16 =	vadd.f32 v16, v17;
	_ =	sdelay $0x1  }
0x5c: {  	[tilespmem:$0x8860] =	vst v16  }
0x5d: {  	v16 =	vld [tilespmem:s28+$0xFFFFFF80]  }
0x5e: {  	v17 =	vld [tilespmem:s26+$0xFFFFFF90]  }
0x5f: {  	v18 =	vld [tilespmem:s26+$0xFFFFFF80]  }
0x60: {  	v19 =	vld [tilespmem:s28+$0xFFFFFF90];
	_ =	sdelay $0x4  }
0x61: {  	v16 =	vmul.f32 v16, v18;
	v17 =	vmul.f32 v19, v17;
	_ =	sdelay $0x1  }
0x62: {  	v16 =	vadd.f32 v17, v16;
	_ =	sdelay $0x1  }
0x63: {  	[tilespmem:$0x8870] =	vst v16  }
0x64: {  	v16 =	vld [tilespmem:s28+$0x0]  }
0x65: {  	v17 =	vld [tilespmem:s26+$0x10]  }
0x66: {  	v18 =	vld [tilespmem:s26+$0x0]  }
0x67: {  	v19 =	vld [tilespmem:s28+$0x10];
	_ =	sdelay $0x4  }
0x68: {  	v16 =	vmul.f32 v16, v18;
	v17 =	vmul.f32 v19, v17;
	_ =	sdelay $0x1  }
0x69: {  	v16 =	vadd.f32 v17, v16;
	_ =	sdelay $0x1  }
0x6a: {  	[tilespmem:$0x8880] =	vst v16  }
0x6b: {  	v16 =	vld [tilespmem:s28+$0x80]  }
0x6c: {  	v17 =	vld [tilespmem:s26+$0x90]  }
0x6d: {  	v18 =	vld [tilespmem:s26+$0x80]  }
0x6e: {  	v19 =	vld [tilespmem:s28+$0x90];
	_ =	sdelay $0x4  }
0x6f: {  	v16 =	vmul.f32 v16, v18;
	v17 =	vmul.f32 v19, v17;
	_ =	sdelay $0x1  }
0x70: {  	v16 =	vadd.f32 v17, v16;
	_ =	sdelay $0x1  }
0x71: {  	[tilespmem:$0x8890] =	vst v16  }
0x72: {  	v16 =	vld [tilespmem:s28+$0x110]  }
0x73: {  	v17 =	vld [tilespmem:s28+$0x100]  }
0x74: {  	v18 =	vld [tilespmem:s26+$0x110]  }
0x75: {  	v19 =	vld [tilespmem:s26+$0x100];
	_ =	sdelay $0x4  }
0x76: {  	v16 =	vmul.f32 v16, v18;
	v17 =	vmul.f32 v17, v19;
	_ =	sdelay $0x1  }
0x77: {  	v16 =	vadd.f32 v16, v17;
	_ =	sdelay $0x1  }
0x78: {  	[tilespmem:$0x88A0] =	vst v16  }
0x79: {  	v16 =	vld [tilespmem:s28+$0x180]  }
0x7a: {  	v17 =	vld [tilespmem:s26+$0x190]  }
0x7b: {  	v18 =	vld [tilespmem:s26+$0x180]  }
0x7c: {  	v19 =	vld [tilespmem:s28+$0x190];
	_ =	sdelay $0x4  }
0x7d: {  	v16 =	vmul.f32 v16, v18;
	v17 =	vmul.f32 v19, v17;
	_ =	sdelay $0x1  }
0x7e: {  	v16 =	vadd.f32 v17, v16;
	_ =	sdelay $0x1  }
0x7f: {  	[tilespmem:$0x88B0] =	vst v16  }
0x80: {  	v16 =	vld [tilespmem:s28+$0x210]  }
0x81: {  	v17 =	vld [tilespmem:s26+$0x210]  }
0x82: {  	v18 =	vld [tilespmem:s28+$0x200]  }
0x83: {  	v19 =	vld [tilespmem:s26+$0x200];
	_ =	sdelay $0x4  }
0x84: {  	v16 =	vmul.f32 v16, v17;
	v17 =	vmul.f32 v18, v19;
	_ =	sdelay $0x1  }
0x85: {  	v16 =	vadd.f32 v16, v17;
	_ =	sdelay $0x1  }
0x86: {  	[tilespmem:$0x88C0] =	vst v16  }
0x87: {  	v16 =	vld [tilespmem:s28+$0x290]  }
0x88: {  	v17 =	vld [tilespmem:s26+$0x290]  }
0x89: {  	v18 =	vld [tilespmem:s26+$0x280]  }
0x8a: {  	v19 =	vld [tilespmem:s28+$0x280];
	_ =	sdelay $0x4  }
0x8b: {  	v16 =	vmul.f32 v16, v17;
	v17 =	vmul.f32 v19, v18;
	_ =	sdelay $0x1  }
0x8c: {  	v16 =	vadd.f32 v16, v17;
	_ =	sdelay $0x1  }
0x8d: {  	[tilespmem:$0x88D0] =	vst v16  }
0x8e: {  	v16 =	vld [tilespmem:s28+$0x300]  }
0x8f: {  	v17 =	vld [tilespmem:s26+$0x310]  }
0x90: {  	v18 =	vld [tilespmem:s26+$0x300]  }
0x91: {  	v19 =	vld [tilespmem:s28+$0x310];
	_ =	sdelay $0x4  }
0x92: {  	v16 =	vmul.f32 v16, v18;
	v17 =	vmul.f32 v19, v17;
	_ =	sdelay $0x1  }
0x93: {  	v16 =	vadd.f32 v17, v16;
	_ =	sdelay $0x1  }
0x94: {  	[tilespmem:$0x88E0] =	vst v16  }
0x95: {  	v20 =	vld [tilespmem:s28+$0x390]  }
0x96: {  	v22 =	vld [tilespmem:s26+$0x390]  }
0x97: {  	v19 =	vld [tilespmem:s28+$0x380]  }
0x98: {  	v21 =	vld [tilespmem:s26+$0x380];
	_ =	sdelay $0x2  }
0x99: {  	v18 =	vmov s22  }
0x9a: {  	s29 =	simm.s32 $0x40;
	v17 =	vmov s21;
	v16 =	vmov s23;
	v20 =	vmul.f32 v20, v22  }
.LBB2_3:
0x9b: {  	p0 =	sne.s32 s29, $0x1C0;
	v19 =	vmul.f32 v19, v21;
	s26 =	sadd.s32 $0x800, s26;
	s28 =	sadd.s32 $0x800, s28  }
0x9c: {  	s31 =	smov.u32 s29;
	s29 =	sadd.s32 $0x40, s29  }
0x9d: {  	v19 =	vadd.f32 v20, v19;
	_ =	sdelay $0x1  }
0x9e: {  	s30 =	sshra.s32 s25, $0x2;
	s25 =	smov.u32 s31;
	[tilespmem:$0x88F0] =	vst v19  }
0x9f: {  	v19 =	vld.idx.msk [tilespmem:v17+s30+$0x0 ss:$0x1], $0xffff  }
0xa0: {  	v20 =	vld.idx.msk [tilespmem:v18+s30+$0x0 ss:$0x1], $0xffff  }
0xa1: {  	v21 =	vld.idx.msk [tilespmem:v0+s18+$0x0], $0xffff  }
0xa2: {  	v22 =	vld.idx.msk [tilespmem:v1+s18+$0x0], $0xffff  }
0xa3: {  	v23 =	vld.idx.msk [tilespmem:v2+s18+$0x0], $0xffff  }
0xa4: {  	v24 =	vld.idx.msk [tilespmem:v3+s18+$0x0], $0xffff  }
0xa5: {  	v25 =	vld.idx.msk [tilespmem:v4+s18+$0x0], $0xffff  }
0xa6: {  	v19 =	vadd.f32 v20, v19;
	v20 =	vld.idx.msk [tilespmem:v5+s18+$0x0], $0xffff  }
0xa7: {  	v26 =	vld.idx.msk [tilespmem:v6+s18+$0x0], $0xffff  }
0xa8: {  	v19 =	vadd.f32 v21, v19;
	v21 =	vld.idx.msk [tilespmem:v7+s18+$0x0], $0xffff  }
0xa9: {  	v27 =	vld.idx.msk [tilespmem:v8+s18+$0x0], $0xffff  }
0xaa: {  	v19 =	vadd.f32 v22, v19;
	v22 =	vld.idx.msk [tilespmem:v9+s18+$0x0], $0xffff  }
0xab: {  	v28 =	vld.idx.msk [tilespmem:v10+s18+$0x0], $0xffff  }
0xac: {  	v19 =	vadd.f32 v23, v19;
	v23 =	vld.idx.msk [tilespmem:v11+s18+$0x0], $0xffff  }
0xad: {  	v29 =	vld.idx.msk [tilespmem:v12+s18+$0x0], $0xffff  }
0xae: {  	v19 =	vadd.f32 v24, v19;
	v24 =	vld.idx.msk [tilespmem:v13+s18+$0x0], $0xffff  }
0xaf: {  	v30 =	vld.idx.msk [tilespmem:v14+s18+$0x0], $0xffff  }
0xb0: {  	v19 =	vadd.f32 v25, v19;
	v25 =	vld.idx.msk [tilespmem:v15+s18+$0x0], $0xffff;
	_ =	sdelay $0x1  }
0xb1: {  	v19 =	vadd.f32 v20, v19;
	_ =	sdelay $0x1  }
0xb2: {  	v19 =	vadd.f32 v26, v19;
	_ =	sdelay $0x1  }
0xb3: {  	v19 =	vadd.f32 v21, v19;
	_ =	sdelay $0x1  }
0xb4: {  	v19 =	vadd.f32 v27, v19;
	_ =	sdelay $0x1  }
0xb5: {  	v19 =	vadd.f32 v22, v19;
	_ =	sdelay $0x1  }
0xb6: {  	v19 =	vadd.f32 v28, v19;
	_ =	sdelay $0x1  }
0xb7: {  	v19 =	vadd.f32 v23, v19;
	_ =	sdelay $0x1  }
0xb8: {  	v19 =	vadd.f32 v29, v19;
	_ =	sdelay $0x1  }
0xb9: {  	v19 =	vadd.f32 v24, v19;
	_ =	sdelay $0x1  }
0xba: {  	v19 =	vadd.f32 v30, v19;
	_ =	sdelay $0x1  }
0xbb: {  	v19 =	vadd.f32 v25, v19;
	_ =	sdelay $0x1  }
0xbc: {  	[tilespmem:v16+s30+$0x0 ss:$0x1] =	vst.idx.msk $0xffff, v19  }
0xbd: {  	v19 =	vld [tilespmem:s26+$0xFFFFFC00]  }
0xbe: {  	v20 =	vld [tilespmem:s28+$0xFFFFFC10]  }
0xbf: {  	v21 =	vld [tilespmem:s28+$0xFFFFFC00]  }
0xc0: {  	v22 =	vld [tilespmem:s26+$0xFFFFFC10];
	_ =	sdelay $0x4  }
0xc1: {  	v19 =	vmul.f32 v21, v19;
	v20 =	vmul.f32 v20, v22;
	_ =	sdelay $0x1  }
0xc2: {  	v19 =	vadd.f32 v20, v19;
	_ =	sdelay $0x1  }
0xc3: {  	[tilespmem:$0x8800] =	vst v19  }
0xc4: {  	v19 =	vld [tilespmem:s28+$0xFFFFFC90]  }
0xc5: {  	v20 =	vld [tilespmem:s28+$0xFFFFFC80]  }
0xc6: {  	v21 =	vld [tilespmem:s26+$0xFFFFFC90]  }
0xc7: {  	v22 =	vld [tilespmem:s26+$0xFFFFFC80];
	_ =	sdelay $0x3  }
0xc8: {  	v19 =	vmul.f32 v19, v21  }
0xc9: {  	v20 =	vmul.f32 v20, v22;
	_ =	sdelay $0x1  }
0xca: {  	v19 =	vadd.f32 v19, v20;
	_ =	sdelay $0x1  }
0xcb: {  	[tilespmem:$0x8810] =	vst v19  }
0xcc: {  	v19 =	vld [tilespmem:s28+$0xFFFFFD00]  }
0xcd: {  	v20 =	vld [tilespmem:s26+$0xFFFFFD10]  }
0xce: {  	v21 =	vld [tilespmem:s26+$0xFFFFFD00]  }
0xcf: {  	v22 =	vld [tilespmem:s28+$0xFFFFFD10];
	_ =	sdelay $0x3  }
0xd0: {  	v19 =	vmul.f32 v19, v21  }
0xd1: {  	v20 =	vmul.f32 v22, v20;
	_ =	sdelay $0x1  }
0xd2: {  	v19 =	vadd.f32 v20, v19;
	_ =	sdelay $0x1  }
0xd3: {  	[tilespmem:$0x8820] =	vst v19  }
0xd4: {  	v19 =	vld [tilespmem:s28+$0xFFFFFD80]  }
0xd5: {  	v20 =	vld [tilespmem:s26+$0xFFFFFD90]  }
0xd6: {  	v21 =	vld [tilespmem:s26+$0xFFFFFD80]  }
0xd7: {  	v22 =	vld [tilespmem:s28+$0xFFFFFD90];
	_ =	sdelay $0x3  }
0xd8: {  	v19 =	vmul.f32 v19, v21  }
0xd9: {  	v20 =	vmul.f32 v22, v20;
	_ =	sdelay $0x1  }
0xda: {  	v19 =	vadd.f32 v20, v19;
	_ =	sdelay $0x1  }
0xdb: {  	[tilespmem:$0x8830] =	vst v19  }
0xdc: {  	v19 =	vld [tilespmem:s28+$0xFFFFFE00]  }
0xdd: {  	v20 =	vld [tilespmem:s26+$0xFFFFFE10]  }
0xde: {  	v21 =	vld [tilespmem:s26+$0xFFFFFE00]  }
0xdf: {  	v22 =	vld [tilespmem:s28+$0xFFFFFE10];
	_ =	sdelay $0x3  }
0xe0: {  	v19 =	vmul.f32 v19, v21  }
0xe1: {  	v20 =	vmul.f32 v22, v20;
	_ =	sdelay $0x1  }
0xe2: {  	v19 =	vadd.f32 v20, v19;
	_ =	sdelay $0x1  }
0xe3: {  	[tilespmem:$0x8840] =	vst v19  }
0xe4: {  	v19 =	vld [tilespmem:s28+$0xFFFFFE80]  }
0xe5: {  	v20 =	vld [tilespmem:s26+$0xFFFFFE90]  }
0xe6: {  	v21 =	vld [tilespmem:s26+$0xFFFFFE80]  }
0xe7: {  	v22 =	vld [tilespmem:s28+$0xFFFFFE90];
	_ =	sdelay $0x3  }
0xe8: {  	v19 =	vmul.f32 v19, v21  }
0xe9: {  	v20 =	vmul.f32 v22, v20;
	_ =	sdelay $0x1  }
0xea: {  	v19 =	vadd.f32 v20, v19;
	_ =	sdelay $0x1  }
0xeb: {  	[tilespmem:$0x8850] =	vst v19  }
0xec: {  	v19 =	vld [tilespmem:s28+$0xFFFFFF10]  }
0xed: {  	v20 =	vld [tilespmem:s26+$0xFFFFFF10]  }
0xee: {  	v21 =	vld [tilespmem:s26+$0xFFFFFF00]  }
0xef: {  	v22 =	vld [tilespmem:s28+$0xFFFFFF00];
	_ =	sdelay $0x2  }
0xf0: {  	v19 =	vmul.f32 v19, v20;
	_ =	sdelay $0x1  }
0xf1: {  	v20 =	vmul.f32 v22, v21;
	_ =	sdelay $0x1  }
0xf2: {  	v19 =	vadd.f32 v19, v20;
	_ =	sdelay $0x1  }
0xf3: {  	[tilespmem:$0x8860] =	vst v19  }
0xf4: {  	v19 =	vld [tilespmem:s28+$0xFFFFFF80]  }
0xf5: {  	v20 =	vld [tilespmem:s26+$0xFFFFFF90]  }
0xf6: {  	v21 =	vld [tilespmem:s26+$0xFFFFFF80]  }
0xf7: {  	v22 =	vld [tilespmem:s28+$0xFFFFFF90];
	_ =	sdelay $0x3  }
0xf8: {  	v19 =	vmul.f32 v19, v21  }
0xf9: {  	v20 =	vmul.f32 v22, v20;
	_ =	sdelay $0x1  }
0xfa: {  	v19 =	vadd.f32 v20, v19;
	_ =	sdelay $0x1  }
0xfb: {  	[tilespmem:$0x8870] =	vst v19  }
0xfc: {  	v19 =	vld [tilespmem:s28+$0x0]  }
0xfd: {  	v20 =	vld [tilespmem:s26+$0x10]  }
0xfe: {  	v21 =	vld [tilespmem:s26+$0x0]  }
0xff: {  	v22 =	vld [tilespmem:s28+$0x10];
	_ =	sdelay $0x3  }
0x100: {  	v19 =	vmul.f32 v19, v21  }
0x101: {  	v20 =	vmul.f32 v22, v20;
	_ =	sdelay $0x1  }
0x102: {  	v19 =	vadd.f32 v20, v19;
	_ =	sdelay $0x1  }
0x103: {  	[tilespmem:$0x8880] =	vst v19  }
0x104: {  	v19 =	vld [tilespmem:s28+$0x80]  }
0x105: {  	v20 =	vld [tilespmem:s26+$0x90]  }
0x106: {  	v21 =	vld [tilespmem:s26+$0x80]  }
0x107: {  	v22 =	vld [tilespmem:s28+$0x90];
	_ =	sdelay $0x3  }
0x108: {  	v19 =	vmul.f32 v19, v21  }
0x109: {  	v20 =	vmul.f32 v22, v20;
	_ =	sdelay $0x1  }
0x10a: {  	v19 =	vadd.f32 v20, v19;
	_ =	sdelay $0x1  }
0x10b: {  	[tilespmem:$0x8890] =	vst v19  }
0x10c: {  	v19 =	vld [tilespmem:s28+$0x110]  }
0x10d: {  	v20 =	vld [tilespmem:s28+$0x100]  }
0x10e: {  	v21 =	vld [tilespmem:s26+$0x110]  }
0x10f: {  	v22 =	vld [tilespmem:s26+$0x100];
	_ =	sdelay $0x3  }
0x110: {  	v19 =	vmul.f32 v19, v21  }
0x111: {  	v20 =	vmul.f32 v20, v22;
	_ =	sdelay $0x1  }
0x112: {  	v19 =	vadd.f32 v19, v20;
	_ =	sdelay $0x1  }
0x113: {  	[tilespmem:$0x88A0] =	vst v19  }
0x114: {  	v19 =	vld [tilespmem:s28+$0x180]  }
0x115: {  	v20 =	vld [tilespmem:s26+$0x190]  }
0x116: {  	v21 =	vld [tilespmem:s26+$0x180]  }
0x117: {  	v22 =	vld [tilespmem:s28+$0x190];
	_ =	sdelay $0x3  }
0x118: {  	v19 =	vmul.f32 v19, v21  }
0x119: {  	v20 =	vmul.f32 v22, v20;
	_ =	sdelay $0x1  }
0x11a: {  	v19 =	vadd.f32 v20, v19;
	_ =	sdelay $0x1  }
0x11b: {  	[tilespmem:$0x88B0] =	vst v19  }
0x11c: {  	v19 =	vld [tilespmem:s28+$0x210]  }
0x11d: {  	v20 =	vld [tilespmem:s26+$0x210]  }
0x11e: {  	v21 =	vld [tilespmem:s28+$0x200]  }
0x11f: {  	v22 =	vld [tilespmem:s26+$0x200];
	_ =	sdelay $0x3  }
0x120: {  	v19 =	vmul.f32 v19, v20  }
0x121: {  	v20 =	vmul.f32 v21, v22;
	_ =	sdelay $0x1  }
0x122: {  	v19 =	vadd.f32 v19, v20;
	_ =	sdelay $0x1  }
0x123: {  	[tilespmem:$0x88C0] =	vst v19  }
0x124: {  	v19 =	vld [tilespmem:s28+$0x290]  }
0x125: {  	v20 =	vld [tilespmem:s26+$0x290]  }
0x126: {  	v21 =	vld [tilespmem:s26+$0x280]  }
0x127: {  	v22 =	vld [tilespmem:s28+$0x280];
	_ =	sdelay $0x2  }
0x128: {  	v19 =	vmul.f32 v19, v20;
	_ =	sdelay $0x1  }
0x129: {  	v20 =	vmul.f32 v22, v21;
	_ =	sdelay $0x1  }
0x12a: {  	v19 =	vadd.f32 v19, v20;
	_ =	sdelay $0x1  }
0x12b: {  	[tilespmem:$0x88D0] =	vst v19  }
0x12c: {  	v19 =	vld [tilespmem:s28+$0x300]  }
0x12d: {  	v20 =	vld [tilespmem:s26+$0x310]  }
0x12e: {  	v21 =	vld [tilespmem:s26+$0x300]  }
0x12f: {  	v22 =	vld [tilespmem:s28+$0x310];
	_ =	sdelay $0x3  }
0x130: {  	v19 =	vmul.f32 v19, v21  }
0x131: {  	v20 =	vmul.f32 v22, v20;
	_ =	sdelay $0x1  }
0x132: {  	v19 =	vadd.f32 v20, v19;
	_ =	sdelay $0x1  }
0x133: {  	[tilespmem:$0x88E0] =	vst v19  }
0x134: {  	v20 =	vld [tilespmem:s28+$0x390]  }
0x135: {  	v19 =	vld [tilespmem:s28+$0x380]  }
0x136: {  	v22 =	vld [tilespmem:s26+$0x390]  }
.Ltmp0:
0x137: {  	v21 =	vld [tilespmem:s26+$0x380];
	(pc) =	sbr.rel @p0 .LBB2_3-.Ltmp0, $2  }
0x138: {  	_ =	sdelay $0x2  }
0x139: {  	v20 =	vmul.f32 v20, v22  }
0x13a: {  	v19 =	vmul.f32 v19, v21;
	_ =	sdelay $0x1  }
0x13b: {  	v19 =	vadd.f32 v20, v19;
	_ =	sdelay $0x1  }
0x13c: {  	s25 =	sshra.s32 s25, $0x2;
	[tilespmem:$0x88F0] =	vst v19  }
0x13d: {  	v17 =	vld.idx.msk [tilespmem:v17+s25+$0x0 ss:$0x1], $0xffff  }
0x13e: {  	v18 =	vld.idx.msk [tilespmem:v18+s25+$0x0 ss:$0x1], $0xffff;
	_ =	sdelay $0x1  }
0x13f: {  	v19 =	vld.idx.msk [tilespmem:v0+s18+$0x0], $0xffff;
	_ =	sdelay $0x1  }
0x140: {  	v49 =	vld.idx.msk [tilespmem:v1+s18+$0x0], $0xffff  }
0x141: {  	v17 =	vadd.f32 v18, v17  }
0x142: {  	v50 =	vld.idx.msk [tilespmem:v2+s18+$0x0], $0xffff  }
0x143: {  	v17 =	vadd.f32 v19, v17  }
0x144: {  	v51 =	vld.idx.msk [tilespmem:v3+s18+$0x0], $0xffff  }
0x145: {  	v17 =	vadd.f32 v49, v17  }
0x146: {  	v52 =	vld.idx.msk [tilespmem:v4+s18+$0x0], $0xffff  }
0x147: {  	v17 =	vadd.f32 v50, v17  }
0x148: {  	v53 =	vld.idx.msk [tilespmem:v5+s18+$0x0], $0xffff  }
0x149: {  	v17 =	vadd.f32 v51, v17  }
0x14a: {  	v54 =	vld.idx.msk [tilespmem:v6+s18+$0x0], $0xffff  }
0x14b: {  	v17 =	vadd.f32 v52, v17  }
0x14c: {  	v55 =	vld.idx.msk [tilespmem:v7+s18+$0x0], $0xffff  }
0x14d: {  	v17 =	vadd.f32 v53, v17  }
0x14e: {  	v56 =	vld.idx.msk [tilespmem:v8+s18+$0x0], $0xffff  }
0x14f: {  	v17 =	vadd.f32 v54, v17  }
0x150: {  	v57 =	vld.idx.msk [tilespmem:v9+s18+$0x0], $0xffff  }
0x151: {  	v17 =	vadd.f32 v55, v17  }
0x152: {  	v58 =	vld.idx.msk [tilespmem:v10+s18+$0x0], $0xffff  }
0x153: {  	v17 =	vadd.f32 v56, v17  }
0x154: {  	v59 =	vld.idx.msk [tilespmem:v11+s18+$0x0], $0xffff  }
0x155: {  	v17 =	vadd.f32 v57, v17  }
0x156: {  	v60 =	vld.idx.msk [tilespmem:v12+s18+$0x0], $0xffff  }
0x157: {  	v17 =	vadd.f32 v58, v17  }
0x158: {  	v61 =	vld.idx.msk [tilespmem:v13+s18+$0x0], $0xffff  }
0x159: {  	v17 =	vadd.f32 v59, v17  }
0x15a: {  	v62 =	vld.idx.msk [tilespmem:v14+s18+$0x0], $0xffff  }
0x15b: {  	v17 =	vadd.f32 v60, v17  }
0x15c: {  	v63 =	vld.idx.msk [tilespmem:v15+s18+$0x0], $0xffff  }
0x15d: {  	s24 =	sadd.s32 $0x1, s24;
	v17 =	vadd.f32 v61, v17  }
0x15e: {  	p0 =	sne.s32 s24, $0x4  }
.Ltmp1:
0x15f: {  	v17 =	vadd.f32 v62, v17;
	(pc) =	sbr.rel @p0 .LBB2_2-.Ltmp1, $3  }
0x160: {  	_ = 	snop  }
0x161: {  	v17 =	vadd.f32 v63, v17;
	_ =	sdelay $0x1  }
0x162: {  	s23 =	sadd.s32 $0x80, s23;
	s22 =	sadd.s32 $0x80, s22;
	s21 =	sadd.s32 $0x80, s21;
	[tilespmem:v16+s25+$0x0 ss:$0x1] =	vst.idx.msk $0xffff, v17  }
0x163: {  	s20 =	sadd.s32 $0x1, s20  }
0x164: {  	p0 =	sne.s32 s20, s10  }
.Ltmp2:
0x165: {  	_ = 	snop;
	(pc) =	sbr.rel @p0 .LBB2_1-.Ltmp2, $4  }
0x166: {  	[hbm4b:s9+s1] =	stream.linear.scatter [tilespmem:s19], [sflag:$0x3], $0x200, $0x38;
	[tilespmem:$0x8B00] =	vst v63  }
0x167: {  	_ =	swait.ge [sflag:s11], $0x200  }
0x168: {  	[sflag:s11] =	ssyncset.done $0x0  }
0x169: {  	[sflag:s11] =	ssyncadd.s32 $0xFFFFFE00  }
0x16a: {  	_ =	sfence.sel $0x180000  }
0x16b: {  	[bflag:$0x0] =	sbarrier.arrive $0xFFFF  }
0x16c: {  	p0 =	sne.s32 s2, $0x0;
	_ =	strace $0x9000004A  }
0x16d: {  	s0 =	sadd.s32 @!p0 $0x100000, s0;
	[bflag:$0x2] =	sbarrier.arrive $0xFFFF  }
0x16e: {  	[sflag:s0] =	ssyncadd.tile.s32 @!p0 $0x1;
	_ =	shalt  }
.Lfunc_end2:
_tile_overlayer_lowered:
.L_overlay_start_2:
0x16f: {  	(tag) =	ssettag $0x2  }
0x170: {  	s0 =	rddreg [dreg:$0x0];
	s2 =	stileid.u32  }
0x171: {  	s1 =	rddreg [dreg:$0x1];
	p0 =	sne.s32 s2, $0x0  }
0x172: {  	s3 =	rddreg [dreg:$0x2];
	[bflag:$0x3] =	sbarrier.arrive $0xFFFF;
	s2 =	simm.s32 @!p0 $0x1C03  }
0x173: {  	[timem:s3], [sflag:s2] =	dma.local @!p0 [hbm:s0], s1  }
0x174: {  	s0 =	simm.s32 @!p0 $0x3  }
0x175: {  	_ =	swait.ge @!p0 [sflag:s0], s1  }
0x176: {  	s1 =	ssub.s32 @!p0 $0x0, s1;
	[sflag:s0] =	ssyncset.done @!p0 $0x0  }
0x177: {  	[sflag:s0] =	ssyncadd.s32 @!p0 s1  }
0x178: {  	[bflag:$0x3] =	sbarrier.arrive $0xFFFF  }
0x179: {  	_ =	shalt  }

</sc_bundles>
